<compile_context>
chip_gen: v7x
topology: tpu7x:2x2x1
jax: 0.10.2.dev20260603
libtpu: 0.0.44.dev20260713+nightly
codegen_flags: <defaults>
</compile_context>

<pallas_src>
import functools

import jax
import jax.numpy as jnp
from jax import lax
from jax.experimental import pallas as pl
from jax.experimental.pallas import tpu as pltpu
from jax.experimental.pallas import tpu_sc as plsc

N_NODES = 10000
N_EDGES = 320000
D_IN = 128
D_OUT = 128
N_REL = 50
N_BASES = 30

NC = 2
NS = 16
NW = NC * NS
CHUNK = 128
E_PAD = 327680
EPT = E_PAD // NW
NCHUNK = EPT // CHUNK
N_PAD = 10112
NROW_PT = N_PAD // NS


def _wfull_body(wcoe_ref, weight_ref, out_ref):
    out_ref[...] = jnp.dot(wcoe_ref[...], weight_ref[...],
                           preferred_element_type=jnp.float32)


def _make_wfull(w_coe, weight):
    weight2 = weight.reshape(N_BASES, D_IN * D_OUT)
    out = pl.pallas_call(
        _wfull_body,
        out_shape=jax.ShapeDtypeStruct((N_REL, D_IN * D_OUT), jnp.float32),
    )(w_coe, weight2)
    return out.reshape(N_REL, D_IN, D_OUT)


_BN = 10000


def _trans_body(x_ref, wf_ref, out_ref):
    out_ref[0] = jnp.dot(x_ref[...], wf_ref[0],
                         preferred_element_type=jnp.float32)


def _make_trans(x, w_full):
    grid = (N_NODES // _BN, N_REL)
    return pl.pallas_call(
        _trans_body,
        grid=grid,
        in_specs=[
            pl.BlockSpec((_BN, D_IN), lambda i, j: (i, 0)),
            pl.BlockSpec((1, D_IN, D_OUT), lambda i, j: (j, 0, 0)),
        ],
        out_specs=pl.BlockSpec((1, _BN, D_OUT), lambda i, j: (j, i, 0)),
        out_shape=jax.ShapeDtypeStruct((N_REL, N_NODES, D_OUT), jnp.float32),
    )(x, w_full)


def _idx_body(src_ref, et_ref, o_ref):
    o_ref[...] = et_ref[...] * N_NODES + src_ref[...]


def _make_idx(src_p, et_p):
    nrow = E_PAD // CHUNK
    blk = 256
    return pl.pallas_call(
        _idx_body,
        grid=(nrow // blk,),
        in_specs=[pl.BlockSpec((blk, CHUNK), lambda i: (i, 0)),
                  pl.BlockSpec((blk, CHUNK), lambda i: (i, 0))],
        out_specs=pl.BlockSpec((blk, CHUNK), lambda i: (i, 0)),
        out_shape=jax.ShapeDtypeStruct((nrow, CHUNK), jnp.int32),
    )(src_p.reshape(nrow, CHUNK), et_p.reshape(nrow, CHUNK))


def _sc_body(trans_hbm, idx_hbm, dst_hbm, norm_hbm, zero_hbm,
             out_hbm, idx_v, dst_v, norm_v, rows_v, agg_sh, gsem, gsem2):
    c = lax.axis_index("c")
    s = lax.axis_index("s")
    w = c * NS + s

    zr0 = s * NROW_PT
    pltpu.sync_copy(zero_hbm.at[pl.ds(zr0, NROW_PT)],
                    agg_sh.at[pl.ds(zr0, NROW_PT)])

    pltpu.sync_copy(idx_hbm.at[w], idx_v)
    pltpu.sync_copy(dst_hbm.at[w], dst_v)
    pltpu.sync_copy(norm_hbm.at[w], norm_v)

    plsc.subcore_barrier()

    def scale_half(j, half, lo):
        def grp(g, _):
            nvec = norm_v[j, pl.ds(lo + g * 16, 16)]
            row0 = lo + g * 16
            for e in range(16):
                nsp = jnp.take(nvec, jnp.full((16,), e, jnp.int32))
                for k in range(D_OUT // 16):
                    sl = pl.ds(k * 16, 16)
                    rows_v[row0 + e, sl] = rows_v[row0 + e, sl] * nsp
            return 0
        lax.fori_loop(0, CHUNK // 32, grp, 0)

    def _chunk(j, _):
        d1 = pltpu.async_copy(trans_hbm.at[idx_v.at[j, pl.ds(0, 64)]],
                              rows_v.at[pl.ds(0, 64)], gsem)
        d2 = pltpu.async_copy(trans_hbm.at[idx_v.at[j, pl.ds(64, 64)]],
                              rows_v.at[pl.ds(64, 64)], gsem2)
        d1.wait()
        scale_half(j, 0, 0)
        d2.wait()
        scale_half(j, 1, 64)
        pltpu.sync_copy(rows_v, agg_sh.at[dst_v.at[j]], add=True)
        return 0
    lax.fori_loop(0, NCHUNK, _chunk, 0)

    plsc.subcore_barrier()

    pltpu.sync_copy(agg_sh.at[pl.ds(zr0, NROW_PT)],
                    out_hbm.at[c, pl.ds(zr0, NROW_PT)])


def _sc_scatter(trans2, idx2, dst2, norm2, zeros):
    mesh = plsc.VectorSubcoreMesh(core_axis_name="c", subcore_axis_name="s",
                                  num_cores=NC, num_subcores=NS)
    f = pl.kernel(
        _sc_body,
        out_type=jax.ShapeDtypeStruct((NC, N_PAD, D_OUT), jnp.float32),
        mesh=mesh,
        scratch_types=[
            pltpu.VMEM((NCHUNK, CHUNK), jnp.int32),
            pltpu.VMEM((NCHUNK, CHUNK), jnp.int32),
            pltpu.VMEM((NCHUNK, CHUNK), jnp.float32),
            pltpu.VMEM((CHUNK, D_OUT), jnp.float32),
            pltpu.VMEM_SHARED((N_PAD, D_OUT), jnp.float32),
            pltpu.SemaphoreType.DMA,
            pltpu.SemaphoreType.DMA,
        ],
    )
    return f(trans2, idx2, dst2, norm2, zeros)


def _final_body(p_ref, x_ref, sl_ref, o_ref):
    o_ref[...] = (p_ref[0] + p_ref[1] +
                  jnp.dot(x_ref[...], sl_ref[...],
                          preferred_element_type=jnp.float32))


def _final(parts, x, self_loop):
    grid = (N_NODES // _BN,)
    return pl.pallas_call(
        _final_body,
        grid=grid,
        in_specs=[
            pl.BlockSpec((NC, _BN, D_OUT), lambda i: (0, i, 0)),
            pl.BlockSpec((_BN, D_IN), lambda i: (i, 0)),
            pl.BlockSpec((D_IN, D_OUT), lambda i: (0, 0)),
        ],
        out_specs=pl.BlockSpec((_BN, D_OUT), lambda i: (i, 0)),
        out_shape=jax.ShapeDtypeStruct((N_NODES, D_OUT), jnp.float32),
    )(parts, x, self_loop)


def kernel(x, edge_index, edge_type, norm, weight, w_coe, self_loop):
    w_full = _make_wfull(w_coe, weight)
    trans = _make_trans(x, w_full)
    trans2 = trans.reshape(N_REL * N_NODES, D_OUT)

    pad = E_PAD - N_EDGES
    src_p = jnp.concatenate([edge_index[0], jnp.zeros((pad,), jnp.int32)])
    dst_p = jnp.concatenate([edge_index[1],
                             jnp.full((pad,), N_NODES, jnp.int32)])
    et_p = jnp.concatenate([edge_type, jnp.zeros((pad,), jnp.int32)])
    norm_p = jnp.concatenate([norm.reshape(N_EDGES),
                              jnp.zeros((pad,), jnp.float32)])

    idx2 = _make_idx(src_p, et_p).reshape(NW, NCHUNK, CHUNK)
    dst2 = dst_p.reshape(NW, NCHUNK, CHUNK)
    norm2 = norm_p.reshape(NW, NCHUNK, CHUNK)
    zeros = jnp.zeros((N_PAD, D_OUT), jnp.float32)

    parts = _sc_scatter(trans2, idx2, dst2, norm2, zeros)
    return _final(parts[:, :N_NODES], x, self_loop)

# --- scband reference (transcript-rebuilt; emitter-appended) ---
"""Pipeline reference for scband-rgcn-73289321939190 (READ-ONLY COPY).

The authoritative reference and input builder live on the scoring server;
editing this copy changes nothing except your own understanding.
"""

import jax, jax.numpy as jnp
import numpy as np

N = 10000
E = 320000
IN_DIM = 128
OUT_DIM = 128
NUM_REL = 50
NUM_BASES = 30


def setup_inputs(seed: int = 0) -> dict:
    key = jax.random.key(seed)
    ks = jax.random.split(key, 8)
    x = jax.random.normal(ks[0], (N, IN_DIM), dtype=jnp.float32)
    edge_index = jax.random.randint(ks[1], (2, E), 0, N, dtype=jnp.int32)
    edge_type = jax.random.randint(ks[2], (E,), 0, NUM_REL, dtype=jnp.int32)
    norm = jax.random.uniform(ks[3], (E, 1), dtype=jnp.float32)
    # learned parameters (glorot-ish scaling)
    weight = jax.random.normal(ks[4], (NUM_BASES, IN_DIM, OUT_DIM), dtype=jnp.float32) * (1.0 / np.sqrt(IN_DIM))
    w_coe = jax.random.normal(ks[5], (NUM_REL, NUM_BASES), dtype=jnp.float32) * (1.0 / np.sqrt(NUM_BASES))
    self_loop = jax.random.normal(ks[6], (IN_DIM, OUT_DIM), dtype=jnp.float32) * (1.0 / np.sqrt(IN_DIM))
    return {"x": x, "edge_index": edge_index, "edge_type": edge_type, "norm": norm,
            "weight": weight, "w_coe": w_coe, "self_loop": self_loop}


def reference(x, edge_index, edge_type, norm, weight, w_coe, self_loop):
    src = edge_index[0]
    dst = edge_index[1]
    # basis decomposition: num_bases < num_rel -> weight = w_coe @ bases
    w_full = jnp.einsum('ab,bcd->acd', w_coe, weight)  # [R, in, out]
    # per-edge message: msg_e = x[src_e] @ w_full[edge_type_e]
    # (computed as per-node-per-relation transform then gathered; identical math
    #  to the low_mem per-edge-type masked matmul loop)
    trans = jnp.einsum('nd,rdo->nro', x, w_full)  # [N, R, out]
    msg = trans[src, edge_type]  # gather [E, out]
    msg = msg * norm
    # reduce_func = sum('msg') over destination nodes
    agg = jax.ops.segment_sum(msg, dst, num_segments=N)
    # apply_node: use_bias=False, plus self-loop transform
    out = agg + x @ self_loop
    return out

if __name__ == "__main__":
    import jax
    _d = setup_inputs()
    print(jax.jit(kernel)(*tuple(_d.values())))

</pallas_src>

<mosaic_0001>
#map = affine_map<(d0, d1) -> (0, 0)>
#map1 = affine_map<(d0, d1) -> (0, 0, 0)>
module attributes {stable_mosaic.version = 14 : i64} {
  func.func @_sc_body(%arg0: i32, %arg1: i32, %arg2: memref<500000x128xf32, #tpu.memory_space<hbm>>, %arg3: memref<32x80x128xi32, #tpu.memory_space<hbm>>, %arg4: memref<32x80x128xi32, #tpu.memory_space<hbm>>, %arg5: memref<32x80x128xf32, #tpu.memory_space<hbm>>, %arg6: memref<10112x128xf32, #tpu.memory_space<hbm>>, %arg7: memref<2x10112x128xf32, #tpu.memory_space<hbm>>, %arg8: memref<80x128xi32, #tpu.memory_space<vmem>>, %arg9: memref<80x128xi32, #tpu.memory_space<vmem>>, %arg10: memref<80x128xf32, #tpu.memory_space<vmem>>, %arg11: memref<128x128xf32, #tpu.memory_space<vmem>>, %arg12: memref<10112x128xf32, #tpu.memory_space<vmem_shared>>, %arg13: memref<!tpu.dma_semaphore, #tpu.memory_space<semaphore_mem>>, %arg14: memref<!tpu.dma_semaphore, #tpu.memory_space<semaphore_mem>>) attributes {dimension_semantics = [#tpu.dimension_semantics<core_parallel>, #tpu.dimension_semantics<subcore_parallel>], iteration_bounds = array<i64: 2, 16>, scalar_prefetch = 0 : i64, scratch_operands = 7 : i64, tpu.core_type = #tpu.core_type<sc_vector_subcore>, window_params = [{transform_indices = #map}, {transform_indices = #map1}, {transform_indices = #map1}, {transform_indices = #map1}, {transform_indices = #map}, {transform_indices = #map1}]} {
    %mul3A = arith.constant 16 : i32
    %mul3A_0 = arith.muli %arg0, %mul3A : i32
    %add3A = arith.addi %mul3A_0, %arg1 : i32
    %mul3A_1 = arith.constant 632 : i32
    %mul3A_2 = arith.muli %arg1, %mul3A_1 : i32
    "tpu.region"() ({
      %run_scoped3A = tpu.sem_alloc : memref<!tpu.dma_semaphore, #tpu.memory_space<semaphore_mem>>
      %dma_start3A = arith.constant 0 : i32
      %dma_start3A_10 = tpu.memref_slice %arg12[%mul3A_2, %dma_start3A] : memref<10112x128xf32, #tpu.memory_space<vmem_shared>> -> memref<632x128xf32, #tpu.memory_space<vmem_shared>>
      %dma_start3A_11 = arith.constant 0 : i32
      %dma_start3A_12 = tpu.memref_slice %arg6[%mul3A_2, %dma_start3A_11] : memref<10112x128xf32, #tpu.memory_space<hbm>> -> memref<632x128xf32, #tpu.memory_space<hbm>>
      tpu.enqueue_dma source(%dma_start3A_12 : memref<632x128xf32, #tpu.memory_space<hbm>>) target(%dma_start3A_10 : memref<632x128xf32, #tpu.memory_space<vmem_shared>>) target_semaphore(%run_scoped3A : memref<!tpu.dma_semaphore, #tpu.memory_space<semaphore_mem>>)
      %dma_wait3A = arith.constant 0 : i32
      %dma_wait3A_13 = tpu.memref_slice %arg12[%mul3A_2, %dma_wait3A] : memref<10112x128xf32, #tpu.memory_space<vmem_shared>> -> memref<632x128xf32, #tpu.memory_space<vmem_shared>>
      %dma_wait3A_14 = arith.constant 0 : i32
      %dma_wait3A_15 = tpu.memref_slice %arg6[%mul3A_2, %dma_wait3A_14] : memref<10112x128xf32, #tpu.memory_space<hbm>> -> memref<632x128xf32, #tpu.memory_space<hbm>>
      tpu.wait_dma2 semaphore(%run_scoped3A : memref<!tpu.dma_semaphore, #tpu.memory_space<semaphore_mem>>) src(%dma_wait3A_15 : memref<632x128xf32, #tpu.memory_space<hbm>>) dst(%dma_wait3A_13 : memref<632x128xf32, #tpu.memory_space<vmem_shared>>)
      tpu.yield
    }) : () -> ()
    "tpu.region"() ({
      %run_scoped3A = tpu.sem_alloc : memref<!tpu.dma_semaphore, #tpu.memory_space<semaphore_mem>>
      %dma_start3A = arith.constant 0 : i32
      %dma_start3A_10 = arith.constant 0 : i32
      %dma_start3A_11 = tpu.memref_slice %arg3[%add3A, %dma_start3A, %dma_start3A_10] : memref<32x80x128xi32, #tpu.memory_space<hbm>> -> memref<1x80x128xi32, #tpu.memory_space<hbm>>
      %dma_start3A_12 = tpu.memref_squeeze %dma_start3A_11 : memref<1x80x128xi32, #tpu.memory_space<hbm>> -> memref<80x128xi32, #tpu.memory_space<hbm>>
      %dma_start3A_13 = arith.constant 0 : i32
      %dma_start3A_14 = arith.constant 0 : i32
      %dma_start3A_15 = tpu.memref_slice %arg3[%add3A, %dma_start3A_13, %dma_start3A_14] : memref<32x80x128xi32, #tpu.memory_space<hbm>> -> memref<1x80x128xi32, #tpu.memory_space<hbm>>
      %dma_start3A_16 = tpu.memref_squeeze %dma_start3A_15 : memref<1x80x128xi32, #tpu.memory_space<hbm>> -> memref<80x128xi32, #tpu.memory_space<hbm>>
      tpu.enqueue_dma source(%dma_start3A_16 : memref<80x128xi32, #tpu.memory_space<hbm>>) target(%arg8 : memref<80x128xi32, #tpu.memory_space<vmem>>) target_semaphore(%run_scoped3A : memref<!tpu.dma_semaphore, #tpu.memory_space<semaphore_mem>>)
      %dma_wait3A = arith.constant 0 : i32
      %dma_wait3A_17 = arith.constant 0 : i32
      %dma_wait3A_18 = tpu.memref_slice %arg3[%add3A, %dma_wait3A, %dma_wait3A_17] : memref<32x80x128xi32, #tpu.memory_space<hbm>> -> memref<1x80x128xi32, #tpu.memory_space<hbm>>
      %dma_wait3A_19 = tpu.memref_squeeze %dma_wait3A_18 : memref<1x80x128xi32, #tpu.memory_space<hbm>> -> memref<80x128xi32, #tpu.memory_space<hbm>>
      %dma_wait3A_20 = arith.constant 0 : i32
      %dma_wait3A_21 = arith.constant 0 : i32
      %dma_wait3A_22 = tpu.memref_slice %arg3[%add3A, %dma_wait3A_20, %dma_wait3A_21] : memref<32x80x128xi32, #tpu.memory_space<hbm>> -> memref<1x80x128xi32, #tpu.memory_space<hbm>>
      %dma_wait3A_23 = tpu.memref_squeeze %dma_wait3A_22 : memref<1x80x128xi32, #tpu.memory_space<hbm>> -> memref<80x128xi32, #tpu.memory_space<hbm>>
      tpu.wait_dma2 semaphore(%run_scoped3A : memref<!tpu.dma_semaphore, #tpu.memory_space<semaphore_mem>>) src(%dma_wait3A_23 : memref<80x128xi32, #tpu.memory_space<hbm>>) dst(%arg8 : memref<80x128xi32, #tpu.memory_space<vmem>>)
      tpu.yield
    }) : () -> ()
    "tpu.region"() ({
      %run_scoped3A = tpu.sem_alloc : memref<!tpu.dma_semaphore, #tpu.memory_space<semaphore_mem>>
      %dma_start3A = arith.constant 0 : i32
      %dma_start3A_10 = arith.constant 0 : i32
      %dma_start3A_11 = tpu.memref_slice %arg4[%add3A, %dma_start3A, %dma_start3A_10] : memref<32x80x128xi32, #tpu.memory_space<hbm>> -> memref<1x80x128xi32, #tpu.memory_space<hbm>>
      %dma_start3A_12 = tpu.memref_squeeze %dma_start3A_11 : memref<1x80x128xi32, #tpu.memory_space<hbm>> -> memref<80x128xi32, #tpu.memory_space<hbm>>
      %dma_start3A_13 = arith.constant 0 : i32
      %dma_start3A_14 = arith.constant 0 : i32
      %dma_start3A_15 = tpu.memref_slice %arg4[%add3A, %dma_start3A_13, %dma_start3A_14] : memref<32x80x128xi32, #tpu.memory_space<hbm>> -> memref<1x80x128xi32, #tpu.memory_space<hbm>>
      %dma_start3A_16 = tpu.memref_squeeze %dma_start3A_15 : memref<1x80x128xi32, #tpu.memory_space<hbm>> -> memref<80x128xi32, #tpu.memory_space<hbm>>
      tpu.enqueue_dma source(%dma_start3A_16 : memref<80x128xi32, #tpu.memory_space<hbm>>) target(%arg9 : memref<80x128xi32, #tpu.memory_space<vmem>>) target_semaphore(%run_scoped3A : memref<!tpu.dma_semaphore, #tpu.memory_space<semaphore_mem>>)
      %dma_wait3A = arith.constant 0 : i32
      %dma_wait3A_17 = arith.constant 0 : i32
      %dma_wait3A_18 = tpu.memref_slice %arg4[%add3A, %dma_wait3A, %dma_wait3A_17] : memref<32x80x128xi32, #tpu.memory_space<hbm>> -> memref<1x80x128xi32, #tpu.memory_space<hbm>>
      %dma_wait3A_19 = tpu.memref_squeeze %dma_wait3A_18 : memref<1x80x128xi32, #tpu.memory_space<hbm>> -> memref<80x128xi32, #tpu.memory_space<hbm>>
      %dma_wait3A_20 = arith.constant 0 : i32
      %dma_wait3A_21 = arith.constant 0 : i32
      %dma_wait3A_22 = tpu.memref_slice %arg4[%add3A, %dma_wait3A_20, %dma_wait3A_21] : memref<32x80x128xi32, #tpu.memory_space<hbm>> -> memref<1x80x128xi32, #tpu.memory_space<hbm>>
      %dma_wait3A_23 = tpu.memref_squeeze %dma_wait3A_22 : memref<1x80x128xi32, #tpu.memory_space<hbm>> -> memref<80x128xi32, #tpu.memory_space<hbm>>
      tpu.wait_dma2 semaphore(%run_scoped3A : memref<!tpu.dma_semaphore, #tpu.memory_space<semaphore_mem>>) src(%dma_wait3A_23 : memref<80x128xi32, #tpu.memory_space<hbm>>) dst(%arg9 : memref<80x128xi32, #tpu.memory_space<vmem>>)
      tpu.yield
    }) : () -> ()
    "tpu.region"() ({
      %run_scoped3A = tpu.sem_alloc : memref<!tpu.dma_semaphore, #tpu.memory_space<semaphore_mem>>
      %dma_start3A = arith.constant 0 : i32
      %dma_start3A_10 = arith.constant 0 : i32
      %dma_start3A_11 = tpu.memref_slice %arg5[%add3A, %dma_start3A, %dma_start3A_10] : memref<32x80x128xf32, #tpu.memory_space<hbm>> -> memref<1x80x128xf32, #tpu.memory_space<hbm>>
      %dma_start3A_12 = tpu.memref_squeeze %dma_start3A_11 : memref<1x80x128xf32, #tpu.memory_space<hbm>> -> memref<80x128xf32, #tpu.memory_space<hbm>>
      %dma_start3A_13 = arith.constant 0 : i32
      %dma_start3A_14 = arith.constant 0 : i32
      %dma_start3A_15 = tpu.memref_slice %arg5[%add3A, %dma_start3A_13, %dma_start3A_14] : memref<32x80x128xf32, #tpu.memory_space<hbm>> -> memref<1x80x128xf32, #tpu.memory_space<hbm>>
      %dma_start3A_16 = tpu.memref_squeeze %dma_start3A_15 : memref<1x80x128xf32, #tpu.memory_space<hbm>> -> memref<80x128xf32, #tpu.memory_space<hbm>>
      tpu.enqueue_dma source(%dma_start3A_16 : memref<80x128xf32, #tpu.memory_space<hbm>>) target(%arg10 : memref<80x128xf32, #tpu.memory_space<vmem>>) target_semaphore(%run_scoped3A : memref<!tpu.dma_semaphore, #tpu.memory_space<semaphore_mem>>)
      %dma_wait3A = arith.constant 0 : i32
      %dma_wait3A_17 = arith.constant 0 : i32
      %dma_wait3A_18 = tpu.memref_slice %arg5[%add3A, %dma_wait3A, %dma_wait3A_17] : memref<32x80x128xf32, #tpu.memory_space<hbm>> -> memref<1x80x128xf32, #tpu.memory_space<hbm>>
      %dma_wait3A_19 = tpu.memref_squeeze %dma_wait3A_18 : memref<1x80x128xf32, #tpu.memory_space<hbm>> -> memref<80x128xf32, #tpu.memory_space<hbm>>
      %dma_wait3A_20 = arith.constant 0 : i32
      %dma_wait3A_21 = arith.constant 0 : i32
      %dma_wait3A_22 = tpu.memref_slice %arg5[%add3A, %dma_wait3A_20, %dma_wait3A_21] : memref<32x80x128xf32, #tpu.memory_space<hbm>> -> memref<1x80x128xf32, #tpu.memory_space<hbm>>
      %dma_wait3A_23 = tpu.memref_squeeze %dma_wait3A_22 : memref<1x80x128xf32, #tpu.memory_space<hbm>> -> memref<80x128xf32, #tpu.memory_space<hbm>>
      tpu.wait_dma2 semaphore(%run_scoped3A : memref<!tpu.dma_semaphore, #tpu.memory_space<semaphore_mem>>) src(%dma_wait3A_23 : memref<80x128xf32, #tpu.memory_space<hbm>>) dst(%arg10 : memref<80x128xf32, #tpu.memory_space<vmem>>)
      tpu.yield
    }) : () -> ()
    %barrier3A = arith.constant 0 : index
    tpu.barrier barrier_id(%barrier3A)
    %scan3A = arith.constant 0 : i32
    %scan3A_3 = arith.constant 0 : i32
    %scan3A_4 = arith.constant 80 : i32
    %scan3A_5 = arith.addi %scan3A_3, %scan3A_4 : i32
    %scan3A_6 = arith.constant 1 : i32
    %scan3A_7 = scf.for %scan3A_10 = %scan3A_3 to %scan3A_5 step %scan3A_6 iter_args(%scan3A_11 = %scan3A) -> (i32)  : i32 {
      %dma_start3A = arith.constant 0 : i32
      %dma_start3A_12 = arith.constant 0 : i32
      %dma_start3A_13 = tpu.memref_slice %arg11[%dma_start3A, %dma_start3A_12] : memref<128x128xf32, #tpu.memory_space<vmem>> -> memref<64x128xf32, #tpu.memory_space<vmem>>
      %dma_start3A_14 = arith.constant 0 : i32
      %dma_start3A_15 = tpu.memref_slice %arg8[%scan3A_10, %dma_start3A_14] : memref<80x128xi32, #tpu.memory_space<vmem>> -> memref<1x64xi32, #tpu.memory_space<vmem>>
      %dma_start3A_16 = tpu.memref_squeeze %dma_start3A_15 : memref<1x64xi32, #tpu.memory_space<vmem>> -> memref<64xi32, #tpu.memory_space<vmem>>
      %dma_start3A_17 = arith.constant 0 : i32
      %dma_start3A_18 = arith.constant 0 : i32
      %dma_start3A_19 = tpu.memref_slice %arg2[%dma_start3A_17, %dma_start3A_18] : memref<500000x128xf32, #tpu.memory_space<hbm>> -> memref<500000x128xf32, #tpu.memory_space<hbm>>
      tpu.enqueue_indirect_dma source(%dma_start3A_19 : memref<500000x128xf32, #tpu.memory_space<hbm>>) target(%dma_start3A_13 : memref<64x128xf32, #tpu.memory_space<vmem>>) offsets(%dma_start3A_16 : memref<64xi32, #tpu.memory_space<vmem>>) semaphore(%arg13 : memref<!tpu.dma_semaphore, #tpu.memory_space<semaphore_mem>>)
      %dma_start3A_20 = arith.constant 64 : i32
      %dma_start3A_21 = arith.constant 0 : i32
      %dma_start3A_22 = tpu.memref_slice %arg11[%dma_start3A_20, %dma_start3A_21] : memref<128x128xf32, #tpu.memory_space<vmem>> -> memref<64x128xf32, #tpu.memory_space<vmem>>
      %dma_start3A_23 = arith.constant 64 : i32
      %dma_start3A_24 = tpu.memref_slice %arg8[%scan3A_10, %dma_start3A_23] : memref<80x128xi32, #tpu.memory_space<vmem>> -> memref<1x64xi32, #tpu.memory_space<vmem>>
      %dma_start3A_25 = tpu.memref_squeeze %dma_start3A_24 : memref<1x64xi32, #tpu.memory_space<vmem>> -> memref<64xi32, #tpu.memory_space<vmem>>
      %dma_start3A_26 = arith.constant 0 : i32
      %dma_start3A_27 = arith.constant 0 : i32
      %dma_start3A_28 = tpu.memref_slice %arg2[%dma_start3A_26, %dma_start3A_27] : memref<500000x128xf32, #tpu.memory_space<hbm>> -> memref<500000x128xf32, #tpu.memory_space<hbm>>
      tpu.enqueue_indirect_dma source(%dma_start3A_28 : memref<500000x128xf32, #tpu.memory_space<hbm>>) target(%dma_start3A_22 : memref<64x128xf32, #tpu.memory_space<vmem>>) offsets(%dma_start3A_25 : memref<64xi32, #tpu.memory_space<vmem>>) semaphore(%arg14 : memref<!tpu.dma_semaphore, #tpu.memory_space<semaphore_mem>>)
      %dma_wait3A = arith.constant 0 : i32
      %dma_wait3A_29 = arith.constant 0 : i32
      %dma_wait3A_30 = tpu.memref_slice %arg11[%dma_wait3A, %dma_wait3A_29] : memref<128x128xf32, #tpu.memory_space<vmem>> -> memref<64x128xf32, #tpu.memory_space<vmem>>
      %dma_wait3A_31 = arith.constant 0 : i32
      %dma_wait3A_32 = tpu.memref_slice %arg8[%scan3A_10, %dma_wait3A_31] : memref<80x128xi32, #tpu.memory_space<vmem>> -> memref<1x64xi32, #tpu.memory_space<vmem>>
      %dma_wait3A_33 = tpu.memref_squeeze %dma_wait3A_32 : memref<1x64xi32, #tpu.memory_space<vmem>> -> memref<64xi32, #tpu.memory_space<vmem>>
      %dma_wait3A_34 = arith.constant 0 : i32
      %dma_wait3A_35 = arith.constant 0 : i32
      %dma_wait3A_36 = tpu.memref_slice %arg2[%dma_wait3A_34, %dma_wait3A_35] : memref<500000x128xf32, #tpu.memory_space<hbm>> -> memref<500000x128xf32, #tpu.memory_space<hbm>>
      tpu.wait_indirect_dma semaphore(%arg13 : memref<!tpu.dma_semaphore, #tpu.memory_space<semaphore_mem>>) src(%dma_wait3A_36 : memref<500000x128xf32, #tpu.memory_space<hbm>>) dst(%dma_wait3A_30 : memref<64x128xf32, #tpu.memory_space<vmem>>)
      %scan3A_37 = arith.constant 0 : i32
      %scan3A_38 = arith.constant 0 : i32
      %scan3A_39 = arith.constant 4 : i32
      %scan3A_40 = arith.addi %scan3A_38, %scan3A_39 : i32
      %scan3A_41 = arith.constant 1 : i32
      %scan3A_42 = scf.for %scan3A_61 = %scan3A_38 to %scan3A_40 step %scan3A_41 iter_args(%scan3A_62 = %scan3A_37) -> (i32)  : i32 {
        %mul3A_63 = arith.constant 16 : i32
        %mul3A_64 = arith.muli %scan3A_61, %mul3A_63 : i32
        %add3A_65 = arith.constant 0 : i32
        %add3A_66 = arith.addi %add3A_65, %mul3A_64 : i32
        %get3A = arith.index_cast %scan3A_10 : i32 to index
        %get3A_67 = arith.index_cast %add3A_66 : i32 to index
        %get3A_68 = tpu.vector_load %arg10[%get3A, %get3A_67] {strides = array<i32>} : memref<80x128xf32, #tpu.memory_space<vmem>>, vector<1x16xf32>,
        %get3A_69 = vector.shape_cast %get3A_68 : vector<1x16xf32> to vector<16xf32>
        %mul3A_70 = arith.constant 16 : i32
        %mul3A_71 = arith.muli %scan3A_61, %mul3A_70 : i32
        %add3A_72 = arith.constant 0 : i32
        %add3A_73 = arith.addi %add3A_72, %mul3A_71 : i32
        %broadcast_in_dim3A = arith.constant 0 : i32
        %broadcast_in_dim3A_74 = vector.broadcast %broadcast_in_dim3A : i32 to vector<16xi32>
        %lt3A = arith.constant 0 : i32
        %lt3A_75 = vector.broadcast %lt3A : i32 to vector<16xi32>
        %lt3A_76 = arith.cmpi slt, %broadcast_in_dim3A_74, %lt3A_75 : vector<16xi32>
        %add3A_77 = arith.constant 16 : i32
        %add3A_78 = vector.broadcast %add3A_77 : i32 to vector<16xi32>
        %add3A_79 = arith.addi %broadcast_in_dim3A_74, %add3A_78 : vector<16xi32>
        %select_n3A = arith.select %lt3A_76, %add3A_79, %broadcast_in_dim3A_74 : vector<16xi1>, vector<16xi32>
        %broadcast_in_dim3A_80 = vector.shape_cast %select_n3A : vector<16xi32> to vector<16x1xi32>
        %gather3A = vector.shape_cast %broadcast_in_dim3A_80 : vector<16x1xi32> to vector<16xi32>
        %gather3A_81 = tpu.dynamic_gather %get3A_69[%gather3A] in [0] : vector<16xf32>, vector<16xi32> -> vector<16xf32>
        %add3A_82 = arith.constant 0 : i32
        %add3A_83 = arith.addi %add3A_73, %add3A_82 : i32
        %get3A_84 = arith.index_cast %add3A_83 : i32 to index
        %get3A_85 = arith.constant 0 : index
        %get3A_86 = tpu.vector_load %arg11[%get3A_84, %get3A_85] {strides = array<i32>} : memref<128x128xf32, #tpu.memory_space<vmem>>, vector<1x16xf32>,
        %get3A_87 = vector.shape_cast %get3A_86 : vector<1x16xf32> to vector<16xf32>
        %mul3A_88 = arith.mulf %get3A_87, %gather3A_81 : vector<16xf32>
        %add3A_89 = arith.constant 0 : i32
        %add3A_90 = arith.addi %add3A_73, %add3A_89 : i32
        %swap3A = arith.index_cast %add3A_90 : i32 to index
        %swap3A_91 = arith.constant 0 : index
        %swap3A_92 = tpu.vector_load %arg11[%swap3A, %swap3A_91] {strides = array<i32>} : memref<128x128xf32, #tpu.memory_space<vmem>>, vector<1x16xf32>,
        %swap3A_93 = vector.shape_cast %swap3A_92 : vector<1x16xf32> to vector<16xf32>
        %swap3A_94 = vector.shape_cast %mul3A_88 : vector<16xf32> to vector<1x16xf32>
        tpu.vector_store %arg11[%swap3A, %swap3A_91], %swap3A_94 {strides = array<i32>} : memref<128x128xf32, #tpu.memory_space<vmem>>, vector<1x16xf32>,
        %add3A_95 = arith.constant 0 : i32
        %add3A_96 = arith.addi %add3A_73, %add3A_95 : i32
        %get3A_97 = arith.index_cast %add3A_96 : i32 to index
        %get3A_98 = arith.constant 16 : index
        %get3A_99 = tpu.vector_load %arg11[%get3A_97, %get3A_98] {strides = array<i32>} : memref<128x128xf32, #tpu.memory_space<vmem>>, vector<1x16xf32>,
        %get3A_100 = vector.shape_cast %get3A_99 : vector<1x16xf32> to vector<16xf32>
        %mul3A_101 = arith.mulf %get3A_100, %gather3A_81 : vector<16xf32>
        %add3A_102 = arith.constant 0 : i32
        %add3A_103 = arith.addi %add3A_73, %add3A_102 : i32
        %swap3A_104 = arith.index_cast %add3A_103 : i32 to index
        %swap3A_105 = arith.constant 16 : index
        %swap3A_106 = tpu.vector_load %arg11[%swap3A_104, %swap3A_105] {strides = array<i32>} : memref<128x128xf32, #tpu.memory_space<vmem>>, vector<1x16xf32>,
        %swap3A_107 = vector.shape_cast %swap3A_106 : vector<1x16xf32> to vector<16xf32>
        %swap3A_108 = vector.shape_cast %mul3A_101 : vector<16xf32> to vector<1x16xf32>
        tpu.vector_store %arg11[%swap3A_104, %swap3A_105], %swap3A_108 {strides = array<i32>} : memref<128x128xf32, #tpu.memory_space<vmem>>, vector<1x16xf32>,
        %add3A_109 = arith.constant 0 : i32
        %add3A_110 = arith.addi %add3A_73, %add3A_109 : i32
        %get3A_111 = arith.index_cast %add3A_110 : i32 to index
        %get3A_112 = arith.constant 32 : index
        %get3A_113 = tpu.vector_load %arg11[%get3A_111, %get3A_112] {strides = array<i32>} : memref<128x128xf32, #tpu.memory_space<vmem>>, vector<1x16xf32>,
        %get3A_114 = vector.shape_cast %get3A_113 : vector<1x16xf32> to vector<16xf32>
        %mul3A_115 = arith.mulf %get3A_114, %gather3A_81 : vector<16xf32>
        %add3A_116 = arith.constant 0 : i32
        %add3A_117 = arith.addi %add3A_73, %add3A_116 : i32
        %swap3A_118 = arith.index_cast %add3A_117 : i32 to index
        %swap3A_119 = arith.constant 32 : index
        %swap3A_120 = tpu.vector_load %arg11[%swap3A_118, %swap3A_119] {strides = array<i32>} : memref<128x128xf32, #tpu.memory_space<vmem>>, vector<1x16xf32>,
        %swap3A_121 = vector.shape_cast %swap3A_120 : vector<1x16xf32> to vector<16xf32>
        %swap3A_122 = vector.shape_cast %mul3A_115 : vector<16xf32> to vector<1x16xf32>
        tpu.vector_store %arg11[%swap3A_118, %swap3A_119], %swap3A_122 {strides = array<i32>} : memref<128x128xf32, #tpu.memory_space<vmem>>, vector<1x16xf32>,
        %add3A_123 = arith.constant 0 : i32
        %add3A_124 = arith.addi %add3A_73, %add3A_123 : i32
        %get3A_125 = arith.index_cast %add3A_124 : i32 to index
        %get3A_126 = arith.constant 48 : index
        %get3A_127 = tpu.vector_load %arg11[%get3A_125, %get3A_126] {strides = array<i32>} : memref<128x128xf32, #tpu.memory_space<vmem>>, vector<1x16xf32>,
        %get3A_128 = vector.shape_cast %get3A_127 : vector<1x16xf32> to vector<16xf32>
        %mul3A_129 = arith.mulf %get3A_128, %gather3A_81 : vector<16xf32>
        %add3A_130 = arith.constant 0 : i32
        %add3A_131 = arith.addi %add3A_73, %add3A_130 : i32
        %swap3A_132 = arith.index_cast %add3A_131 : i32 to index
        %swap3A_133 = arith.constant 48 : index
        %swap3A_134 = tpu.vector_load %arg11[%swap3A_132, %swap3A_133] {strides = array<i32>} : memref<128x128xf32, #tpu.memory_space<vmem>>, vector<1x16xf32>,
        %swap3A_135 = vector.shape_cast %swap3A_134 : vector<1x16xf32> to vector<16xf32>
        %swap3A_136 = vector.shape_cast %mul3A_129 : vector<16xf32> to vector<1x16xf32>
        tpu.vector_store %arg11[%swap3A_132, %swap3A_133], %swap3A_136 {strides = array<i32>} : memref<128x128xf32, #tpu.memory_space<vmem>>, vector<1x16xf32>,
        %add3A_137 = arith.constant 0 : i32
        %add3A_138 = arith.addi %add3A_73, %add3A_137 : i32
        %get3A_139 = arith.index_cast %add3A_138 : i32 to index
        %get3A_140 = arith.constant 64 : index
        %get3A_141 = tpu.vector_load %arg11[%get3A_139, %get3A_140] {strides = array<i32>} : memref<128x128xf32, #tpu.memory_space<vmem>>, vector<1x16xf32>,
        %get3A_142 = vector.shape_cast %get3A_141 : vector<1x16xf32> to vector<16xf32>
        %mul3A_143 = arith.mulf %get3A_142, %gather3A_81 : vector<16xf32>
        %add3A_144 = arith.constant 0 : i32
        %add3A_145 = arith.addi %add3A_73, %add3A_144 : i32
        %swap3A_146 = arith.index_cast %add3A_145 : i32 to index
        %swap3A_147 = arith.constant 64 : index
        %swap3A_148 = tpu.vector_load %arg11[%swap3A_146, %swap3A_147] {strides = array<i32>} : memref<128x128xf32, #tpu.memory_space<vmem>>, vector<1x16xf32>,
        %swap3A_149 = vector.shape_cast %swap3A_148 : vector<1x16xf32> to vector<16xf32>
        %swap3A_150 = vector.shape_cast %mul3A_143 : vector<16xf32> to vector<1x16xf32>
        tpu.vector_store %arg11[%swap3A_146, %swap3A_147], %swap3A_150 {strides = array<i32>} : memref<128x128xf32, #tpu.memory_space<vmem>>, vector<1x16xf32>,
        %add3A_151 = arith.constant 0 : i32
        %add3A_152 = arith.addi %add3A_73, %add3A_151 : i32
        %get3A_153 = arith.index_cast %add3A_152 : i32 to index
        %get3A_154 = arith.constant 80 : index
        %get3A_155 = tpu.vector_load %arg11[%get3A_153, %get3A_154] {strides = array<i32>} : memref<128x128xf32, #tpu.memory_space<vmem>>, vector<1x16xf32>,
        %get3A_156 = vector.shape_cast %get3A_155 : vector<1x16xf32> to vector<16xf32>
        %mul3A_157 = arith.mulf %get3A_156, %gather3A_81 : vector<16xf32>
        %add3A_158 = arith.constant 0 : i32
        %add3A_159 = arith.addi %add3A_73, %add3A_158 : i32
        %swap3A_160 = arith.index_cast %add3A_159 : i32 to index
        %swap3A_161 = arith.constant 80 : index
        %swap3A_162 = tpu.vector_load %arg11[%swap3A_160, %swap3A_161] {strides = array<i32>} : memref<128x128xf32, #tpu.memory_space<vmem>>, vector<1x16xf32>,
        %swap3A_163 = vector.shape_cast %swap3A_162 : vector<1x16xf32> to vector<16xf32>
        %swap3A_164 = vector.shape_cast %mul3A_157 : vector<16xf32> to vector<1x16xf32>
        tpu.vector_store %arg11[%swap3A_160, %swap3A_161], %swap3A_164 {strides = array<i32>} : memref<128x128xf32, #tpu.memory_space<vmem>>, vector<1x16xf32>,
        %add3A_165 = arith.constant 0 : i32
        %add3A_166 = arith.addi %add3A_73, %add3A_165 : i32
        %get3A_167 = arith.index_cast %add3A_166 : i32 to index
        %get3A_168 = arith.constant 96 : index
        %get3A_169 = tpu.vector_load %arg11[%get3A_167, %get3A_168] {strides = array<i32>} : memref<128x128xf32, #tpu.memory_space<vmem>>, vector<1x16xf32>,
        %get3A_170 = vector.shape_cast %get3A_169 : vector<1x16xf32> to vector<16xf32>
        %mul3A_171 = arith.mulf %get3A_170, %gather3A_81 : vector<16xf32>
        %add3A_172 = arith.constant 0 : i32
        %add3A_173 = arith.addi %add3A_73, %add3A_172 : i32
        %swap3A_174 = arith.index_cast %add3A_173 : i32 to index
        %swap3A_175 = arith.constant 96 : index
        %swap3A_176 = tpu.vector_load %arg11[%swap3A_174, %swap3A_175] {strides = array<i32>} : memref<128x128xf32, #tpu.memory_space<vmem>>, vector<1x16xf32>,
        %swap3A_177 = vector.shape_cast %swap3A_176 : vector<1x16xf32> to vector<16xf32>
        %swap3A_178 = vector.shape_cast %mul3A_171 : vector<16xf32> to vector<1x16xf32>
        tpu.vector_store %arg11[%swap3A_174, %swap3A_175], %swap3A_178 {strides = array<i32>} : memref<128x128xf32, #tpu.memory_space<vmem>>, vector<1x16xf32>,
        %add3A_179 = arith.constant 0 : i32
        %add3A_180 = arith.addi %add3A_73, %add3A_179 : i32
        %get3A_181 = arith.index_cast %add3A_180 : i32 to index
        %get3A_182 = arith.constant 112 : index
        %get3A_183 = tpu.vector_load %arg11[%get3A_181, %get3A_182] {strides = array<i32>} : memref<128x128xf32, #tpu.memory_space<vmem>>, vector<1x16xf32>,
        %get3A_184 = vector.shape_cast %get3A_183 : vector<1x16xf32> to vector<16xf32>
        %mul3A_185 = arith.mulf %get3A_184, %gather3A_81 : vector<16xf32>
        %add3A_186 = arith.constant 0 : i32
        %add3A_187 = arith.addi %add3A_73, %add3A_186 : i32
        %swap3A_188 = arith.index_cast %add3A_187 : i32 to index
        %swap3A_189 = arith.constant 112 : index
        %swap3A_190 = tpu.vector_load %arg11[%swap3A_188, %swap3A_189] {strides = array<i32>} : memref<128x128xf32, #tpu.memory_space<vmem>>, vector<1x16xf32>,
        %swap3A_191 = vector.shape_cast %swap3A_190 : vector<1x16xf32> to vector<16xf32>
        %swap3A_192 = vector.shape_cast %mul3A_185 : vector<16xf32> to vector<1x16xf32>
        tpu.vector_store %arg11[%swap3A_188, %swap3A_189], %swap3A_192 {strides = array<i32>} : memref<128x128xf32, #tpu.memory_space<vmem>>, vector<1x16xf32>,
        %broadcast_in_dim3A_193 = arith.constant 1 : i32
        %broadcast_in_dim3A_194 = vector.broadcast %broadcast_in_dim3A_193 : i32 to vector<16xi32>
        %lt3A_195 = arith.constant 0 : i32
        %lt3A_196 = vector.broadcast %lt3A_195 : i32 to vector<16xi32>
        %lt3A_197 = arith.cmpi slt, %broadcast_in_dim3A_194, %lt3A_196 : vector<16xi32>
        %add3A_198 = arith.constant 16 : i32
        %add3A_199 = vector.broadcast %add3A_198 : i32 to vector<16xi32>
        %add3A_200 = arith.addi %broadcast_in_dim3A_194, %add3A_199 : vector<16xi32>
        %select_n3A_201 = arith.select %lt3A_197, %add3A_200, %broadcast_in_dim3A_194 : vector<16xi1>, vector<16xi32>
        %broadcast_in_dim3A_202 = vector.shape_cast %select_n3A_201 : vector<16xi32> to vector<16x1xi32>
        %gather3A_203 = vector.shape_cast %broadcast_in_dim3A_202 : vector<16x1xi32> to vector<16xi32>
        %gather3A_204 = tpu.dynamic_gather %get3A_69[%gather3A_203] in [0] : vector<16xf32>, vector<16xi32> -> vector<16xf32>
        %add3A_205 = arith.constant 1 : i32
        %add3A_206 = arith.addi %add3A_73, %add3A_205 : i32
        %get3A_207 = arith.index_cast %add3A_206 : i32 to index
        %get3A_208 = arith.constant 0 : index
        %get3A_209 = tpu.vector_load %arg11[%get3A_207, %get3A_208] {strides = array<i32>} : memref<128x128xf32, #tpu.memory_space<vmem>>, vector<1x16xf32>,
        %get3A_210 = vector.shape_cast %get3A_209 : vector<1x16xf32> to vector<16xf32>
        %mul3A_211 = arith.mulf %get3A_210, %gather3A_204 : vector<16xf32>
        %add3A_212 = arith.constant 1 : i32
        %add3A_213 = arith.addi %add3A_73, %add3A_212 : i32
        %swap3A_214 = arith.index_cast %add3A_213 : i32 to index
        %swap3A_215 = arith.constant 0 : index
        %swap3A_216 = tpu.vector_load %arg11[%swap3A_214, %swap3A_215] {strides = array<i32>} : memref<128x128xf32, #tpu.memory_space<vmem>>, vector<1x16xf32>,
        %swap3A_217 = vector.shape_cast %swap3A_216 : vector<1x16xf32> to vector<16xf32>
        %swap3A_218 = vector.shape_cast %mul3A_211 : vector<16xf32> to vector<1x16xf32>
        tpu.vector_store %arg11[%swap3A_214, %swap3A_215], %swap3A_218 {strides = array<i32>} : memref<128x128xf32, #tpu.memory_space<vmem>>, vector<1x16xf32>,
        %add3A_219 = arith.constant 1 : i32
        %add3A_220 = arith.addi %add3A_73, %add3A_219 : i32
        %get3A_221 = arith.index_cast %add3A_220 : i32 to index
        %get3A_222 = arith.constant 16 : index
        %get3A_223 = tpu.vector_load %arg11[%get3A_221, %get3A_222] {strides = array<i32>} : memref<128x128xf32, #tpu.memory_space<vmem>>, vector<1x16xf32>,
        %get3A_224 = vector.shape_cast %get3A_223 : vector<1x16xf32> to vector<16xf32>
        %mul3A_225 = arith.mulf %get3A_224, %gather3A_204 : vector<16xf32>
        %add3A_226 = arith.constant 1 : i32
        %add3A_227 = arith.addi %add3A_73, %add3A_226 : i32
        %swap3A_228 = arith.index_cast %add3A_227 : i32 to index
        %swap3A_229 = arith.constant 16 : index
        %swap3A_230 = tpu.vector_load %arg11[%swap3A_228, %swap3A_229] {strides = array<i32>} : memref<128x128xf32, #tpu.memory_space<vmem>>, vector<1x16xf32>,
        %swap3A_231 = vector.shape_cast %swap3A_230 : vector<1x16xf32> to vector<16xf32>
        %swap3A_232 = vector.shape_cast %mul3A_225 : vector<16xf32> to vector<1x16xf32>
        tpu.vector_store %arg11[%swap3A_228, %swap3A_229], %swap3A_232 {strides = array<i32>} : memref<128x128xf32, #tpu.memory_space<vmem>>, vector<1x16xf32>,
        %add3A_233 = arith.constant 1 : i32
        %add3A_234 = arith.addi %add3A_73, %add3A_233 : i32
        %get3A_235 = arith.index_cast %add3A_234 : i32 to index
        %get3A_236 = arith.constant 32 : index
        %get3A_237 = tpu.vector_load %arg11[%get3A_235, %get3A_236] {strides = array<i32>} : memref<128x128xf32, #tpu.memory_space<vmem>>, vector<1x16xf32>,
        %get3A_238 = vector.shape_cast %get3A_237 : vector<1x16xf32> to vector<16xf32>
        %mul3A_239 = arith.mulf %get3A_238, %gather3A_204 : vector<16xf32>
        %add3A_240 = arith.constant 1 : i32
        %add3A_241 = arith.addi %add3A_73, %add3A_240 : i32
        %swap3A_242 = arith.index_cast %add3A_241 : i32 to index
        %swap3A_243 = arith.constant 32 : index
        %swap3A_244 = tpu.vector_load %arg11[%swap3A_242, %swap3A_243] {strides = array<i32>} : memref<128x128xf32, #tpu.memory_space<vmem>>, vector<1x16xf32>,
        %swap3A_245 = vector.shape_cast %swap3A_244 : vector<1x16xf32> to vector<16xf32>
        %swap3A_246 = vector.shape_cast %mul3A_239 : vector<16xf32> to vector<1x16xf32>
        tpu.vector_store %arg11[%swap3A_242, %swap3A_243], %swap3A_246 {strides = array<i32>} : memref<128x128xf32, #tpu.memory_space<vmem>>, vector<1x16xf32>,
        %add3A_247 = arith.constant 1 : i32
        %add3A_248 = arith.addi %add3A_73, %add3A_247 : i32
        %get3A_249 = arith.index_cast %add3A_248 : i32 to index
        %get3A_250 = arith.constant 48 : index
        %get3A_251 = tpu.vector_load %arg11[%get3A_249, %get3A_250] {strides = array<i32>} : memref<128x128xf32, #tpu.memory_space<vmem>>, vector<1x16xf32>,
        %get3A_252 = vector.shape_cast %get3A_251 : vector<1x16xf32> to vector<16xf32>
        %mul3A_253 = arith.mulf %get3A_252, %gather3A_204 : vector<16xf32>
        %add3A_254 = arith.constant 1 : i32
        %add3A_255 = arith.addi %add3A_73, %add3A_254 : i32
        %swap3A_256 = arith.index_cast %add3A_255 : i32 to index
        %swap3A_257 = arith.constant 48 : index
        %swap3A_258 = tpu.vector_load %arg11[%swap3A_256, %swap3A_257] {strides = array<i32>} : memref<128x128xf32, #tpu.memory_space<vmem>>, vector<1x16xf32>,
        %swap3A_259 = vector.shape_cast %swap3A_258 : vector<1x16xf32> to vector<16xf32>
        %swap3A_260 = vector.shape_cast %mul3A_253 : vector<16xf32> to vector<1x16xf32>
        tpu.vector_store %arg11[%swap3A_256, %swap3A_257], %swap3A_260 {strides = array<i32>} : memref<128x128xf32, #tpu.memory_space<vmem>>, vector<1x16xf32>,
        %add3A_261 = arith.constant 1 : i32
        %add3A_262 = arith.addi %add3A_73, %add3A_261 : i32
        %get3A_263 = arith.index_cast %add3A_262 : i32 to index
        %get3A_264 = arith.constant 64 : index
        %get3A_265 = tpu.vector_load %arg11[%get3A_263, %get3A_264] {strides = array<i32>} : memref<128x128xf32, #tpu.memory_space<vmem>>, vector<1x16xf32>,
        %get3A_266 = vector.shape_cast %get3A_265 : vector<1x16xf32> to vector<16xf32>
        %mul3A_267 = arith.mulf %get3A_266, %gather3A_204 : vector<16xf32>
        %add3A_268 = arith.constant 1 : i32
        %add3A_269 = arith.addi %add3A_73, %add3A_268 : i32
        %swap3A_270 = arith.index_cast %add3A_269 : i32 to index
        %swap3A_271 = arith.constant 64 : index
        %swap3A_272 = tpu.vector_load %arg11[%swap3A_270, %swap3A_271] {strides = array<i32>} : memref<128x128xf32, #tpu.memory_space<vmem>>, vector<1x16xf32>,
        %swap3A_273 = vector.shape_cast %swap3A_272 : vector<1x16xf32> to vector<16xf32>
        %swap3A_274 = vector.shape_cast %mul3A_267 : vector<16xf32> to vector<1x16xf32>
        tpu.vector_store %arg11[%swap3A_270, %swap3A_271], %swap3A_274 {strides = array<i32>} : memref<128x128xf32, #tpu.memory_space<vmem>>, vector<1x16xf32>,
        %add3A_275 = arith.constant 1 : i32
        %add3A_276 = arith.addi %add3A_73, %add3A_275 : i32
        %get3A_277 = arith.index_cast %add3A_276 : i32 to index
        %get3A_278 = arith.constant 80 : index
        %get3A_279 = tpu.vector_load %arg11[%get3A_277, %get3A_278] {strides = array<i32>} : memref<128x128xf32, #tpu.memory_space<vmem>>, vector<1x16xf32>,
        %get3A_280 = vector.shape_cast %get3A_279 : vector<1x16xf32> to vector<16xf32>
        %mul3A_281 = arith.mulf %get3A_280, %gather3A_204 : vector<16xf32>
        %add3A_282 = arith.constant 1 : i32
        %add3A_283 = arith.addi %add3A_73, %add3A_282 : i32
        %swap3A_284 = arith.index_cast %add3A_283 : i32 to index
        %swap3A_285 = arith.constant 80 : index
        %swap3A_286 = tpu.vector_load %arg11[%swap3A_284, %swap3A_285] {strides = array<i32>} : memref<128x128xf32, #tpu.memory_space<vmem>>, vector<1x16xf32>,
        %swap3A_287 = vector.shape_cast %swap3A_286 : vector<1x16xf32> to vector<16xf32>
        %swap3A_288 = vector.shape_cast %mul3A_281 : vector<16xf32> to vector<1x16xf32>
        tpu.vector_store %arg11[%swap3A_284, %swap3A_285], %swap3A_288 {strides = array<i32>} : memref<128x128xf32, #tpu.memory_space<vmem>>, vector<1x16xf32>,
        %add3A_289 = arith.constant 1 : i32
        %add3A_290 = arith.addi %add3A_73, %add3A_289 : i32
        %get3A_291 = arith.index_cast %add3A_290 : i32 to index
        %get3A_292 = arith.constant 96 : index
        %get3A_293 = tpu.vector_load %arg11[%get3A_291, %get3A_292] {strides = array<i32>} : memref<128x128xf32, #tpu.memory_space<vmem>>, vector<1x16xf32>,
        %get3A_294 = vector.shape_cast %get3A_293 : vector<1x16xf32> to vector<16xf32>
        %mul3A_295 = arith.mulf %get3A_294, %gather3A_204 : vector<16xf32>
        %add3A_296 = arith.constant 1 : i32
        %add3A_297 = arith.addi %add3A_73, %add3A_296 : i32
        %swap3A_298 = arith.index_cast %add3A_297 : i32 to index
        %swap3A_299 = arith.constant 96 : index
        %swap3A_300 = tpu.vector_load %arg11[%swap3A_298, %swap3A_299] {strides = array<i32>} : memref<128x128xf32, #tpu.memory_space<vmem>>, vector<1x16xf32>,
        %swap3A_301 = vector.shape_cast %swap3A_300 : vector<1x16xf32> to vector<16xf32>
        %swap3A_302 = vector.shape_cast %mul3A_295 : vector<16xf32> to vector<1x16xf32>
        tpu.vector_store %arg11[%swap3A_298, %swap3A_299], %swap3A_302 {strides = array<i32>} : memref<128x128xf32, #tpu.memory_space<vmem>>, vector<1x16xf32>,
        %add3A_303 = arith.constant 1 : i32
        %add3A_304 = arith.addi %add3A_73, %add3A_303 : i32
        %get3A_305 = arith.index_cast %add3A_304 : i32 to index
        %get3A_306 = arith.constant 112 : index
        %get3A_307 = tpu.vector_load %arg11[%get3A_305, %get3A_306] {strides = array<i32>} : memref<128x128xf32, #tpu.memory_space<vmem>>, vector<1x16xf32>,
        %get3A_308 = vector.shape_cast %get3A_307 : vector<1x16xf32> to vector<16xf32>
        %mul3A_309 = arith.mulf %get3A_308, %gather3A_204 : vector<16xf32>
        %add3A_310 = arith.constant 1 : i32
        %add3A_311 = arith.addi %add3A_73, %add3A_310 : i32
        %swap3A_312 = arith.index_cast %add3A_311 : i32 to index
        %swap3A_313 = arith.constant 112 : index
        %swap3A_314 = tpu.vector_load %arg11[%swap3A_312, %swap3A_313] {strides = array<i32>} : memref<128x128xf32, #tpu.memory_space<vmem>>, vector<1x16xf32>,
        %swap3A_315 = vector.shape_cast %swap3A_314 : vector<1x16xf32> to vector<16xf32>
        %swap3A_316 = vector.shape_cast %mul3A_309 : vector<16xf32> to vector<1x16xf32>
        tpu.vector_store %arg11[%swap3A_312, %swap3A_313], %swap3A_316 {strides = array<i32>} : memref<128x128xf32, #tpu.memory_space<vmem>>, vector<1x16xf32>,
        %broadcast_in_dim3A_317 = arith.constant 2 : i32
        %broadcast_in_dim3A_318 = vector.broadcast %broadcast_in_dim3A_317 : i32 to vector<16xi32>
        %lt3A_319 = arith.constant 0 : i32
        %lt3A_320 = vector.broadcast %lt3A_319 : i32 to vector<16xi32>
        %lt3A_321 = arith.cmpi slt, %broadcast_in_dim3A_318, %lt3A_320 : vector<16xi32>
        %add3A_322 = arith.constant 16 : i32
        %add3A_323 = vector.broadcast %add3A_322 : i32 to vector<16xi32>
        %add3A_324 = arith.addi %broadcast_in_dim3A_318, %add3A_323 : vector<16xi32>
        %select_n3A_325 = arith.select %lt3A_321, %add3A_324, %broadcast_in_dim3A_318 : vector<16xi1>, vector<16xi32>
        %broadcast_in_dim3A_326 = vector.shape_cast %select_n3A_325 : vector<16xi32> to vector<16x1xi32>
        %gather3A_327 = vector.shape_cast %broadcast_in_dim3A_326 : vector<16x1xi32> to vector<16xi32>
        %gather3A_328 = tpu.dynamic_gather %get3A_69[%gather3A_327] in [0] : vector<16xf32>, vector<16xi32> -> vector<16xf32>
        %add3A_329 = arith.constant 2 : i32
        %add3A_330 = arith.addi %add3A_73, %add3A_329 : i32
        %get3A_331 = arith.index_cast %add3A_330 : i32 to index
        %get3A_332 = arith.constant 0 : index
        %get3A_333 = tpu.vector_load %arg11[%get3A_331, %get3A_332] {strides = array<i32>} : memref<128x128xf32, #tpu.memory_space<vmem>>, vector<1x16xf32>,
        %get3A_334 = vector.shape_cast %get3A_333 : vector<1x16xf32> to vector<16xf32>
        %mul3A_335 = arith.mulf %get3A_334, %gather3A_328 : vector<16xf32>
        %add3A_336 = arith.constant 2 : i32
        %add3A_337 = arith.addi %add3A_73, %add3A_336 : i32
        %swap3A_338 = arith.index_cast %add3A_337 : i32 to index
        %swap3A_339 = arith.constant 0 : index
        %swap3A_340 = tpu.vector_load %arg11[%swap3A_338, %swap3A_339] {strides = array<i32>} : memref<128x128xf32, #tpu.memory_space<vmem>>, vector<1x16xf32>,
        %swap3A_341 = vector.shape_cast %swap3A_340 : vector<1x16xf32> to vector<16xf32>
        %swap3A_342 = vector.shape_cast %mul3A_335 : vector<16xf32> to vector<1x16xf32>
        tpu.vector_store %arg11[%swap3A_338, %swap3A_339], %swap3A_342 {strides = array<i32>} : memref<128x128xf32, #tpu.memory_space<vmem>>, vector<1x16xf32>,
        %add3A_343 = arith.constant 2 : i32
        %add3A_344 = arith.addi %add3A_73, %add3A_343 : i32
        %get3A_345 = arith.index_cast %add3A_344 : i32 to index
        %get3A_346 = arith.constant 16 : index
        %get3A_347 = tpu.vector_load %arg11[%get3A_345, %get3A_346] {strides = array<i32>} : memref<128x128xf32, #tpu.memory_space<vmem>>, vector<1x16xf32>,
        %get3A_348 = vector.shape_cast %get3A_347 : vector<1x16xf32> to vector<16xf32>
        %mul3A_349 = arith.mulf %get3A_348, %gather3A_328 : vector<16xf32>
        %add3A_350 = arith.constant 2 : i32
        %add3A_351 = arith.addi %add3A_73, %add3A_350 : i32
        %swap3A_352 = arith.index_cast %add3A_351 : i32 to index
        %swap3A_353 = arith.constant 16 : index
        %swap3A_354 = tpu.vector_load %arg11[%swap3A_352, %swap3A_353] {strides = array<i32>} : memref<128x128xf32, #tpu.memory_space<vmem>>, vector<1x16xf32>,
        %swap3A_355 = vector.shape_cast %swap3A_354 : vector<1x16xf32> to vector<16xf32>
        %swap3A_356 = vector.shape_cast %mul3A_349 : vector<16xf32> to vector<1x16xf32>
        tpu.vector_store %arg11[%swap3A_352, %swap3A_353], %swap3A_356 {strides = array<i32>} : memref<128x128xf32, #tpu.memory_space<vmem>>, vector<1x16xf32>,
        %add3A_357 = arith.constant 2 : i32
        %add3A_358 = arith.addi %add3A_73, %add3A_357 : i32
        %get3A_359 = arith.index_cast %add3A_358 : i32 to index
        %get3A_360 = arith.constant 32 : index
        %get3A_361 = tpu.vector_load %arg11[%get3A_359, %get3A_360] {strides = array<i32>} : memref<128x128xf32, #tpu.memory_space<vmem>>, vector<1x16xf32>,
        %get3A_362 = vector.shape_cast %get3A_361 : vector<1x16xf32> to vector<16xf32>
        %mul3A_363 = arith.mulf %get3A_362, %gather3A_328 : vector<16xf32>
        %add3A_364 = arith.constant 2 : i32
        %add3A_365 = arith.addi %add3A_73, %add3A_364 : i32
        %swap3A_366 = arith.index_cast %add3A_365 : i32 to index
        %swap3A_367 = arith.constant 32 : index
        %swap3A_368 = tpu.vector_load %arg11[%swap3A_366, %swap3A_367] {strides = array<i32>} : memref<128x128xf32, #tpu.memory_space<vmem>>, vector<1x16xf32>,
        %swap3A_369 = vector.shape_cast %swap3A_368 : vector<1x16xf32> to vector<16xf32>
        %swap3A_370 = vector.shape_cast %mul3A_363 : vector<16xf32> to vector<1x16xf32>
        tpu.vector_store %arg11[%swap3A_366, %swap3A_367], %swap3A_370 {strides = array<i32>} : memref<128x128xf32, #tpu.memory_space<vmem>>, vector<1x16xf32>,
        %add3A_371 = arith.constant 2 : i32
        %add3A_372 = arith.addi %add3A_73, %add3A_371 : i32
        %get3A_373 = arith.index_cast %add3A_372 : i32 to index
        %get3A_374 = arith.constant 48 : index
        %get3A_375 = tpu.vector_load %arg11[%get3A_373, %get3A_374] {strides = array<i32>} : memref<128x128xf32, #tpu.memory_space<vmem>>, vector<1x16xf32>,
        %get3A_376 = vector.shape_cast %get3A_375 : vector<1x16xf32> to vector<16xf32>
        %mul3A_377 = arith.mulf %get3A_376, %gather3A_328 : vector<16xf32>
        %add3A_378 = arith.constant 2 : i32
        %add3A_379 = arith.addi %add3A_73, %add3A_378 : i32
        %swap3A_380 = arith.index_cast %add3A_379 : i32 to index
        %swap3A_381 = arith.constant 48 : index
        %swap3A_382 = tpu.vector_load %arg11[%swap3A_380, %swap3A_381] {strides = array<i32>} : memref<128x128xf32, #tpu.memory_space<vmem>>, vector<1x16xf32>,
        %swap3A_383 = vector.shape_cast %swap3A_382 : vector<1x16xf32> to vector<16xf32>
        %swap3A_384 = vector.shape_cast %mul3A_377 : vector<16xf32> to vector<1x16xf32>
        tpu.vector_store %arg11[%swap3A_380, %swap3A_381], %swap3A_384 {strides = array<i32>} : memref<128x128xf32, #tpu.memory_space<vmem>>, vector<1x16xf32>,
        %add3A_385 = arith.constant 2 : i32
        %add3A_386 = arith.addi %add3A_73, %add3A_385 : i32
        %get3A_387 = arith.index_cast %add3A_386 : i32 to index
        %get3A_388 = arith.constant 64 : index
        %get3A_389 = tpu.vector_load %arg11[%get3A_387, %get3A_388] {strides = array<i32>} : memref<128x128xf32, #tpu.memory_space<vmem>>, vector<1x16xf32>,
        %get3A_390 = vector.shape_cast %get3A_389 : vector<1x16xf32> to vector<16xf32>
        %mul3A_391 = arith.mulf %get3A_390, %gather3A_328 : vector<16xf32>
        %add3A_392 = arith.constant 2 : i32
        %add3A_393 = arith.addi %add3A_73, %add3A_392 : i32
        %swap3A_394 = arith.index_cast %add3A_393 : i32 to index
        %swap3A_395 = arith.constant 64 : index
        %swap3A_396 = tpu.vector_load %arg11[%swap3A_394, %swap3A_395] {strides = array<i32>} : memref<128x128xf32, #tpu.memory_space<vmem>>, vector<1x16xf32>,
        %swap3A_397 = vector.shape_cast %swap3A_396 : vector<1x16xf32> to vector<16xf32>
        %swap3A_398 = vector.shape_cast %mul3A_391 : vector<16xf32> to vector<1x16xf32>
        tpu.vector_store %arg11[%swap3A_394, %swap3A_395], %swap3A_398 {strides = array<i32>} : memref<128x128xf32, #tpu.memory_space<vmem>>, vector<1x16xf32>,
        %add3A_399 = arith.constant 2 : i32
        %add3A_400 = arith.addi %add3A_73, %add3A_399 : i32
        %get3A_401 = arith.index_cast %add3A_400 : i32 to index
        %get3A_402 = arith.constant 80 : index
        %get3A_403 = tpu.vector_load %arg11[%get3A_401, %get3A_402] {strides = array<i32>} : memref<128x128xf32, #tpu.memory_space<vmem>>, vector<1x16xf32>,
        %get3A_404 = vector.shape_cast %get3A_403 : vector<1x16xf32> to vector<16xf32>
        %mul3A_405 = arith.mulf %get3A_404, %gather3A_328 : vector<16xf32>
        %add3A_406 = arith.constant 2 : i32
        %add3A_407 = arith.addi %add3A_73, %add3A_406 : i32
        %swap3A_408 = arith.index_cast %add3A_407 : i32 to index
        %swap3A_409 = arith.constant 80 : index
        %swap3A_410 = tpu.vector_load %arg11[%swap3A_408, %swap3A_409] {strides = array<i32>} : memref<128x128xf32, #tpu.memory_space<vmem>>, vector<1x16xf32>,
        %swap3A_411 = vector.shape_cast %swap3A_410 : vector<1x16xf32> to vector<16xf32>
        %swap3A_412 = vector.shape_cast %mul3A_405 : vector<16xf32> to vector<1x16xf32>
        tpu.vector_store %arg11[%swap3A_408, %swap3A_409], %swap3A_412 {strides = array<i32>} : memref<128x128xf32, #tpu.memory_space<vmem>>, vector<1x16xf32>,
        %add3A_413 = arith.constant 2 : i32
        %add3A_414 = arith.addi %add3A_73, %add3A_413 : i32
        %get3A_415 = arith.index_cast %add3A_414 : i32 to index
        %get3A_416 = arith.constant 96 : index
        %get3A_417 = tpu.vector_load %arg11[%get3A_415, %get3A_416] {strides = array<i32>} : memref<128x128xf32, #tpu.memory_space<vmem>>, vector<1x16xf32>,
        %get3A_418 = vector.shape_cast %get3A_417 : vector<1x16xf32> to vector<16xf32>
        %mul3A_419 = arith.mulf %get3A_418, %gather3A_328 : vector<16xf32>
        %add3A_420 = arith.constant 2 : i32
        %add3A_421 = arith.addi %add3A_73, %add3A_420 : i32
        %swap3A_422 = arith.index_cast %add3A_421 : i32 to index
        %swap3A_423 = arith.constant 96 : index
        %swap3A_424 = tpu.vector_load %arg11[%swap3A_422, %swap3A_423] {strides = array<i32>} : memref<128x128xf32, #tpu.memory_space<vmem>>, vector<1x16xf32>,
        %swap3A_425 = vector.shape_cast %swap3A_424 : vector<1x16xf32> to vector<16xf32>
        %swap3A_426 = vector.shape_cast %mul3A_419 : vector<16xf32> to vector<1x16xf32>
        tpu.vector_store %arg11[%swap3A_422, %swap3A_423], %swap3A_426 {strides = array<i32>} : memref<128x128xf32, #tpu.memory_space<vmem>>, vector<1x16xf32>,
        %add3A_427 = arith.constant 2 : i32
        %add3A_428 = arith.addi %add3A_73, %add3A_427 : i32
        %get3A_429 = arith.index_cast %add3A_428 : i32 to index
        %get3A_430 = arith.constant 112 : index
        %get3A_431 = tpu.vector_load %arg11[%get3A_429, %get3A_430] {strides = array<i32>} : memref<128x128xf32, #tpu.memory_space<vmem>>, vector<1x16xf32>,
        %get3A_432 = vector.shape_cast %get3A_431 : vector<1x16xf32> to vector<16xf32>
        %mul3A_433 = arith.mulf %get3A_432, %gather3A_328 : vector<16xf32>
        %add3A_434 = arith.constant 2 : i32
        %add3A_435 = arith.addi %add3A_73, %add3A_434 : i32
        %swap3A_436 = arith.index_cast %add3A_435 : i32 to index
        %swap3A_437 = arith.constant 112 : index
        %swap3A_438 = tpu.vector_load %arg11[%swap3A_436, %swap3A_437] {strides = array<i32>} : memref<128x128xf32, #tpu.memory_space<vmem>>, vector<1x16xf32>,
        %swap3A_439 = vector.shape_cast %swap3A_438 : vector<1x16xf32> to vector<16xf32>
        %swap3A_440 = vector.shape_cast %mul3A_433 : vector<16xf32> to vector<1x16xf32>
        tpu.vector_store %arg11[%swap3A_436, %swap3A_437], %swap3A_440 {strides = array<i32>} : memref<128x128xf32, #tpu.memory_space<vmem>>, vector<1x16xf32>,
        %broadcast_in_dim3A_441 = arith.constant 3 : i32
        %broadcast_in_dim3A_442 = vector.broadcast %broadcast_in_dim3A_441 : i32 to vector<16xi32>
        %lt3A_443 = arith.constant 0 : i32
        %lt3A_444 = vector.broadcast %lt3A_443 : i32 to vector<16xi32>
        %lt3A_445 = arith.cmpi slt, %broadcast_in_dim3A_442, %lt3A_444 : vector<16xi32>
        %add3A_446 = arith.constant 16 : i32
        %add3A_447 = vector.broadcast %add3A_446 : i32 to vector<16xi32>
        %add3A_448 = arith.addi %broadcast_in_dim3A_442, %add3A_447 : vector<16xi32>
        %select_n3A_449 = arith.select %lt3A_445, %add3A_448, %broadcast_in_dim3A_442 : vector<16xi1>, vector<16xi32>
        %broadcast_in_dim3A_450 = vector.shape_cast %select_n3A_449 : vector<16xi32> to vector<16x1xi32>
        %gather3A_451 = vector.shape_cast %broadcast_in_dim3A_450 : vector<16x1xi32> to vector<16xi32>
        %gather3A_452 = tpu.dynamic_gather %get3A_69[%gather3A_451] in [0] : vector<16xf32>, vector<16xi32> -> vector<16xf32>
        %add3A_453 = arith.constant 3 : i32
        %add3A_454 = arith.addi %add3A_73, %add3A_453 : i32
        %get3A_455 = arith.index_cast %add3A_454 : i32 to index
        %get3A_456 = arith.constant 0 : index
        %get3A_457 = tpu.vector_load %arg11[%get3A_455, %get3A_456] {strides = array<i32>} : memref<128x128xf32, #tpu.memory_space<vmem>>, vector<1x16xf32>,
        %get3A_458 = vector.shape_cast %get3A_457 : vector<1x16xf32> to vector<16xf32>
        %mul3A_459 = arith.mulf %get3A_458, %gather3A_452 : vector<16xf32>
        %add3A_460 = arith.constant 3 : i32
        %add3A_461 = arith.addi %add3A_73, %add3A_460 : i32
        %swap3A_462 = arith.index_cast %add3A_461 : i32 to index
        %swap3A_463 = arith.constant 0 : index
        %swap3A_464 = tpu.vector_load %arg11[%swap3A_462, %swap3A_463] {strides = array<i32>} : memref<128x128xf32, #tpu.memory_space<vmem>>, vector<1x16xf32>,
        %swap3A_465 = vector.shape_cast %swap3A_464 : vector<1x16xf32> to vector<16xf32>
        %swap3A_466 = vector.shape_cast %mul3A_459 : vector<16xf32> to vector<1x16xf32>
        tpu.vector_store %arg11[%swap3A_462, %swap3A_463], %swap3A_466 {strides = array<i32>} : memref<128x128xf32, #tpu.memory_space<vmem>>, vector<1x16xf32>,
        %add3A_467 = arith.constant 3 : i32
        %add3A_468 = arith.addi %add3A_73, %add3A_467 : i32
        %get3A_469 = arith.index_cast %add3A_468 : i32 to index
        %get3A_470 = arith.constant 16 : index
        %get3A_471 = tpu.vector_load %arg11[%get3A_469, %get3A_470] {strides = array<i32>} : memref<128x128xf32, #tpu.memory_space<vmem>>, vector<1x16xf32>,
        %get3A_472 = vector.shape_cast %get3A_471 : vector<1x16xf32> to vector<16xf32>
        %mul3A_473 = arith.mulf %get3A_472, %gather3A_452 : vector<16xf32>
        %add3A_474 = arith.constant 3 : i32
        %add3A_475 = arith.addi %add3A_73, %add3A_474 : i32
        %swap3A_476 = arith.index_cast %add3A_475 : i32 to index
        %swap3A_477 = arith.constant 16 : index
        %swap3A_478 = tpu.vector_load %arg11[%swap3A_476, %swap3A_477] {strides = array<i32>} : memref<128x128xf32, #tpu.memory_space<vmem>>, vector<1x16xf32>,
        %swap3A_479 = vector.shape_cast %swap3A_478 : vector<1x16xf32> to vector<16xf32>
        %swap3A_480 = vector.shape_cast %mul3A_473 : vector<16xf32> to vector<1x16xf32>
        tpu.vector_store %arg11[%swap3A_476, %swap3A_477], %swap3A_480 {strides = array<i32>} : memref<128x128xf32, #tpu.memory_space<vmem>>, vector<1x16xf32>,
        %add3A_481 = arith.constant 3 : i32
        %add3A_482 = arith.addi %add3A_73, %add3A_481 : i32
        %get3A_483 = arith.index_cast %add3A_482 : i32 to index
        %get3A_484 = arith.constant 32 : index
        %get3A_485 = tpu.vector_load %arg11[%get3A_483, %get3A_484] {strides = array<i32>} : memref<128x128xf32, #tpu.memory_space<vmem>>, vector<1x16xf32>,
        %get3A_486 = vector.shape_cast %get3A_485 : vector<1x16xf32> to vector<16xf32>
        %mul3A_487 = arith.mulf %get3A_486, %gather3A_452 : vector<16xf32>
        %add3A_488 = arith.constant 3 : i32
        %add3A_489 = arith.addi %add3A_73, %add3A_488 : i32
        %swap3A_490 = arith.index_cast %add3A_489 : i32 to index
        %swap3A_491 = arith.constant 32 : index
        %swap3A_492 = tpu.vector_load %arg11[%swap3A_490, %swap3A_491] {strides = array<i32>} : memref<128x128xf32, #tpu.memory_space<vmem>>, vector<1x16xf32>,
        %swap3A_493 = vector.shape_cast %swap3A_492 : vector<1x16xf32> to vector<16xf32>
        %swap3A_494 = vector.shape_cast %mul3A_487 : vector<16xf32> to vector<1x16xf32>
        tpu.vector_store %arg11[%swap3A_490, %swap3A_491], %swap3A_494 {strides = array<i32>} : memref<128x128xf32, #tpu.memory_space<vmem>>, vector<1x16xf32>,
        %add3A_495 = arith.constant 3 : i32
        %add3A_496 = arith.addi %add3A_73, %add3A_495 : i32
        %get3A_497 = arith.index_cast %add3A_496 : i32 to index
        %get3A_498 = arith.constant 48 : index
        %get3A_499 = tpu.vector_load %arg11[%get3A_497, %get3A_498] {strides = array<i32>} : memref<128x128xf32, #tpu.memory_space<vmem>>, vector<1x16xf32>,
        %get3A_500 = vector.shape_cast %get3A_499 : vector<1x16xf32> to vector<16xf32>
        %mul3A_501 = arith.mulf %get3A_500, %gather3A_452 : vector<16xf32>
        %add3A_502 = arith.constant 3 : i32
        %add3A_503 = arith.addi %add3A_73, %add3A_502 : i32
        %swap3A_504 = arith.index_cast %add3A_503 : i32 to index
        %swap3A_505 = arith.constant 48 : index
        %swap3A_506 = tpu.vector_load %arg11[%swap3A_504, %swap3A_505] {strides = array<i32>} : memref<128x128xf32, #tpu.memory_space<vmem>>, vector<1x16xf32>,
        %swap3A_507 = vector.shape_cast %swap3A_506 : vector<1x16xf32> to vector<16xf32>
        %swap3A_508 = vector.shape_cast %mul3A_501 : vector<16xf32> to vector<1x16xf32>
        tpu.vector_store %arg11[%swap3A_504, %swap3A_505], %swap3A_508 {strides = array<i32>} : memref<128x128xf32, #tpu.memory_space<vmem>>, vector<1x16xf32>,
        %add3A_509 = arith.constant 3 : i32
        %add3A_510 = arith.addi %add3A_73, %add3A_509 : i32
        %get3A_511 = arith.index_cast %add3A_510 : i32 to index
        %get3A_512 = arith.constant 64 : index
        %get3A_513 = tpu.vector_load %arg11[%get3A_511, %get3A_512] {strides = array<i32>} : memref<128x128xf32, #tpu.memory_space<vmem>>, vector<1x16xf32>,
        %get3A_514 = vector.shape_cast %get3A_513 : vector<1x16xf32> to vector<16xf32>
        %mul3A_515 = arith.mulf %get3A_514, %gather3A_452 : vector<16xf32>
        %add3A_516 = arith.constant 3 : i32
        %add3A_517 = arith.addi %add3A_73, %add3A_516 : i32
        %swap3A_518 = arith.index_cast %add3A_517 : i32 to index
        %swap3A_519 = arith.constant 64 : index
        %swap3A_520 = tpu.vector_load %arg11[%swap3A_518, %swap3A_519] {strides = array<i32>} : memref<128x128xf32, #tpu.memory_space<vmem>>, vector<1x16xf32>,
        %swap3A_521 = vector.shape_cast %swap3A_520 : vector<1x16xf32> to vector<16xf32>
        %swap3A_522 = vector.shape_cast %mul3A_515 : vector<16xf32> to vector<1x16xf32>
        tpu.vector_store %arg11[%swap3A_518, %swap3A_519], %swap3A_522 {strides = array<i32>} : memref<128x128xf32, #tpu.memory_space<vmem>>, vector<1x16xf32>,
        %add3A_523 = arith.constant 3 : i32
        %add3A_524 = arith.addi %add3A_73, %add3A_523 : i32
        %get3A_525 = arith.index_cast %add3A_524 : i32 to index
        %get3A_526 = arith.constant 80 : index
        %get3A_527 = tpu.vector_load %arg11[%get3A_525, %get3A_526] {strides = array<i32>} : memref<128x128xf32, #tpu.memory_space<vmem>>, vector<1x16xf32>,
        %get3A_528 = vector.shape_cast %get3A_527 : vector<1x16xf32> to vector<16xf32>
        %mul3A_529 = arith.mulf %get3A_528, %gather3A_452 : vector<16xf32>
        %add3A_530 = arith.constant 3 : i32
        %add3A_531 = arith.addi %add3A_73, %add3A_530 : i32
        %swap3A_532 = arith.index_cast %add3A_531 : i32 to index
        %swap3A_533 = arith.constant 80 : index
        %swap3A_534 = tpu.vector_load %arg11[%swap3A_532, %swap3A_533] {strides = array<i32>} : memref<128x128xf32, #tpu.memory_space<vmem>>, vector<1x16xf32>,
        %swap3A_535 = vector.shape_cast %swap3A_534 : vector<1x16xf32> to vector<16xf32>
        %swap3A_536 = vector.shape_cast %mul3A_529 : vector<16xf32> to vector<1x16xf32>
        tpu.vector_store %arg11[%swap3A_532, %swap3A_533], %swap3A_536 {strides = array<i32>} : memref<128x128xf32, #tpu.memory_space<vmem>>, vector<1x16xf32>,
        %add3A_537 = arith.constant 3 : i32
        %add3A_538 = arith.addi %add3A_73, %add3A_537 : i32
        %get3A_539 = arith.index_cast %add3A_538 : i32 to index
        %get3A_540 = arith.constant 96 : index
        %get3A_541 = tpu.vector_load %arg11[%get3A_539, %get3A_540] {strides = array<i32>} : memref<128x128xf32, #tpu.memory_space<vmem>>, vector<1x16xf32>,
        %get3A_542 = vector.shape_cast %get3A_541 : vector<1x16xf32> to vector<16xf32>
        %mul3A_543 = arith.mulf %get3A_542, %gather3A_452 : vector<16xf32>
        %add3A_544 = arith.constant 3 : i32
        %add3A_545 = arith.addi %add3A_73, %add3A_544 : i32
        %swap3A_546 = arith.index_cast %add3A_545 : i32 to index
        %swap3A_547 = arith.constant 96 : index
        %swap3A_548 = tpu.vector_load %arg11[%swap3A_546, %swap3A_547] {strides = array<i32>} : memref<128x128xf32, #tpu.memory_space<vmem>>, vector<1x16xf32>,
        %swap3A_549 = vector.shape_cast %swap3A_548 : vector<1x16xf32> to vector<16xf32>
        %swap3A_550 = vector.shape_cast %mul3A_543 : vector<16xf32> to vector<1x16xf32>
        tpu.vector_store %arg11[%swap3A_546, %swap3A_547], %swap3A_550 {strides = array<i32>} : memref<128x128xf32, #tpu.memory_space<vmem>>, vector<1x16xf32>,
        %add3A_551 = arith.constant 3 : i32
        %add3A_552 = arith.addi %add3A_73, %add3A_551 : i32
        %get3A_553 = arith.index_cast %add3A_552 : i32 to index
        %get3A_554 = arith.constant 112 : index
        %get3A_555 = tpu.vector_load %arg11[%get3A_553, %get3A_554] {strides = array<i32>} : memref<128x128xf32, #tpu.memory_space<vmem>>, vector<1x16xf32>,
        %get3A_556 = vector.shape_cast %get3A_555 : vector<1x16xf32> to vector<16xf32>
        %mul3A_557 = arith.mulf %get3A_556, %gather3A_452 : vector<16xf32>
        %add3A_558 = arith.constant 3 : i32
        %add3A_559 = arith.addi %add3A_73, %add3A_558 : i32
        %swap3A_560 = arith.index_cast %add3A_559 : i32 to index
        %swap3A_561 = arith.constant 112 : index
        %swap3A_562 = tpu.vector_load %arg11[%swap3A_560, %swap3A_561] {strides = array<i32>} : memref<128x128xf32, #tpu.memory_space<vmem>>, vector<1x16xf32>,
        %swap3A_563 = vector.shape_cast %swap3A_562 : vector<1x16xf32> to vector<16xf32>
        %swap3A_564 = vector.shape_cast %mul3A_557 : vector<16xf32> to vector<1x16xf32>
        tpu.vector_store %arg11[%swap3A_560, %swap3A_561], %swap3A_564 {strides = array<i32>} : memref<128x128xf32, #tpu.memory_space<vmem>>, vector<1x16xf32>,
        %broadcast_in_dim3A_565 = arith.constant 4 : i32
        %broadcast_in_dim3A_566 = vector.broadcast %broadcast_in_dim3A_565 : i32 to vector<16xi32>
        %lt3A_567 = arith.constant 0 : i32
        %lt3A_568 = vector.broadcast %lt3A_567 : i32 to vector<16xi32>
        %lt3A_569 = arith.cmpi slt, %broadcast_in_dim3A_566, %lt3A_568 : vector<16xi32>
        %add3A_570 = arith.constant 16 : i32
        %add3A_571 = vector.broadcast %add3A_570 : i32 to vector<16xi32>
        %add3A_572 = arith.addi %broadcast_in_dim3A_566, %add3A_571 : vector<16xi32>
        %select_n3A_573 = arith.select %lt3A_569, %add3A_572, %broadcast_in_dim3A_566 : vector<16xi1>, vector<16xi32>
        %broadcast_in_dim3A_574 = vector.shape_cast %select_n3A_573 : vector<16xi32> to vector<16x1xi32>
        %gather3A_575 = vector.shape_cast %broadcast_in_dim3A_574 : vector<16x1xi32> to vector<16xi32>
        %gather3A_576 = tpu.dynamic_gather %get3A_69[%gather3A_575] in [0] : vector<16xf32>, vector<16xi32> -> vector<16xf32>
        %add3A_577 = arith.constant 4 : i32
        %add3A_578 = arith.addi %add3A_73, %add3A_577 : i32
        %get3A_579 = arith.index_cast %add3A_578 : i32 to index
        %get3A_580 = arith.constant 0 : index
        %get3A_581 = tpu.vector_load %arg11[%get3A_579, %get3A_580] {strides = array<i32>} : memref<128x128xf32, #tpu.memory_space<vmem>>, vector<1x16xf32>,
        %get3A_582 = vector.shape_cast %get3A_581 : vector<1x16xf32> to vector<16xf32>
        %mul3A_583 = arith.mulf %get3A_582, %gather3A_576 : vector<16xf32>
        %add3A_584 = arith.constant 4 : i32
        %add3A_585 = arith.addi %add3A_73, %add3A_584 : i32
        %swap3A_586 = arith.index_cast %add3A_585 : i32 to index
        %swap3A_587 = arith.constant 0 : index
        %swap3A_588 = tpu.vector_load %arg11[%swap3A_586, %swap3A_587] {strides = array<i32>} : memref<128x128xf32, #tpu.memory_space<vmem>>, vector<1x16xf32>,
        %swap3A_589 = vector.shape_cast %swap3A_588 : vector<1x16xf32> to vector<16xf32>
        %swap3A_590 = vector.shape_cast %mul3A_583 : vector<16xf32> to vector<1x16xf32>
        tpu.vector_store %arg11[%swap3A_586, %swap3A_587], %swap3A_590 {strides = array<i32>} : memref<128x128xf32, #tpu.memory_space<vmem>>, vector<1x16xf32>,
        %add3A_591 = arith.constant 4 : i32
        %add3A_592 = arith.addi %add3A_73, %add3A_591 : i32
        %get3A_593 = arith.index_cast %add3A_592 : i32 to index
        %get3A_594 = arith.constant 16 : index
        %get3A_595 = tpu.vector_load %arg11[%get3A_593, %get3A_594] {strides = array<i32>} : memref<128x128xf32, #tpu.memory_space<vmem>>, vector<1x16xf32>,
        %get3A_596 = vector.shape_cast %get3A_595 : vector<1x16xf32> to vector<16xf32>
        %mul3A_597 = arith.mulf %get3A_596, %gather3A_576 : vector<16xf32>
        %add3A_598 = arith.constant 4 : i32
        %add3A_599 = arith.addi %add3A_73, %add3A_598 : i32
        %swap3A_600 = arith.index_cast %add3A_599 : i32 to index
        %swap3A_601 = arith.constant 16 : index
        %swap3A_602 = tpu.vector_load %arg11[%swap3A_600, %swap3A_601] {strides = array<i32>} : memref<128x128xf32, #tpu.memory_space<vmem>>, vector<1x16xf32>,
        %swap3A_603 = vector.shape_cast %swap3A_602 : vector<1x16xf32> to vector<16xf32>
        %swap3A_604 = vector.shape_cast %mul3A_597 : vector<16xf32> to vector<1x16xf32>
        tpu.vector_store %arg11[%swap3A_600, %swap3A_601], %swap3A_604 {strides = array<i32>} : memref<128x128xf32, #tpu.memory_space<vmem>>, vector<1x16xf32>,
        %add3A_605 = arith.constant 4 : i32
        %add3A_606 = arith.addi %add3A_73, %add3A_605 : i32
        %get3A_607 = arith.index_cast %add3A_606 : i32 to index
        %get3A_608 = arith.constant 32 : index
        %get3A_609 = tpu.vector_load %arg11[%get3A_607, %get3A_608] {strides = array<i32>} : memref<128x128xf32, #tpu.memory_space<vmem>>, vector<1x16xf32>,
        %get3A_610 = vector.shape_cast %get3A_609 : vector<1x16xf32> to vector<16xf32>
        %mul3A_611 = arith.mulf %get3A_610, %gather3A_576 : vector<16xf32>
        %add3A_612 = arith.constant 4 : i32
        %add3A_613 = arith.addi %add3A_73, %add3A_612 : i32
        %swap3A_614 = arith.index_cast %add3A_613 : i32 to index
        %swap3A_615 = arith.constant 32 : index
        %swap3A_616 = tpu.vector_load %arg11[%swap3A_614, %swap3A_615] {strides = array<i32>} : memref<128x128xf32, #tpu.memory_space<vmem>>, vector<1x16xf32>,
        %swap3A_617 = vector.shape_cast %swap3A_616 : vector<1x16xf32> to vector<16xf32>
        %swap3A_618 = vector.shape_cast %mul3A_611 : vector<16xf32> to vector<1x16xf32>
        tpu.vector_store %arg11[%swap3A_614, %swap3A_615], %swap3A_618 {strides = array<i32>} : memref<128x128xf32, #tpu.memory_space<vmem>>, vector<1x16xf32>,
        %add3A_619 = arith.constant 4 : i32
        %add3A_620 = arith.addi %add3A_73, %add3A_619 : i32
        %get3A_621 = arith.index_cast %add3A_620 : i32 to index
        %get3A_622 = arith.constant 48 : index
        %get3A_623 = tpu.vector_load %arg11[%get3A_621, %get3A_622] {strides = array<i32>} : memref<128x128xf32, #tpu.memory_space<vmem>>, vector<1x16xf32>,
        %get3A_624 = vector.shape_cast %get3A_623 : vector<1x16xf32> to vector<16xf32>
        %mul3A_625 = arith.mulf %get3A_624, %gather3A_576 : vector<16xf32>
        %add3A_626 = arith.constant 4 : i32
        %add3A_627 = arith.addi %add3A_73, %add3A_626 : i32
        %swap3A_628 = arith.index_cast %add3A_627 : i32 to index
        %swap3A_629 = arith.constant 48 : index
        %swap3A_630 = tpu.vector_load %arg11[%swap3A_628, %swap3A_629] {strides = array<i32>} : memref<128x128xf32, #tpu.memory_space<vmem>>, vector<1x16xf32>,
        %swap3A_631 = vector.shape_cast %swap3A_630 : vector<1x16xf32> to vector<16xf32>
        %swap3A_632 = vector.shape_cast %mul3A_625 : vector<16xf32> to vector<1x16xf32>
        tpu.vector_store %arg11[%swap3A_628, %swap3A_629], %swap3A_632 {strides = array<i32>} : memref<128x128xf32, #tpu.memory_space<vmem>>, vector<1x16xf32>,
        %add3A_633 = arith.constant 4 : i32
        %add3A_634 = arith.addi %add3A_73, %add3A_633 : i32
        %get3A_635 = arith.index_cast %add3A_634 : i32 to index
        %get3A_636 = arith.constant 64 : index
        %get3A_637 = tpu.vector_load %arg11[%get3A_635, %get3A_636] {strides = array<i32>} : memref<128x128xf32, #tpu.memory_space<vmem>>, vector<1x16xf32>,
        %get3A_638 = vector.shape_cast %get3A_637 : vector<1x16xf32> to vector<16xf32>
        %mul3A_639 = arith.mulf %get3A_638, %gather3A_576 : vector<16xf32>
        %add3A_640 = arith.constant 4 : i32
        %add3A_641 = arith.addi %add3A_73, %add3A_640 : i32
        %swap3A_642 = arith.index_cast %add3A_641 : i32 to index
        %swap3A_643 = arith.constant 64 : index
        %swap3A_644 = tpu.vector_load %arg11[%swap3A_642, %swap3A_643] {strides = array<i32>} : memref<128x128xf32, #tpu.memory_space<vmem>>, vector<1x16xf32>,
        %swap3A_645 = vector.shape_cast %swap3A_644 : vector<1x16xf32> to vector<16xf32>
        %swap3A_646 = vector.shape_cast %mul3A_639 : vector<16xf32> to vector<1x16xf32>
        tpu.vector_store %arg11[%swap3A_642, %swap3A_643], %swap3A_646 {strides = array<i32>} : memref<128x128xf32, #tpu.memory_space<vmem>>, vector<1x16xf32>,
        %add3A_647 = arith.constant 4 : i32
        %add3A_648 = arith.addi %add3A_73, %add3A_647 : i32
        %get3A_649 = arith.index_cast %add3A_648 : i32 to index
        %get3A_650 = arith.constant 80 : index
        %get3A_651 = tpu.vector_load %arg11[%get3A_649, %get3A_650] {strides = array<i32>} : memref<128x128xf32, #tpu.memory_space<vmem>>, vector<1x16xf32>,
        %get3A_652 = vector.shape_cast %get3A_651 : vector<1x16xf32> to vector<16xf32>
        %mul3A_653 = arith.mulf %get3A_652, %gather3A_576 : vector<16xf32>
        %add3A_654 = arith.constant 4 : i32
        %add3A_655 = arith.addi %add3A_73, %add3A_654 : i32
        %swap3A_656 = arith.index_cast %add3A_655 : i32 to index
        %swap3A_657 = arith.constant 80 : index
        %swap3A_658 = tpu.vector_load %arg11[%swap3A_656, %swap3A_657] {strides = array<i32>} : memref<128x128xf32, #tpu.memory_space<vmem>>, vector<1x16xf32>,
        %swap3A_659 = vector.shape_cast %swap3A_658 : vector<1x16xf32> to vector<16xf32>
        %swap3A_660 = vector.shape_cast %mul3A_653 : vector<16xf32> to vector<1x16xf32>
        tpu.vector_store %arg11[%swap3A_656, %swap3A_657], %swap3A_660 {strides = array<i32>} : memref<128x128xf32, #tpu.memory_space<vmem>>, vector<1x16xf32>,
        %add3A_661 = arith.constant 4 : i32
        %add3A_662 = arith.addi %add3A_73, %add3A_661 : i32
        %get3A_663 = arith.index_cast %add3A_662 : i32 to index
        %get3A_664 = arith.constant 96 : index
        %get3A_665 = tpu.vector_load %arg11[%get3A_663, %get3A_664] {strides = array<i32>} : memref<128x128xf32, #tpu.memory_space<vmem>>, vector<1x16xf32>,
        %get3A_666 = vector.shape_cast %get3A_665 : vector<1x16xf32> to vector<16xf32>
        %mul3A_667 = arith.mulf %get3A_666, %gather3A_576 : vector<16xf32>
        %add3A_668 = arith.constant 4 : i32
        %add3A_669 = arith.addi %add3A_73, %add3A_668 : i32
        %swap3A_670 = arith.index_cast %add3A_669 : i32 to index
        %swap3A_671 = arith.constant 96 : index
        %swap3A_672 = tpu.vector_load %arg11[%swap3A_670, %swap3A_671] {strides = array<i32>} : memref<128x128xf32, #tpu.memory_space<vmem>>, vector<1x16xf32>,
        %swap3A_673 = vector.shape_cast %swap3A_672 : vector<1x16xf32> to vector<16xf32>
        %swap3A_674 = vector.shape_cast %mul3A_667 : vector<16xf32> to vector<1x16xf32>
        tpu.vector_store %arg11[%swap3A_670, %swap3A_671], %swap3A_674 {strides = array<i32>} : memref<128x128xf32, #tpu.memory_space<vmem>>, vector<1x16xf32>,
        %add3A_675 = arith.constant 4 : i32
        %add3A_676 = arith.addi %add3A_73, %add3A_675 : i32
        %get3A_677 = arith.index_cast %add3A_676 : i32 to index
        %get3A_678 = arith.constant 112 : index
        %get3A_679 = tpu.vector_load %arg11[%get3A_677, %get3A_678] {strides = array<i32>} : memref<128x128xf32, #tpu.memory_space<vmem>>, vector<1x16xf32>,
        %get3A_680 = vector.shape_cast %get3A_679 : vector<1x16xf32> to vector<16xf32>
        %mul3A_681 = arith.mulf %get3A_680, %gather3A_576 : vector<16xf32>
        %add3A_682 = arith.constant 4 : i32
        %add3A_683 = arith.addi %add3A_73, %add3A_682 : i32
        %swap3A_684 = arith.index_cast %add3A_683 : i32 to index
        %swap3A_685 = arith.constant 112 : index
        %swap3A_686 = tpu.vector_load %arg11[%swap3A_684, %swap3A_685] {strides = array<i32>} : memref<128x128xf32, #tpu.memory_space<vmem>>, vector<1x16xf32>,
        %swap3A_687 = vector.shape_cast %swap3A_686 : vector<1x16xf32> to vector<16xf32>
        %swap3A_688 = vector.shape_cast %mul3A_681 : vector<16xf32> to vector<1x16xf32>
        tpu.vector_store %arg11[%swap3A_684, %swap3A_685], %swap3A_688 {strides = array<i32>} : memref<128x128xf32, #tpu.memory_space<vmem>>, vector<1x16xf32>,
        %broadcast_in_dim3A_689 = arith.constant 5 : i32
        %broadcast_in_dim3A_690 = vector.broadcast %broadcast_in_dim3A_689 : i32 to vector<16xi32>
        %lt3A_691 = arith.constant 0 : i32
        %lt3A_692 = vector.broadcast %lt3A_691 : i32 to vector<16xi32>
        %lt3A_693 = arith.cmpi slt, %broadcast_in_dim3A_690, %lt3A_692 : vector<16xi32>
        %add3A_694 = arith.constant 16 : i32
        %add3A_695 = vector.broadcast %add3A_694 : i32 to vector<16xi32>
        %add3A_696 = arith.addi %broadcast_in_dim3A_690, %add3A_695 : vector<16xi32>
        %select_n3A_697 = arith.select %lt3A_693, %add3A_696, %broadcast_in_dim3A_690 : vector<16xi1>, vector<16xi32>
        %broadcast_in_dim3A_698 = vector.shape_cast %select_n3A_697 : vector<16xi32> to vector<16x1xi32>
        %gather3A_699 = vector.shape_cast %broadcast_in_dim3A_698 : vector<16x1xi32> to vector<16xi32>
        %gather3A_700 = tpu.dynamic_gather %get3A_69[%gather3A_699] in [0] : vector<16xf32>, vector<16xi32> -> vector<16xf32>
        %add3A_701 = arith.constant 5 : i32
        %add3A_702 = arith.addi %add3A_73, %add3A_701 : i32
        %get3A_703 = arith.index_cast %add3A_702 : i32 to index
        %get3A_704 = arith.constant 0 : index
        %get3A_705 = tpu.vector_load %arg11[%get3A_703, %get3A_704] {strides = array<i32>} : memref<128x128xf32, #tpu.memory_space<vmem>>, vector<1x16xf32>,
        %get3A_706 = vector.shape_cast %get3A_705 : vector<1x16xf32> to vector<16xf32>
        %mul3A_707 = arith.mulf %get3A_706, %gather3A_700 : vector<16xf32>
        %add3A_708 = arith.constant 5 : i32
        %add3A_709 = arith.addi %add3A_73, %add3A_708 : i32
        %swap3A_710 = arith.index_cast %add3A_709 : i32 to index
        %swap3A_711 = arith.constant 0 : index
        %swap3A_712 = tpu.vector_load %arg11[%swap3A_710, %swap3A_711] {strides = array<i32>} : memref<128x128xf32, #tpu.memory_space<vmem>>, vector<1x16xf32>,
        %swap3A_713 = vector.shape_cast %swap3A_712 : vector<1x16xf32> to vector<16xf32>
        %swap3A_714 = vector.shape_cast %mul3A_707 : vector<16xf32> to vector<1x16xf32>
        tpu.vector_store %arg11[%swap3A_710, %swap3A_711], %swap3A_714 {strides = array<i32>} : memref<128x128xf32, #tpu.memory_space<vmem>>, vector<1x16xf32>,
        %add3A_715 = arith.constant 5 : i32
        %add3A_716 = arith.addi %add3A_73, %add3A_715 : i32
        %get3A_717 = arith.index_cast %add3A_716 : i32 to index
        %get3A_718 = arith.constant 16 : index
        %get3A_719 = tpu.vector_load %arg11[%get3A_717, %get3A_718] {strides = array<i32>} : memref<128x128xf32, #tpu.memory_space<vmem>>, vector<1x16xf32>,
        %get3A_720 = vector.shape_cast %get3A_719 : vector<1x16xf32> to vector<16xf32>
        %mul3A_721 = arith.mulf %get3A_720, %gather3A_700 : vector<16xf32>
        %add3A_722 = arith.constant 5 : i32
        %add3A_723 = arith.addi %add3A_73, %add3A_722 : i32
        %swap3A_724 = arith.index_cast %add3A_723 : i32 to index
        %swap3A_725 = arith.constant 16 : index
        %swap3A_726 = tpu.vector_load %arg11[%swap3A_724, %swap3A_725] {strides = array<i32>} : memref<128x128xf32, #tpu.memory_space<vmem>>, vector<1x16xf32>,
        %swap3A_727 = vector.shape_cast %swap3A_726 : vector<1x16xf32> to vector<16xf32>
        %swap3A_728 = vector.shape_cast %mul3A_721 : vector<16xf32> to vector<1x16xf32>
        tpu.vector_store %arg11[%swap3A_724, %swap3A_725], %swap3A_728 {strides = array<i32>} : memref<128x128xf32, #tpu.memory_space<vmem>>, vector<1x16xf32>,
        %add3A_729 = arith.constant 5 : i32
        %add3A_730 = arith.addi %add3A_73, %add3A_729 : i32
        %get3A_731 = arith.index_cast %add3A_730 : i32 to index
        %get3A_732 = arith.constant 32 : index
        %get3A_733 = tpu.vector_load %arg11[%get3A_731, %get3A_732] {strides = array<i32>} : memref<128x128xf32, #tpu.memory_space<vmem>>, vector<1x16xf32>,
        %get3A_734 = vector.shape_cast %get3A_733 : vector<1x16xf32> to vector<16xf32>
        %mul3A_735 = arith.mulf %get3A_734, %gather3A_700 : vector<16xf32>
        %add3A_736 = arith.constant 5 : i32
        %add3A_737 = arith.addi %add3A_73, %add3A_736 : i32
        %swap3A_738 = arith.index_cast %add3A_737 : i32 to index
        %swap3A_739 = arith.constant 32 : index
        %swap3A_740 = tpu.vector_load %arg11[%swap3A_738, %swap3A_739] {strides = array<i32>} : memref<128x128xf32, #tpu.memory_space<vmem>>, vector<1x16xf32>,
        %swap3A_741 = vector.shape_cast %swap3A_740 : vector<1x16xf32> to vector<16xf32>
        %swap3A_742 = vector.shape_cast %mul3A_735 : vector<16xf32> to vector<1x16xf32>
        tpu.vector_store %arg11[%swap3A_738, %swap3A_739], %swap3A_742 {strides = array<i32>} : memref<128x128xf32, #tpu.memory_space<vmem>>, vector<1x16xf32>,
        %add3A_743 = arith.constant 5 : i32
        %add3A_744 = arith.addi %add3A_73, %add3A_743 : i32
        %get3A_745 = arith.index_cast %add3A_744 : i32 to index
        %get3A_746 = arith.constant 48 : index
        %get3A_747 = tpu.vector_load %arg11[%get3A_745, %get3A_746] {strides = array<i32>} : memref<128x128xf32, #tpu.memory_space<vmem>>, vector<1x16xf32>,
        %get3A_748 = vector.shape_cast %get3A_747 : vector<1x16xf32> to vector<16xf32>
        %mul3A_749 = arith.mulf %get3A_748, %gather3A_700 : vector<16xf32>
        %add3A_750 = arith.constant 5 : i32
        %add3A_751 = arith.addi %add3A_73, %add3A_750 : i32
        %swap3A_752 = arith.index_cast %add3A_751 : i32 to index
        %swap3A_753 = arith.constant 48 : index
        %swap3A_754 = tpu.vector_load %arg11[%swap3A_752, %swap3A_753] {strides = array<i32>} : memref<128x128xf32, #tpu.memory_space<vmem>>, vector<1x16xf32>,
        %swap3A_755 = vector.shape_cast %swap3A_754 : vector<1x16xf32> to vector<16xf32>
        %swap3A_756 = vector.shape_cast %mul3A_749 : vector<16xf32> to vector<1x16xf32>
        tpu.vector_store %arg11[%swap3A_752, %swap3A_753], %swap3A_756 {strides = array<i32>} : memref<128x128xf32, #tpu.memory_space<vmem>>, vector<1x16xf32>,
        %add3A_757 = arith.constant 5 : i32
        %add3A_758 = arith.addi %add3A_73, %add3A_757 : i32
        %get3A_759 = arith.index_cast %add3A_758 : i32 to index
        %get3A_760 = arith.constant 64 : index
        %get3A_761 = tpu.vector_load %arg11[%get3A_759, %get3A_760] {strides = array<i32>} : memref<128x128xf32, #tpu.memory_space<vmem>>, vector<1x16xf32>,
        %get3A_762 = vector.shape_cast %get3A_761 : vector<1x16xf32> to vector<16xf32>
        %mul3A_763 = arith.mulf %get3A_762, %gather3A_700 : vector<16xf32>
        %add3A_764 = arith.constant 5 : i32
        %add3A_765 = arith.addi %add3A_73, %add3A_764 : i32
        %swap3A_766 = arith.index_cast %add3A_765 : i32 to index
        %swap3A_767 = arith.constant 64 : index
        %swap3A_768 = tpu.vector_load %arg11[%swap3A_766, %swap3A_767] {strides = array<i32>} : memref<128x128xf32, #tpu.memory_space<vmem>>, vector<1x16xf32>,
        %swap3A_769 = vector.shape_cast %swap3A_768 : vector<1x16xf32> to vector<16xf32>
        %swap3A_770 = vector.shape_cast %mul3A_763 : vector<16xf32> to vector<1x16xf32>
        tpu.vector_store %arg11[%swap3A_766, %swap3A_767], %swap3A_770 {strides = array<i32>} : memref<128x128xf32, #tpu.memory_space<vmem>>, vector<1x16xf32>,
        %add3A_771 = arith.constant 5 : i32
        %add3A_772 = arith.addi %add3A_73, %add3A_771 : i32
        %get3A_773 = arith.index_cast %add3A_772 : i32 to index
        %get3A_774 = arith.constant 80 : index
        %get3A_775 = tpu.vector_load %arg11[%get3A_773, %get3A_774] {strides = array<i32>} : memref<128x128xf32, #tpu.memory_space<vmem>>, vector<1x16xf32>,
        %get3A_776 = vector.shape_cast %get3A_775 : vector<1x16xf32> to vector<16xf32>
        %mul3A_777 = arith.mulf %get3A_776, %gather3A_700 : vector<16xf32>
        %add3A_778 = arith.constant 5 : i32
        %add3A_779 = arith.addi %add3A_73, %add3A_778 : i32
        %swap3A_780 = arith.index_cast %add3A_779 : i32 to index
        %swap3A_781 = arith.constant 80 : index
        %swap3A_782 = tpu.vector_load %arg11[%swap3A_780, %swap3A_781] {strides = array<i32>} : memref<128x128xf32, #tpu.memory_space<vmem>>, vector<1x16xf32>,
        %swap3A_783 = vector.shape_cast %swap3A_782 : vector<1x16xf32> to vector<16xf32>
        %swap3A_784 = vector.shape_cast %mul3A_777 : vector<16xf32> to vector<1x16xf32>
        tpu.vector_store %arg11[%swap3A_780, %swap3A_781], %swap3A_784 {strides = array<i32>} : memref<128x128xf32, #tpu.memory_space<vmem>>, vector<1x16xf32>,
        %add3A_785 = arith.constant 5 : i32
        %add3A_786 = arith.addi %add3A_73, %add3A_785 : i32
        %get3A_787 = arith.index_cast %add3A_786 : i32 to index
        %get3A_788 = arith.constant 96 : index
        %get3A_789 = tpu.vector_load %arg11[%get3A_787, %get3A_788] {strides = array<i32>} : memref<128x128xf32, #tpu.memory_space<vmem>>, vector<1x16xf32>,
        %get3A_790 = vector.shape_cast %get3A_789 : vector<1x16xf32> to vector<16xf32>
        %mul3A_791 = arith.mulf %get3A_790, %gather3A_700 : vector<16xf32>
        %add3A_792 = arith.constant 5 : i32
        %add3A_793 = arith.addi %add3A_73, %add3A_792 : i32
        %swap3A_794 = arith.index_cast %add3A_793 : i32 to index
        %swap3A_795 = arith.constant 96 : index
        %swap3A_796 = tpu.vector_load %arg11[%swap3A_794, %swap3A_795] {strides = array<i32>} : memref<128x128xf32, #tpu.memory_space<vmem>>, vector<1x16xf32>,
        %swap3A_797 = vector.shape_cast %swap3A_796 : vector<1x16xf32> to vector<16xf32>
        %swap3A_798 = vector.shape_cast %mul3A_791 : vector<16xf32> to vector<1x16xf32>
        tpu.vector_store %arg11[%swap3A_794, %swap3A_795], %swap3A_798 {strides = array<i32>} : memref<128x128xf32, #tpu.memory_space<vmem>>, vector<1x16xf32>,
        %add3A_799 = arith.constant 5 : i32
        %add3A_800 = arith.addi %add3A_73, %add3A_799 : i32
        %get3A_801 = arith.index_cast %add3A_800 : i32 to index
        %get3A_802 = arith.constant 112 : index
        %get3A_803 = tpu.vector_load %arg11[%get3A_801, %get3A_802] {strides = array<i32>} : memref<128x128xf32, #tpu.memory_space<vmem>>, vector<1x16xf32>,
        %get3A_804 = vector.shape_cast %get3A_803 : vector<1x16xf32> to vector<16xf32>
        %mul3A_805 = arith.mulf %get3A_804, %gather3A_700 : vector<16xf32>
        %add3A_806 = arith.constant 5 : i32
        %add3A_807 = arith.addi %add3A_73, %add3A_806 : i32
        %swap3A_808 = arith.index_cast %add3A_807 : i32 to index
        %swap3A_809 = arith.constant 112 : index
        %swap3A_810 = tpu.vector_load %arg11[%swap3A_808, %swap3A_809] {strides = array<i32>} : memref<128x128xf32, #tpu.memory_space<vmem>>, vector<1x16xf32>,
        %swap3A_811 = vector.shape_cast %swap3A_810 : vector<1x16xf32> to vector<16xf32>
        %swap3A_812 = vector.shape_cast %mul3A_805 : vector<16xf32> to vector<1x16xf32>
        tpu.vector_store %arg11[%swap3A_808, %swap3A_809], %swap3A_812 {strides = array<i32>} : memref<128x128xf32, #tpu.memory_space<vmem>>, vector<1x16xf32>,
        %broadcast_in_dim3A_813 = arith.constant 6 : i32
        %broadcast_in_dim3A_814 = vector.broadcast %broadcast_in_dim3A_813 : i32 to vector<16xi32>
        %lt3A_815 = arith.constant 0 : i32
        %lt3A_816 = vector.broadcast %lt3A_815 : i32 to vector<16xi32>
        %lt3A_817 = arith.cmpi slt, %broadcast_in_dim3A_814, %lt3A_816 : vector<16xi32>
        %add3A_818 = arith.constant 16 : i32
        %add3A_819 = vector.broadcast %add3A_818 : i32 to vector<16xi32>
        %add3A_820 = arith.addi %broadcast_in_dim3A_814, %add3A_819 : vector<16xi32>
        %select_n3A_821 = arith.select %lt3A_817, %add3A_820, %broadcast_in_dim3A_814 : vector<16xi1>, vector<16xi32>
        %broadcast_in_dim3A_822 = vector.shape_cast %select_n3A_821 : vector<16xi32> to vector<16x1xi32>
        %gather3A_823 = vector.shape_cast %broadcast_in_dim3A_822 : vector<16x1xi32> to vector<16xi32>
        %gather3A_824 = tpu.dynamic_gather %get3A_69[%gather3A_823] in [0] : vector<16xf32>, vector<16xi32> -> vector<16xf32>
        %add3A_825 = arith.constant 6 : i32
        %add3A_826 = arith.addi %add3A_73, %add3A_825 : i32
        %get3A_827 = arith.index_cast %add3A_826 : i32 to index
        %get3A_828 = arith.constant 0 : index
        %get3A_829 = tpu.vector_load %arg11[%get3A_827, %get3A_828] {strides = array<i32>} : memref<128x128xf32, #tpu.memory_space<vmem>>, vector<1x16xf32>,
        %get3A_830 = vector.shape_cast %get3A_829 : vector<1x16xf32> to vector<16xf32>
        %mul3A_831 = arith.mulf %get3A_830, %gather3A_824 : vector<16xf32>
        %add3A_832 = arith.constant 6 : i32
        %add3A_833 = arith.addi %add3A_73, %add3A_832 : i32
        %swap3A_834 = arith.index_cast %add3A_833 : i32 to index
        %swap3A_835 = arith.constant 0 : index
        %swap3A_836 = tpu.vector_load %arg11[%swap3A_834, %swap3A_835] {strides = array<i32>} : memref<128x128xf32, #tpu.memory_space<vmem>>, vector<1x16xf32>,
        %swap3A_837 = vector.shape_cast %swap3A_836 : vector<1x16xf32> to vector<16xf32>
        %swap3A_838 = vector.shape_cast %mul3A_831 : vector<16xf32> to vector<1x16xf32>
        tpu.vector_store %arg11[%swap3A_834, %swap3A_835], %swap3A_838 {strides = array<i32>} : memref<128x128xf32, #tpu.memory_space<vmem>>, vector<1x16xf32>,
        %add3A_839 = arith.constant 6 : i32
        %add3A_840 = arith.addi %add3A_73, %add3A_839 : i32
        %get3A_841 = arith.index_cast %add3A_840 : i32 to index
        %get3A_842 = arith.constant 16 : index
        %get3A_843 = tpu.vector_load %arg11[%get3A_841, %get3A_842] {strides = array<i32>} : memref<128x128xf32, #tpu.memory_space<vmem>>, vector<1x16xf32>,
        %get3A_844 = vector.shape_cast %get3A_843 : vector<1x16xf32> to vector<16xf32>
        %mul3A_845 = arith.mulf %get3A_844, %gather3A_824 : vector<16xf32>
        %add3A_846 = arith.constant 6 : i32
        %add3A_847 = arith.addi %add3A_73, %add3A_846 : i32
        %swap3A_848 = arith.index_cast %add3A_847 : i32 to index
        %swap3A_849 = arith.constant 16 : index
        %swap3A_850 = tpu.vector_load %arg11[%swap3A_848, %swap3A_849] {strides = array<i32>} : memref<128x128xf32, #tpu.memory_space<vmem>>, vector<1x16xf32>,
        %swap3A_851 = vector.shape_cast %swap3A_850 : vector<1x16xf32> to vector<16xf32>
        %swap3A_852 = vector.shape_cast %mul3A_845 : vector<16xf32> to vector<1x16xf32>
        tpu.vector_store %arg11[%swap3A_848, %swap3A_849], %swap3A_852 {strides = array<i32>} : memref<128x128xf32, #tpu.memory_space<vmem>>, vector<1x16xf32>,
        %add3A_853 = arith.constant 6 : i32
        %add3A_854 = arith.addi %add3A_73, %add3A_853 : i32
        %get3A_855 = arith.index_cast %add3A_854 : i32 to index
        %get3A_856 = arith.constant 32 : index
        %get3A_857 = tpu.vector_load %arg11[%get3A_855, %get3A_856] {strides = array<i32>} : memref<128x128xf32, #tpu.memory_space<vmem>>, vector<1x16xf32>,
        %get3A_858 = vector.shape_cast %get3A_857 : vector<1x16xf32> to vector<16xf32>
        %mul3A_859 = arith.mulf %get3A_858, %gather3A_824 : vector<16xf32>
        %add3A_860 = arith.constant 6 : i32
        %add3A_861 = arith.addi %add3A_73, %add3A_860 : i32
        %swap3A_862 = arith.index_cast %add3A_861 : i32 to index
        %swap3A_863 = arith.constant 32 : index
        %swap3A_864 = tpu.vector_load %arg11[%swap3A_862, %swap3A_863] {strides = array<i32>} : memref<128x128xf32, #tpu.memory_space<vmem>>, vector<1x16xf32>,
        %swap3A_865 = vector.shape_cast %swap3A_864 : vector<1x16xf32> to vector<16xf32>
        %swap3A_866 = vector.shape_cast %mul3A_859 : vector<16xf32> to vector<1x16xf32>
        tpu.vector_store %arg11[%swap3A_862, %swap3A_863], %swap3A_866 {strides = array<i32>} : memref<128x128xf32, #tpu.memory_space<vmem>>, vector<1x16xf32>,
        %add3A_867 = arith.constant 6 : i32
        %add3A_868 = arith.addi %add3A_73, %add3A_867 : i32
        %get3A_869 = arith.index_cast %add3A_868 : i32 to index
        %get3A_870 = arith.constant 48 : index
        %get3A_871 = tpu.vector_load %arg11[%get3A_869, %get3A_870] {strides = array<i32>} : memref<128x128xf32, #tpu.memory_space<vmem>>, vector<1x16xf32>,
        %get3A_872 = vector.shape_cast %get3A_871 : vector<1x16xf32> to vector<16xf32>
        %mul3A_873 = arith.mulf %get3A_872, %gather3A_824 : vector<16xf32>
        %add3A_874 = arith.constant 6 : i32
        %add3A_875 = arith.addi %add3A_73, %add3A_874 : i32
        %swap3A_876 = arith.index_cast %add3A_875 : i32 to index
        %swap3A_877 = arith.constant 48 : index
        %swap3A_878 = tpu.vector_load %arg11[%swap3A_876, %swap3A_877] {strides = array<i32>} : memref<128x128xf32, #tpu.memory_space<vmem>>, vector<1x16xf32>,
        %swap3A_879 = vector.shape_cast %swap3A_878 : vector<1x16xf32> to vector<16xf32>
        %swap3A_880 = vector.shape_cast %mul3A_873 : vector<16xf32> to vector<1x16xf32>
        tpu.vector_store %arg11[%swap3A_876, %swap3A_877], %swap3A_880 {strides = array<i32>} : memref<128x128xf32, #tpu.memory_space<vmem>>, vector<1x16xf32>,
        %add3A_881 = arith.constant 6 : i32
        %add3A_882 = arith.addi %add3A_73, %add3A_881 : i32
        %get3A_883 = arith.index_cast %add3A_882 : i32 to index
        %get3A_884 = arith.constant 64 : index
        %get3A_885 = tpu.vector_load %arg11[%get3A_883, %get3A_884] {strides = array<i32>} : memref<128x128xf32, #tpu.memory_space<vmem>>, vector<1x16xf32>,
        %get3A_886 = vector.shape_cast %get3A_885 : vector<1x16xf32> to vector<16xf32>
        %mul3A_887 = arith.mulf %get3A_886, %gather3A_824 : vector<16xf32>
        %add3A_888 = arith.constant 6 : i32
        %add3A_889 = arith.addi %add3A_73, %add3A_888 : i32
        %swap3A_890 = arith.index_cast %add3A_889 : i32 to index
        %swap3A_891 = arith.constant 64 : index
        %swap3A_892 = tpu.vector_load %arg11[%swap3A_890, %swap3A_891] {strides = array<i32>} : memref<128x128xf32, #tpu.memory_space<vmem>>, vector<1x16xf32>,
        %swap3A_893 = vector.shape_cast %swap3A_892 : vector<1x16xf32> to vector<16xf32>
        %swap3A_894 = vector.shape_cast %mul3A_887 : vector<16xf32> to vector<1x16xf32>
        tpu.vector_store %arg11[%swap3A_890, %swap3A_891], %swap3A_894 {strides = array<i32>} : memref<128x128xf32, #tpu.memory_space<vmem>>, vector<1x16xf32>,
        %add3A_895 = arith.constant 6 : i32
        %add3A_896 = arith.addi %add3A_73, %add3A_895 : i32
        %get3A_897 = arith.index_cast %add3A_896 : i32 to index
        %get3A_898 = arith.constant 80 : index
        %get3A_899 = tpu.vector_load %arg11[%get3A_897, %get3A_898] {strides = array<i32>} : memref<128x128xf32, #tpu.memory_space<vmem>>, vector<1x16xf32>,
        %get3A_900 = vector.shape_cast %get3A_899 : vector<1x16xf32> to vector<16xf32>
        %mul3A_901 = arith.mulf %get3A_900, %gather3A_824 : vector<16xf32>
        %add3A_902 = arith.constant 6 : i32
        %add3A_903 = arith.addi %add3A_73, %add3A_902 : i32
        %swap3A_904 = arith.index_cast %add3A_903 : i32 to index
        %swap3A_905 = arith.constant 80 : index
        %swap3A_906 = tpu.vector_load %arg11[%swap3A_904, %swap3A_905] {strides = array<i32>} : memref<128x128xf32, #tpu.memory_space<vmem>>, vector<1x16xf32>,
        %swap3A_907 = vector.shape_cast %swap3A_906 : vector<1x16xf32> to vector<16xf32>
        %swap3A_908 = vector.shape_cast %mul3A_901 : vector<16xf32> to vector<1x16xf32>
        tpu.vector_store %arg11[%swap3A_904, %swap3A_905], %swap3A_908 {strides = array<i32>} : memref<128x128xf32, #tpu.memory_space<vmem>>, vector<1x16xf32>,
        %add3A_909 = arith.constant 6 : i32
        %add3A_910 = arith.addi %add3A_73, %add3A_909 : i32
        %get3A_911 = arith.index_cast %add3A_910 : i32 to index
        %get3A_912 = arith.constant 96 : index
        %get3A_913 = tpu.vector_load %arg11[%get3A_911, %get3A_912] {strides = array<i32>} : memref<128x128xf32, #tpu.memory_space<vmem>>, vector<1x16xf32>,
        %get3A_914 = vector.shape_cast %get3A_913 : vector<1x16xf32> to vector<16xf32>
        %mul3A_915 = arith.mulf %get3A_914, %gather3A_824 : vector<16xf32>
        %add3A_916 = arith.constant 6 : i32
        %add3A_917 = arith.addi %add3A_73, %add3A_916 : i32
        %swap3A_918 = arith.index_cast %add3A_917 : i32 to index
        %swap3A_919 = arith.constant 96 : index
        %swap3A_920 = tpu.vector_load %arg11[%swap3A_918, %swap3A_919] {strides = array<i32>} : memref<128x128xf32, #tpu.memory_space<vmem>>, vector<1x16xf32>,
        %swap3A_921 = vector.shape_cast %swap3A_920 : vector<1x16xf32> to vector<16xf32>
        %swap3A_922 = vector.shape_cast %mul3A_915 : vector<16xf32> to vector<1x16xf32>
        tpu.vector_store %arg11[%swap3A_918, %swap3A_919], %swap3A_922 {strides = array<i32>} : memref<128x128xf32, #tpu.memory_space<vmem>>, vector<1x16xf32>,
        %add3A_923 = arith.constant 6 : i32
        %add3A_924 = arith.addi %add3A_73, %add3A_923 : i32
        %get3A_925 = arith.index_cast %add3A_924 : i32 to index
        %get3A_926 = arith.constant 112 : index
        %get3A_927 = tpu.vector_load %arg11[%get3A_925, %get3A_926] {strides = array<i32>} : memref<128x128xf32, #tpu.memory_space<vmem>>, vector<1x16xf32>,
        %get3A_928 = vector.shape_cast %get3A_927 : vector<1x16xf32> to vector<16xf32>
        %mul3A_929 = arith.mulf %get3A_928, %gather3A_824 : vector<16xf32>
        %add3A_930 = arith.constant 6 : i32
        %add3A_931 = arith.addi %add3A_73, %add3A_930 : i32
        %swap3A_932 = arith.index_cast %add3A_931 : i32 to index
        %swap3A_933 = arith.constant 112 : index
        %swap3A_934 = tpu.vector_load %arg11[%swap3A_932, %swap3A_933] {strides = array<i32>} : memref<128x128xf32, #tpu.memory_space<vmem>>, vector<1x16xf32>,
        %swap3A_935 = vector.shape_cast %swap3A_934 : vector<1x16xf32> to vector<16xf32>
        %swap3A_936 = vector.shape_cast %mul3A_929 : vector<16xf32> to vector<1x16xf32>
        tpu.vector_store %arg11[%swap3A_932, %swap3A_933], %swap3A_936 {strides = array<i32>} : memref<128x128xf32, #tpu.memory_space<vmem>>, vector<1x16xf32>,
        %broadcast_in_dim3A_937 = arith.constant 7 : i32
        %broadcast_in_dim3A_938 = vector.broadcast %broadcast_in_dim3A_937 : i32 to vector<16xi32>
        %lt3A_939 = arith.constant 0 : i32
        %lt3A_940 = vector.broadcast %lt3A_939 : i32 to vector<16xi32>
        %lt3A_941 = arith.cmpi slt, %broadcast_in_dim3A_938, %lt3A_940 : vector<16xi32>
        %add3A_942 = arith.constant 16 : i32
        %add3A_943 = vector.broadcast %add3A_942 : i32 to vector<16xi32>
        %add3A_944 = arith.addi %broadcast_in_dim3A_938, %add3A_943 : vector<16xi32>
        %select_n3A_945 = arith.select %lt3A_941, %add3A_944, %broadcast_in_dim3A_938 : vector<16xi1>, vector<16xi32>
        %broadcast_in_dim3A_946 = vector.shape_cast %select_n3A_945 : vector<16xi32> to vector<16x1xi32>
        %gather3A_947 = vector.shape_cast %broadcast_in_dim3A_946 : vector<16x1xi32> to vector<16xi32>
        %gather3A_948 = tpu.dynamic_gather %get3A_69[%gather3A_947] in [0] : vector<16xf32>, vector<16xi32> -> vector<16xf32>
        %add3A_949 = arith.constant 7 : i32
        %add3A_950 = arith.addi %add3A_73, %add3A_949 : i32
        %get3A_951 = arith.index_cast %add3A_950 : i32 to index
        %get3A_952 = arith.constant 0 : index
        %get3A_953 = tpu.vector_load %arg11[%get3A_951, %get3A_952] {strides = array<i32>} : memref<128x128xf32, #tpu.memory_space<vmem>>, vector<1x16xf32>,
        %get3A_954 = vector.shape_cast %get3A_953 : vector<1x16xf32> to vector<16xf32>
        %mul3A_955 = arith.mulf %get3A_954, %gather3A_948 : vector<16xf32>
        %add3A_956 = arith.constant 7 : i32
        %add3A_957 = arith.addi %add3A_73, %add3A_956 : i32
        %swap3A_958 = arith.index_cast %add3A_957 : i32 to index
        %swap3A_959 = arith.constant 0 : index
        %swap3A_960 = tpu.vector_load %arg11[%swap3A_958, %swap3A_959] {strides = array<i32>} : memref<128x128xf32, #tpu.memory_space<vmem>>, vector<1x16xf32>,
        %swap3A_961 = vector.shape_cast %swap3A_960 : vector<1x16xf32> to vector<16xf32>
        %swap3A_962 = vector.shape_cast %mul3A_955 : vector<16xf32> to vector<1x16xf32>
        tpu.vector_store %arg11[%swap3A_958, %swap3A_959], %swap3A_962 {strides = array<i32>} : memref<128x128xf32, #tpu.memory_space<vmem>>, vector<1x16xf32>,
        %add3A_963 = arith.constant 7 : i32
        %add3A_964 = arith.addi %add3A_73, %add3A_963 : i32
        %get3A_965 = arith.index_cast %add3A_964 : i32 to index
        %get3A_966 = arith.constant 16 : index
        %get3A_967 = tpu.vector_load %arg11[%get3A_965, %get3A_966] {strides = array<i32>} : memref<128x128xf32, #tpu.memory_space<vmem>>, vector<1x16xf32>,
        %get3A_968 = vector.shape_cast %get3A_967 : vector<1x16xf32> to vector<16xf32>
        %mul3A_969 = arith.mulf %get3A_968, %gather3A_948 : vector<16xf32>
        %add3A_970 = arith.constant 7 : i32
        %add3A_971 = arith.addi %add3A_73, %add3A_970 : i32
        %swap3A_972 = arith.index_cast %add3A_971 : i32 to index
        %swap3A_973 = arith.constant 16 : index
        %swap3A_974 = tpu.vector_load %arg11[%swap3A_972, %swap3A_973] {strides = array<i32>} : memref<128x128xf32, #tpu.memory_space<vmem>>, vector<1x16xf32>,
        %swap3A_975 = vector.shape_cast %swap3A_974 : vector<1x16xf32> to vector<16xf32>
        %swap3A_976 = vector.shape_cast %mul3A_969 : vector<16xf32> to vector<1x16xf32>
        tpu.vector_store %arg11[%swap3A_972, %swap3A_973], %swap3A_976 {strides = array<i32>} : memref<128x128xf32, #tpu.memory_space<vmem>>, vector<1x16xf32>,
        %add3A_977 = arith.constant 7 : i32
        %add3A_978 = arith.addi %add3A_73, %add3A_977 : i32
        %get3A_979 = arith.index_cast %add3A_978 : i32 to index
        %get3A_980 = arith.constant 32 : index
        %get3A_981 = tpu.vector_load %arg11[%get3A_979, %get3A_980] {strides = array<i32>} : memref<128x128xf32, #tpu.memory_space<vmem>>, vector<1x16xf32>,
        %get3A_982 = vector.shape_cast %get3A_981 : vector<1x16xf32> to vector<16xf32>
        %mul3A_983 = arith.mulf %get3A_982, %gather3A_948 : vector<16xf32>
        %add3A_984 = arith.constant 7 : i32
        %add3A_985 = arith.addi %add3A_73, %add3A_984 : i32
        %swap3A_986 = arith.index_cast %add3A_985 : i32 to index
        %swap3A_987 = arith.constant 32 : index
        %swap3A_988 = tpu.vector_load %arg11[%swap3A_986, %swap3A_987] {strides = array<i32>} : memref<128x128xf32, #tpu.memory_space<vmem>>, vector<1x16xf32>,
        %swap3A_989 = vector.shape_cast %swap3A_988 : vector<1x16xf32> to vector<16xf32>
        %swap3A_990 = vector.shape_cast %mul3A_983 : vector<16xf32> to vector<1x16xf32>
        tpu.vector_store %arg11[%swap3A_986, %swap3A_987], %swap3A_990 {strides = array<i32>} : memref<128x128xf32, #tpu.memory_space<vmem>>, vector<1x16xf32>,
        %add3A_991 = arith.constant 7 : i32
        %add3A_992 = arith.addi %add3A_73, %add3A_991 : i32
        %get3A_993 = arith.index_cast %add3A_992 : i32 to index
        %get3A_994 = arith.constant 48 : index
        %get3A_995 = tpu.vector_load %arg11[%get3A_993, %get3A_994] {strides = array<i32>} : memref<128x128xf32, #tpu.memory_space<vmem>>, vector<1x16xf32>,
        %get3A_996 = vector.shape_cast %get3A_995 : vector<1x16xf32> to vector<16xf32>
        %mul3A_997 = arith.mulf %get3A_996, %gather3A_948 : vector<16xf32>
        %add3A_998 = arith.constant 7 : i32
        %add3A_999 = arith.addi %add3A_73, %add3A_998 : i32
        %swap3A_1000 = arith.index_cast %add3A_999 : i32 to index
        %swap3A_1001 = arith.constant 48 : index
        %swap3A_1002 = tpu.vector_load %arg11[%swap3A_1000, %swap3A_1001] {strides = array<i32>} : memref<128x128xf32, #tpu.memory_space<vmem>>, vector<1x16xf32>,
        %swap3A_1003 = vector.shape_cast %swap3A_1002 : vector<1x16xf32> to vector<16xf32>
        %swap3A_1004 = vector.shape_cast %mul3A_997 : vector<16xf32> to vector<1x16xf32>
        tpu.vector_store %arg11[%swap3A_1000, %swap3A_1001], %swap3A_1004 {strides = array<i32>} : memref<128x128xf32, #tpu.memory_space<vmem>>, vector<1x16xf32>,
        %add3A_1005 = arith.constant 7 : i32
        %add3A_1006 = arith.addi %add3A_73, %add3A_1005 : i32
        %get3A_1007 = arith.index_cast %add3A_1006 : i32 to index
        %get3A_1008 = arith.constant 64 : index
        %get3A_1009 = tpu.vector_load %arg11[%get3A_1007, %get3A_1008] {strides = array<i32>} : memref<128x128xf32, #tpu.memory_space<vmem>>, vector<1x16xf32>,
        %get3A_1010 = vector.shape_cast %get3A_1009 : vector<1x16xf32> to vector<16xf32>
        %mul3A_1011 = arith.mulf %get3A_1010, %gather3A_948 : vector<16xf32>
        %add3A_1012 = arith.constant 7 : i32
        %add3A_1013 = arith.addi %add3A_73, %add3A_1012 : i32
        %swap3A_1014 = arith.index_cast %add3A_1013 : i32 to index
        %swap3A_1015 = arith.constant 64 : index
        %swap3A_1016 = tpu.vector_load %arg11[%swap3A_1014, %swap3A_1015] {strides = array<i32>} : memref<128x128xf32, #tpu.memory_space<vmem>>, vector<1x16xf32>,
        %swap3A_1017 = vector.shape_cast %swap3A_1016 : vector<1x16xf32> to vector<16xf32>
        %swap3A_1018 = vector.shape_cast %mul3A_1011 : vector<16xf32> to vector<1x16xf32>
        tpu.vector_store %arg11[%swap3A_1014, %swap3A_1015], %swap3A_1018 {strides = array<i32>} : memref<128x128xf32, #tpu.memory_space<vmem>>, vector<1x16xf32>,
        %add3A_1019 = arith.constant 7 : i32
        %add3A_1020 = arith.addi %add3A_73, %add3A_1019 : i32
        %get3A_1021 = arith.index_cast %add3A_1020 : i32 to index
        %get3A_1022 = arith.constant 80 : index
        %get3A_1023 = tpu.vector_load %arg11[%get3A_1021, %get3A_1022] {strides = array<i32>} : memref<128x128xf32, #tpu.memory_space<vmem>>, vector<1x16xf32>,
        %get3A_1024 = vector.shape_cast %get3A_1023 : vector<1x16xf32> to vector<16xf32>
        %mul3A_1025 = arith.mulf %get3A_1024, %gather3A_948 : vector<16xf32>
        %add3A_1026 = arith.constant 7 : i32
        %add3A_1027 = arith.addi %add3A_73, %add3A_1026 : i32
        %swap3A_1028 = arith.index_cast %add3A_1027 : i32 to index
        %swap3A_1029 = arith.constant 80 : index
        %swap3A_1030 = tpu.vector_load %arg11[%swap3A_1028, %swap3A_1029] {strides = array<i32>} : memref<128x128xf32, #tpu.memory_space<vmem>>, vector<1x16xf32>,
        %swap3A_1031 = vector.shape_cast %swap3A_1030 : vector<1x16xf32> to vector<16xf32>
        %swap3A_1032 = vector.shape_cast %mul3A_1025 : vector<16xf32> to vector<1x16xf32>
        tpu.vector_store %arg11[%swap3A_1028, %swap3A_1029], %swap3A_1032 {strides = array<i32>} : memref<128x128xf32, #tpu.memory_space<vmem>>, vector<1x16xf32>,
        %add3A_1033 = arith.constant 7 : i32
        %add3A_1034 = arith.addi %add3A_73, %add3A_1033 : i32
        %get3A_1035 = arith.index_cast %add3A_1034 : i32 to index
        %get3A_1036 = arith.constant 96 : index
        %get3A_1037 = tpu.vector_load %arg11[%get3A_1035, %get3A_1036] {strides = array<i32>} : memref<128x128xf32, #tpu.memory_space<vmem>>, vector<1x16xf32>,
        %get3A_1038 = vector.shape_cast %get3A_1037 : vector<1x16xf32> to vector<16xf32>
        %mul3A_1039 = arith.mulf %get3A_1038, %gather3A_948 : vector<16xf32>
        %add3A_1040 = arith.constant 7 : i32
        %add3A_1041 = arith.addi %add3A_73, %add3A_1040 : i32
        %swap3A_1042 = arith.index_cast %add3A_1041 : i32 to index
        %swap3A_1043 = arith.constant 96 : index
        %swap3A_1044 = tpu.vector_load %arg11[%swap3A_1042, %swap3A_1043] {strides = array<i32>} : memref<128x128xf32, #tpu.memory_space<vmem>>, vector<1x16xf32>,
        %swap3A_1045 = vector.shape_cast %swap3A_1044 : vector<1x16xf32> to vector<16xf32>
        %swap3A_1046 = vector.shape_cast %mul3A_1039 : vector<16xf32> to vector<1x16xf32>
        tpu.vector_store %arg11[%swap3A_1042, %swap3A_1043], %swap3A_1046 {strides = array<i32>} : memref<128x128xf32, #tpu.memory_space<vmem>>, vector<1x16xf32>,
        %add3A_1047 = arith.constant 7 : i32
        %add3A_1048 = arith.addi %add3A_73, %add3A_1047 : i32
        %get3A_1049 = arith.index_cast %add3A_1048 : i32 to index
        %get3A_1050 = arith.constant 112 : index
        %get3A_1051 = tpu.vector_load %arg11[%get3A_1049, %get3A_1050] {strides = array<i32>} : memref<128x128xf32, #tpu.memory_space<vmem>>, vector<1x16xf32>,
        %get3A_1052 = vector.shape_cast %get3A_1051 : vector<1x16xf32> to vector<16xf32>
        %mul3A_1053 = arith.mulf %get3A_1052, %gather3A_948 : vector<16xf32>
        %add3A_1054 = arith.constant 7 : i32
        %add3A_1055 = arith.addi %add3A_73, %add3A_1054 : i32
        %swap3A_1056 = arith.index_cast %add3A_1055 : i32 to index
        %swap3A_1057 = arith.constant 112 : index
        %swap3A_1058 = tpu.vector_load %arg11[%swap3A_1056, %swap3A_1057] {strides = array<i32>} : memref<128x128xf32, #tpu.memory_space<vmem>>, vector<1x16xf32>,
        %swap3A_1059 = vector.shape_cast %swap3A_1058 : vector<1x16xf32> to vector<16xf32>
        %swap3A_1060 = vector.shape_cast %mul3A_1053 : vector<16xf32> to vector<1x16xf32>
        tpu.vector_store %arg11[%swap3A_1056, %swap3A_1057], %swap3A_1060 {strides = array<i32>} : memref<128x128xf32, #tpu.memory_space<vmem>>, vector<1x16xf32>,
        %broadcast_in_dim3A_1061 = arith.constant 8 : i32
        %broadcast_in_dim3A_1062 = vector.broadcast %broadcast_in_dim3A_1061 : i32 to vector<16xi32>
        %lt3A_1063 = arith.constant 0 : i32
        %lt3A_1064 = vector.broadcast %lt3A_1063 : i32 to vector<16xi32>
        %lt3A_1065 = arith.cmpi slt, %broadcast_in_dim3A_1062, %lt3A_1064 : vector<16xi32>
        %add3A_1066 = arith.constant 16 : i32
        %add3A_1067 = vector.broadcast %add3A_1066 : i32 to vector<16xi32>
        %add3A_1068 = arith.addi %broadcast_in_dim3A_1062, %add3A_1067 : vector<16xi32>
        %select_n3A_1069 = arith.select %lt3A_1065, %add3A_1068, %broadcast_in_dim3A_1062 : vector<16xi1>, vector<16xi32>
        %broadcast_in_dim3A_1070 = vector.shape_cast %select_n3A_1069 : vector<16xi32> to vector<16x1xi32>
        %gather3A_1071 = vector.shape_cast %broadcast_in_dim3A_1070 : vector<16x1xi32> to vector<16xi32>
        %gather3A_1072 = tpu.dynamic_gather %get3A_69[%gather3A_1071] in [0] : vector<16xf32>, vector<16xi32> -> vector<16xf32>
        %add3A_1073 = arith.constant 8 : i32
        %add3A_1074 = arith.addi %add3A_73, %add3A_1073 : i32
        %get3A_1075 = arith.index_cast %add3A_1074 : i32 to index
        %get3A_1076 = arith.constant 0 : index
        %get3A_1077 = tpu.vector_load %arg11[%get3A_1075, %get3A_1076] {strides = array<i32>} : memref<128x128xf32, #tpu.memory_space<vmem>>, vector<1x16xf32>,
        %get3A_1078 = vector.shape_cast %get3A_1077 : vector<1x16xf32> to vector<16xf32>
        %mul3A_1079 = arith.mulf %get3A_1078, %gather3A_1072 : vector<16xf32>
        %add3A_1080 = arith.constant 8 : i32
        %add3A_1081 = arith.addi %add3A_73, %add3A_1080 : i32
        %swap3A_1082 = arith.index_cast %add3A_1081 : i32 to index
        %swap3A_1083 = arith.constant 0 : index
        %swap3A_1084 = tpu.vector_load %arg11[%swap3A_1082, %swap3A_1083] {strides = array<i32>} : memref<128x128xf32, #tpu.memory_space<vmem>>, vector<1x16xf32>,
        %swap3A_1085 = vector.shape_cast %swap3A_1084 : vector<1x16xf32> to vector<16xf32>
        %swap3A_1086 = vector.shape_cast %mul3A_1079 : vector<16xf32> to vector<1x16xf32>
        tpu.vector_store %arg11[%swap3A_1082, %swap3A_1083], %swap3A_1086 {strides = array<i32>} : memref<128x128xf32, #tpu.memory_space<vmem>>, vector<1x16xf32>,
        %add3A_1087 = arith.constant 8 : i32
        %add3A_1088 = arith.addi %add3A_73, %add3A_1087 : i32
        %get3A_1089 = arith.index_cast %add3A_1088 : i32 to index
        %get3A_1090 = arith.constant 16 : index
        %get3A_1091 = tpu.vector_load %arg11[%get3A_1089, %get3A_1090] {strides = array<i32>} : memref<128x128xf32, #tpu.memory_space<vmem>>, vector<1x16xf32>,
        %get3A_1092 = vector.shape_cast %get3A_1091 : vector<1x16xf32> to vector<16xf32>
        %mul3A_1093 = arith.mulf %get3A_1092, %gather3A_1072 : vector<16xf32>
        %add3A_1094 = arith.constant 8 : i32
        %add3A_1095 = arith.addi %add3A_73, %add3A_1094 : i32
        %swap3A_1096 = arith.index_cast %add3A_1095 : i32 to index
        %swap3A_1097 = arith.constant 16 : index
        %swap3A_1098 = tpu.vector_load %arg11[%swap3A_1096, %swap3A_1097] {strides = array<i32>} : memref<128x128xf32, #tpu.memory_space<vmem>>, vector<1x16xf32>,
        %swap3A_1099 = vector.shape_cast %swap3A_1098 : vector<1x16xf32> to vector<16xf32>
        %swap3A_1100 = vector.shape_cast %mul3A_1093 : vector<16xf32> to vector<1x16xf32>
        tpu.vector_store %arg11[%swap3A_1096, %swap3A_1097], %swap3A_1100 {strides = array<i32>} : memref<128x128xf32, #tpu.memory_space<vmem>>, vector<1x16xf32>,
        %add3A_1101 = arith.constant 8 : i32
        %add3A_1102 = arith.addi %add3A_73, %add3A_1101 : i32
        %get3A_1103 = arith.index_cast %add3A_1102 : i32 to index
        %get3A_1104 = arith.constant 32 : index
        %get3A_1105 = tpu.vector_load %arg11[%get3A_1103, %get3A_1104] {strides = array<i32>} : memref<128x128xf32, #tpu.memory_space<vmem>>, vector<1x16xf32>,
        %get3A_1106 = vector.shape_cast %get3A_1105 : vector<1x16xf32> to vector<16xf32>
        %mul3A_1107 = arith.mulf %get3A_1106, %gather3A_1072 : vector<16xf32>
        %add3A_1108 = arith.constant 8 : i32
        %add3A_1109 = arith.addi %add3A_73, %add3A_1108 : i32
        %swap3A_1110 = arith.index_cast %add3A_1109 : i32 to index
        %swap3A_1111 = arith.constant 32 : index
        %swap3A_1112 = tpu.vector_load %arg11[%swap3A_1110, %swap3A_1111] {strides = array<i32>} : memref<128x128xf32, #tpu.memory_space<vmem>>, vector<1x16xf32>,
        %swap3A_1113 = vector.shape_cast %swap3A_1112 : vector<1x16xf32> to vector<16xf32>
        %swap3A_1114 = vector.shape_cast %mul3A_1107 : vector<16xf32> to vector<1x16xf32>
        tpu.vector_store %arg11[%swap3A_1110, %swap3A_1111], %swap3A_1114 {strides = array<i32>} : memref<128x128xf32, #tpu.memory_space<vmem>>, vector<1x16xf32>,
        %add3A_1115 = arith.constant 8 : i32
        %add3A_1116 = arith.addi %add3A_73, %add3A_1115 : i32
        %get3A_1117 = arith.index_cast %add3A_1116 : i32 to index
        %get3A_1118 = arith.constant 48 : index
        %get3A_1119 = tpu.vector_load %arg11[%get3A_1117, %get3A_1118] {strides = array<i32>} : memref<128x128xf32, #tpu.memory_space<vmem>>, vector<1x16xf32>,
        %get3A_1120 = vector.shape_cast %get3A_1119 : vector<1x16xf32> to vector<16xf32>
        %mul3A_1121 = arith.mulf %get3A_1120, %gather3A_1072 : vector<16xf32>
        %add3A_1122 = arith.constant 8 : i32
        %add3A_1123 = arith.addi %add3A_73, %add3A_1122 : i32
        %swap3A_1124 = arith.index_cast %add3A_1123 : i32 to index
        %swap3A_1125 = arith.constant 48 : index
        %swap3A_1126 = tpu.vector_load %arg11[%swap3A_1124, %swap3A_1125] {strides = array<i32>} : memref<128x128xf32, #tpu.memory_space<vmem>>, vector<1x16xf32>,
        %swap3A_1127 = vector.shape_cast %swap3A_1126 : vector<1x16xf32> to vector<16xf32>
        %swap3A_1128 = vector.shape_cast %mul3A_1121 : vector<16xf32> to vector<1x16xf32>
        tpu.vector_store %arg11[%swap3A_1124, %swap3A_1125], %swap3A_1128 {strides = array<i32>} : memref<128x128xf32, #tpu.memory_space<vmem>>, vector<1x16xf32>,
        %add3A_1129 = arith.constant 8 : i32
        %add3A_1130 = arith.addi %add3A_73, %add3A_1129 : i32
        %get3A_1131 = arith.index_cast %add3A_1130 : i32 to index
        %get3A_1132 = arith.constant 64 : index
        %get3A_1133 = tpu.vector_load %arg11[%get3A_1131, %get3A_1132] {strides = array<i32>} : memref<128x128xf32, #tpu.memory_space<vmem>>, vector<1x16xf32>,
        %get3A_1134 = vector.shape_cast %get3A_1133 : vector<1x16xf32> to vector<16xf32>
        %mul3A_1135 = arith.mulf %get3A_1134, %gather3A_1072 : vector<16xf32>
        %add3A_1136 = arith.constant 8 : i32
        %add3A_1137 = arith.addi %add3A_73, %add3A_1136 : i32
        %swap3A_1138 = arith.index_cast %add3A_1137 : i32 to index
        %swap3A_1139 = arith.constant 64 : index
        %swap3A_1140 = tpu.vector_load %arg11[%swap3A_1138, %swap3A_1139] {strides = array<i32>} : memref<128x128xf32, #tpu.memory_space<vmem>>, vector<1x16xf32>,
        %swap3A_1141 = vector.shape_cast %swap3A_1140 : vector<1x16xf32> to vector<16xf32>
        %swap3A_1142 = vector.shape_cast %mul3A_1135 : vector<16xf32> to vector<1x16xf32>
        tpu.vector_store %arg11[%swap3A_1138, %swap3A_1139], %swap3A_1142 {strides = array<i32>} : memref<128x128xf32, #tpu.memory_space<vmem>>, vector<1x16xf32>,
        %add3A_1143 = arith.constant 8 : i32
        %add3A_1144 = arith.addi %add3A_73, %add3A_1143 : i32
        %get3A_1145 = arith.index_cast %add3A_1144 : i32 to index
        %get3A_1146 = arith.constant 80 : index
        %get3A_1147 = tpu.vector_load %arg11[%get3A_1145, %get3A_1146] {strides = array<i32>} : memref<128x128xf32, #tpu.memory_space<vmem>>, vector<1x16xf32>,
        %get3A_1148 = vector.shape_cast %get3A_1147 : vector<1x16xf32> to vector<16xf32>
        %mul3A_1149 = arith.mulf %get3A_1148, %gather3A_1072 : vector<16xf32>
        %add3A_1150 = arith.constant 8 : i32
        %add3A_1151 = arith.addi %add3A_73, %add3A_1150 : i32
        %swap3A_1152 = arith.index_cast %add3A_1151 : i32 to index
        %swap3A_1153 = arith.constant 80 : index
        %swap3A_1154 = tpu.vector_load %arg11[%swap3A_1152, %swap3A_1153] {strides = array<i32>} : memref<128x128xf32, #tpu.memory_space<vmem>>, vector<1x16xf32>,
        %swap3A_1155 = vector.shape_cast %swap3A_1154 : vector<1x16xf32> to vector<16xf32>
        %swap3A_1156 = vector.shape_cast %mul3A_1149 : vector<16xf32> to vector<1x16xf32>
        tpu.vector_store %arg11[%swap3A_1152, %swap3A_1153], %swap3A_1156 {strides = array<i32>} : memref<128x128xf32, #tpu.memory_space<vmem>>, vector<1x16xf32>,
        %add3A_1157 = arith.constant 8 : i32
        %add3A_1158 = arith.addi %add3A_73, %add3A_1157 : i32
        %get3A_1159 = arith.index_cast %add3A_1158 : i32 to index
        %get3A_1160 = arith.constant 96 : index
        %get3A_1161 = tpu.vector_load %arg11[%get3A_1159, %get3A_1160] {strides = array<i32>} : memref<128x128xf32, #tpu.memory_space<vmem>>, vector<1x16xf32>,
        %get3A_1162 = vector.shape_cast %get3A_1161 : vector<1x16xf32> to vector<16xf32>
        %mul3A_1163 = arith.mulf %get3A_1162, %gather3A_1072 : vector<16xf32>
        %add3A_1164 = arith.constant 8 : i32
        %add3A_1165 = arith.addi %add3A_73, %add3A_1164 : i32
        %swap3A_1166 = arith.index_cast %add3A_1165 : i32 to index
        %swap3A_1167 = arith.constant 96 : index
        %swap3A_1168 = tpu.vector_load %arg11[%swap3A_1166, %swap3A_1167] {strides = array<i32>} : memref<128x128xf32, #tpu.memory_space<vmem>>, vector<1x16xf32>,
        %swap3A_1169 = vector.shape_cast %swap3A_1168 : vector<1x16xf32> to vector<16xf32>
        %swap3A_1170 = vector.shape_cast %mul3A_1163 : vector<16xf32> to vector<1x16xf32>
        tpu.vector_store %arg11[%swap3A_1166, %swap3A_1167], %swap3A_1170 {strides = array<i32>} : memref<128x128xf32, #tpu.memory_space<vmem>>, vector<1x16xf32>,
        %add3A_1171 = arith.constant 8 : i32
        %add3A_1172 = arith.addi %add3A_73, %add3A_1171 : i32
        %get3A_1173 = arith.index_cast %add3A_1172 : i32 to index
        %get3A_1174 = arith.constant 112 : index
        %get3A_1175 = tpu.vector_load %arg11[%get3A_1173, %get3A_1174] {strides = array<i32>} : memref<128x128xf32, #tpu.memory_space<vmem>>, vector<1x16xf32>,
        %get3A_1176 = vector.shape_cast %get3A_1175 : vector<1x16xf32> to vector<16xf32>
        %mul3A_1177 = arith.mulf %get3A_1176, %gather3A_1072 : vector<16xf32>
        %add3A_1178 = arith.constant 8 : i32
        %add3A_1179 = arith.addi %add3A_73, %add3A_1178 : i32
        %swap3A_1180 = arith.index_cast %add3A_1179 : i32 to index
        %swap3A_1181 = arith.constant 112 : index
        %swap3A_1182 = tpu.vector_load %arg11[%swap3A_1180, %swap3A_1181] {strides = array<i32>} : memref<128x128xf32, #tpu.memory_space<vmem>>, vector<1x16xf32>,
        %swap3A_1183 = vector.shape_cast %swap3A_1182 : vector<1x16xf32> to vector<16xf32>
        %swap3A_1184 = vector.shape_cast %mul3A_1177 : vector<16xf32> to vector<1x16xf32>
        tpu.vector_store %arg11[%swap3A_1180, %swap3A_1181], %swap3A_1184 {strides = array<i32>} : memref<128x128xf32, #tpu.memory_space<vmem>>, vector<1x16xf32>,
        %broadcast_in_dim3A_1185 = arith.constant 9 : i32
        %broadcast_in_dim3A_1186 = vector.broadcast %broadcast_in_dim3A_1185 : i32 to vector<16xi32>
        %lt3A_1187 = arith.constant 0 : i32
        %lt3A_1188 = vector.broadcast %lt3A_1187 : i32 to vector<16xi32>
        %lt3A_1189 = arith.cmpi slt, %broadcast_in_dim3A_1186, %lt3A_1188 : vector<16xi32>
        %add3A_1190 = arith.constant 16 : i32
        %add3A_1191 = vector.broadcast %add3A_1190 : i32 to vector<16xi32>
        %add3A_1192 = arith.addi %broadcast_in_dim3A_1186, %add3A_1191 : vector<16xi32>
        %select_n3A_1193 = arith.select %lt3A_1189, %add3A_1192, %broadcast_in_dim3A_1186 : vector<16xi1>, vector<16xi32>
        %broadcast_in_dim3A_1194 = vector.shape_cast %select_n3A_1193 : vector<16xi32> to vector<16x1xi32>
        %gather3A_1195 = vector.shape_cast %broadcast_in_dim3A_1194 : vector<16x1xi32> to vector<16xi32>
        %gather3A_1196 = tpu.dynamic_gather %get3A_69[%gather3A_1195] in [0] : vector<16xf32>, vector<16xi32> -> vector<16xf32>
        %add3A_1197 = arith.constant 9 : i32
        %add3A_1198 = arith.addi %add3A_73, %add3A_1197 : i32
        %get3A_1199 = arith.index_cast %add3A_1198 : i32 to index
        %get3A_1200 = arith.constant 0 : index
        %get3A_1201 = tpu.vector_load %arg11[%get3A_1199, %get3A_1200] {strides = array<i32>} : memref<128x128xf32, #tpu.memory_space<vmem>>, vector<1x16xf32>,
        %get3A_1202 = vector.shape_cast %get3A_1201 : vector<1x16xf32> to vector<16xf32>
        %mul3A_1203 = arith.mulf %get3A_1202, %gather3A_1196 : vector<16xf32>
        %add3A_1204 = arith.constant 9 : i32
        %add3A_1205 = arith.addi %add3A_73, %add3A_1204 : i32
        %swap3A_1206 = arith.index_cast %add3A_1205 : i32 to index
        %swap3A_1207 = arith.constant 0 : index
        %swap3A_1208 = tpu.vector_load %arg11[%swap3A_1206, %swap3A_1207] {strides = array<i32>} : memref<128x128xf32, #tpu.memory_space<vmem>>, vector<1x16xf32>,
        %swap3A_1209 = vector.shape_cast %swap3A_1208 : vector<1x16xf32> to vector<16xf32>
        %swap3A_1210 = vector.shape_cast %mul3A_1203 : vector<16xf32> to vector<1x16xf32>
        tpu.vector_store %arg11[%swap3A_1206, %swap3A_1207], %swap3A_1210 {strides = array<i32>} : memref<128x128xf32, #tpu.memory_space<vmem>>, vector<1x16xf32>,
        %add3A_1211 = arith.constant 9 : i32
        %add3A_1212 = arith.addi %add3A_73, %add3A_1211 : i32
        %get3A_1213 = arith.index_cast %add3A_1212 : i32 to index
        %get3A_1214 = arith.constant 16 : index
        %get3A_1215 = tpu.vector_load %arg11[%get3A_1213, %get3A_1214] {strides = array<i32>} : memref<128x128xf32, #tpu.memory_space<vmem>>, vector<1x16xf32>,
        %get3A_1216 = vector.shape_cast %get3A_1215 : vector<1x16xf32> to vector<16xf32>
        %mul3A_1217 = arith.mulf %get3A_1216, %gather3A_1196 : vector<16xf32>
        %add3A_1218 = arith.constant 9 : i32
        %add3A_1219 = arith.addi %add3A_73, %add3A_1218 : i32
        %swap3A_1220 = arith.index_cast %add3A_1219 : i32 to index
        %swap3A_1221 = arith.constant 16 : index
        %swap3A_1222 = tpu.vector_load %arg11[%swap3A_1220, %swap3A_1221] {strides = array<i32>} : memref<128x128xf32, #tpu.memory_space<vmem>>, vector<1x16xf32>,
        %swap3A_1223 = vector.shape_cast %swap3A_1222 : vector<1x16xf32> to vector<16xf32>
        %swap3A_1224 = vector.shape_cast %mul3A_1217 : vector<16xf32> to vector<1x16xf32>
        tpu.vector_store %arg11[%swap3A_1220, %swap3A_1221], %swap3A_1224 {strides = array<i32>} : memref<128x128xf32, #tpu.memory_space<vmem>>, vector<1x16xf32>,
        %add3A_1225 = arith.constant 9 : i32
        %add3A_1226 = arith.addi %add3A_73, %add3A_1225 : i32
        %get3A_1227 = arith.index_cast %add3A_1226 : i32 to index
        %get3A_1228 = arith.constant 32 : index
        %get3A_1229 = tpu.vector_load %arg11[%get3A_1227, %get3A_1228] {strides = array<i32>} : memref<128x128xf32, #tpu.memory_space<vmem>>, vector<1x16xf32>,
        %get3A_1230 = vector.shape_cast %get3A_1229 : vector<1x16xf32> to vector<16xf32>
        %mul3A_1231 = arith.mulf %get3A_1230, %gather3A_1196 : vector<16xf32>
        %add3A_1232 = arith.constant 9 : i32
        %add3A_1233 = arith.addi %add3A_73, %add3A_1232 : i32
        %swap3A_1234 = arith.index_cast %add3A_1233 : i32 to index
        %swap3A_1235 = arith.constant 32 : index
        %swap3A_1236 = tpu.vector_load %arg11[%swap3A_1234, %swap3A_1235] {strides = array<i32>} : memref<128x128xf32, #tpu.memory_space<vmem>>, vector<1x16xf32>,
        %swap3A_1237 = vector.shape_cast %swap3A_1236 : vector<1x16xf32> to vector<16xf32>
        %swap3A_1238 = vector.shape_cast %mul3A_1231 : vector<16xf32> to vector<1x16xf32>
        tpu.vector_store %arg11[%swap3A_1234, %swap3A_1235], %swap3A_1238 {strides = array<i32>} : memref<128x128xf32, #tpu.memory_space<vmem>>, vector<1x16xf32>,
        %add3A_1239 = arith.constant 9 : i32
        %add3A_1240 = arith.addi %add3A_73, %add3A_1239 : i32
        %get3A_1241 = arith.index_cast %add3A_1240 : i32 to index
        %get3A_1242 = arith.constant 48 : index
        %get3A_1243 = tpu.vector_load %arg11[%get3A_1241, %get3A_1242] {strides = array<i32>} : memref<128x128xf32, #tpu.memory_space<vmem>>, vector<1x16xf32>,
        %get3A_1244 = vector.shape_cast %get3A_1243 : vector<1x16xf32> to vector<16xf32>
        %mul3A_1245 = arith.mulf %get3A_1244, %gather3A_1196 : vector<16xf32>
        %add3A_1246 = arith.constant 9 : i32
        %add3A_1247 = arith.addi %add3A_73, %add3A_1246 : i32
        %swap3A_1248 = arith.index_cast %add3A_1247 : i32 to index
        %swap3A_1249 = arith.constant 48 : index
        %swap3A_1250 = tpu.vector_load %arg11[%swap3A_1248, %swap3A_1249] {strides = array<i32>} : memref<128x128xf32, #tpu.memory_space<vmem>>, vector<1x16xf32>,
        %swap3A_1251 = vector.shape_cast %swap3A_1250 : vector<1x16xf32> to vector<16xf32>
        %swap3A_1252 = vector.shape_cast %mul3A_1245 : vector<16xf32> to vector<1x16xf32>
        tpu.vector_store %arg11[%swap3A_1248, %swap3A_1249], %swap3A_1252 {strides = array<i32>} : memref<128x128xf32, #tpu.memory_space<vmem>>, vector<1x16xf32>,
        %add3A_1253 = arith.constant 9 : i32
        %add3A_1254 = arith.addi %add3A_73, %add3A_1253 : i32
        %get3A_1255 = arith.index_cast %add3A_1254 : i32 to index
        %get3A_1256 = arith.constant 64 : index
        %get3A_1257 = tpu.vector_load %arg11[%get3A_1255, %get3A_1256] {strides = array<i32>} : memref<128x128xf32, #tpu.memory_space<vmem>>, vector<1x16xf32>,
        %get3A_1258 = vector.shape_cast %get3A_1257 : vector<1x16xf32> to vector<16xf32>
        %mul3A_1259 = arith.mulf %get3A_1258, %gather3A_1196 : vector<16xf32>
        %add3A_1260 = arith.constant 9 : i32
        %add3A_1261 = arith.addi %add3A_73, %add3A_1260 : i32
        %swap3A_1262 = arith.index_cast %add3A_1261 : i32 to index
        %swap3A_1263 = arith.constant 64 : index
        %swap3A_1264 = tpu.vector_load %arg11[%swap3A_1262, %swap3A_1263] {strides = array<i32>} : memref<128x128xf32, #tpu.memory_space<vmem>>, vector<1x16xf32>,
        %swap3A_1265 = vector.shape_cast %swap3A_1264 : vector<1x16xf32> to vector<16xf32>
        %swap3A_1266 = vector.shape_cast %mul3A_1259 : vector<16xf32> to vector<1x16xf32>
        tpu.vector_store %arg11[%swap3A_1262, %swap3A_1263], %swap3A_1266 {strides = array<i32>} : memref<128x128xf32, #tpu.memory_space<vmem>>, vector<1x16xf32>,
        %add3A_1267 = arith.constant 9 : i32
        %add3A_1268 = arith.addi %add3A_73, %add3A_1267 : i32
        %get3A_1269 = arith.index_cast %add3A_1268 : i32 to index
        %get3A_1270 = arith.constant 80 : index
        %get3A_1271 = tpu.vector_load %arg11[%get3A_1269, %get3A_1270] {strides = array<i32>} : memref<128x128xf32, #tpu.memory_space<vmem>>, vector<1x16xf32>,
        %get3A_1272 = vector.shape_cast %get3A_1271 : vector<1x16xf32> to vector<16xf32>
        %mul3A_1273 = arith.mulf %get3A_1272, %gather3A_1196 : vector<16xf32>
        %add3A_1274 = arith.constant 9 : i32
        %add3A_1275 = arith.addi %add3A_73, %add3A_1274 : i32
        %swap3A_1276 = arith.index_cast %add3A_1275 : i32 to index
        %swap3A_1277 = arith.constant 80 : index
        %swap3A_1278 = tpu.vector_load %arg11[%swap3A_1276, %swap3A_1277] {strides = array<i32>} : memref<128x128xf32, #tpu.memory_space<vmem>>, vector<1x16xf32>,
        %swap3A_1279 = vector.shape_cast %swap3A_1278 : vector<1x16xf32> to vector<16xf32>
        %swap3A_1280 = vector.shape_cast %mul3A_1273 : vector<16xf32> to vector<1x16xf32>
        tpu.vector_store %arg11[%swap3A_1276, %swap3A_1277], %swap3A_1280 {strides = array<i32>} : memref<128x128xf32, #tpu.memory_space<vmem>>, vector<1x16xf32>,
        %add3A_1281 = arith.constant 9 : i32
        %add3A_1282 = arith.addi %add3A_73, %add3A_1281 : i32
        %get3A_1283 = arith.index_cast %add3A_1282 : i32 to index
        %get3A_1284 = arith.constant 96 : index
        %get3A_1285 = tpu.vector_load %arg11[%get3A_1283, %get3A_1284] {strides = array<i32>} : memref<128x128xf32, #tpu.memory_space<vmem>>, vector<1x16xf32>,
        %get3A_1286 = vector.shape_cast %get3A_1285 : vector<1x16xf32> to vector<16xf32>
        %mul3A_1287 = arith.mulf %get3A_1286, %gather3A_1196 : vector<16xf32>
        %add3A_1288 = arith.constant 9 : i32
        %add3A_1289 = arith.addi %add3A_73, %add3A_1288 : i32
        %swap3A_1290 = arith.index_cast %add3A_1289 : i32 to index
        %swap3A_1291 = arith.constant 96 : index
        %swap3A_1292 = tpu.vector_load %arg11[%swap3A_1290, %swap3A_1291] {strides = array<i32>} : memref<128x128xf32, #tpu.memory_space<vmem>>, vector<1x16xf32>,
        %swap3A_1293 = vector.shape_cast %swap3A_1292 : vector<1x16xf32> to vector<16xf32>
        %swap3A_1294 = vector.shape_cast %mul3A_1287 : vector<16xf32> to vector<1x16xf32>
        tpu.vector_store %arg11[%swap3A_1290, %swap3A_1291], %swap3A_1294 {strides = array<i32>} : memref<128x128xf32, #tpu.memory_space<vmem>>, vector<1x16xf32>,
        %add3A_1295 = arith.constant 9 : i32
        %add3A_1296 = arith.addi %add3A_73, %add3A_1295 : i32
        %get3A_1297 = arith.index_cast %add3A_1296 : i32 to index
        %get3A_1298 = arith.constant 112 : index
        %get3A_1299 = tpu.vector_load %arg11[%get3A_1297, %get3A_1298] {strides = array<i32>} : memref<128x128xf32, #tpu.memory_space<vmem>>, vector<1x16xf32>,
        %get3A_1300 = vector.shape_cast %get3A_1299 : vector<1x16xf32> to vector<16xf32>
        %mul3A_1301 = arith.mulf %get3A_1300, %gather3A_1196 : vector<16xf32>
        %add3A_1302 = arith.constant 9 : i32
        %add3A_1303 = arith.addi %add3A_73, %add3A_1302 : i32
        %swap3A_1304 = arith.index_cast %add3A_1303 : i32 to index
        %swap3A_1305 = arith.constant 112 : index
        %swap3A_1306 = tpu.vector_load %arg11[%swap3A_1304, %swap3A_1305] {strides = array<i32>} : memref<128x128xf32, #tpu.memory_space<vmem>>, vector<1x16xf32>,
        %swap3A_1307 = vector.shape_cast %swap3A_1306 : vector<1x16xf32> to vector<16xf32>
        %swap3A_1308 = vector.shape_cast %mul3A_1301 : vector<16xf32> to vector<1x16xf32>
        tpu.vector_store %arg11[%swap3A_1304, %swap3A_1305], %swap3A_1308 {strides = array<i32>} : memref<128x128xf32, #tpu.memory_space<vmem>>, vector<1x16xf32>,
        %broadcast_in_dim3A_1309 = arith.constant 10 : i32
        %broadcast_in_dim3A_1310 = vector.broadcast %broadcast_in_dim3A_1309 : i32 to vector<16xi32>
        %lt3A_1311 = arith.constant 0 : i32
        %lt3A_1312 = vector.broadcast %lt3A_1311 : i32 to vector<16xi32>
        %lt3A_1313 = arith.cmpi slt, %broadcast_in_dim3A_1310, %lt3A_1312 : vector<16xi32>
        %add3A_1314 = arith.constant 16 : i32
        %add3A_1315 = vector.broadcast %add3A_1314 : i32 to vector<16xi32>
        %add3A_1316 = arith.addi %broadcast_in_dim3A_1310, %add3A_1315 : vector<16xi32>
        %select_n3A_1317 = arith.select %lt3A_1313, %add3A_1316, %broadcast_in_dim3A_1310 : vector<16xi1>, vector<16xi32>
        %broadcast_in_dim3A_1318 = vector.shape_cast %select_n3A_1317 : vector<16xi32> to vector<16x1xi32>
        %gather3A_1319 = vector.shape_cast %broadcast_in_dim3A_1318 : vector<16x1xi32> to vector<16xi32>
        %gather3A_1320 = tpu.dynamic_gather %get3A_69[%gather3A_1319] in [0] : vector<16xf32>, vector<16xi32> -> vector<16xf32>
        %add3A_1321 = arith.constant 10 : i32
        %add3A_1322 = arith.addi %add3A_73, %add3A_1321 : i32
        %get3A_1323 = arith.index_cast %add3A_1322 : i32 to index
        %get3A_1324 = arith.constant 0 : index
        %get3A_1325 = tpu.vector_load %arg11[%get3A_1323, %get3A_1324] {strides = array<i32>} : memref<128x128xf32, #tpu.memory_space<vmem>>, vector<1x16xf32>,
        %get3A_1326 = vector.shape_cast %get3A_1325 : vector<1x16xf32> to vector<16xf32>
        %mul3A_1327 = arith.mulf %get3A_1326, %gather3A_1320 : vector<16xf32>
        %add3A_1328 = arith.constant 10 : i32
        %add3A_1329 = arith.addi %add3A_73, %add3A_1328 : i32
        %swap3A_1330 = arith.index_cast %add3A_1329 : i32 to index
        %swap3A_1331 = arith.constant 0 : index
        %swap3A_1332 = tpu.vector_load %arg11[%swap3A_1330, %swap3A_1331] {strides = array<i32>} : memref<128x128xf32, #tpu.memory_space<vmem>>, vector<1x16xf32>,
        %swap3A_1333 = vector.shape_cast %swap3A_1332 : vector<1x16xf32> to vector<16xf32>
        %swap3A_1334 = vector.shape_cast %mul3A_1327 : vector<16xf32> to vector<1x16xf32>
        tpu.vector_store %arg11[%swap3A_1330, %swap3A_1331], %swap3A_1334 {strides = array<i32>} : memref<128x128xf32, #tpu.memory_space<vmem>>, vector<1x16xf32>,
        %add3A_1335 = arith.constant 10 : i32
        %add3A_1336 = arith.addi %add3A_73, %add3A_1335 : i32
        %get3A_1337 = arith.index_cast %add3A_1336 : i32 to index
        %get3A_1338 = arith.constant 16 : index
        %get3A_1339 = tpu.vector_load %arg11[%get3A_1337, %get3A_1338] {strides = array<i32>} : memref<128x128xf32, #tpu.memory_space<vmem>>, vector<1x16xf32>,
        %get3A_1340 = vector.shape_cast %get3A_1339 : vector<1x16xf32> to vector<16xf32>
        %mul3A_1341 = arith.mulf %get3A_1340, %gather3A_1320 : vector<16xf32>
        %add3A_1342 = arith.constant 10 : i32
        %add3A_1343 = arith.addi %add3A_73, %add3A_1342 : i32
        %swap3A_1344 = arith.index_cast %add3A_1343 : i32 to index
        %swap3A_1345 = arith.constant 16 : index
        %swap3A_1346 = tpu.vector_load %arg11[%swap3A_1344, %swap3A_1345] {strides = array<i32>} : memref<128x128xf32, #tpu.memory_space<vmem>>, vector<1x16xf32>,
        %swap3A_1347 = vector.shape_cast %swap3A_1346 : vector<1x16xf32> to vector<16xf32>
        %swap3A_1348 = vector.shape_cast %mul3A_1341 : vector<16xf32> to vector<1x16xf32>
        tpu.vector_store %arg11[%swap3A_1344, %swap3A_1345], %swap3A_1348 {strides = array<i32>} : memref<128x128xf32, #tpu.memory_space<vmem>>, vector<1x16xf32>,
        %add3A_1349 = arith.constant 10 : i32
        %add3A_1350 = arith.addi %add3A_73, %add3A_1349 : i32
        %get3A_1351 = arith.index_cast %add3A_1350 : i32 to index
        %get3A_1352 = arith.constant 32 : index
        %get3A_1353 = tpu.vector_load %arg11[%get3A_1351, %get3A_1352] {strides = array<i32>} : memref<128x128xf32, #tpu.memory_space<vmem>>, vector<1x16xf32>,
        %get3A_1354 = vector.shape_cast %get3A_1353 : vector<1x16xf32> to vector<16xf32>
        %mul3A_1355 = arith.mulf %get3A_1354, %gather3A_1320 : vector<16xf32>
        %add3A_1356 = arith.constant 10 : i32
        %add3A_1357 = arith.addi %add3A_73, %add3A_1356 : i32
        %swap3A_1358 = arith.index_cast %add3A_1357 : i32 to index
        %swap3A_1359 = arith.constant 32 : index
        %swap3A_1360 = tpu.vector_load %arg11[%swap3A_1358, %swap3A_1359] {strides = array<i32>} : memref<128x128xf32, #tpu.memory_space<vmem>>, vector<1x16xf32>,
        %swap3A_1361 = vector.shape_cast %swap3A_1360 : vector<1x16xf32> to vector<16xf32>
        %swap3A_1362 = vector.shape_cast %mul3A_1355 : vector<16xf32> to vector<1x16xf32>
        tpu.vector_store %arg11[%swap3A_1358, %swap3A_1359], %swap3A_1362 {strides = array<i32>} : memref<128x128xf32, #tpu.memory_space<vmem>>, vector<1x16xf32>,
        %add3A_1363 = arith.constant 10 : i32
        %add3A_1364 = arith.addi %add3A_73, %add3A_1363 : i32
        %get3A_1365 = arith.index_cast %add3A_1364 : i32 to index
        %get3A_1366 = arith.constant 48 : index
        %get3A_1367 = tpu.vector_load %arg11[%get3A_1365, %get3A_1366] {strides = array<i32>} : memref<128x128xf32, #tpu.memory_space<vmem>>, vector<1x16xf32>,
        %get3A_1368 = vector.shape_cast %get3A_1367 : vector<1x16xf32> to vector<16xf32>
        %mul3A_1369 = arith.mulf %get3A_1368, %gather3A_1320 : vector<16xf32>
        %add3A_1370 = arith.constant 10 : i32
        %add3A_1371 = arith.addi %add3A_73, %add3A_1370 : i32
        %swap3A_1372 = arith.index_cast %add3A_1371 : i32 to index
        %swap3A_1373 = arith.constant 48 : index
        %swap3A_1374 = tpu.vector_load %arg11[%swap3A_1372, %swap3A_1373] {strides = array<i32>} : memref<128x128xf32, #tpu.memory_space<vmem>>, vector<1x16xf32>,
        %swap3A_1375 = vector.shape_cast %swap3A_1374 : vector<1x16xf32> to vector<16xf32>
        %swap3A_1376 = vector.shape_cast %mul3A_1369 : vector<16xf32> to vector<1x16xf32>
        tpu.vector_store %arg11[%swap3A_1372, %swap3A_1373], %swap3A_1376 {strides = array<i32>} : memref<128x128xf32, #tpu.memory_space<vmem>>, vector<1x16xf32>,
        %add3A_1377 = arith.constant 10 : i32
        %add3A_1378 = arith.addi %add3A_73, %add3A_1377 : i32
        %get3A_1379 = arith.index_cast %add3A_1378 : i32 to index
        %get3A_1380 = arith.constant 64 : index
        %get3A_1381 = tpu.vector_load %arg11[%get3A_1379, %get3A_1380] {strides = array<i32>} : memref<128x128xf32, #tpu.memory_space<vmem>>, vector<1x16xf32>,
        %get3A_1382 = vector.shape_cast %get3A_1381 : vector<1x16xf32> to vector<16xf32>
        %mul3A_1383 = arith.mulf %get3A_1382, %gather3A_1320 : vector<16xf32>
        %add3A_1384 = arith.constant 10 : i32
        %add3A_1385 = arith.addi %add3A_73, %add3A_1384 : i32
        %swap3A_1386 = arith.index_cast %add3A_1385 : i32 to index
        %swap3A_1387 = arith.constant 64 : index
        %swap3A_1388 = tpu.vector_load %arg11[%swap3A_1386, %swap3A_1387] {strides = array<i32>} : memref<128x128xf32, #tpu.memory_space<vmem>>, vector<1x16xf32>,
        %swap3A_1389 = vector.shape_cast %swap3A_1388 : vector<1x16xf32> to vector<16xf32>
        %swap3A_1390 = vector.shape_cast %mul3A_1383 : vector<16xf32> to vector<1x16xf32>
        tpu.vector_store %arg11[%swap3A_1386, %swap3A_1387], %swap3A_1390 {strides = array<i32>} : memref<128x128xf32, #tpu.memory_space<vmem>>, vector<1x16xf32>,
        %add3A_1391 = arith.constant 10 : i32
        %add3A_1392 = arith.addi %add3A_73, %add3A_1391 : i32
        %get3A_1393 = arith.index_cast %add3A_1392 : i32 to index
        %get3A_1394 = arith.constant 80 : index
        %get3A_1395 = tpu.vector_load %arg11[%get3A_1393, %get3A_1394] {strides = array<i32>} : memref<128x128xf32, #tpu.memory_space<vmem>>, vector<1x16xf32>,
        %get3A_1396 = vector.shape_cast %get3A_1395 : vector<1x16xf32> to vector<16xf32>
        %mul3A_1397 = arith.mulf %get3A_1396, %gather3A_1320 : vector<16xf32>
        %add3A_1398 = arith.constant 10 : i32
        %add3A_1399 = arith.addi %add3A_73, %add3A_1398 : i32
        %swap3A_1400 = arith.index_cast %add3A_1399 : i32 to index
        %swap3A_1401 = arith.constant 80 : index
        %swap3A_1402 = tpu.vector_load %arg11[%swap3A_1400, %swap3A_1401] {strides = array<i32>} : memref<128x128xf32, #tpu.memory_space<vmem>>, vector<1x16xf32>,
        %swap3A_1403 = vector.shape_cast %swap3A_1402 : vector<1x16xf32> to vector<16xf32>
        %swap3A_1404 = vector.shape_cast %mul3A_1397 : vector<16xf32> to vector<1x16xf32>
        tpu.vector_store %arg11[%swap3A_1400, %swap3A_1401], %swap3A_1404 {strides = array<i32>} : memref<128x128xf32, #tpu.memory_space<vmem>>, vector<1x16xf32>,
        %add3A_1405 = arith.constant 10 : i32
        %add3A_1406 = arith.addi %add3A_73, %add3A_1405 : i32
        %get3A_1407 = arith.index_cast %add3A_1406 : i32 to index
        %get3A_1408 = arith.constant 96 : index
        %get3A_1409 = tpu.vector_load %arg11[%get3A_1407, %get3A_1408] {strides = array<i32>} : memref<128x128xf32, #tpu.memory_space<vmem>>, vector<1x16xf32>,
        %get3A_1410 = vector.shape_cast %get3A_1409 : vector<1x16xf32> to vector<16xf32>
        %mul3A_1411 = arith.mulf %get3A_1410, %gather3A_1320 : vector<16xf32>
        %add3A_1412 = arith.constant 10 : i32
        %add3A_1413 = arith.addi %add3A_73, %add3A_1412 : i32
        %swap3A_1414 = arith.index_cast %add3A_1413 : i32 to index
        %swap3A_1415 = arith.constant 96 : index
        %swap3A_1416 = tpu.vector_load %arg11[%swap3A_1414, %swap3A_1415] {strides = array<i32>} : memref<128x128xf32, #tpu.memory_space<vmem>>, vector<1x16xf32>,
        %swap3A_1417 = vector.shape_cast %swap3A_1416 : vector<1x16xf32> to vector<16xf32>
        %swap3A_1418 = vector.shape_cast %mul3A_1411 : vector<16xf32> to vector<1x16xf32>
        tpu.vector_store %arg11[%swap3A_1414, %swap3A_1415], %swap3A_1418 {strides = array<i32>} : memref<128x128xf32, #tpu.memory_space<vmem>>, vector<1x16xf32>,
        %add3A_1419 = arith.constant 10 : i32
        %add3A_1420 = arith.addi %add3A_73, %add3A_1419 : i32
        %get3A_1421 = arith.index_cast %add3A_1420 : i32 to index
        %get3A_1422 = arith.constant 112 : index
        %get3A_1423 = tpu.vector_load %arg11[%get3A_1421, %get3A_1422] {strides = array<i32>} : memref<128x128xf32, #tpu.memory_space<vmem>>, vector<1x16xf32>,
        %get3A_1424 = vector.shape_cast %get3A_1423 : vector<1x16xf32> to vector<16xf32>
        %mul3A_1425 = arith.mulf %get3A_1424, %gather3A_1320 : vector<16xf32>
        %add3A_1426 = arith.constant 10 : i32
        %add3A_1427 = arith.addi %add3A_73, %add3A_1426 : i32
        %swap3A_1428 = arith.index_cast %add3A_1427 : i32 to index
        %swap3A_1429 = arith.constant 112 : index
        %swap3A_1430 = tpu.vector_load %arg11[%swap3A_1428, %swap3A_1429] {strides = array<i32>} : memref<128x128xf32, #tpu.memory_space<vmem>>, vector<1x16xf32>,
        %swap3A_1431 = vector.shape_cast %swap3A_1430 : vector<1x16xf32> to vector<16xf32>
        %swap3A_1432 = vector.shape_cast %mul3A_1425 : vector<16xf32> to vector<1x16xf32>
        tpu.vector_store %arg11[%swap3A_1428, %swap3A_1429], %swap3A_1432 {strides = array<i32>} : memref<128x128xf32, #tpu.memory_space<vmem>>, vector<1x16xf32>,
        %broadcast_in_dim3A_1433 = arith.constant 11 : i32
        %broadcast_in_dim3A_1434 = vector.broadcast %broadcast_in_dim3A_1433 : i32 to vector<16xi32>
        %lt3A_1435 = arith.constant 0 : i32
        %lt3A_1436 = vector.broadcast %lt3A_1435 : i32 to vector<16xi32>
        %lt3A_1437 = arith.cmpi slt, %broadcast_in_dim3A_1434, %lt3A_1436 : vector<16xi32>
        %add3A_1438 = arith.constant 16 : i32
        %add3A_1439 = vector.broadcast %add3A_1438 : i32 to vector<16xi32>
        %add3A_1440 = arith.addi %broadcast_in_dim3A_1434, %add3A_1439 : vector<16xi32>
        %select_n3A_1441 = arith.select %lt3A_1437, %add3A_1440, %broadcast_in_dim3A_1434 : vector<16xi1>, vector<16xi32>
        %broadcast_in_dim3A_1442 = vector.shape_cast %select_n3A_1441 : vector<16xi32> to vector<16x1xi32>
        %gather3A_1443 = vector.shape_cast %broadcast_in_dim3A_1442 : vector<16x1xi32> to vector<16xi32>
        %gather3A_1444 = tpu.dynamic_gather %get3A_69[%gather3A_1443] in [0] : vector<16xf32>, vector<16xi32> -> vector<16xf32>
        %add3A_1445 = arith.constant 11 : i32
        %add3A_1446 = arith.addi %add3A_73, %add3A_1445 : i32
        %get3A_1447 = arith.index_cast %add3A_1446 : i32 to index
        %get3A_1448 = arith.constant 0 : index
        %get3A_1449 = tpu.vector_load %arg11[%get3A_1447, %get3A_1448] {strides = array<i32>} : memref<128x128xf32, #tpu.memory_space<vmem>>, vector<1x16xf32>,
        %get3A_1450 = vector.shape_cast %get3A_1449 : vector<1x16xf32> to vector<16xf32>
        %mul3A_1451 = arith.mulf %get3A_1450, %gather3A_1444 : vector<16xf32>
        %add3A_1452 = arith.constant 11 : i32
        %add3A_1453 = arith.addi %add3A_73, %add3A_1452 : i32
        %swap3A_1454 = arith.index_cast %add3A_1453 : i32 to index
        %swap3A_1455 = arith.constant 0 : index
        %swap3A_1456 = tpu.vector_load %arg11[%swap3A_1454, %swap3A_1455] {strides = array<i32>} : memref<128x128xf32, #tpu.memory_space<vmem>>, vector<1x16xf32>,
        %swap3A_1457 = vector.shape_cast %swap3A_1456 : vector<1x16xf32> to vector<16xf32>
        %swap3A_1458 = vector.shape_cast %mul3A_1451 : vector<16xf32> to vector<1x16xf32>
        tpu.vector_store %arg11[%swap3A_1454, %swap3A_1455], %swap3A_1458 {strides = array<i32>} : memref<128x128xf32, #tpu.memory_space<vmem>>, vector<1x16xf32>,
        %add3A_1459 = arith.constant 11 : i32
        %add3A_1460 = arith.addi %add3A_73, %add3A_1459 : i32
        %get3A_1461 = arith.index_cast %add3A_1460 : i32 to index
        %get3A_1462 = arith.constant 16 : index
        %get3A_1463 = tpu.vector_load %arg11[%get3A_1461, %get3A_1462] {strides = array<i32>} : memref<128x128xf32, #tpu.memory_space<vmem>>, vector<1x16xf32>,
        %get3A_1464 = vector.shape_cast %get3A_1463 : vector<1x16xf32> to vector<16xf32>
        %mul3A_1465 = arith.mulf %get3A_1464, %gather3A_1444 : vector<16xf32>
        %add3A_1466 = arith.constant 11 : i32
        %add3A_1467 = arith.addi %add3A_73, %add3A_1466 : i32
        %swap3A_1468 = arith.index_cast %add3A_1467 : i32 to index
        %swap3A_1469 = arith.constant 16 : index
        %swap3A_1470 = tpu.vector_load %arg11[%swap3A_1468, %swap3A_1469] {strides = array<i32>} : memref<128x128xf32, #tpu.memory_space<vmem>>, vector<1x16xf32>,
        %swap3A_1471 = vector.shape_cast %swap3A_1470 : vector<1x16xf32> to vector<16xf32>
        %swap3A_1472 = vector.shape_cast %mul3A_1465 : vector<16xf32> to vector<1x16xf32>
        tpu.vector_store %arg11[%swap3A_1468, %swap3A_1469], %swap3A_1472 {strides = array<i32>} : memref<128x128xf32, #tpu.memory_space<vmem>>, vector<1x16xf32>,
        %add3A_1473 = arith.constant 11 : i32
        %add3A_1474 = arith.addi %add3A_73, %add3A_1473 : i32
        %get3A_1475 = arith.index_cast %add3A_1474 : i32 to index
        %get3A_1476 = arith.constant 32 : index
        %get3A_1477 = tpu.vector_load %arg11[%get3A_1475, %get3A_1476] {strides = array<i32>} : memref<128x128xf32, #tpu.memory_space<vmem>>, vector<1x16xf32>,
        %get3A_1478 = vector.shape_cast %get3A_1477 : vector<1x16xf32> to vector<16xf32>
        %mul3A_1479 = arith.mulf %get3A_1478, %gather3A_1444 : vector<16xf32>
        %add3A_1480 = arith.constant 11 : i32
        %add3A_1481 = arith.addi %add3A_73, %add3A_1480 : i32
        %swap3A_1482 = arith.index_cast %add3A_1481 : i32 to index
        %swap3A_1483 = arith.constant 32 : index
        %swap3A_1484 = tpu.vector_load %arg11[%swap3A_1482, %swap3A_1483] {strides = array<i32>} : memref<128x128xf32, #tpu.memory_space<vmem>>, vector<1x16xf32>,
        %swap3A_1485 = vector.shape_cast %swap3A_1484 : vector<1x16xf32> to vector<16xf32>
        %swap3A_1486 = vector.shape_cast %mul3A_1479 : vector<16xf32> to vector<1x16xf32>
        tpu.vector_store %arg11[%swap3A_1482, %swap3A_1483], %swap3A_1486 {strides = array<i32>} : memref<128x128xf32, #tpu.memory_space<vmem>>, vector<1x16xf32>,
        %add3A_1487 = arith.constant 11 : i32
        %add3A_1488 = arith.addi %add3A_73, %add3A_1487 : i32
        %get3A_1489 = arith.index_cast %add3A_1488 : i32 to index
        %get3A_1490 = arith.constant 48 : index
        %get3A_1491 = tpu.vector_load %arg11[%get3A_1489, %get3A_1490] {strides = array<i32>} : memref<128x128xf32, #tpu.memory_space<vmem>>, vector<1x16xf32>,
        %get3A_1492 = vector.shape_cast %get3A_1491 : vector<1x16xf32> to vector<16xf32>
        %mul3A_1493 = arith.mulf %get3A_1492, %gather3A_1444 : vector<16xf32>
        %add3A_1494 = arith.constant 11 : i32
        %add3A_1495 = arith.addi %add3A_73, %add3A_1494 : i32
        %swap3A_1496 = arith.index_cast %add3A_1495 : i32 to index
        %swap3A_1497 = arith.constant 48 : index
        %swap3A_1498 = tpu.vector_load %arg11[%swap3A_1496, %swap3A_1497] {strides = array<i32>} : memref<128x128xf32, #tpu.memory_space<vmem>>, vector<1x16xf32>,
        %swap3A_1499 = vector.shape_cast %swap3A_1498 : vector<1x16xf32> to vector<16xf32>
        %swap3A_1500 = vector.shape_cast %mul3A_1493 : vector<16xf32> to vector<1x16xf32>
        tpu.vector_store %arg11[%swap3A_1496, %swap3A_1497], %swap3A_1500 {strides = array<i32>} : memref<128x128xf32, #tpu.memory_space<vmem>>, vector<1x16xf32>,
        %add3A_1501 = arith.constant 11 : i32
        %add3A_1502 = arith.addi %add3A_73, %add3A_1501 : i32
        %get3A_1503 = arith.index_cast %add3A_1502 : i32 to index
        %get3A_1504 = arith.constant 64 : index
        %get3A_1505 = tpu.vector_load %arg11[%get3A_1503, %get3A_1504] {strides = array<i32>} : memref<128x128xf32, #tpu.memory_space<vmem>>, vector<1x16xf32>,
        %get3A_1506 = vector.shape_cast %get3A_1505 : vector<1x16xf32> to vector<16xf32>
        %mul3A_1507 = arith.mulf %get3A_1506, %gather3A_1444 : vector<16xf32>
        %add3A_1508 = arith.constant 11 : i32
        %add3A_1509 = arith.addi %add3A_73, %add3A_1508 : i32
        %swap3A_1510 = arith.index_cast %add3A_1509 : i32 to index
        %swap3A_1511 = arith.constant 64 : index
        %swap3A_1512 = tpu.vector_load %arg11[%swap3A_1510, %swap3A_1511] {strides = array<i32>} : memref<128x128xf32, #tpu.memory_space<vmem>>, vector<1x16xf32>,
        %swap3A_1513 = vector.shape_cast %swap3A_1512 : vector<1x16xf32> to vector<16xf32>
        %swap3A_1514 = vector.shape_cast %mul3A_1507 : vector<16xf32> to vector<1x16xf32>
        tpu.vector_store %arg11[%swap3A_1510, %swap3A_1511], %swap3A_1514 {strides = array<i32>} : memref<128x128xf32, #tpu.memory_space<vmem>>, vector<1x16xf32>,
        %add3A_1515 = arith.constant 11 : i32
        %add3A_1516 = arith.addi %add3A_73, %add3A_1515 : i32
        %get3A_1517 = arith.index_cast %add3A_1516 : i32 to index
        %get3A_1518 = arith.constant 80 : index
        %get3A_1519 = tpu.vector_load %arg11[%get3A_1517, %get3A_1518] {strides = array<i32>} : memref<128x128xf32, #tpu.memory_space<vmem>>, vector<1x16xf32>,
        %get3A_1520 = vector.shape_cast %get3A_1519 : vector<1x16xf32> to vector<16xf32>
        %mul3A_1521 = arith.mulf %get3A_1520, %gather3A_1444 : vector<16xf32>
        %add3A_1522 = arith.constant 11 : i32
        %add3A_1523 = arith.addi %add3A_73, %add3A_1522 : i32
        %swap3A_1524 = arith.index_cast %add3A_1523 : i32 to index
        %swap3A_1525 = arith.constant 80 : index
        %swap3A_1526 = tpu.vector_load %arg11[%swap3A_1524, %swap3A_1525] {strides = array<i32>} : memref<128x128xf32, #tpu.memory_space<vmem>>, vector<1x16xf32>,
        %swap3A_1527 = vector.shape_cast %swap3A_1526 : vector<1x16xf32> to vector<16xf32>
        %swap3A_1528 = vector.shape_cast %mul3A_1521 : vector<16xf32> to vector<1x16xf32>
        tpu.vector_store %arg11[%swap3A_1524, %swap3A_1525], %swap3A_1528 {strides = array<i32>} : memref<128x128xf32, #tpu.memory_space<vmem>>, vector<1x16xf32>,
        %add3A_1529 = arith.constant 11 : i32
        %add3A_1530 = arith.addi %add3A_73, %add3A_1529 : i32
        %get3A_1531 = arith.index_cast %add3A_1530 : i32 to index
        %get3A_1532 = arith.constant 96 : index
        %get3A_1533 = tpu.vector_load %arg11[%get3A_1531, %get3A_1532] {strides = array<i32>} : memref<128x128xf32, #tpu.memory_space<vmem>>, vector<1x16xf32>,
        %get3A_1534 = vector.shape_cast %get3A_1533 : vector<1x16xf32> to vector<16xf32>
        %mul3A_1535 = arith.mulf %get3A_1534, %gather3A_1444 : vector<16xf32>
        %add3A_1536 = arith.constant 11 : i32
        %add3A_1537 = arith.addi %add3A_73, %add3A_1536 : i32
        %swap3A_1538 = arith.index_cast %add3A_1537 : i32 to index
        %swap3A_1539 = arith.constant 96 : index
        %swap3A_1540 = tpu.vector_load %arg11[%swap3A_1538, %swap3A_1539] {strides = array<i32>} : memref<128x128xf32, #tpu.memory_space<vmem>>, vector<1x16xf32>,
        %swap3A_1541 = vector.shape_cast %swap3A_1540 : vector<1x16xf32> to vector<16xf32>
        %swap3A_1542 = vector.shape_cast %mul3A_1535 : vector<16xf32> to vector<1x16xf32>
        tpu.vector_store %arg11[%swap3A_1538, %swap3A_1539], %swap3A_1542 {strides = array<i32>} : memref<128x128xf32, #tpu.memory_space<vmem>>, vector<1x16xf32>,
        %add3A_1543 = arith.constant 11 : i32
        %add3A_1544 = arith.addi %add3A_73, %add3A_1543 : i32
        %get3A_1545 = arith.index_cast %add3A_1544 : i32 to index
        %get3A_1546 = arith.constant 112 : index
        %get3A_1547 = tpu.vector_load %arg11[%get3A_1545, %get3A_1546] {strides = array<i32>} : memref<128x128xf32, #tpu.memory_space<vmem>>, vector<1x16xf32>,
        %get3A_1548 = vector.shape_cast %get3A_1547 : vector<1x16xf32> to vector<16xf32>
        %mul3A_1549 = arith.mulf %get3A_1548, %gather3A_1444 : vector<16xf32>
        %add3A_1550 = arith.constant 11 : i32
        %add3A_1551 = arith.addi %add3A_73, %add3A_1550 : i32
        %swap3A_1552 = arith.index_cast %add3A_1551 : i32 to index
        %swap3A_1553 = arith.constant 112 : index
        %swap3A_1554 = tpu.vector_load %arg11[%swap3A_1552, %swap3A_1553] {strides = array<i32>} : memref<128x128xf32, #tpu.memory_space<vmem>>, vector<1x16xf32>,
        %swap3A_1555 = vector.shape_cast %swap3A_1554 : vector<1x16xf32> to vector<16xf32>
        %swap3A_1556 = vector.shape_cast %mul3A_1549 : vector<16xf32> to vector<1x16xf32>
        tpu.vector_store %arg11[%swap3A_1552, %swap3A_1553], %swap3A_1556 {strides = array<i32>} : memref<128x128xf32, #tpu.memory_space<vmem>>, vector<1x16xf32>,
        %broadcast_in_dim3A_1557 = arith.constant 12 : i32
        %broadcast_in_dim3A_1558 = vector.broadcast %broadcast_in_dim3A_1557 : i32 to vector<16xi32>
        %lt3A_1559 = arith.constant 0 : i32
        %lt3A_1560 = vector.broadcast %lt3A_1559 : i32 to vector<16xi32>
        %lt3A_1561 = arith.cmpi slt, %broadcast_in_dim3A_1558, %lt3A_1560 : vector<16xi32>
        %add3A_1562 = arith.constant 16 : i32
        %add3A_1563 = vector.broadcast %add3A_1562 : i32 to vector<16xi32>
        %add3A_1564 = arith.addi %broadcast_in_dim3A_1558, %add3A_1563 : vector<16xi32>
        %select_n3A_1565 = arith.select %lt3A_1561, %add3A_1564, %broadcast_in_dim3A_1558 : vector<16xi1>, vector<16xi32>
        %broadcast_in_dim3A_1566 = vector.shape_cast %select_n3A_1565 : vector<16xi32> to vector<16x1xi32>
        %gather3A_1567 = vector.shape_cast %broadcast_in_dim3A_1566 : vector<16x1xi32> to vector<16xi32>
        %gather3A_1568 = tpu.dynamic_gather %get3A_69[%gather3A_1567] in [0] : vector<16xf32>, vector<16xi32> -> vector<16xf32>
        %add3A_1569 = arith.constant 12 : i32
        %add3A_1570 = arith.addi %add3A_73, %add3A_1569 : i32
        %get3A_1571 = arith.index_cast %add3A_1570 : i32 to index
        %get3A_1572 = arith.constant 0 : index
        %get3A_1573 = tpu.vector_load %arg11[%get3A_1571, %get3A_1572] {strides = array<i32>} : memref<128x128xf32, #tpu.memory_space<vmem>>, vector<1x16xf32>,
        %get3A_1574 = vector.shape_cast %get3A_1573 : vector<1x16xf32> to vector<16xf32>
        %mul3A_1575 = arith.mulf %get3A_1574, %gather3A_1568 : vector<16xf32>
        %add3A_1576 = arith.constant 12 : i32
        %add3A_1577 = arith.addi %add3A_73, %add3A_1576 : i32
        %swap3A_1578 = arith.index_cast %add3A_1577 : i32 to index
        %swap3A_1579 = arith.constant 0 : index
        %swap3A_1580 = tpu.vector_load %arg11[%swap3A_1578, %swap3A_1579] {strides = array<i32>} : memref<128x128xf32, #tpu.memory_space<vmem>>, vector<1x16xf32>,
        %swap3A_1581 = vector.shape_cast %swap3A_1580 : vector<1x16xf32> to vector<16xf32>
        %swap3A_1582 = vector.shape_cast %mul3A_1575 : vector<16xf32> to vector<1x16xf32>
        tpu.vector_store %arg11[%swap3A_1578, %swap3A_1579], %swap3A_1582 {strides = array<i32>} : memref<128x128xf32, #tpu.memory_space<vmem>>, vector<1x16xf32>,
        %add3A_1583 = arith.constant 12 : i32
        %add3A_1584 = arith.addi %add3A_73, %add3A_1583 : i32
        %get3A_1585 = arith.index_cast %add3A_1584 : i32 to index
        %get3A_1586 = arith.constant 16 : index
        %get3A_1587 = tpu.vector_load %arg11[%get3A_1585, %get3A_1586] {strides = array<i32>} : memref<128x128xf32, #tpu.memory_space<vmem>>, vector<1x16xf32>,
        %get3A_1588 = vector.shape_cast %get3A_1587 : vector<1x16xf32> to vector<16xf32>
        %mul3A_1589 = arith.mulf %get3A_1588, %gather3A_1568 : vector<16xf32>
        %add3A_1590 = arith.constant 12 : i32
        %add3A_1591 = arith.addi %add3A_73, %add3A_1590 : i32
        %swap3A_1592 = arith.index_cast %add3A_1591 : i32 to index
        %swap3A_1593 = arith.constant 16 : index
        %swap3A_1594 = tpu.vector_load %arg11[%swap3A_1592, %swap3A_1593] {strides = array<i32>} : memref<128x128xf32, #tpu.memory_space<vmem>>, vector<1x16xf32>,
        %swap3A_1595 = vector.shape_cast %swap3A_1594 : vector<1x16xf32> to vector<16xf32>
        %swap3A_1596 = vector.shape_cast %mul3A_1589 : vector<16xf32> to vector<1x16xf32>
        tpu.vector_store %arg11[%swap3A_1592, %swap3A_1593], %swap3A_1596 {strides = array<i32>} : memref<128x128xf32, #tpu.memory_space<vmem>>, vector<1x16xf32>,
        %add3A_1597 = arith.constant 12 : i32
        %add3A_1598 = arith.addi %add3A_73, %add3A_1597 : i32
        %get3A_1599 = arith.index_cast %add3A_1598 : i32 to index
        %get3A_1600 = arith.constant 32 : index
        %get3A_1601 = tpu.vector_load %arg11[%get3A_1599, %get3A_1600] {strides = array<i32>} : memref<128x128xf32, #tpu.memory_space<vmem>>, vector<1x16xf32>,
        %get3A_1602 = vector.shape_cast %get3A_1601 : vector<1x16xf32> to vector<16xf32>
        %mul3A_1603 = arith.mulf %get3A_1602, %gather3A_1568 : vector<16xf32>
        %add3A_1604 = arith.constant 12 : i32
        %add3A_1605 = arith.addi %add3A_73, %add3A_1604 : i32
        %swap3A_1606 = arith.index_cast %add3A_1605 : i32 to index
        %swap3A_1607 = arith.constant 32 : index
        %swap3A_1608 = tpu.vector_load %arg11[%swap3A_1606, %swap3A_1607] {strides = array<i32>} : memref<128x128xf32, #tpu.memory_space<vmem>>, vector<1x16xf32>,
        %swap3A_1609 = vector.shape_cast %swap3A_1608 : vector<1x16xf32> to vector<16xf32>
        %swap3A_1610 = vector.shape_cast %mul3A_1603 : vector<16xf32> to vector<1x16xf32>
        tpu.vector_store %arg11[%swap3A_1606, %swap3A_1607], %swap3A_1610 {strides = array<i32>} : memref<128x128xf32, #tpu.memory_space<vmem>>, vector<1x16xf32>,
        %add3A_1611 = arith.constant 12 : i32
        %add3A_1612 = arith.addi %add3A_73, %add3A_1611 : i32
        %get3A_1613 = arith.index_cast %add3A_1612 : i32 to index
        %get3A_1614 = arith.constant 48 : index
        %get3A_1615 = tpu.vector_load %arg11[%get3A_1613, %get3A_1614] {strides = array<i32>} : memref<128x128xf32, #tpu.memory_space<vmem>>, vector<1x16xf32>,
        %get3A_1616 = vector.shape_cast %get3A_1615 : vector<1x16xf32> to vector<16xf32>
        %mul3A_1617 = arith.mulf %get3A_1616, %gather3A_1568 : vector<16xf32>
        %add3A_1618 = arith.constant 12 : i32
        %add3A_1619 = arith.addi %add3A_73, %add3A_1618 : i32
        %swap3A_1620 = arith.index_cast %add3A_1619 : i32 to index
        %swap3A_1621 = arith.constant 48 : index
        %swap3A_1622 = tpu.vector_load %arg11[%swap3A_1620, %swap3A_1621] {strides = array<i32>} : memref<128x128xf32, #tpu.memory_space<vmem>>, vector<1x16xf32>,
        %swap3A_1623 = vector.shape_cast %swap3A_1622 : vector<1x16xf32> to vector<16xf32>
        %swap3A_1624 = vector.shape_cast %mul3A_1617 : vector<16xf32> to vector<1x16xf32>
        tpu.vector_store %arg11[%swap3A_1620, %swap3A_1621], %swap3A_1624 {strides = array<i32>} : memref<128x128xf32, #tpu.memory_space<vmem>>, vector<1x16xf32>,
        %add3A_1625 = arith.constant 12 : i32
        %add3A_1626 = arith.addi %add3A_73, %add3A_1625 : i32
        %get3A_1627 = arith.index_cast %add3A_1626 : i32 to index
        %get3A_1628 = arith.constant 64 : index
        %get3A_1629 = tpu.vector_load %arg11[%get3A_1627, %get3A_1628] {strides = array<i32>} : memref<128x128xf32, #tpu.memory_space<vmem>>, vector<1x16xf32>,
        %get3A_1630 = vector.shape_cast %get3A_1629 : vector<1x16xf32> to vector<16xf32>
        %mul3A_1631 = arith.mulf %get3A_1630, %gather3A_1568 : vector<16xf32>
        %add3A_1632 = arith.constant 12 : i32
        %add3A_1633 = arith.addi %add3A_73, %add3A_1632 : i32
        %swap3A_1634 = arith.index_cast %add3A_1633 : i32 to index
        %swap3A_1635 = arith.constant 64 : index
        %swap3A_1636 = tpu.vector_load %arg11[%swap3A_1634, %swap3A_1635] {strides = array<i32>} : memref<128x128xf32, #tpu.memory_space<vmem>>, vector<1x16xf32>,
        %swap3A_1637 = vector.shape_cast %swap3A_1636 : vector<1x16xf32> to vector<16xf32>
        %swap3A_1638 = vector.shape_cast %mul3A_1631 : vector<16xf32> to vector<1x16xf32>
        tpu.vector_store %arg11[%swap3A_1634, %swap3A_1635], %swap3A_1638 {strides = array<i32>} : memref<128x128xf32, #tpu.memory_space<vmem>>, vector<1x16xf32>,
        %add3A_1639 = arith.constant 12 : i32
        %add3A_1640 = arith.addi %add3A_73, %add3A_1639 : i32
        %get3A_1641 = arith.index_cast %add3A_1640 : i32 to index
        %get3A_1642 = arith.constant 80 : index
        %get3A_1643 = tpu.vector_load %arg11[%get3A_1641, %get3A_1642] {strides = array<i32>} : memref<128x128xf32, #tpu.memory_space<vmem>>, vector<1x16xf32>,
        %get3A_1644 = vector.shape_cast %get3A_1643 : vector<1x16xf32> to vector<16xf32>
        %mul3A_1645 = arith.mulf %get3A_1644, %gather3A_1568 : vector<16xf32>
        %add3A_1646 = arith.constant 12 : i32
        %add3A_1647 = arith.addi %add3A_73, %add3A_1646 : i32
        %swap3A_1648 = arith.index_cast %add3A_1647 : i32 to index
        %swap3A_1649 = arith.constant 80 : index
        %swap3A_1650 = tpu.vector_load %arg11[%swap3A_1648, %swap3A_1649] {strides = array<i32>} : memref<128x128xf32, #tpu.memory_space<vmem>>, vector<1x16xf32>,
        %swap3A_1651 = vector.shape_cast %swap3A_1650 : vector<1x16xf32> to vector<16xf32>
        %swap3A_1652 = vector.shape_cast %mul3A_1645 : vector<16xf32> to vector<1x16xf32>
        tpu.vector_store %arg11[%swap3A_1648, %swap3A_1649], %swap3A_1652 {strides = array<i32>} : memref<128x128xf32, #tpu.memory_space<vmem>>, vector<1x16xf32>,
        %add3A_1653 = arith.constant 12 : i32
        %add3A_1654 = arith.addi %add3A_73, %add3A_1653 : i32
        %get3A_1655 = arith.index_cast %add3A_1654 : i32 to index
        %get3A_1656 = arith.constant 96 : index
        %get3A_1657 = tpu.vector_load %arg11[%get3A_1655, %get3A_1656] {strides = array<i32>} : memref<128x128xf32, #tpu.memory_space<vmem>>, vector<1x16xf32>,
        %get3A_1658 = vector.shape_cast %get3A_1657 : vector<1x16xf32> to vector<16xf32>
        %mul3A_1659 = arith.mulf %get3A_1658, %gather3A_1568 : vector<16xf32>
        %add3A_1660 = arith.constant 12 : i32
        %add3A_1661 = arith.addi %add3A_73, %add3A_1660 : i32
        %swap3A_1662 = arith.index_cast %add3A_1661 : i32 to index
        %swap3A_1663 = arith.constant 96 : index
        %swap3A_1664 = tpu.vector_load %arg11[%swap3A_1662, %swap3A_1663] {strides = array<i32>} : memref<128x128xf32, #tpu.memory_space<vmem>>, vector<1x16xf32>,
        %swap3A_1665 = vector.shape_cast %swap3A_1664 : vector<1x16xf32> to vector<16xf32>
        %swap3A_1666 = vector.shape_cast %mul3A_1659 : vector<16xf32> to vector<1x16xf32>
        tpu.vector_store %arg11[%swap3A_1662, %swap3A_1663], %swap3A_1666 {strides = array<i32>} : memref<128x128xf32, #tpu.memory_space<vmem>>, vector<1x16xf32>,
        %add3A_1667 = arith.constant 12 : i32
        %add3A_1668 = arith.addi %add3A_73, %add3A_1667 : i32
        %get3A_1669 = arith.index_cast %add3A_1668 : i32 to index
        %get3A_1670 = arith.constant 112 : index
        %get3A_1671 = tpu.vector_load %arg11[%get3A_1669, %get3A_1670] {strides = array<i32>} : memref<128x128xf32, #tpu.memory_space<vmem>>, vector<1x16xf32>,
        %get3A_1672 = vector.shape_cast %get3A_1671 : vector<1x16xf32> to vector<16xf32>
        %mul3A_1673 = arith.mulf %get3A_1672, %gather3A_1568 : vector<16xf32>
        %add3A_1674 = arith.constant 12 : i32
        %add3A_1675 = arith.addi %add3A_73, %add3A_1674 : i32
        %swap3A_1676 = arith.index_cast %add3A_1675 : i32 to index
        %swap3A_1677 = arith.constant 112 : index
        %swap3A_1678 = tpu.vector_load %arg11[%swap3A_1676, %swap3A_1677] {strides = array<i32>} : memref<128x128xf32, #tpu.memory_space<vmem>>, vector<1x16xf32>,
        %swap3A_1679 = vector.shape_cast %swap3A_1678 : vector<1x16xf32> to vector<16xf32>
        %swap3A_1680 = vector.shape_cast %mul3A_1673 : vector<16xf32> to vector<1x16xf32>
        tpu.vector_store %arg11[%swap3A_1676, %swap3A_1677], %swap3A_1680 {strides = array<i32>} : memref<128x128xf32, #tpu.memory_space<vmem>>, vector<1x16xf32>,
        %broadcast_in_dim3A_1681 = arith.constant 13 : i32
        %broadcast_in_dim3A_1682 = vector.broadcast %broadcast_in_dim3A_1681 : i32 to vector<16xi32>
        %lt3A_1683 = arith.constant 0 : i32
        %lt3A_1684 = vector.broadcast %lt3A_1683 : i32 to vector<16xi32>
        %lt3A_1685 = arith.cmpi slt, %broadcast_in_dim3A_1682, %lt3A_1684 : vector<16xi32>
        %add3A_1686 = arith.constant 16 : i32
        %add3A_1687 = vector.broadcast %add3A_1686 : i32 to vector<16xi32>
        %add3A_1688 = arith.addi %broadcast_in_dim3A_1682, %add3A_1687 : vector<16xi32>
        %select_n3A_1689 = arith.select %lt3A_1685, %add3A_1688, %broadcast_in_dim3A_1682 : vector<16xi1>, vector<16xi32>
        %broadcast_in_dim3A_1690 = vector.shape_cast %select_n3A_1689 : vector<16xi32> to vector<16x1xi32>
        %gather3A_1691 = vector.shape_cast %broadcast_in_dim3A_1690 : vector<16x1xi32> to vector<16xi32>
        %gather3A_1692 = tpu.dynamic_gather %get3A_69[%gather3A_1691] in [0] : vector<16xf32>, vector<16xi32> -> vector<16xf32>
        %add3A_1693 = arith.constant 13 : i32
        %add3A_1694 = arith.addi %add3A_73, %add3A_1693 : i32
        %get3A_1695 = arith.index_cast %add3A_1694 : i32 to index
        %get3A_1696 = arith.constant 0 : index
        %get3A_1697 = tpu.vector_load %arg11[%get3A_1695, %get3A_1696] {strides = array<i32>} : memref<128x128xf32, #tpu.memory_space<vmem>>, vector<1x16xf32>,
        %get3A_1698 = vector.shape_cast %get3A_1697 : vector<1x16xf32> to vector<16xf32>
        %mul3A_1699 = arith.mulf %get3A_1698, %gather3A_1692 : vector<16xf32>
        %add3A_1700 = arith.constant 13 : i32
        %add3A_1701 = arith.addi %add3A_73, %add3A_1700 : i32
        %swap3A_1702 = arith.index_cast %add3A_1701 : i32 to index
        %swap3A_1703 = arith.constant 0 : index
        %swap3A_1704 = tpu.vector_load %arg11[%swap3A_1702, %swap3A_1703] {strides = array<i32>} : memref<128x128xf32, #tpu.memory_space<vmem>>, vector<1x16xf32>,
        %swap3A_1705 = vector.shape_cast %swap3A_1704 : vector<1x16xf32> to vector<16xf32>
        %swap3A_1706 = vector.shape_cast %mul3A_1699 : vector<16xf32> to vector<1x16xf32>
        tpu.vector_store %arg11[%swap3A_1702, %swap3A_1703], %swap3A_1706 {strides = array<i32>} : memref<128x128xf32, #tpu.memory_space<vmem>>, vector<1x16xf32>,
        %add3A_1707 = arith.constant 13 : i32
        %add3A_1708 = arith.addi %add3A_73, %add3A_1707 : i32
        %get3A_1709 = arith.index_cast %add3A_1708 : i32 to index
        %get3A_1710 = arith.constant 16 : index
        %get3A_1711 = tpu.vector_load %arg11[%get3A_1709, %get3A_1710] {strides = array<i32>} : memref<128x128xf32, #tpu.memory_space<vmem>>, vector<1x16xf32>,
        %get3A_1712 = vector.shape_cast %get3A_1711 : vector<1x16xf32> to vector<16xf32>
        %mul3A_1713 = arith.mulf %get3A_1712, %gather3A_1692 : vector<16xf32>
        %add3A_1714 = arith.constant 13 : i32
        %add3A_1715 = arith.addi %add3A_73, %add3A_1714 : i32
        %swap3A_1716 = arith.index_cast %add3A_1715 : i32 to index
        %swap3A_1717 = arith.constant 16 : index
        %swap3A_1718 = tpu.vector_load %arg11[%swap3A_1716, %swap3A_1717] {strides = array<i32>} : memref<128x128xf32, #tpu.memory_space<vmem>>, vector<1x16xf32>,
        %swap3A_1719 = vector.shape_cast %swap3A_1718 : vector<1x16xf32> to vector<16xf32>
        %swap3A_1720 = vector.shape_cast %mul3A_1713 : vector<16xf32> to vector<1x16xf32>
        tpu.vector_store %arg11[%swap3A_1716, %swap3A_1717], %swap3A_1720 {strides = array<i32>} : memref<128x128xf32, #tpu.memory_space<vmem>>, vector<1x16xf32>,
        %add3A_1721 = arith.constant 13 : i32
        %add3A_1722 = arith.addi %add3A_73, %add3A_1721 : i32
        %get3A_1723 = arith.index_cast %add3A_1722 : i32 to index
        %get3A_1724 = arith.constant 32 : index
        %get3A_1725 = tpu.vector_load %arg11[%get3A_1723, %get3A_1724] {strides = array<i32>} : memref<128x128xf32, #tpu.memory_space<vmem>>, vector<1x16xf32>,
        %get3A_1726 = vector.shape_cast %get3A_1725 : vector<1x16xf32> to vector<16xf32>
        %mul3A_1727 = arith.mulf %get3A_1726, %gather3A_1692 : vector<16xf32>
        %add3A_1728 = arith.constant 13 : i32
        %add3A_1729 = arith.addi %add3A_73, %add3A_1728 : i32
        %swap3A_1730 = arith.index_cast %add3A_1729 : i32 to index
        %swap3A_1731 = arith.constant 32 : index
        %swap3A_1732 = tpu.vector_load %arg11[%swap3A_1730, %swap3A_1731] {strides = array<i32>} : memref<128x128xf32, #tpu.memory_space<vmem>>, vector<1x16xf32>,
        %swap3A_1733 = vector.shape_cast %swap3A_1732 : vector<1x16xf32> to vector<16xf32>
        %swap3A_1734 = vector.shape_cast %mul3A_1727 : vector<16xf32> to vector<1x16xf32>
        tpu.vector_store %arg11[%swap3A_1730, %swap3A_1731], %swap3A_1734 {strides = array<i32>} : memref<128x128xf32, #tpu.memory_space<vmem>>, vector<1x16xf32>,
        %add3A_1735 = arith.constant 13 : i32
        %add3A_1736 = arith.addi %add3A_73, %add3A_1735 : i32
        %get3A_1737 = arith.index_cast %add3A_1736 : i32 to index
        %get3A_1738 = arith.constant 48 : index
        %get3A_1739 = tpu.vector_load %arg11[%get3A_1737, %get3A_1738] {strides = array<i32>} : memref<128x128xf32, #tpu.memory_space<vmem>>, vector<1x16xf32>,
        %get3A_1740 = vector.shape_cast %get3A_1739 : vector<1x16xf32> to vector<16xf32>
        %mul3A_1741 = arith.mulf %get3A_1740, %gather3A_1692 : vector<16xf32>
        %add3A_1742 = arith.constant 13 : i32
        %add3A_1743 = arith.addi %add3A_73, %add3A_1742 : i32
        %swap3A_1744 = arith.index_cast %add3A_1743 : i32 to index
        %swap3A_1745 = arith.constant 48 : index
        %swap3A_1746 = tpu.vector_load %arg11[%swap3A_1744, %swap3A_1745] {strides = array<i32>} : memref<128x128xf32, #tpu.memory_space<vmem>>, vector<1x16xf32>,
        %swap3A_1747 = vector.shape_cast %swap3A_1746 : vector<1x16xf32> to vector<16xf32>
        %swap3A_1748 = vector.shape_cast %mul3A_1741 : vector<16xf32> to vector<1x16xf32>
        tpu.vector_store %arg11[%swap3A_1744, %swap3A_1745], %swap3A_1748 {strides = array<i32>} : memref<128x128xf32, #tpu.memory_space<vmem>>, vector<1x16xf32>,
        %add3A_1749 = arith.constant 13 : i32
        %add3A_1750 = arith.addi %add3A_73, %add3A_1749 : i32
        %get3A_1751 = arith.index_cast %add3A_1750 : i32 to index
        %get3A_1752 = arith.constant 64 : index
        %get3A_1753 = tpu.vector_load %arg11[%get3A_1751, %get3A_1752] {strides = array<i32>} : memref<128x128xf32, #tpu.memory_space<vmem>>, vector<1x16xf32>,
        %get3A_1754 = vector.shape_cast %get3A_1753 : vector<1x16xf32> to vector<16xf32>
        %mul3A_1755 = arith.mulf %get3A_1754, %gather3A_1692 : vector<16xf32>
        %add3A_1756 = arith.constant 13 : i32
        %add3A_1757 = arith.addi %add3A_73, %add3A_1756 : i32
        %swap3A_1758 = arith.index_cast %add3A_1757 : i32 to index
        %swap3A_1759 = arith.constant 64 : index
        %swap3A_1760 = tpu.vector_load %arg11[%swap3A_1758, %swap3A_1759] {strides = array<i32>} : memref<128x128xf32, #tpu.memory_space<vmem>>, vector<1x16xf32>,
        %swap3A_1761 = vector.shape_cast %swap3A_1760 : vector<1x16xf32> to vector<16xf32>
        %swap3A_1762 = vector.shape_cast %mul3A_1755 : vector<16xf32> to vector<1x16xf32>
        tpu.vector_store %arg11[%swap3A_1758, %swap3A_1759], %swap3A_1762 {strides = array<i32>} : memref<128x128xf32, #tpu.memory_space<vmem>>, vector<1x16xf32>,
        %add3A_1763 = arith.constant 13 : i32
        %add3A_1764 = arith.addi %add3A_73, %add3A_1763 : i32
        %get3A_1765 = arith.index_cast %add3A_1764 : i32 to index
        %get3A_1766 = arith.constant 80 : index
        %get3A_1767 = tpu.vector_load %arg11[%get3A_1765, %get3A_1766] {strides = array<i32>} : memref<128x128xf32, #tpu.memory_space<vmem>>, vector<1x16xf32>,
        %get3A_1768 = vector.shape_cast %get3A_1767 : vector<1x16xf32> to vector<16xf32>
        %mul3A_1769 = arith.mulf %get3A_1768, %gather3A_1692 : vector<16xf32>
        %add3A_1770 = arith.constant 13 : i32
        %add3A_1771 = arith.addi %add3A_73, %add3A_1770 : i32
        %swap3A_1772 = arith.index_cast %add3A_1771 : i32 to index
        %swap3A_1773 = arith.constant 80 : index
        %swap3A_1774 = tpu.vector_load %arg11[%swap3A_1772, %swap3A_1773] {strides = array<i32>} : memref<128x128xf32, #tpu.memory_space<vmem>>, vector<1x16xf32>,
        %swap3A_1775 = vector.shape_cast %swap3A_1774 : vector<1x16xf32> to vector<16xf32>
        %swap3A_1776 = vector.shape_cast %mul3A_1769 : vector<16xf32> to vector<1x16xf32>
        tpu.vector_store %arg11[%swap3A_1772, %swap3A_1773], %swap3A_1776 {strides = array<i32>} : memref<128x128xf32, #tpu.memory_space<vmem>>, vector<1x16xf32>,
        %add3A_1777 = arith.constant 13 : i32
        %add3A_1778 = arith.addi %add3A_73, %add3A_1777 : i32
        %get3A_1779 = arith.index_cast %add3A_1778 : i32 to index
        %get3A_1780 = arith.constant 96 : index
        %get3A_1781 = tpu.vector_load %arg11[%get3A_1779, %get3A_1780] {strides = array<i32>} : memref<128x128xf32, #tpu.memory_space<vmem>>, vector<1x16xf32>,
        %get3A_1782 = vector.shape_cast %get3A_1781 : vector<1x16xf32> to vector<16xf32>
        %mul3A_1783 = arith.mulf %get3A_1782, %gather3A_1692 : vector<16xf32>
        %add3A_1784 = arith.constant 13 : i32
        %add3A_1785 = arith.addi %add3A_73, %add3A_1784 : i32
        %swap3A_1786 = arith.index_cast %add3A_1785 : i32 to index
        %swap3A_1787 = arith.constant 96 : index
        %swap3A_1788 = tpu.vector_load %arg11[%swap3A_1786, %swap3A_1787] {strides = array<i32>} : memref<128x128xf32, #tpu.memory_space<vmem>>, vector<1x16xf32>,
        %swap3A_1789 = vector.shape_cast %swap3A_1788 : vector<1x16xf32> to vector<16xf32>
        %swap3A_1790 = vector.shape_cast %mul3A_1783 : vector<16xf32> to vector<1x16xf32>
        tpu.vector_store %arg11[%swap3A_1786, %swap3A_1787], %swap3A_1790 {strides = array<i32>} : memref<128x128xf32, #tpu.memory_space<vmem>>, vector<1x16xf32>,
        %add3A_1791 = arith.constant 13 : i32
        %add3A_1792 = arith.addi %add3A_73, %add3A_1791 : i32
        %get3A_1793 = arith.index_cast %add3A_1792 : i32 to index
        %get3A_1794 = arith.constant 112 : index
        %get3A_1795 = tpu.vector_load %arg11[%get3A_1793, %get3A_1794] {strides = array<i32>} : memref<128x128xf32, #tpu.memory_space<vmem>>, vector<1x16xf32>,
        %get3A_1796 = vector.shape_cast %get3A_1795 : vector<1x16xf32> to vector<16xf32>
        %mul3A_1797 = arith.mulf %get3A_1796, %gather3A_1692 : vector<16xf32>
        %add3A_1798 = arith.constant 13 : i32
        %add3A_1799 = arith.addi %add3A_73, %add3A_1798 : i32
        %swap3A_1800 = arith.index_cast %add3A_1799 : i32 to index
        %swap3A_1801 = arith.constant 112 : index
        %swap3A_1802 = tpu.vector_load %arg11[%swap3A_1800, %swap3A_1801] {strides = array<i32>} : memref<128x128xf32, #tpu.memory_space<vmem>>, vector<1x16xf32>,
        %swap3A_1803 = vector.shape_cast %swap3A_1802 : vector<1x16xf32> to vector<16xf32>
        %swap3A_1804 = vector.shape_cast %mul3A_1797 : vector<16xf32> to vector<1x16xf32>
        tpu.vector_store %arg11[%swap3A_1800, %swap3A_1801], %swap3A_1804 {strides = array<i32>} : memref<128x128xf32, #tpu.memory_space<vmem>>, vector<1x16xf32>,
        %broadcast_in_dim3A_1805 = arith.constant 14 : i32
        %broadcast_in_dim3A_1806 = vector.broadcast %broadcast_in_dim3A_1805 : i32 to vector<16xi32>
        %lt3A_1807 = arith.constant 0 : i32
        %lt3A_1808 = vector.broadcast %lt3A_1807 : i32 to vector<16xi32>
        %lt3A_1809 = arith.cmpi slt, %broadcast_in_dim3A_1806, %lt3A_1808 : vector<16xi32>
        %add3A_1810 = arith.constant 16 : i32
        %add3A_1811 = vector.broadcast %add3A_1810 : i32 to vector<16xi32>
        %add3A_1812 = arith.addi %broadcast_in_dim3A_1806, %add3A_1811 : vector<16xi32>
        %select_n3A_1813 = arith.select %lt3A_1809, %add3A_1812, %broadcast_in_dim3A_1806 : vector<16xi1>, vector<16xi32>
        %broadcast_in_dim3A_1814 = vector.shape_cast %select_n3A_1813 : vector<16xi32> to vector<16x1xi32>
        %gather3A_1815 = vector.shape_cast %broadcast_in_dim3A_1814 : vector<16x1xi32> to vector<16xi32>
        %gather3A_1816 = tpu.dynamic_gather %get3A_69[%gather3A_1815] in [0] : vector<16xf32>, vector<16xi32> -> vector<16xf32>
        %add3A_1817 = arith.constant 14 : i32
        %add3A_1818 = arith.addi %add3A_73, %add3A_1817 : i32
        %get3A_1819 = arith.index_cast %add3A_1818 : i32 to index
        %get3A_1820 = arith.constant 0 : index
        %get3A_1821 = tpu.vector_load %arg11[%get3A_1819, %get3A_1820] {strides = array<i32>} : memref<128x128xf32, #tpu.memory_space<vmem>>, vector<1x16xf32>,
        %get3A_1822 = vector.shape_cast %get3A_1821 : vector<1x16xf32> to vector<16xf32>
        %mul3A_1823 = arith.mulf %get3A_1822, %gather3A_1816 : vector<16xf32>
        %add3A_1824 = arith.constant 14 : i32
        %add3A_1825 = arith.addi %add3A_73, %add3A_1824 : i32
        %swap3A_1826 = arith.index_cast %add3A_1825 : i32 to index
        %swap3A_1827 = arith.constant 0 : index
        %swap3A_1828 = tpu.vector_load %arg11[%swap3A_1826, %swap3A_1827] {strides = array<i32>} : memref<128x128xf32, #tpu.memory_space<vmem>>, vector<1x16xf32>,
        %swap3A_1829 = vector.shape_cast %swap3A_1828 : vector<1x16xf32> to vector<16xf32>
        %swap3A_1830 = vector.shape_cast %mul3A_1823 : vector<16xf32> to vector<1x16xf32>
        tpu.vector_store %arg11[%swap3A_1826, %swap3A_1827], %swap3A_1830 {strides = array<i32>} : memref<128x128xf32, #tpu.memory_space<vmem>>, vector<1x16xf32>,
        %add3A_1831 = arith.constant 14 : i32
        %add3A_1832 = arith.addi %add3A_73, %add3A_1831 : i32
        %get3A_1833 = arith.index_cast %add3A_1832 : i32 to index
        %get3A_1834 = arith.constant 16 : index
        %get3A_1835 = tpu.vector_load %arg11[%get3A_1833, %get3A_1834] {strides = array<i32>} : memref<128x128xf32, #tpu.memory_space<vmem>>, vector<1x16xf32>,
        %get3A_1836 = vector.shape_cast %get3A_1835 : vector<1x16xf32> to vector<16xf32>
        %mul3A_1837 = arith.mulf %get3A_1836, %gather3A_1816 : vector<16xf32>
        %add3A_1838 = arith.constant 14 : i32
        %add3A_1839 = arith.addi %add3A_73, %add3A_1838 : i32
        %swap3A_1840 = arith.index_cast %add3A_1839 : i32 to index
        %swap3A_1841 = arith.constant 16 : index
        %swap3A_1842 = tpu.vector_load %arg11[%swap3A_1840, %swap3A_1841] {strides = array<i32>} : memref<128x128xf32, #tpu.memory_space<vmem>>, vector<1x16xf32>,
        %swap3A_1843 = vector.shape_cast %swap3A_1842 : vector<1x16xf32> to vector<16xf32>
        %swap3A_1844 = vector.shape_cast %mul3A_1837 : vector<16xf32> to vector<1x16xf32>
        tpu.vector_store %arg11[%swap3A_1840, %swap3A_1841], %swap3A_1844 {strides = array<i32>} : memref<128x128xf32, #tpu.memory_space<vmem>>, vector<1x16xf32>,
        %add3A_1845 = arith.constant 14 : i32
        %add3A_1846 = arith.addi %add3A_73, %add3A_1845 : i32
        %get3A_1847 = arith.index_cast %add3A_1846 : i32 to index
        %get3A_1848 = arith.constant 32 : index
        %get3A_1849 = tpu.vector_load %arg11[%get3A_1847, %get3A_1848] {strides = array<i32>} : memref<128x128xf32, #tpu.memory_space<vmem>>, vector<1x16xf32>,
        %get3A_1850 = vector.shape_cast %get3A_1849 : vector<1x16xf32> to vector<16xf32>
        %mul3A_1851 = arith.mulf %get3A_1850, %gather3A_1816 : vector<16xf32>
        %add3A_1852 = arith.constant 14 : i32
        %add3A_1853 = arith.addi %add3A_73, %add3A_1852 : i32
        %swap3A_1854 = arith.index_cast %add3A_1853 : i32 to index
        %swap3A_1855 = arith.constant 32 : index
        %swap3A_1856 = tpu.vector_load %arg11[%swap3A_1854, %swap3A_1855] {strides = array<i32>} : memref<128x128xf32, #tpu.memory_space<vmem>>, vector<1x16xf32>,
        %swap3A_1857 = vector.shape_cast %swap3A_1856 : vector<1x16xf32> to vector<16xf32>
        %swap3A_1858 = vector.shape_cast %mul3A_1851 : vector<16xf32> to vector<1x16xf32>
        tpu.vector_store %arg11[%swap3A_1854, %swap3A_1855], %swap3A_1858 {strides = array<i32>} : memref<128x128xf32, #tpu.memory_space<vmem>>, vector<1x16xf32>,
        %add3A_1859 = arith.constant 14 : i32
        %add3A_1860 = arith.addi %add3A_73, %add3A_1859 : i32
        %get3A_1861 = arith.index_cast %add3A_1860 : i32 to index
        %get3A_1862 = arith.constant 48 : index
        %get3A_1863 = tpu.vector_load %arg11[%get3A_1861, %get3A_1862] {strides = array<i32>} : memref<128x128xf32, #tpu.memory_space<vmem>>, vector<1x16xf32>,
        %get3A_1864 = vector.shape_cast %get3A_1863 : vector<1x16xf32> to vector<16xf32>
        %mul3A_1865 = arith.mulf %get3A_1864, %gather3A_1816 : vector<16xf32>
        %add3A_1866 = arith.constant 14 : i32
        %add3A_1867 = arith.addi %add3A_73, %add3A_1866 : i32
        %swap3A_1868 = arith.index_cast %add3A_1867 : i32 to index
        %swap3A_1869 = arith.constant 48 : index
        %swap3A_1870 = tpu.vector_load %arg11[%swap3A_1868, %swap3A_1869] {strides = array<i32>} : memref<128x128xf32, #tpu.memory_space<vmem>>, vector<1x16xf32>,
        %swap3A_1871 = vector.shape_cast %swap3A_1870 : vector<1x16xf32> to vector<16xf32>
        %swap3A_1872 = vector.shape_cast %mul3A_1865 : vector<16xf32> to vector<1x16xf32>
        tpu.vector_store %arg11[%swap3A_1868, %swap3A_1869], %swap3A_1872 {strides = array<i32>} : memref<128x128xf32, #tpu.memory_space<vmem>>, vector<1x16xf32>,
        %add3A_1873 = arith.constant 14 : i32
        %add3A_1874 = arith.addi %add3A_73, %add3A_1873 : i32
        %get3A_1875 = arith.index_cast %add3A_1874 : i32 to index
        %get3A_1876 = arith.constant 64 : index
        %get3A_1877 = tpu.vector_load %arg11[%get3A_1875, %get3A_1876] {strides = array<i32>} : memref<128x128xf32, #tpu.memory_space<vmem>>, vector<1x16xf32>,
        %get3A_1878 = vector.shape_cast %get3A_1877 : vector<1x16xf32> to vector<16xf32>
        %mul3A_1879 = arith.mulf %get3A_1878, %gather3A_1816 : vector<16xf32>
        %add3A_1880 = arith.constant 14 : i32
        %add3A_1881 = arith.addi %add3A_73, %add3A_1880 : i32
        %swap3A_1882 = arith.index_cast %add3A_1881 : i32 to index
        %swap3A_1883 = arith.constant 64 : index
        %swap3A_1884 = tpu.vector_load %arg11[%swap3A_1882, %swap3A_1883] {strides = array<i32>} : memref<128x128xf32, #tpu.memory_space<vmem>>, vector<1x16xf32>,
        %swap3A_1885 = vector.shape_cast %swap3A_1884 : vector<1x16xf32> to vector<16xf32>
        %swap3A_1886 = vector.shape_cast %mul3A_1879 : vector<16xf32> to vector<1x16xf32>
        tpu.vector_store %arg11[%swap3A_1882, %swap3A_1883], %swap3A_1886 {strides = array<i32>} : memref<128x128xf32, #tpu.memory_space<vmem>>, vector<1x16xf32>,
        %add3A_1887 = arith.constant 14 : i32
        %add3A_1888 = arith.addi %add3A_73, %add3A_1887 : i32
        %get3A_1889 = arith.index_cast %add3A_1888 : i32 to index
        %get3A_1890 = arith.constant 80 : index
        %get3A_1891 = tpu.vector_load %arg11[%get3A_1889, %get3A_1890] {strides = array<i32>} : memref<128x128xf32, #tpu.memory_space<vmem>>, vector<1x16xf32>,
        %get3A_1892 = vector.shape_cast %get3A_1891 : vector<1x16xf32> to vector<16xf32>
        %mul3A_1893 = arith.mulf %get3A_1892, %gather3A_1816 : vector<16xf32>
        %add3A_1894 = arith.constant 14 : i32
        %add3A_1895 = arith.addi %add3A_73, %add3A_1894 : i32
        %swap3A_1896 = arith.index_cast %add3A_1895 : i32 to index
        %swap3A_1897 = arith.constant 80 : index
        %swap3A_1898 = tpu.vector_load %arg11[%swap3A_1896, %swap3A_1897] {strides = array<i32>} : memref<128x128xf32, #tpu.memory_space<vmem>>, vector<1x16xf32>,
        %swap3A_1899 = vector.shape_cast %swap3A_1898 : vector<1x16xf32> to vector<16xf32>
        %swap3A_1900 = vector.shape_cast %mul3A_1893 : vector<16xf32> to vector<1x16xf32>
        tpu.vector_store %arg11[%swap3A_1896, %swap3A_1897], %swap3A_1900 {strides = array<i32>} : memref<128x128xf32, #tpu.memory_space<vmem>>, vector<1x16xf32>,
        %add3A_1901 = arith.constant 14 : i32
        %add3A_1902 = arith.addi %add3A_73, %add3A_1901 : i32
        %get3A_1903 = arith.index_cast %add3A_1902 : i32 to index
        %get3A_1904 = arith.constant 96 : index
        %get3A_1905 = tpu.vector_load %arg11[%get3A_1903, %get3A_1904] {strides = array<i32>} : memref<128x128xf32, #tpu.memory_space<vmem>>, vector<1x16xf32>,
        %get3A_1906 = vector.shape_cast %get3A_1905 : vector<1x16xf32> to vector<16xf32>
        %mul3A_1907 = arith.mulf %get3A_1906, %gather3A_1816 : vector<16xf32>
        %add3A_1908 = arith.constant 14 : i32
        %add3A_1909 = arith.addi %add3A_73, %add3A_1908 : i32
        %swap3A_1910 = arith.index_cast %add3A_1909 : i32 to index
        %swap3A_1911 = arith.constant 96 : index
        %swap3A_1912 = tpu.vector_load %arg11[%swap3A_1910, %swap3A_1911] {strides = array<i32>} : memref<128x128xf32, #tpu.memory_space<vmem>>, vector<1x16xf32>,
        %swap3A_1913 = vector.shape_cast %swap3A_1912 : vector<1x16xf32> to vector<16xf32>
        %swap3A_1914 = vector.shape_cast %mul3A_1907 : vector<16xf32> to vector<1x16xf32>
        tpu.vector_store %arg11[%swap3A_1910, %swap3A_1911], %swap3A_1914 {strides = array<i32>} : memref<128x128xf32, #tpu.memory_space<vmem>>, vector<1x16xf32>,
        %add3A_1915 = arith.constant 14 : i32
        %add3A_1916 = arith.addi %add3A_73, %add3A_1915 : i32
        %get3A_1917 = arith.index_cast %add3A_1916 : i32 to index
        %get3A_1918 = arith.constant 112 : index
        %get3A_1919 = tpu.vector_load %arg11[%get3A_1917, %get3A_1918] {strides = array<i32>} : memref<128x128xf32, #tpu.memory_space<vmem>>, vector<1x16xf32>,
        %get3A_1920 = vector.shape_cast %get3A_1919 : vector<1x16xf32> to vector<16xf32>
        %mul3A_1921 = arith.mulf %get3A_1920, %gather3A_1816 : vector<16xf32>
        %add3A_1922 = arith.constant 14 : i32
        %add3A_1923 = arith.addi %add3A_73, %add3A_1922 : i32
        %swap3A_1924 = arith.index_cast %add3A_1923 : i32 to index
        %swap3A_1925 = arith.constant 112 : index
        %swap3A_1926 = tpu.vector_load %arg11[%swap3A_1924, %swap3A_1925] {strides = array<i32>} : memref<128x128xf32, #tpu.memory_space<vmem>>, vector<1x16xf32>,
        %swap3A_1927 = vector.shape_cast %swap3A_1926 : vector<1x16xf32> to vector<16xf32>
        %swap3A_1928 = vector.shape_cast %mul3A_1921 : vector<16xf32> to vector<1x16xf32>
        tpu.vector_store %arg11[%swap3A_1924, %swap3A_1925], %swap3A_1928 {strides = array<i32>} : memref<128x128xf32, #tpu.memory_space<vmem>>, vector<1x16xf32>,
        %broadcast_in_dim3A_1929 = arith.constant 15 : i32
        %broadcast_in_dim3A_1930 = vector.broadcast %broadcast_in_dim3A_1929 : i32 to vector<16xi32>
        %lt3A_1931 = arith.constant 0 : i32
        %lt3A_1932 = vector.broadcast %lt3A_1931 : i32 to vector<16xi32>
        %lt3A_1933 = arith.cmpi slt, %broadcast_in_dim3A_1930, %lt3A_1932 : vector<16xi32>
        %add3A_1934 = arith.constant 16 : i32
        %add3A_1935 = vector.broadcast %add3A_1934 : i32 to vector<16xi32>
        %add3A_1936 = arith.addi %broadcast_in_dim3A_1930, %add3A_1935 : vector<16xi32>
        %select_n3A_1937 = arith.select %lt3A_1933, %add3A_1936, %broadcast_in_dim3A_1930 : vector<16xi1>, vector<16xi32>
        %broadcast_in_dim3A_1938 = vector.shape_cast %select_n3A_1937 : vector<16xi32> to vector<16x1xi32>
        %gather3A_1939 = vector.shape_cast %broadcast_in_dim3A_1938 : vector<16x1xi32> to vector<16xi32>
        %gather3A_1940 = tpu.dynamic_gather %get3A_69[%gather3A_1939] in [0] : vector<16xf32>, vector<16xi32> -> vector<16xf32>
        %add3A_1941 = arith.constant 15 : i32
        %add3A_1942 = arith.addi %add3A_73, %add3A_1941 : i32
        %get3A_1943 = arith.index_cast %add3A_1942 : i32 to index
        %get3A_1944 = arith.constant 0 : index
        %get3A_1945 = tpu.vector_load %arg11[%get3A_1943, %get3A_1944] {strides = array<i32>} : memref<128x128xf32, #tpu.memory_space<vmem>>, vector<1x16xf32>,
        %get3A_1946 = vector.shape_cast %get3A_1945 : vector<1x16xf32> to vector<16xf32>
        %mul3A_1947 = arith.mulf %get3A_1946, %gather3A_1940 : vector<16xf32>
        %add3A_1948 = arith.constant 15 : i32
        %add3A_1949 = arith.addi %add3A_73, %add3A_1948 : i32
        %swap3A_1950 = arith.index_cast %add3A_1949 : i32 to index
        %swap3A_1951 = arith.constant 0 : index
        %swap3A_1952 = tpu.vector_load %arg11[%swap3A_1950, %swap3A_1951] {strides = array<i32>} : memref<128x128xf32, #tpu.memory_space<vmem>>, vector<1x16xf32>,
        %swap3A_1953 = vector.shape_cast %swap3A_1952 : vector<1x16xf32> to vector<16xf32>
        %swap3A_1954 = vector.shape_cast %mul3A_1947 : vector<16xf32> to vector<1x16xf32>
        tpu.vector_store %arg11[%swap3A_1950, %swap3A_1951], %swap3A_1954 {strides = array<i32>} : memref<128x128xf32, #tpu.memory_space<vmem>>, vector<1x16xf32>,
        %add3A_1955 = arith.constant 15 : i32
        %add3A_1956 = arith.addi %add3A_73, %add3A_1955 : i32
        %get3A_1957 = arith.index_cast %add3A_1956 : i32 to index
        %get3A_1958 = arith.constant 16 : index
        %get3A_1959 = tpu.vector_load %arg11[%get3A_1957, %get3A_1958] {strides = array<i32>} : memref<128x128xf32, #tpu.memory_space<vmem>>, vector<1x16xf32>,
        %get3A_1960 = vector.shape_cast %get3A_1959 : vector<1x16xf32> to vector<16xf32>
        %mul3A_1961 = arith.mulf %get3A_1960, %gather3A_1940 : vector<16xf32>
        %add3A_1962 = arith.constant 15 : i32
        %add3A_1963 = arith.addi %add3A_73, %add3A_1962 : i32
        %swap3A_1964 = arith.index_cast %add3A_1963 : i32 to index
        %swap3A_1965 = arith.constant 16 : index
        %swap3A_1966 = tpu.vector_load %arg11[%swap3A_1964, %swap3A_1965] {strides = array<i32>} : memref<128x128xf32, #tpu.memory_space<vmem>>, vector<1x16xf32>,
        %swap3A_1967 = vector.shape_cast %swap3A_1966 : vector<1x16xf32> to vector<16xf32>
        %swap3A_1968 = vector.shape_cast %mul3A_1961 : vector<16xf32> to vector<1x16xf32>
        tpu.vector_store %arg11[%swap3A_1964, %swap3A_1965], %swap3A_1968 {strides = array<i32>} : memref<128x128xf32, #tpu.memory_space<vmem>>, vector<1x16xf32>,
        %add3A_1969 = arith.constant 15 : i32
        %add3A_1970 = arith.addi %add3A_73, %add3A_1969 : i32
        %get3A_1971 = arith.index_cast %add3A_1970 : i32 to index
        %get3A_1972 = arith.constant 32 : index
        %get3A_1973 = tpu.vector_load %arg11[%get3A_1971, %get3A_1972] {strides = array<i32>} : memref<128x128xf32, #tpu.memory_space<vmem>>, vector<1x16xf32>,
        %get3A_1974 = vector.shape_cast %get3A_1973 : vector<1x16xf32> to vector<16xf32>
        %mul3A_1975 = arith.mulf %get3A_1974, %gather3A_1940 : vector<16xf32>
        %add3A_1976 = arith.constant 15 : i32
        %add3A_1977 = arith.addi %add3A_73, %add3A_1976 : i32
        %swap3A_1978 = arith.index_cast %add3A_1977 : i32 to index
        %swap3A_1979 = arith.constant 32 : index
        %swap3A_1980 = tpu.vector_load %arg11[%swap3A_1978, %swap3A_1979] {strides = array<i32>} : memref<128x128xf32, #tpu.memory_space<vmem>>, vector<1x16xf32>,
        %swap3A_1981 = vector.shape_cast %swap3A_1980 : vector<1x16xf32> to vector<16xf32>
        %swap3A_1982 = vector.shape_cast %mul3A_1975 : vector<16xf32> to vector<1x16xf32>
        tpu.vector_store %arg11[%swap3A_1978, %swap3A_1979], %swap3A_1982 {strides = array<i32>} : memref<128x128xf32, #tpu.memory_space<vmem>>, vector<1x16xf32>,
        %add3A_1983 = arith.constant 15 : i32
        %add3A_1984 = arith.addi %add3A_73, %add3A_1983 : i32
        %get3A_1985 = arith.index_cast %add3A_1984 : i32 to index
        %get3A_1986 = arith.constant 48 : index
        %get3A_1987 = tpu.vector_load %arg11[%get3A_1985, %get3A_1986] {strides = array<i32>} : memref<128x128xf32, #tpu.memory_space<vmem>>, vector<1x16xf32>,
        %get3A_1988 = vector.shape_cast %get3A_1987 : vector<1x16xf32> to vector<16xf32>
        %mul3A_1989 = arith.mulf %get3A_1988, %gather3A_1940 : vector<16xf32>
        %add3A_1990 = arith.constant 15 : i32
        %add3A_1991 = arith.addi %add3A_73, %add3A_1990 : i32
        %swap3A_1992 = arith.index_cast %add3A_1991 : i32 to index
        %swap3A_1993 = arith.constant 48 : index
        %swap3A_1994 = tpu.vector_load %arg11[%swap3A_1992, %swap3A_1993] {strides = array<i32>} : memref<128x128xf32, #tpu.memory_space<vmem>>, vector<1x16xf32>,
        %swap3A_1995 = vector.shape_cast %swap3A_1994 : vector<1x16xf32> to vector<16xf32>
        %swap3A_1996 = vector.shape_cast %mul3A_1989 : vector<16xf32> to vector<1x16xf32>
        tpu.vector_store %arg11[%swap3A_1992, %swap3A_1993], %swap3A_1996 {strides = array<i32>} : memref<128x128xf32, #tpu.memory_space<vmem>>, vector<1x16xf32>,
        %add3A_1997 = arith.constant 15 : i32
        %add3A_1998 = arith.addi %add3A_73, %add3A_1997 : i32
        %get3A_1999 = arith.index_cast %add3A_1998 : i32 to index
        %get3A_2000 = arith.constant 64 : index
        %get3A_2001 = tpu.vector_load %arg11[%get3A_1999, %get3A_2000] {strides = array<i32>} : memref<128x128xf32, #tpu.memory_space<vmem>>, vector<1x16xf32>,
        %get3A_2002 = vector.shape_cast %get3A_2001 : vector<1x16xf32> to vector<16xf32>
        %mul3A_2003 = arith.mulf %get3A_2002, %gather3A_1940 : vector<16xf32>
        %add3A_2004 = arith.constant 15 : i32
        %add3A_2005 = arith.addi %add3A_73, %add3A_2004 : i32
        %swap3A_2006 = arith.index_cast %add3A_2005 : i32 to index
        %swap3A_2007 = arith.constant 64 : index
        %swap3A_2008 = tpu.vector_load %arg11[%swap3A_2006, %swap3A_2007] {strides = array<i32>} : memref<128x128xf32, #tpu.memory_space<vmem>>, vector<1x16xf32>,
        %swap3A_2009 = vector.shape_cast %swap3A_2008 : vector<1x16xf32> to vector<16xf32>
        %swap3A_2010 = vector.shape_cast %mul3A_2003 : vector<16xf32> to vector<1x16xf32>
        tpu.vector_store %arg11[%swap3A_2006, %swap3A_2007], %swap3A_2010 {strides = array<i32>} : memref<128x128xf32, #tpu.memory_space<vmem>>, vector<1x16xf32>,
        %add3A_2011 = arith.constant 15 : i32
        %add3A_2012 = arith.addi %add3A_73, %add3A_2011 : i32
        %get3A_2013 = arith.index_cast %add3A_2012 : i32 to index
        %get3A_2014 = arith.constant 80 : index
        %get3A_2015 = tpu.vector_load %arg11[%get3A_2013, %get3A_2014] {strides = array<i32>} : memref<128x128xf32, #tpu.memory_space<vmem>>, vector<1x16xf32>,
        %get3A_2016 = vector.shape_cast %get3A_2015 : vector<1x16xf32> to vector<16xf32>
        %mul3A_2017 = arith.mulf %get3A_2016, %gather3A_1940 : vector<16xf32>
        %add3A_2018 = arith.constant 15 : i32
        %add3A_2019 = arith.addi %add3A_73, %add3A_2018 : i32
        %swap3A_2020 = arith.index_cast %add3A_2019 : i32 to index
        %swap3A_2021 = arith.constant 80 : index
        %swap3A_2022 = tpu.vector_load %arg11[%swap3A_2020, %swap3A_2021] {strides = array<i32>} : memref<128x128xf32, #tpu.memory_space<vmem>>, vector<1x16xf32>,
        %swap3A_2023 = vector.shape_cast %swap3A_2022 : vector<1x16xf32> to vector<16xf32>
        %swap3A_2024 = vector.shape_cast %mul3A_2017 : vector<16xf32> to vector<1x16xf32>
        tpu.vector_store %arg11[%swap3A_2020, %swap3A_2021], %swap3A_2024 {strides = array<i32>} : memref<128x128xf32, #tpu.memory_space<vmem>>, vector<1x16xf32>,
        %add3A_2025 = arith.constant 15 : i32
        %add3A_2026 = arith.addi %add3A_73, %add3A_2025 : i32
        %get3A_2027 = arith.index_cast %add3A_2026 : i32 to index
        %get3A_2028 = arith.constant 96 : index
        %get3A_2029 = tpu.vector_load %arg11[%get3A_2027, %get3A_2028] {strides = array<i32>} : memref<128x128xf32, #tpu.memory_space<vmem>>, vector<1x16xf32>,
        %get3A_2030 = vector.shape_cast %get3A_2029 : vector<1x16xf32> to vector<16xf32>
        %mul3A_2031 = arith.mulf %get3A_2030, %gather3A_1940 : vector<16xf32>
        %add3A_2032 = arith.constant 15 : i32
        %add3A_2033 = arith.addi %add3A_73, %add3A_2032 : i32
        %swap3A_2034 = arith.index_cast %add3A_2033 : i32 to index
        %swap3A_2035 = arith.constant 96 : index
        %swap3A_2036 = tpu.vector_load %arg11[%swap3A_2034, %swap3A_2035] {strides = array<i32>} : memref<128x128xf32, #tpu.memory_space<vmem>>, vector<1x16xf32>,
        %swap3A_2037 = vector.shape_cast %swap3A_2036 : vector<1x16xf32> to vector<16xf32>
        %swap3A_2038 = vector.shape_cast %mul3A_2031 : vector<16xf32> to vector<1x16xf32>
        tpu.vector_store %arg11[%swap3A_2034, %swap3A_2035], %swap3A_2038 {strides = array<i32>} : memref<128x128xf32, #tpu.memory_space<vmem>>, vector<1x16xf32>,
        %add3A_2039 = arith.constant 15 : i32
        %add3A_2040 = arith.addi %add3A_73, %add3A_2039 : i32
        %get3A_2041 = arith.index_cast %add3A_2040 : i32 to index
        %get3A_2042 = arith.constant 112 : index
        %get3A_2043 = tpu.vector_load %arg11[%get3A_2041, %get3A_2042] {strides = array<i32>} : memref<128x128xf32, #tpu.memory_space<vmem>>, vector<1x16xf32>,
        %get3A_2044 = vector.shape_cast %get3A_2043 : vector<1x16xf32> to vector<16xf32>
        %mul3A_2045 = arith.mulf %get3A_2044, %gather3A_1940 : vector<16xf32>
        %add3A_2046 = arith.constant 15 : i32
        %add3A_2047 = arith.addi %add3A_73, %add3A_2046 : i32
        %swap3A_2048 = arith.index_cast %add3A_2047 : i32 to index
        %swap3A_2049 = arith.constant 112 : index
        %swap3A_2050 = tpu.vector_load %arg11[%swap3A_2048, %swap3A_2049] {strides = array<i32>} : memref<128x128xf32, #tpu.memory_space<vmem>>, vector<1x16xf32>,
        %swap3A_2051 = vector.shape_cast %swap3A_2050 : vector<1x16xf32> to vector<16xf32>
        %swap3A_2052 = vector.shape_cast %mul3A_2045 : vector<16xf32> to vector<1x16xf32>
        tpu.vector_store %arg11[%swap3A_2048, %swap3A_2049], %swap3A_2052 {strides = array<i32>} : memref<128x128xf32, #tpu.memory_space<vmem>>, vector<1x16xf32>,
        %scan3A_2053 = arith.constant 0 : i32
        scf.yield %scan3A_2053 : i32
      }
      %scan3A_43 = arith.constant 4 : i32
      %dma_wait3A_44 = arith.constant 64 : i32
      %dma_wait3A_45 = arith.constant 0 : i32
      %dma_wait3A_46 = tpu.memref_slice %arg11[%dma_wait3A_44, %dma_wait3A_45] : memref<128x128xf32, #tpu.memory_space<vmem>> -> memref<64x128xf32, #tpu.memory_space<vmem>>
      %dma_wait3A_47 = arith.constant 64 : i32
      %dma_wait3A_48 = tpu.memref_slice %arg8[%scan3A_10, %dma_wait3A_47] : memref<80x128xi32, #tpu.memory_space<vmem>> -> memref<1x64xi32, #tpu.memory_space<vmem>>
      %dma_wait3A_49 = tpu.memref_squeeze %dma_wait3A_48 : memref<1x64xi32, #tpu.memory_space<vmem>> -> memref<64xi32, #tpu.memory_space<vmem>>
      %dma_wait3A_50 = arith.constant 0 : i32
      %dma_wait3A_51 = arith.constant 0 : i32
      %dma_wait3A_52 = tpu.memref_slice %arg2[%dma_wait3A_50, %dma_wait3A_51] : memref<500000x128xf32, #tpu.memory_space<hbm>> -> memref<500000x128xf32, #tpu.memory_space<hbm>>
      tpu.wait_indirect_dma semaphore(%arg14 : memref<!tpu.dma_semaphore, #tpu.memory_space<semaphore_mem>>) src(%dma_wait3A_52 : memref<500000x128xf32, #tpu.memory_space<hbm>>) dst(%dma_wait3A_46 : memref<64x128xf32, #tpu.memory_space<vmem>>)
      %scan3A_53 = arith.constant 0 : i32
      %scan3A_54 = arith.constant 0 : i32
      %scan3A_55 = arith.constant 4 : i32
      %scan3A_56 = arith.addi %scan3A_54, %scan3A_55 : i32
      %scan3A_57 = arith.constant 1 : i32
      %scan3A_58 = scf.for %scan3A_61 = %scan3A_54 to %scan3A_56 step %scan3A_57 iter_args(%scan3A_62 = %scan3A_53) -> (i32)  : i32 {
        %mul3A_63 = arith.constant 16 : i32
        %mul3A_64 = arith.muli %scan3A_61, %mul3A_63 : i32
        %add3A_65 = arith.constant 64 : i32
        %add3A_66 = arith.addi %add3A_65, %mul3A_64 : i32
        %get3A = arith.index_cast %scan3A_10 : i32 to index
        %get3A_67 = arith.index_cast %add3A_66 : i32 to index
        %get3A_68 = tpu.vector_load %arg10[%get3A, %get3A_67] {strides = array<i32>} : memref<80x128xf32, #tpu.memory_space<vmem>>, vector<1x16xf32>,
        %get3A_69 = vector.shape_cast %get3A_68 : vector<1x16xf32> to vector<16xf32>
        %mul3A_70 = arith.constant 16 : i32
        %mul3A_71 = arith.muli %scan3A_61, %mul3A_70 : i32
        %add3A_72 = arith.constant 64 : i32
        %add3A_73 = arith.addi %add3A_72, %mul3A_71 : i32
        %broadcast_in_dim3A = arith.constant 0 : i32
        %broadcast_in_dim3A_74 = vector.broadcast %broadcast_in_dim3A : i32 to vector<16xi32>
        %lt3A = arith.constant 0 : i32
        %lt3A_75 = vector.broadcast %lt3A : i32 to vector<16xi32>
        %lt3A_76 = arith.cmpi slt, %broadcast_in_dim3A_74, %lt3A_75 : vector<16xi32>
        %add3A_77 = arith.constant 16 : i32
        %add3A_78 = vector.broadcast %add3A_77 : i32 to vector<16xi32>
        %add3A_79 = arith.addi %broadcast_in_dim3A_74, %add3A_78 : vector<16xi32>
        %select_n3A = arith.select %lt3A_76, %add3A_79, %broadcast_in_dim3A_74 : vector<16xi1>, vector<16xi32>
        %broadcast_in_dim3A_80 = vector.shape_cast %select_n3A : vector<16xi32> to vector<16x1xi32>
        %gather3A = vector.shape_cast %broadcast_in_dim3A_80 : vector<16x1xi32> to vector<16xi32>
        %gather3A_81 = tpu.dynamic_gather %get3A_69[%gather3A] in [0] : vector<16xf32>, vector<16xi32> -> vector<16xf32>
        %add3A_82 = arith.constant 0 : i32
        %add3A_83 = arith.addi %add3A_73, %add3A_82 : i32
        %get3A_84 = arith.index_cast %add3A_83 : i32 to index
        %get3A_85 = arith.constant 0 : index
        %get3A_86 = tpu.vector_load %arg11[%get3A_84, %get3A_85] {strides = array<i32>} : memref<128x128xf32, #tpu.memory_space<vmem>>, vector<1x16xf32>,
        %get3A_87 = vector.shape_cast %get3A_86 : vector<1x16xf32> to vector<16xf32>
        %mul3A_88 = arith.mulf %get3A_87, %gather3A_81 : vector<16xf32>
        %add3A_89 = arith.constant 0 : i32
        %add3A_90 = arith.addi %add3A_73, %add3A_89 : i32
        %swap3A = arith.index_cast %add3A_90 : i32 to index
        %swap3A_91 = arith.constant 0 : index
        %swap3A_92 = tpu.vector_load %arg11[%swap3A, %swap3A_91] {strides = array<i32>} : memref<128x128xf32, #tpu.memory_space<vmem>>, vector<1x16xf32>,
        %swap3A_93 = vector.shape_cast %swap3A_92 : vector<1x16xf32> to vector<16xf32>
        %swap3A_94 = vector.shape_cast %mul3A_88 : vector<16xf32> to vector<1x16xf32>
        tpu.vector_store %arg11[%swap3A, %swap3A_91], %swap3A_94 {strides = array<i32>} : memref<128x128xf32, #tpu.memory_space<vmem>>, vector<1x16xf32>,
        %add3A_95 = arith.constant 0 : i32
        %add3A_96 = arith.addi %add3A_73, %add3A_95 : i32
        %get3A_97 = arith.index_cast %add3A_96 : i32 to index
        %get3A_98 = arith.constant 16 : index
        %get3A_99 = tpu.vector_load %arg11[%get3A_97, %get3A_98] {strides = array<i32>} : memref<128x128xf32, #tpu.memory_space<vmem>>, vector<1x16xf32>,
        %get3A_100 = vector.shape_cast %get3A_99 : vector<1x16xf32> to vector<16xf32>
        %mul3A_101 = arith.mulf %get3A_100, %gather3A_81 : vector<16xf32>
        %add3A_102 = arith.constant 0 : i32
        %add3A_103 = arith.addi %add3A_73, %add3A_102 : i32
        %swap3A_104 = arith.index_cast %add3A_103 : i32 to index
        %swap3A_105 = arith.constant 16 : index
        %swap3A_106 = tpu.vector_load %arg11[%swap3A_104, %swap3A_105] {strides = array<i32>} : memref<128x128xf32, #tpu.memory_space<vmem>>, vector<1x16xf32>,
        %swap3A_107 = vector.shape_cast %swap3A_106 : vector<1x16xf32> to vector<16xf32>
        %swap3A_108 = vector.shape_cast %mul3A_101 : vector<16xf32> to vector<1x16xf32>
        tpu.vector_store %arg11[%swap3A_104, %swap3A_105], %swap3A_108 {strides = array<i32>} : memref<128x128xf32, #tpu.memory_space<vmem>>, vector<1x16xf32>,
        %add3A_109 = arith.constant 0 : i32
        %add3A_110 = arith.addi %add3A_73, %add3A_109 : i32
        %get3A_111 = arith.index_cast %add3A_110 : i32 to index
        %get3A_112 = arith.constant 32 : index
        %get3A_113 = tpu.vector_load %arg11[%get3A_111, %get3A_112] {strides = array<i32>} : memref<128x128xf32, #tpu.memory_space<vmem>>, vector<1x16xf32>,
        %get3A_114 = vector.shape_cast %get3A_113 : vector<1x16xf32> to vector<16xf32>
        %mul3A_115 = arith.mulf %get3A_114, %gather3A_81 : vector<16xf32>
        %add3A_116 = arith.constant 0 : i32
        %add3A_117 = arith.addi %add3A_73, %add3A_116 : i32
        %swap3A_118 = arith.index_cast %add3A_117 : i32 to index
        %swap3A_119 = arith.constant 32 : index
        %swap3A_120 = tpu.vector_load %arg11[%swap3A_118, %swap3A_119] {strides = array<i32>} : memref<128x128xf32, #tpu.memory_space<vmem>>, vector<1x16xf32>,
        %swap3A_121 = vector.shape_cast %swap3A_120 : vector<1x16xf32> to vector<16xf32>
        %swap3A_122 = vector.shape_cast %mul3A_115 : vector<16xf32> to vector<1x16xf32>
        tpu.vector_store %arg11[%swap3A_118, %swap3A_119], %swap3A_122 {strides = array<i32>} : memref<128x128xf32, #tpu.memory_space<vmem>>, vector<1x16xf32>,
        %add3A_123 = arith.constant 0 : i32
        %add3A_124 = arith.addi %add3A_73, %add3A_123 : i32
        %get3A_125 = arith.index_cast %add3A_124 : i32 to index
        %get3A_126 = arith.constant 48 : index
        %get3A_127 = tpu.vector_load %arg11[%get3A_125, %get3A_126] {strides = array<i32>} : memref<128x128xf32, #tpu.memory_space<vmem>>, vector<1x16xf32>,
        %get3A_128 = vector.shape_cast %get3A_127 : vector<1x16xf32> to vector<16xf32>
        %mul3A_129 = arith.mulf %get3A_128, %gather3A_81 : vector<16xf32>
        %add3A_130 = arith.constant 0 : i32
        %add3A_131 = arith.addi %add3A_73, %add3A_130 : i32
        %swap3A_132 = arith.index_cast %add3A_131 : i32 to index
        %swap3A_133 = arith.constant 48 : index
        %swap3A_134 = tpu.vector_load %arg11[%swap3A_132, %swap3A_133] {strides = array<i32>} : memref<128x128xf32, #tpu.memory_space<vmem>>, vector<1x16xf32>,
        %swap3A_135 = vector.shape_cast %swap3A_134 : vector<1x16xf32> to vector<16xf32>
        %swap3A_136 = vector.shape_cast %mul3A_129 : vector<16xf32> to vector<1x16xf32>
        tpu.vector_store %arg11[%swap3A_132, %swap3A_133], %swap3A_136 {strides = array<i32>} : memref<128x128xf32, #tpu.memory_space<vmem>>, vector<1x16xf32>,
        %add3A_137 = arith.constant 0 : i32
        %add3A_138 = arith.addi %add3A_73, %add3A_137 : i32
        %get3A_139 = arith.index_cast %add3A_138 : i32 to index
        %get3A_140 = arith.constant 64 : index
        %get3A_141 = tpu.vector_load %arg11[%get3A_139, %get3A_140] {strides = array<i32>} : memref<128x128xf32, #tpu.memory_space<vmem>>, vector<1x16xf32>,
        %get3A_142 = vector.shape_cast %get3A_141 : vector<1x16xf32> to vector<16xf32>
        %mul3A_143 = arith.mulf %get3A_142, %gather3A_81 : vector<16xf32>
        %add3A_144 = arith.constant 0 : i32
        %add3A_145 = arith.addi %add3A_73, %add3A_144 : i32
        %swap3A_146 = arith.index_cast %add3A_145 : i32 to index
        %swap3A_147 = arith.constant 64 : index
        %swap3A_148 = tpu.vector_load %arg11[%swap3A_146, %swap3A_147] {strides = array<i32>} : memref<128x128xf32, #tpu.memory_space<vmem>>, vector<1x16xf32>,
        %swap3A_149 = vector.shape_cast %swap3A_148 : vector<1x16xf32> to vector<16xf32>
        %swap3A_150 = vector.shape_cast %mul3A_143 : vector<16xf32> to vector<1x16xf32>
        tpu.vector_store %arg11[%swap3A_146, %swap3A_147], %swap3A_150 {strides = array<i32>} : memref<128x128xf32, #tpu.memory_space<vmem>>, vector<1x16xf32>,
        %add3A_151 = arith.constant 0 : i32
        %add3A_152 = arith.addi %add3A_73, %add3A_151 : i32
        %get3A_153 = arith.index_cast %add3A_152 : i32 to index
        %get3A_154 = arith.constant 80 : index
        %get3A_155 = tpu.vector_load %arg11[%get3A_153, %get3A_154] {strides = array<i32>} : memref<128x128xf32, #tpu.memory_space<vmem>>, vector<1x16xf32>,
        %get3A_156 = vector.shape_cast %get3A_155 : vector<1x16xf32> to vector<16xf32>
        %mul3A_157 = arith.mulf %get3A_156, %gather3A_81 : vector<16xf32>
        %add3A_158 = arith.constant 0 : i32
        %add3A_159 = arith.addi %add3A_73, %add3A_158 : i32
        %swap3A_160 = arith.index_cast %add3A_159 : i32 to index
        %swap3A_161 = arith.constant 80 : index
        %swap3A_162 = tpu.vector_load %arg11[%swap3A_160, %swap3A_161] {strides = array<i32>} : memref<128x128xf32, #tpu.memory_space<vmem>>, vector<1x16xf32>,
        %swap3A_163 = vector.shape_cast %swap3A_162 : vector<1x16xf32> to vector<16xf32>
        %swap3A_164 = vector.shape_cast %mul3A_157 : vector<16xf32> to vector<1x16xf32>
        tpu.vector_store %arg11[%swap3A_160, %swap3A_161], %swap3A_164 {strides = array<i32>} : memref<128x128xf32, #tpu.memory_space<vmem>>, vector<1x16xf32>,
        %add3A_165 = arith.constant 0 : i32
        %add3A_166 = arith.addi %add3A_73, %add3A_165 : i32
        %get3A_167 = arith.index_cast %add3A_166 : i32 to index
        %get3A_168 = arith.constant 96 : index
        %get3A_169 = tpu.vector_load %arg11[%get3A_167, %get3A_168] {strides = array<i32>} : memref<128x128xf32, #tpu.memory_space<vmem>>, vector<1x16xf32>,
        %get3A_170 = vector.shape_cast %get3A_169 : vector<1x16xf32> to vector<16xf32>
        %mul3A_171 = arith.mulf %get3A_170, %gather3A_81 : vector<16xf32>
        %add3A_172 = arith.constant 0 : i32
        %add3A_173 = arith.addi %add3A_73, %add3A_172 : i32
        %swap3A_174 = arith.index_cast %add3A_173 : i32 to index
        %swap3A_175 = arith.constant 96 : index
        %swap3A_176 = tpu.vector_load %arg11[%swap3A_174, %swap3A_175] {strides = array<i32>} : memref<128x128xf32, #tpu.memory_space<vmem>>, vector<1x16xf32>,
        %swap3A_177 = vector.shape_cast %swap3A_176 : vector<1x16xf32> to vector<16xf32>
        %swap3A_178 = vector.shape_cast %mul3A_171 : vector<16xf32> to vector<1x16xf32>
        tpu.vector_store %arg11[%swap3A_174, %swap3A_175], %swap3A_178 {strides = array<i32>} : memref<128x128xf32, #tpu.memory_space<vmem>>, vector<1x16xf32>,
        %add3A_179 = arith.constant 0 : i32
        %add3A_180 = arith.addi %add3A_73, %add3A_179 : i32
        %get3A_181 = arith.index_cast %add3A_180 : i32 to index
        %get3A_182 = arith.constant 112 : index
        %get3A_183 = tpu.vector_load %arg11[%get3A_181, %get3A_182] {strides = array<i32>} : memref<128x128xf32, #tpu.memory_space<vmem>>, vector<1x16xf32>,
        %get3A_184 = vector.shape_cast %get3A_183 : vector<1x16xf32> to vector<16xf32>
        %mul3A_185 = arith.mulf %get3A_184, %gather3A_81 : vector<16xf32>
        %add3A_186 = arith.constant 0 : i32
        %add3A_187 = arith.addi %add3A_73, %add3A_186 : i32
        %swap3A_188 = arith.index_cast %add3A_187 : i32 to index
        %swap3A_189 = arith.constant 112 : index
        %swap3A_190 = tpu.vector_load %arg11[%swap3A_188, %swap3A_189] {strides = array<i32>} : memref<128x128xf32, #tpu.memory_space<vmem>>, vector<1x16xf32>,
        %swap3A_191 = vector.shape_cast %swap3A_190 : vector<1x16xf32> to vector<16xf32>
        %swap3A_192 = vector.shape_cast %mul3A_185 : vector<16xf32> to vector<1x16xf32>
        tpu.vector_store %arg11[%swap3A_188, %swap3A_189], %swap3A_192 {strides = array<i32>} : memref<128x128xf32, #tpu.memory_space<vmem>>, vector<1x16xf32>,
        %broadcast_in_dim3A_193 = arith.constant 1 : i32
        %broadcast_in_dim3A_194 = vector.broadcast %broadcast_in_dim3A_193 : i32 to vector<16xi32>
        %lt3A_195 = arith.constant 0 : i32
        %lt3A_196 = vector.broadcast %lt3A_195 : i32 to vector<16xi32>
        %lt3A_197 = arith.cmpi slt, %broadcast_in_dim3A_194, %lt3A_196 : vector<16xi32>
        %add3A_198 = arith.constant 16 : i32
        %add3A_199 = vector.broadcast %add3A_198 : i32 to vector<16xi32>
        %add3A_200 = arith.addi %broadcast_in_dim3A_194, %add3A_199 : vector<16xi32>
        %select_n3A_201 = arith.select %lt3A_197, %add3A_200, %broadcast_in_dim3A_194 : vector<16xi1>, vector<16xi32>
        %broadcast_in_dim3A_202 = vector.shape_cast %select_n3A_201 : vector<16xi32> to vector<16x1xi32>
        %gather3A_203 = vector.shape_cast %broadcast_in_dim3A_202 : vector<16x1xi32> to vector<16xi32>
        %gather3A_204 = tpu.dynamic_gather %get3A_69[%gather3A_203] in [0] : vector<16xf32>, vector<16xi32> -> vector<16xf32>
        %add3A_205 = arith.constant 1 : i32
        %add3A_206 = arith.addi %add3A_73, %add3A_205 : i32
        %get3A_207 = arith.index_cast %add3A_206 : i32 to index
        %get3A_208 = arith.constant 0 : index
        %get3A_209 = tpu.vector_load %arg11[%get3A_207, %get3A_208] {strides = array<i32>} : memref<128x128xf32, #tpu.memory_space<vmem>>, vector<1x16xf32>,
        %get3A_210 = vector.shape_cast %get3A_209 : vector<1x16xf32> to vector<16xf32>
        %mul3A_211 = arith.mulf %get3A_210, %gather3A_204 : vector<16xf32>
        %add3A_212 = arith.constant 1 : i32
        %add3A_213 = arith.addi %add3A_73, %add3A_212 : i32
        %swap3A_214 = arith.index_cast %add3A_213 : i32 to index
        %swap3A_215 = arith.constant 0 : index
        %swap3A_216 = tpu.vector_load %arg11[%swap3A_214, %swap3A_215] {strides = array<i32>} : memref<128x128xf32, #tpu.memory_space<vmem>>, vector<1x16xf32>,
        %swap3A_217 = vector.shape_cast %swap3A_216 : vector<1x16xf32> to vector<16xf32>
        %swap3A_218 = vector.shape_cast %mul3A_211 : vector<16xf32> to vector<1x16xf32>
        tpu.vector_store %arg11[%swap3A_214, %swap3A_215], %swap3A_218 {strides = array<i32>} : memref<128x128xf32, #tpu.memory_space<vmem>>, vector<1x16xf32>,
        %add3A_219 = arith.constant 1 : i32
        %add3A_220 = arith.addi %add3A_73, %add3A_219 : i32
        %get3A_221 = arith.index_cast %add3A_220 : i32 to index
        %get3A_222 = arith.constant 16 : index
        %get3A_223 = tpu.vector_load %arg11[%get3A_221, %get3A_222] {strides = array<i32>} : memref<128x128xf32, #tpu.memory_space<vmem>>, vector<1x16xf32>,
        %get3A_224 = vector.shape_cast %get3A_223 : vector<1x16xf32> to vector<16xf32>
        %mul3A_225 = arith.mulf %get3A_224, %gather3A_204 : vector<16xf32>
        %add3A_226 = arith.constant 1 : i32
        %add3A_227 = arith.addi %add3A_73, %add3A_226 : i32
        %swap3A_228 = arith.index_cast %add3A_227 : i32 to index
        %swap3A_229 = arith.constant 16 : index
        %swap3A_230 = tpu.vector_load %arg11[%swap3A_228, %swap3A_229] {strides = array<i32>} : memref<128x128xf32, #tpu.memory_space<vmem>>, vector<1x16xf32>,
        %swap3A_231 = vector.shape_cast %swap3A_230 : vector<1x16xf32> to vector<16xf32>
        %swap3A_232 = vector.shape_cast %mul3A_225 : vector<16xf32> to vector<1x16xf32>
        tpu.vector_store %arg11[%swap3A_228, %swap3A_229], %swap3A_232 {strides = array<i32>} : memref<128x128xf32, #tpu.memory_space<vmem>>, vector<1x16xf32>,
        %add3A_233 = arith.constant 1 : i32
        %add3A_234 = arith.addi %add3A_73, %add3A_233 : i32
        %get3A_235 = arith.index_cast %add3A_234 : i32 to index
        %get3A_236 = arith.constant 32 : index
        %get3A_237 = tpu.vector_load %arg11[%get3A_235, %get3A_236] {strides = array<i32>} : memref<128x128xf32, #tpu.memory_space<vmem>>, vector<1x16xf32>,
        %get3A_238 = vector.shape_cast %get3A_237 : vector<1x16xf32> to vector<16xf32>
        %mul3A_239 = arith.mulf %get3A_238, %gather3A_204 : vector<16xf32>
        %add3A_240 = arith.constant 1 : i32
        %add3A_241 = arith.addi %add3A_73, %add3A_240 : i32
        %swap3A_242 = arith.index_cast %add3A_241 : i32 to index
        %swap3A_243 = arith.constant 32 : index
        %swap3A_244 = tpu.vector_load %arg11[%swap3A_242, %swap3A_243] {strides = array<i32>} : memref<128x128xf32, #tpu.memory_space<vmem>>, vector<1x16xf32>,
        %swap3A_245 = vector.shape_cast %swap3A_244 : vector<1x16xf32> to vector<16xf32>
        %swap3A_246 = vector.shape_cast %mul3A_239 : vector<16xf32> to vector<1x16xf32>
        tpu.vector_store %arg11[%swap3A_242, %swap3A_243], %swap3A_246 {strides = array<i32>} : memref<128x128xf32, #tpu.memory_space<vmem>>, vector<1x16xf32>,
        %add3A_247 = arith.constant 1 : i32
        %add3A_248 = arith.addi %add3A_73, %add3A_247 : i32
        %get3A_249 = arith.index_cast %add3A_248 : i32 to index
        %get3A_250 = arith.constant 48 : index
        %get3A_251 = tpu.vector_load %arg11[%get3A_249, %get3A_250] {strides = array<i32>} : memref<128x128xf32, #tpu.memory_space<vmem>>, vector<1x16xf32>,
        %get3A_252 = vector.shape_cast %get3A_251 : vector<1x16xf32> to vector<16xf32>
        %mul3A_253 = arith.mulf %get3A_252, %gather3A_204 : vector<16xf32>
        %add3A_254 = arith.constant 1 : i32
        %add3A_255 = arith.addi %add3A_73, %add3A_254 : i32
        %swap3A_256 = arith.index_cast %add3A_255 : i32 to index
        %swap3A_257 = arith.constant 48 : index
        %swap3A_258 = tpu.vector_load %arg11[%swap3A_256, %swap3A_257] {strides = array<i32>} : memref<128x128xf32, #tpu.memory_space<vmem>>, vector<1x16xf32>,
        %swap3A_259 = vector.shape_cast %swap3A_258 : vector<1x16xf32> to vector<16xf32>
        %swap3A_260 = vector.shape_cast %mul3A_253 : vector<16xf32> to vector<1x16xf32>
        tpu.vector_store %arg11[%swap3A_256, %swap3A_257], %swap3A_260 {strides = array<i32>} : memref<128x128xf32, #tpu.memory_space<vmem>>, vector<1x16xf32>,
        %add3A_261 = arith.constant 1 : i32
        %add3A_262 = arith.addi %add3A_73, %add3A_261 : i32
        %get3A_263 = arith.index_cast %add3A_262 : i32 to index
        %get3A_264 = arith.constant 64 : index
        %get3A_265 = tpu.vector_load %arg11[%get3A_263, %get3A_264] {strides = array<i32>} : memref<128x128xf32, #tpu.memory_space<vmem>>, vector<1x16xf32>,
        %get3A_266 = vector.shape_cast %get3A_265 : vector<1x16xf32> to vector<16xf32>
        %mul3A_267 = arith.mulf %get3A_266, %gather3A_204 : vector<16xf32>
        %add3A_268 = arith.constant 1 : i32
        %add3A_269 = arith.addi %add3A_73, %add3A_268 : i32
        %swap3A_270 = arith.index_cast %add3A_269 : i32 to index
        %swap3A_271 = arith.constant 64 : index
        %swap3A_272 = tpu.vector_load %arg11[%swap3A_270, %swap3A_271] {strides = array<i32>} : memref<128x128xf32, #tpu.memory_space<vmem>>, vector<1x16xf32>,
        %swap3A_273 = vector.shape_cast %swap3A_272 : vector<1x16xf32> to vector<16xf32>
        %swap3A_274 = vector.shape_cast %mul3A_267 : vector<16xf32> to vector<1x16xf32>
        tpu.vector_store %arg11[%swap3A_270, %swap3A_271], %swap3A_274 {strides = array<i32>} : memref<128x128xf32, #tpu.memory_space<vmem>>, vector<1x16xf32>,
        %add3A_275 = arith.constant 1 : i32
        %add3A_276 = arith.addi %add3A_73, %add3A_275 : i32
        %get3A_277 = arith.index_cast %add3A_276 : i32 to index
        %get3A_278 = arith.constant 80 : index
        %get3A_279 = tpu.vector_load %arg11[%get3A_277, %get3A_278] {strides = array<i32>} : memref<128x128xf32, #tpu.memory_space<vmem>>, vector<1x16xf32>,
        %get3A_280 = vector.shape_cast %get3A_279 : vector<1x16xf32> to vector<16xf32>
        %mul3A_281 = arith.mulf %get3A_280, %gather3A_204 : vector<16xf32>
        %add3A_282 = arith.constant 1 : i32
        %add3A_283 = arith.addi %add3A_73, %add3A_282 : i32
        %swap3A_284 = arith.index_cast %add3A_283 : i32 to index
        %swap3A_285 = arith.constant 80 : index
        %swap3A_286 = tpu.vector_load %arg11[%swap3A_284, %swap3A_285] {strides = array<i32>} : memref<128x128xf32, #tpu.memory_space<vmem>>, vector<1x16xf32>,
        %swap3A_287 = vector.shape_cast %swap3A_286 : vector<1x16xf32> to vector<16xf32>
        %swap3A_288 = vector.shape_cast %mul3A_281 : vector<16xf32> to vector<1x16xf32>
        tpu.vector_store %arg11[%swap3A_284, %swap3A_285], %swap3A_288 {strides = array<i32>} : memref<128x128xf32, #tpu.memory_space<vmem>>, vector<1x16xf32>,
        %add3A_289 = arith.constant 1 : i32
        %add3A_290 = arith.addi %add3A_73, %add3A_289 : i32
        %get3A_291 = arith.index_cast %add3A_290 : i32 to index
        %get3A_292 = arith.constant 96 : index
        %get3A_293 = tpu.vector_load %arg11[%get3A_291, %get3A_292] {strides = array<i32>} : memref<128x128xf32, #tpu.memory_space<vmem>>, vector<1x16xf32>,
        %get3A_294 = vector.shape_cast %get3A_293 : vector<1x16xf32> to vector<16xf32>
        %mul3A_295 = arith.mulf %get3A_294, %gather3A_204 : vector<16xf32>
        %add3A_296 = arith.constant 1 : i32
        %add3A_297 = arith.addi %add3A_73, %add3A_296 : i32
        %swap3A_298 = arith.index_cast %add3A_297 : i32 to index
        %swap3A_299 = arith.constant 96 : index
        %swap3A_300 = tpu.vector_load %arg11[%swap3A_298, %swap3A_299] {strides = array<i32>} : memref<128x128xf32, #tpu.memory_space<vmem>>, vector<1x16xf32>,
        %swap3A_301 = vector.shape_cast %swap3A_300 : vector<1x16xf32> to vector<16xf32>
        %swap3A_302 = vector.shape_cast %mul3A_295 : vector<16xf32> to vector<1x16xf32>
        tpu.vector_store %arg11[%swap3A_298, %swap3A_299], %swap3A_302 {strides = array<i32>} : memref<128x128xf32, #tpu.memory_space<vmem>>, vector<1x16xf32>,
        %add3A_303 = arith.constant 1 : i32
        %add3A_304 = arith.addi %add3A_73, %add3A_303 : i32
        %get3A_305 = arith.index_cast %add3A_304 : i32 to index
        %get3A_306 = arith.constant 112 : index
        %get3A_307 = tpu.vector_load %arg11[%get3A_305, %get3A_306] {strides = array<i32>} : memref<128x128xf32, #tpu.memory_space<vmem>>, vector<1x16xf32>,
        %get3A_308 = vector.shape_cast %get3A_307 : vector<1x16xf32> to vector<16xf32>
        %mul3A_309 = arith.mulf %get3A_308, %gather3A_204 : vector<16xf32>
        %add3A_310 = arith.constant 1 : i32
        %add3A_311 = arith.addi %add3A_73, %add3A_310 : i32
        %swap3A_312 = arith.index_cast %add3A_311 : i32 to index
        %swap3A_313 = arith.constant 112 : index
        %swap3A_314 = tpu.vector_load %arg11[%swap3A_312, %swap3A_313] {strides = array<i32>} : memref<128x128xf32, #tpu.memory_space<vmem>>, vector<1x16xf32>,
        %swap3A_315 = vector.shape_cast %swap3A_314 : vector<1x16xf32> to vector<16xf32>
        %swap3A_316 = vector.shape_cast %mul3A_309 : vector<16xf32> to vector<1x16xf32>
        tpu.vector_store %arg11[%swap3A_312, %swap3A_313], %swap3A_316 {strides = array<i32>} : memref<128x128xf32, #tpu.memory_space<vmem>>, vector<1x16xf32>,
        %broadcast_in_dim3A_317 = arith.constant 2 : i32
        %broadcast_in_dim3A_318 = vector.broadcast %broadcast_in_dim3A_317 : i32 to vector<16xi32>
        %lt3A_319 = arith.constant 0 : i32
        %lt3A_320 = vector.broadcast %lt3A_319 : i32 to vector<16xi32>
        %lt3A_321 = arith.cmpi slt, %broadcast_in_dim3A_318, %lt3A_320 : vector<16xi32>
        %add3A_322 = arith.constant 16 : i32
        %add3A_323 = vector.broadcast %add3A_322 : i32 to vector<16xi32>
        %add3A_324 = arith.addi %broadcast_in_dim3A_318, %add3A_323 : vector<16xi32>
        %select_n3A_325 = arith.select %lt3A_321, %add3A_324, %broadcast_in_dim3A_318 : vector<16xi1>, vector<16xi32>
        %broadcast_in_dim3A_326 = vector.shape_cast %select_n3A_325 : vector<16xi32> to vector<16x1xi32>
        %gather3A_327 = vector.shape_cast %broadcast_in_dim3A_326 : vector<16x1xi32> to vector<16xi32>
        %gather3A_328 = tpu.dynamic_gather %get3A_69[%gather3A_327] in [0] : vector<16xf32>, vector<16xi32> -> vector<16xf32>
        %add3A_329 = arith.constant 2 : i32
        %add3A_330 = arith.addi %add3A_73, %add3A_329 : i32
        %get3A_331 = arith.index_cast %add3A_330 : i32 to index
        %get3A_332 = arith.constant 0 : index
        %get3A_333 = tpu.vector_load %arg11[%get3A_331, %get3A_332] {strides = array<i32>} : memref<128x128xf32, #tpu.memory_space<vmem>>, vector<1x16xf32>,
        %get3A_334 = vector.shape_cast %get3A_333 : vector<1x16xf32> to vector<16xf32>
        %mul3A_335 = arith.mulf %get3A_334, %gather3A_328 : vector<16xf32>
        %add3A_336 = arith.constant 2 : i32
        %add3A_337 = arith.addi %add3A_73, %add3A_336 : i32
        %swap3A_338 = arith.index_cast %add3A_337 : i32 to index
        %swap3A_339 = arith.constant 0 : index
        %swap3A_340 = tpu.vector_load %arg11[%swap3A_338, %swap3A_339] {strides = array<i32>} : memref<128x128xf32, #tpu.memory_space<vmem>>, vector<1x16xf32>,
        %swap3A_341 = vector.shape_cast %swap3A_340 : vector<1x16xf32> to vector<16xf32>
        %swap3A_342 = vector.shape_cast %mul3A_335 : vector<16xf32> to vector<1x16xf32>
        tpu.vector_store %arg11[%swap3A_338, %swap3A_339], %swap3A_342 {strides = array<i32>} : memref<128x128xf32, #tpu.memory_space<vmem>>, vector<1x16xf32>,
        %add3A_343 = arith.constant 2 : i32
        %add3A_344 = arith.addi %add3A_73, %add3A_343 : i32
        %get3A_345 = arith.index_cast %add3A_344 : i32 to index
        %get3A_346 = arith.constant 16 : index
        %get3A_347 = tpu.vector_load %arg11[%get3A_345, %get3A_346] {strides = array<i32>} : memref<128x128xf32, #tpu.memory_space<vmem>>, vector<1x16xf32>,
        %get3A_348 = vector.shape_cast %get3A_347 : vector<1x16xf32> to vector<16xf32>
        %mul3A_349 = arith.mulf %get3A_348, %gather3A_328 : vector<16xf32>
        %add3A_350 = arith.constant 2 : i32
        %add3A_351 = arith.addi %add3A_73, %add3A_350 : i32
        %swap3A_352 = arith.index_cast %add3A_351 : i32 to index
        %swap3A_353 = arith.constant 16 : index
        %swap3A_354 = tpu.vector_load %arg11[%swap3A_352, %swap3A_353] {strides = array<i32>} : memref<128x128xf32, #tpu.memory_space<vmem>>, vector<1x16xf32>,
        %swap3A_355 = vector.shape_cast %swap3A_354 : vector<1x16xf32> to vector<16xf32>
        %swap3A_356 = vector.shape_cast %mul3A_349 : vector<16xf32> to vector<1x16xf32>
        tpu.vector_store %arg11[%swap3A_352, %swap3A_353], %swap3A_356 {strides = array<i32>} : memref<128x128xf32, #tpu.memory_space<vmem>>, vector<1x16xf32>,
        %add3A_357 = arith.constant 2 : i32
        %add3A_358 = arith.addi %add3A_73, %add3A_357 : i32
        %get3A_359 = arith.index_cast %add3A_358 : i32 to index
        %get3A_360 = arith.constant 32 : index
        %get3A_361 = tpu.vector_load %arg11[%get3A_359, %get3A_360] {strides = array<i32>} : memref<128x128xf32, #tpu.memory_space<vmem>>, vector<1x16xf32>,
        %get3A_362 = vector.shape_cast %get3A_361 : vector<1x16xf32> to vector<16xf32>
        %mul3A_363 = arith.mulf %get3A_362, %gather3A_328 : vector<16xf32>
        %add3A_364 = arith.constant 2 : i32
        %add3A_365 = arith.addi %add3A_73, %add3A_364 : i32
        %swap3A_366 = arith.index_cast %add3A_365 : i32 to index
        %swap3A_367 = arith.constant 32 : index
        %swap3A_368 = tpu.vector_load %arg11[%swap3A_366, %swap3A_367] {strides = array<i32>} : memref<128x128xf32, #tpu.memory_space<vmem>>, vector<1x16xf32>,
        %swap3A_369 = vector.shape_cast %swap3A_368 : vector<1x16xf32> to vector<16xf32>
        %swap3A_370 = vector.shape_cast %mul3A_363 : vector<16xf32> to vector<1x16xf32>
        tpu.vector_store %arg11[%swap3A_366, %swap3A_367], %swap3A_370 {strides = array<i32>} : memref<128x128xf32, #tpu.memory_space<vmem>>, vector<1x16xf32>,
        %add3A_371 = arith.constant 2 : i32
        %add3A_372 = arith.addi %add3A_73, %add3A_371 : i32
        %get3A_373 = arith.index_cast %add3A_372 : i32 to index
        %get3A_374 = arith.constant 48 : index
        %get3A_375 = tpu.vector_load %arg11[%get3A_373, %get3A_374] {strides = array<i32>} : memref<128x128xf32, #tpu.memory_space<vmem>>, vector<1x16xf32>,
        %get3A_376 = vector.shape_cast %get3A_375 : vector<1x16xf32> to vector<16xf32>
        %mul3A_377 = arith.mulf %get3A_376, %gather3A_328 : vector<16xf32>
        %add3A_378 = arith.constant 2 : i32
        %add3A_379 = arith.addi %add3A_73, %add3A_378 : i32
        %swap3A_380 = arith.index_cast %add3A_379 : i32 to index
        %swap3A_381 = arith.constant 48 : index
        %swap3A_382 = tpu.vector_load %arg11[%swap3A_380, %swap3A_381] {strides = array<i32>} : memref<128x128xf32, #tpu.memory_space<vmem>>, vector<1x16xf32>,
        %swap3A_383 = vector.shape_cast %swap3A_382 : vector<1x16xf32> to vector<16xf32>
        %swap3A_384 = vector.shape_cast %mul3A_377 : vector<16xf32> to vector<1x16xf32>
        tpu.vector_store %arg11[%swap3A_380, %swap3A_381], %swap3A_384 {strides = array<i32>} : memref<128x128xf32, #tpu.memory_space<vmem>>, vector<1x16xf32>,
        %add3A_385 = arith.constant 2 : i32
        %add3A_386 = arith.addi %add3A_73, %add3A_385 : i32
        %get3A_387 = arith.index_cast %add3A_386 : i32 to index
        %get3A_388 = arith.constant 64 : index
        %get3A_389 = tpu.vector_load %arg11[%get3A_387, %get3A_388] {strides = array<i32>} : memref<128x128xf32, #tpu.memory_space<vmem>>, vector<1x16xf32>,
        %get3A_390 = vector.shape_cast %get3A_389 : vector<1x16xf32> to vector<16xf32>
        %mul3A_391 = arith.mulf %get3A_390, %gather3A_328 : vector<16xf32>
        %add3A_392 = arith.constant 2 : i32
        %add3A_393 = arith.addi %add3A_73, %add3A_392 : i32
        %swap3A_394 = arith.index_cast %add3A_393 : i32 to index
        %swap3A_395 = arith.constant 64 : index
        %swap3A_396 = tpu.vector_load %arg11[%swap3A_394, %swap3A_395] {strides = array<i32>} : memref<128x128xf32, #tpu.memory_space<vmem>>, vector<1x16xf32>,
        %swap3A_397 = vector.shape_cast %swap3A_396 : vector<1x16xf32> to vector<16xf32>
        %swap3A_398 = vector.shape_cast %mul3A_391 : vector<16xf32> to vector<1x16xf32>
        tpu.vector_store %arg11[%swap3A_394, %swap3A_395], %swap3A_398 {strides = array<i32>} : memref<128x128xf32, #tpu.memory_space<vmem>>, vector<1x16xf32>,
        %add3A_399 = arith.constant 2 : i32
        %add3A_400 = arith.addi %add3A_73, %add3A_399 : i32
        %get3A_401 = arith.index_cast %add3A_400 : i32 to index
        %get3A_402 = arith.constant 80 : index
        %get3A_403 = tpu.vector_load %arg11[%get3A_401, %get3A_402] {strides = array<i32>} : memref<128x128xf32, #tpu.memory_space<vmem>>, vector<1x16xf32>,
        %get3A_404 = vector.shape_cast %get3A_403 : vector<1x16xf32> to vector<16xf32>
        %mul3A_405 = arith.mulf %get3A_404, %gather3A_328 : vector<16xf32>
        %add3A_406 = arith.constant 2 : i32
        %add3A_407 = arith.addi %add3A_73, %add3A_406 : i32
        %swap3A_408 = arith.index_cast %add3A_407 : i32 to index
        %swap3A_409 = arith.constant 80 : index
        %swap3A_410 = tpu.vector_load %arg11[%swap3A_408, %swap3A_409] {strides = array<i32>} : memref<128x128xf32, #tpu.memory_space<vmem>>, vector<1x16xf32>,
        %swap3A_411 = vector.shape_cast %swap3A_410 : vector<1x16xf32> to vector<16xf32>
        %swap3A_412 = vector.shape_cast %mul3A_405 : vector<16xf32> to vector<1x16xf32>
        tpu.vector_store %arg11[%swap3A_408, %swap3A_409], %swap3A_412 {strides = array<i32>} : memref<128x128xf32, #tpu.memory_space<vmem>>, vector<1x16xf32>,
        %add3A_413 = arith.constant 2 : i32
        %add3A_414 = arith.addi %add3A_73, %add3A_413 : i32
        %get3A_415 = arith.index_cast %add3A_414 : i32 to index
        %get3A_416 = arith.constant 96 : index
        %get3A_417 = tpu.vector_load %arg11[%get3A_415, %get3A_416] {strides = array<i32>} : memref<128x128xf32, #tpu.memory_space<vmem>>, vector<1x16xf32>,
        %get3A_418 = vector.shape_cast %get3A_417 : vector<1x16xf32> to vector<16xf32>
        %mul3A_419 = arith.mulf %get3A_418, %gather3A_328 : vector<16xf32>
        %add3A_420 = arith.constant 2 : i32
        %add3A_421 = arith.addi %add3A_73, %add3A_420 : i32
        %swap3A_422 = arith.index_cast %add3A_421 : i32 to index
        %swap3A_423 = arith.constant 96 : index
        %swap3A_424 = tpu.vector_load %arg11[%swap3A_422, %swap3A_423] {strides = array<i32>} : memref<128x128xf32, #tpu.memory_space<vmem>>, vector<1x16xf32>,
        %swap3A_425 = vector.shape_cast %swap3A_424 : vector<1x16xf32> to vector<16xf32>
        %swap3A_426 = vector.shape_cast %mul3A_419 : vector<16xf32> to vector<1x16xf32>
        tpu.vector_store %arg11[%swap3A_422, %swap3A_423], %swap3A_426 {strides = array<i32>} : memref<128x128xf32, #tpu.memory_space<vmem>>, vector<1x16xf32>,
        %add3A_427 = arith.constant 2 : i32
        %add3A_428 = arith.addi %add3A_73, %add3A_427 : i32
        %get3A_429 = arith.index_cast %add3A_428 : i32 to index
        %get3A_430 = arith.constant 112 : index
        %get3A_431 = tpu.vector_load %arg11[%get3A_429, %get3A_430] {strides = array<i32>} : memref<128x128xf32, #tpu.memory_space<vmem>>, vector<1x16xf32>,
        %get3A_432 = vector.shape_cast %get3A_431 : vector<1x16xf32> to vector<16xf32>
        %mul3A_433 = arith.mulf %get3A_432, %gather3A_328 : vector<16xf32>
        %add3A_434 = arith.constant 2 : i32
        %add3A_435 = arith.addi %add3A_73, %add3A_434 : i32
        %swap3A_436 = arith.index_cast %add3A_435 : i32 to index
        %swap3A_437 = arith.constant 112 : index
        %swap3A_438 = tpu.vector_load %arg11[%swap3A_436, %swap3A_437] {strides = array<i32>} : memref<128x128xf32, #tpu.memory_space<vmem>>, vector<1x16xf32>,
        %swap3A_439 = vector.shape_cast %swap3A_438 : vector<1x16xf32> to vector<16xf32>
        %swap3A_440 = vector.shape_cast %mul3A_433 : vector<16xf32> to vector<1x16xf32>
        tpu.vector_store %arg11[%swap3A_436, %swap3A_437], %swap3A_440 {strides = array<i32>} : memref<128x128xf32, #tpu.memory_space<vmem>>, vector<1x16xf32>,
        %broadcast_in_dim3A_441 = arith.constant 3 : i32
        %broadcast_in_dim3A_442 = vector.broadcast %broadcast_in_dim3A_441 : i32 to vector<16xi32>
        %lt3A_443 = arith.constant 0 : i32
        %lt3A_444 = vector.broadcast %lt3A_443 : i32 to vector<16xi32>
        %lt3A_445 = arith.cmpi slt, %broadcast_in_dim3A_442, %lt3A_444 : vector<16xi32>
        %add3A_446 = arith.constant 16 : i32
        %add3A_447 = vector.broadcast %add3A_446 : i32 to vector<16xi32>
        %add3A_448 = arith.addi %broadcast_in_dim3A_442, %add3A_447 : vector<16xi32>
        %select_n3A_449 = arith.select %lt3A_445, %add3A_448, %broadcast_in_dim3A_442 : vector<16xi1>, vector<16xi32>
        %broadcast_in_dim3A_450 = vector.shape_cast %select_n3A_449 : vector<16xi32> to vector<16x1xi32>
        %gather3A_451 = vector.shape_cast %broadcast_in_dim3A_450 : vector<16x1xi32> to vector<16xi32>
        %gather3A_452 = tpu.dynamic_gather %get3A_69[%gather3A_451] in [0] : vector<16xf32>, vector<16xi32> -> vector<16xf32>
        %add3A_453 = arith.constant 3 : i32
        %add3A_454 = arith.addi %add3A_73, %add3A_453 : i32
        %get3A_455 = arith.index_cast %add3A_454 : i32 to index
        %get3A_456 = arith.constant 0 : index
        %get3A_457 = tpu.vector_load %arg11[%get3A_455, %get3A_456] {strides = array<i32>} : memref<128x128xf32, #tpu.memory_space<vmem>>, vector<1x16xf32>,
        %get3A_458 = vector.shape_cast %get3A_457 : vector<1x16xf32> to vector<16xf32>
        %mul3A_459 = arith.mulf %get3A_458, %gather3A_452 : vector<16xf32>
        %add3A_460 = arith.constant 3 : i32
        %add3A_461 = arith.addi %add3A_73, %add3A_460 : i32
        %swap3A_462 = arith.index_cast %add3A_461 : i32 to index
        %swap3A_463 = arith.constant 0 : index
        %swap3A_464 = tpu.vector_load %arg11[%swap3A_462, %swap3A_463] {strides = array<i32>} : memref<128x128xf32, #tpu.memory_space<vmem>>, vector<1x16xf32>,
        %swap3A_465 = vector.shape_cast %swap3A_464 : vector<1x16xf32> to vector<16xf32>
        %swap3A_466 = vector.shape_cast %mul3A_459 : vector<16xf32> to vector<1x16xf32>
        tpu.vector_store %arg11[%swap3A_462, %swap3A_463], %swap3A_466 {strides = array<i32>} : memref<128x128xf32, #tpu.memory_space<vmem>>, vector<1x16xf32>,
        %add3A_467 = arith.constant 3 : i32
        %add3A_468 = arith.addi %add3A_73, %add3A_467 : i32
        %get3A_469 = arith.index_cast %add3A_468 : i32 to index
        %get3A_470 = arith.constant 16 : index
        %get3A_471 = tpu.vector_load %arg11[%get3A_469, %get3A_470] {strides = array<i32>} : memref<128x128xf32, #tpu.memory_space<vmem>>, vector<1x16xf32>,
        %get3A_472 = vector.shape_cast %get3A_471 : vector<1x16xf32> to vector<16xf32>
        %mul3A_473 = arith.mulf %get3A_472, %gather3A_452 : vector<16xf32>
        %add3A_474 = arith.constant 3 : i32
        %add3A_475 = arith.addi %add3A_73, %add3A_474 : i32
        %swap3A_476 = arith.index_cast %add3A_475 : i32 to index
        %swap3A_477 = arith.constant 16 : index
        %swap3A_478 = tpu.vector_load %arg11[%swap3A_476, %swap3A_477] {strides = array<i32>} : memref<128x128xf32, #tpu.memory_space<vmem>>, vector<1x16xf32>,
        %swap3A_479 = vector.shape_cast %swap3A_478 : vector<1x16xf32> to vector<16xf32>
        %swap3A_480 = vector.shape_cast %mul3A_473 : vector<16xf32> to vector<1x16xf32>
        tpu.vector_store %arg11[%swap3A_476, %swap3A_477], %swap3A_480 {strides = array<i32>} : memref<128x128xf32, #tpu.memory_space<vmem>>, vector<1x16xf32>,
        %add3A_481 = arith.constant 3 : i32
        %add3A_482 = arith.addi %add3A_73, %add3A_481 : i32
        %get3A_483 = arith.index_cast %add3A_482 : i32 to index
        %get3A_484 = arith.constant 32 : index
        %get3A_485 = tpu.vector_load %arg11[%get3A_483, %get3A_484] {strides = array<i32>} : memref<128x128xf32, #tpu.memory_space<vmem>>, vector<1x16xf32>,
        %get3A_486 = vector.shape_cast %get3A_485 : vector<1x16xf32> to vector<16xf32>
        %mul3A_487 = arith.mulf %get3A_486, %gather3A_452 : vector<16xf32>
        %add3A_488 = arith.constant 3 : i32
        %add3A_489 = arith.addi %add3A_73, %add3A_488 : i32
        %swap3A_490 = arith.index_cast %add3A_489 : i32 to index
        %swap3A_491 = arith.constant 32 : index
        %swap3A_492 = tpu.vector_load %arg11[%swap3A_490, %swap3A_491] {strides = array<i32>} : memref<128x128xf32, #tpu.memory_space<vmem>>, vector<1x16xf32>,
        %swap3A_493 = vector.shape_cast %swap3A_492 : vector<1x16xf32> to vector<16xf32>
        %swap3A_494 = vector.shape_cast %mul3A_487 : vector<16xf32> to vector<1x16xf32>
        tpu.vector_store %arg11[%swap3A_490, %swap3A_491], %swap3A_494 {strides = array<i32>} : memref<128x128xf32, #tpu.memory_space<vmem>>, vector<1x16xf32>,
        %add3A_495 = arith.constant 3 : i32
        %add3A_496 = arith.addi %add3A_73, %add3A_495 : i32
        %get3A_497 = arith.index_cast %add3A_496 : i32 to index
        %get3A_498 = arith.constant 48 : index
        %get3A_499 = tpu.vector_load %arg11[%get3A_497, %get3A_498] {strides = array<i32>} : memref<128x128xf32, #tpu.memory_space<vmem>>, vector<1x16xf32>,
        %get3A_500 = vector.shape_cast %get3A_499 : vector<1x16xf32> to vector<16xf32>
        %mul3A_501 = arith.mulf %get3A_500, %gather3A_452 : vector<16xf32>
        %add3A_502 = arith.constant 3 : i32
        %add3A_503 = arith.addi %add3A_73, %add3A_502 : i32
        %swap3A_504 = arith.index_cast %add3A_503 : i32 to index
        %swap3A_505 = arith.constant 48 : index
        %swap3A_506 = tpu.vector_load %arg11[%swap3A_504, %swap3A_505] {strides = array<i32>} : memref<128x128xf32, #tpu.memory_space<vmem>>, vector<1x16xf32>,
        %swap3A_507 = vector.shape_cast %swap3A_506 : vector<1x16xf32> to vector<16xf32>
        %swap3A_508 = vector.shape_cast %mul3A_501 : vector<16xf32> to vector<1x16xf32>
        tpu.vector_store %arg11[%swap3A_504, %swap3A_505], %swap3A_508 {strides = array<i32>} : memref<128x128xf32, #tpu.memory_space<vmem>>, vector<1x16xf32>,
        %add3A_509 = arith.constant 3 : i32
        %add3A_510 = arith.addi %add3A_73, %add3A_509 : i32
        %get3A_511 = arith.index_cast %add3A_510 : i32 to index
        %get3A_512 = arith.constant 64 : index
        %get3A_513 = tpu.vector_load %arg11[%get3A_511, %get3A_512] {strides = array<i32>} : memref<128x128xf32, #tpu.memory_space<vmem>>, vector<1x16xf32>,
        %get3A_514 = vector.shape_cast %get3A_513 : vector<1x16xf32> to vector<16xf32>
        %mul3A_515 = arith.mulf %get3A_514, %gather3A_452 : vector<16xf32>
        %add3A_516 = arith.constant 3 : i32
        %add3A_517 = arith.addi %add3A_73, %add3A_516 : i32
        %swap3A_518 = arith.index_cast %add3A_517 : i32 to index
        %swap3A_519 = arith.constant 64 : index
        %swap3A_520 = tpu.vector_load %arg11[%swap3A_518, %swap3A_519] {strides = array<i32>} : memref<128x128xf32, #tpu.memory_space<vmem>>, vector<1x16xf32>,
        %swap3A_521 = vector.shape_cast %swap3A_520 : vector<1x16xf32> to vector<16xf32>
        %swap3A_522 = vector.shape_cast %mul3A_515 : vector<16xf32> to vector<1x16xf32>
        tpu.vector_store %arg11[%swap3A_518, %swap3A_519], %swap3A_522 {strides = array<i32>} : memref<128x128xf32, #tpu.memory_space<vmem>>, vector<1x16xf32>,
        %add3A_523 = arith.constant 3 : i32
        %add3A_524 = arith.addi %add3A_73, %add3A_523 : i32
        %get3A_525 = arith.index_cast %add3A_524 : i32 to index
        %get3A_526 = arith.constant 80 : index
        %get3A_527 = tpu.vector_load %arg11[%get3A_525, %get3A_526] {strides = array<i32>} : memref<128x128xf32, #tpu.memory_space<vmem>>, vector<1x16xf32>,
        %get3A_528 = vector.shape_cast %get3A_527 : vector<1x16xf32> to vector<16xf32>
        %mul3A_529 = arith.mulf %get3A_528, %gather3A_452 : vector<16xf32>
        %add3A_530 = arith.constant 3 : i32
        %add3A_531 = arith.addi %add3A_73, %add3A_530 : i32
        %swap3A_532 = arith.index_cast %add3A_531 : i32 to index
        %swap3A_533 = arith.constant 80 : index
        %swap3A_534 = tpu.vector_load %arg11[%swap3A_532, %swap3A_533] {strides = array<i32>} : memref<128x128xf32, #tpu.memory_space<vmem>>, vector<1x16xf32>,
        %swap3A_535 = vector.shape_cast %swap3A_534 : vector<1x16xf32> to vector<16xf32>
        %swap3A_536 = vector.shape_cast %mul3A_529 : vector<16xf32> to vector<1x16xf32>
        tpu.vector_store %arg11[%swap3A_532, %swap3A_533], %swap3A_536 {strides = array<i32>} : memref<128x128xf32, #tpu.memory_space<vmem>>, vector<1x16xf32>,
        %add3A_537 = arith.constant 3 : i32
        %add3A_538 = arith.addi %add3A_73, %add3A_537 : i32
        %get3A_539 = arith.index_cast %add3A_538 : i32 to index
        %get3A_540 = arith.constant 96 : index
        %get3A_541 = tpu.vector_load %arg11[%get3A_539, %get3A_540] {strides = array<i32>} : memref<128x128xf32, #tpu.memory_space<vmem>>, vector<1x16xf32>,
        %get3A_542 = vector.shape_cast %get3A_541 : vector<1x16xf32> to vector<16xf32>
        %mul3A_543 = arith.mulf %get3A_542, %gather3A_452 : vector<16xf32>
        %add3A_544 = arith.constant 3 : i32
        %add3A_545 = arith.addi %add3A_73, %add3A_544 : i32
        %swap3A_546 = arith.index_cast %add3A_545 : i32 to index
        %swap3A_547 = arith.constant 96 : index
        %swap3A_548 = tpu.vector_load %arg11[%swap3A_546, %swap3A_547] {strides = array<i32>} : memref<128x128xf32, #tpu.memory_space<vmem>>, vector<1x16xf32>,
        %swap3A_549 = vector.shape_cast %swap3A_548 : vector<1x16xf32> to vector<16xf32>
        %swap3A_550 = vector.shape_cast %mul3A_543 : vector<16xf32> to vector<1x16xf32>
        tpu.vector_store %arg11[%swap3A_546, %swap3A_547], %swap3A_550 {strides = array<i32>} : memref<128x128xf32, #tpu.memory_space<vmem>>, vector<1x16xf32>,
        %add3A_551 = arith.constant 3 : i32
        %add3A_552 = arith.addi %add3A_73, %add3A_551 : i32
        %get3A_553 = arith.index_cast %add3A_552 : i32 to index
        %get3A_554 = arith.constant 112 : index
        %get3A_555 = tpu.vector_load %arg11[%get3A_553, %get3A_554] {strides = array<i32>} : memref<128x128xf32, #tpu.memory_space<vmem>>, vector<1x16xf32>,
        %get3A_556 = vector.shape_cast %get3A_555 : vector<1x16xf32> to vector<16xf32>
        %mul3A_557 = arith.mulf %get3A_556, %gather3A_452 : vector<16xf32>
        %add3A_558 = arith.constant 3 : i32
        %add3A_559 = arith.addi %add3A_73, %add3A_558 : i32
        %swap3A_560 = arith.index_cast %add3A_559 : i32 to index
        %swap3A_561 = arith.constant 112 : index
        %swap3A_562 = tpu.vector_load %arg11[%swap3A_560, %swap3A_561] {strides = array<i32>} : memref<128x128xf32, #tpu.memory_space<vmem>>, vector<1x16xf32>,
        %swap3A_563 = vector.shape_cast %swap3A_562 : vector<1x16xf32> to vector<16xf32>
        %swap3A_564 = vector.shape_cast %mul3A_557 : vector<16xf32> to vector<1x16xf32>
        tpu.vector_store %arg11[%swap3A_560, %swap3A_561], %swap3A_564 {strides = array<i32>} : memref<128x128xf32, #tpu.memory_space<vmem>>, vector<1x16xf32>,
        %broadcast_in_dim3A_565 = arith.constant 4 : i32
        %broadcast_in_dim3A_566 = vector.broadcast %broadcast_in_dim3A_565 : i32 to vector<16xi32>
        %lt3A_567 = arith.constant 0 : i32
        %lt3A_568 = vector.broadcast %lt3A_567 : i32 to vector<16xi32>
        %lt3A_569 = arith.cmpi slt, %broadcast_in_dim3A_566, %lt3A_568 : vector<16xi32>
        %add3A_570 = arith.constant 16 : i32
        %add3A_571 = vector.broadcast %add3A_570 : i32 to vector<16xi32>
        %add3A_572 = arith.addi %broadcast_in_dim3A_566, %add3A_571 : vector<16xi32>
        %select_n3A_573 = arith.select %lt3A_569, %add3A_572, %broadcast_in_dim3A_566 : vector<16xi1>, vector<16xi32>
        %broadcast_in_dim3A_574 = vector.shape_cast %select_n3A_573 : vector<16xi32> to vector<16x1xi32>
        %gather3A_575 = vector.shape_cast %broadcast_in_dim3A_574 : vector<16x1xi32> to vector<16xi32>
        %gather3A_576 = tpu.dynamic_gather %get3A_69[%gather3A_575] in [0] : vector<16xf32>, vector<16xi32> -> vector<16xf32>
        %add3A_577 = arith.constant 4 : i32
        %add3A_578 = arith.addi %add3A_73, %add3A_577 : i32
        %get3A_579 = arith.index_cast %add3A_578 : i32 to index
        %get3A_580 = arith.constant 0 : index
        %get3A_581 = tpu.vector_load %arg11[%get3A_579, %get3A_580] {strides = array<i32>} : memref<128x128xf32, #tpu.memory_space<vmem>>, vector<1x16xf32>,
        %get3A_582 = vector.shape_cast %get3A_581 : vector<1x16xf32> to vector<16xf32>
        %mul3A_583 = arith.mulf %get3A_582, %gather3A_576 : vector<16xf32>
        %add3A_584 = arith.constant 4 : i32
        %add3A_585 = arith.addi %add3A_73, %add3A_584 : i32
        %swap3A_586 = arith.index_cast %add3A_585 : i32 to index
        %swap3A_587 = arith.constant 0 : index
        %swap3A_588 = tpu.vector_load %arg11[%swap3A_586, %swap3A_587] {strides = array<i32>} : memref<128x128xf32, #tpu.memory_space<vmem>>, vector<1x16xf32>,
        %swap3A_589 = vector.shape_cast %swap3A_588 : vector<1x16xf32> to vector<16xf32>
        %swap3A_590 = vector.shape_cast %mul3A_583 : vector<16xf32> to vector<1x16xf32>
        tpu.vector_store %arg11[%swap3A_586, %swap3A_587], %swap3A_590 {strides = array<i32>} : memref<128x128xf32, #tpu.memory_space<vmem>>, vector<1x16xf32>,
        %add3A_591 = arith.constant 4 : i32
        %add3A_592 = arith.addi %add3A_73, %add3A_591 : i32
        %get3A_593 = arith.index_cast %add3A_592 : i32 to index
        %get3A_594 = arith.constant 16 : index
        %get3A_595 = tpu.vector_load %arg11[%get3A_593, %get3A_594] {strides = array<i32>} : memref<128x128xf32, #tpu.memory_space<vmem>>, vector<1x16xf32>,
        %get3A_596 = vector.shape_cast %get3A_595 : vector<1x16xf32> to vector<16xf32>
        %mul3A_597 = arith.mulf %get3A_596, %gather3A_576 : vector<16xf32>
        %add3A_598 = arith.constant 4 : i32
        %add3A_599 = arith.addi %add3A_73, %add3A_598 : i32
        %swap3A_600 = arith.index_cast %add3A_599 : i32 to index
        %swap3A_601 = arith.constant 16 : index
        %swap3A_602 = tpu.vector_load %arg11[%swap3A_600, %swap3A_601] {strides = array<i32>} : memref<128x128xf32, #tpu.memory_space<vmem>>, vector<1x16xf32>,
        %swap3A_603 = vector.shape_cast %swap3A_602 : vector<1x16xf32> to vector<16xf32>
        %swap3A_604 = vector.shape_cast %mul3A_597 : vector<16xf32> to vector<1x16xf32>
        tpu.vector_store %arg11[%swap3A_600, %swap3A_601], %swap3A_604 {strides = array<i32>} : memref<128x128xf32, #tpu.memory_space<vmem>>, vector<1x16xf32>,
        %add3A_605 = arith.constant 4 : i32
        %add3A_606 = arith.addi %add3A_73, %add3A_605 : i32
        %get3A_607 = arith.index_cast %add3A_606 : i32 to index
        %get3A_608 = arith.constant 32 : index
        %get3A_609 = tpu.vector_load %arg11[%get3A_607, %get3A_608] {strides = array<i32>} : memref<128x128xf32, #tpu.memory_space<vmem>>, vector<1x16xf32>,
        %get3A_610 = vector.shape_cast %get3A_609 : vector<1x16xf32> to vector<16xf32>
        %mul3A_611 = arith.mulf %get3A_610, %gather3A_576 : vector<16xf32>
        %add3A_612 = arith.constant 4 : i32
        %add3A_613 = arith.addi %add3A_73, %add3A_612 : i32
        %swap3A_614 = arith.index_cast %add3A_613 : i32 to index
        %swap3A_615 = arith.constant 32 : index
        %swap3A_616 = tpu.vector_load %arg11[%swap3A_614, %swap3A_615] {strides = array<i32>} : memref<128x128xf32, #tpu.memory_space<vmem>>, vector<1x16xf32>,
        %swap3A_617 = vector.shape_cast %swap3A_616 : vector<1x16xf32> to vector<16xf32>
        %swap3A_618 = vector.shape_cast %mul3A_611 : vector<16xf32> to vector<1x16xf32>
        tpu.vector_store %arg11[%swap3A_614, %swap3A_615], %swap3A_618 {strides = array<i32>} : memref<128x128xf32, #tpu.memory_space<vmem>>, vector<1x16xf32>,
        %add3A_619 = arith.constant 4 : i32
        %add3A_620 = arith.addi %add3A_73, %add3A_619 : i32
        %get3A_621 = arith.index_cast %add3A_620 : i32 to index
        %get3A_622 = arith.constant 48 : index
        %get3A_623 = tpu.vector_load %arg11[%get3A_621, %get3A_622] {strides = array<i32>} : memref<128x128xf32, #tpu.memory_space<vmem>>, vector<1x16xf32>,
        %get3A_624 = vector.shape_cast %get3A_623 : vector<1x16xf32> to vector<16xf32>
        %mul3A_625 = arith.mulf %get3A_624, %gather3A_576 : vector<16xf32>
        %add3A_626 = arith.constant 4 : i32
        %add3A_627 = arith.addi %add3A_73, %add3A_626 : i32
        %swap3A_628 = arith.index_cast %add3A_627 : i32 to index
        %swap3A_629 = arith.constant 48 : index
        %swap3A_630 = tpu.vector_load %arg11[%swap3A_628, %swap3A_629] {strides = array<i32>} : memref<128x128xf32, #tpu.memory_space<vmem>>, vector<1x16xf32>,
        %swap3A_631 = vector.shape_cast %swap3A_630 : vector<1x16xf32> to vector<16xf32>
        %swap3A_632 = vector.shape_cast %mul3A_625 : vector<16xf32> to vector<1x16xf32>
        tpu.vector_store %arg11[%swap3A_628, %swap3A_629], %swap3A_632 {strides = array<i32>} : memref<128x128xf32, #tpu.memory_space<vmem>>, vector<1x16xf32>,
        %add3A_633 = arith.constant 4 : i32
        %add3A_634 = arith.addi %add3A_73, %add3A_633 : i32
        %get3A_635 = arith.index_cast %add3A_634 : i32 to index
        %get3A_636 = arith.constant 64 : index
        %get3A_637 = tpu.vector_load %arg11[%get3A_635, %get3A_636] {strides = array<i32>} : memref<128x128xf32, #tpu.memory_space<vmem>>, vector<1x16xf32>,
        %get3A_638 = vector.shape_cast %get3A_637 : vector<1x16xf32> to vector<16xf32>
        %mul3A_639 = arith.mulf %get3A_638, %gather3A_576 : vector<16xf32>
        %add3A_640 = arith.constant 4 : i32
        %add3A_641 = arith.addi %add3A_73, %add3A_640 : i32
        %swap3A_642 = arith.index_cast %add3A_641 : i32 to index
        %swap3A_643 = arith.constant 64 : index
        %swap3A_644 = tpu.vector_load %arg11[%swap3A_642, %swap3A_643] {strides = array<i32>} : memref<128x128xf32, #tpu.memory_space<vmem>>, vector<1x16xf32>,
        %swap3A_645 = vector.shape_cast %swap3A_644 : vector<1x16xf32> to vector<16xf32>
        %swap3A_646 = vector.shape_cast %mul3A_639 : vector<16xf32> to vector<1x16xf32>
        tpu.vector_store %arg11[%swap3A_642, %swap3A_643], %swap3A_646 {strides = array<i32>} : memref<128x128xf32, #tpu.memory_space<vmem>>, vector<1x16xf32>,
        %add3A_647 = arith.constant 4 : i32
        %add3A_648 = arith.addi %add3A_73, %add3A_647 : i32
        %get3A_649 = arith.index_cast %add3A_648 : i32 to index
        %get3A_650 = arith.constant 80 : index
        %get3A_651 = tpu.vector_load %arg11[%get3A_649, %get3A_650] {strides = array<i32>} : memref<128x128xf32, #tpu.memory_space<vmem>>, vector<1x16xf32>,
        %get3A_652 = vector.shape_cast %get3A_651 : vector<1x16xf32> to vector<16xf32>
        %mul3A_653 = arith.mulf %get3A_652, %gather3A_576 : vector<16xf32>
        %add3A_654 = arith.constant 4 : i32
        %add3A_655 = arith.addi %add3A_73, %add3A_654 : i32
        %swap3A_656 = arith.index_cast %add3A_655 : i32 to index
        %swap3A_657 = arith.constant 80 : index
        %swap3A_658 = tpu.vector_load %arg11[%swap3A_656, %swap3A_657] {strides = array<i32>} : memref<128x128xf32, #tpu.memory_space<vmem>>, vector<1x16xf32>,
        %swap3A_659 = vector.shape_cast %swap3A_658 : vector<1x16xf32> to vector<16xf32>
        %swap3A_660 = vector.shape_cast %mul3A_653 : vector<16xf32> to vector<1x16xf32>
        tpu.vector_store %arg11[%swap3A_656, %swap3A_657], %swap3A_660 {strides = array<i32>} : memref<128x128xf32, #tpu.memory_space<vmem>>, vector<1x16xf32>,
        %add3A_661 = arith.constant 4 : i32
        %add3A_662 = arith.addi %add3A_73, %add3A_661 : i32
        %get3A_663 = arith.index_cast %add3A_662 : i32 to index
        %get3A_664 = arith.constant 96 : index
        %get3A_665 = tpu.vector_load %arg11[%get3A_663, %get3A_664] {strides = array<i32>} : memref<128x128xf32, #tpu.memory_space<vmem>>, vector<1x16xf32>,
        %get3A_666 = vector.shape_cast %get3A_665 : vector<1x16xf32> to vector<16xf32>
        %mul3A_667 = arith.mulf %get3A_666, %gather3A_576 : vector<16xf32>
        %add3A_668 = arith.constant 4 : i32
        %add3A_669 = arith.addi %add3A_73, %add3A_668 : i32
        %swap3A_670 = arith.index_cast %add3A_669 : i32 to index
        %swap3A_671 = arith.constant 96 : index
        %swap3A_672 = tpu.vector_load %arg11[%swap3A_670, %swap3A_671] {strides = array<i32>} : memref<128x128xf32, #tpu.memory_space<vmem>>, vector<1x16xf32>,
        %swap3A_673 = vector.shape_cast %swap3A_672 : vector<1x16xf32> to vector<16xf32>
        %swap3A_674 = vector.shape_cast %mul3A_667 : vector<16xf32> to vector<1x16xf32>
        tpu.vector_store %arg11[%swap3A_670, %swap3A_671], %swap3A_674 {strides = array<i32>} : memref<128x128xf32, #tpu.memory_space<vmem>>, vector<1x16xf32>,
        %add3A_675 = arith.constant 4 : i32
        %add3A_676 = arith.addi %add3A_73, %add3A_675 : i32
        %get3A_677 = arith.index_cast %add3A_676 : i32 to index
        %get3A_678 = arith.constant 112 : index
        %get3A_679 = tpu.vector_load %arg11[%get3A_677, %get3A_678] {strides = array<i32>} : memref<128x128xf32, #tpu.memory_space<vmem>>, vector<1x16xf32>,
        %get3A_680 = vector.shape_cast %get3A_679 : vector<1x16xf32> to vector<16xf32>
        %mul3A_681 = arith.mulf %get3A_680, %gather3A_576 : vector<16xf32>
        %add3A_682 = arith.constant 4 : i32
        %add3A_683 = arith.addi %add3A_73, %add3A_682 : i32
        %swap3A_684 = arith.index_cast %add3A_683 : i32 to index
        %swap3A_685 = arith.constant 112 : index
        %swap3A_686 = tpu.vector_load %arg11[%swap3A_684, %swap3A_685] {strides = array<i32>} : memref<128x128xf32, #tpu.memory_space<vmem>>, vector<1x16xf32>,
        %swap3A_687 = vector.shape_cast %swap3A_686 : vector<1x16xf32> to vector<16xf32>
        %swap3A_688 = vector.shape_cast %mul3A_681 : vector<16xf32> to vector<1x16xf32>
        tpu.vector_store %arg11[%swap3A_684, %swap3A_685], %swap3A_688 {strides = array<i32>} : memref<128x128xf32, #tpu.memory_space<vmem>>, vector<1x16xf32>,
        %broadcast_in_dim3A_689 = arith.constant 5 : i32
        %broadcast_in_dim3A_690 = vector.broadcast %broadcast_in_dim3A_689 : i32 to vector<16xi32>
        %lt3A_691 = arith.constant 0 : i32
        %lt3A_692 = vector.broadcast %lt3A_691 : i32 to vector<16xi32>
        %lt3A_693 = arith.cmpi slt, %broadcast_in_dim3A_690, %lt3A_692 : vector<16xi32>
        %add3A_694 = arith.constant 16 : i32
        %add3A_695 = vector.broadcast %add3A_694 : i32 to vector<16xi32>
        %add3A_696 = arith.addi %broadcast_in_dim3A_690, %add3A_695 : vector<16xi32>
        %select_n3A_697 = arith.select %lt3A_693, %add3A_696, %broadcast_in_dim3A_690 : vector<16xi1>, vector<16xi32>
        %broadcast_in_dim3A_698 = vector.shape_cast %select_n3A_697 : vector<16xi32> to vector<16x1xi32>
        %gather3A_699 = vector.shape_cast %broadcast_in_dim3A_698 : vector<16x1xi32> to vector<16xi32>
        %gather3A_700 = tpu.dynamic_gather %get3A_69[%gather3A_699] in [0] : vector<16xf32>, vector<16xi32> -> vector<16xf32>
        %add3A_701 = arith.constant 5 : i32
        %add3A_702 = arith.addi %add3A_73, %add3A_701 : i32
        %get3A_703 = arith.index_cast %add3A_702 : i32 to index
        %get3A_704 = arith.constant 0 : index
        %get3A_705 = tpu.vector_load %arg11[%get3A_703, %get3A_704] {strides = array<i32>} : memref<128x128xf32, #tpu.memory_space<vmem>>, vector<1x16xf32>,
        %get3A_706 = vector.shape_cast %get3A_705 : vector<1x16xf32> to vector<16xf32>
        %mul3A_707 = arith.mulf %get3A_706, %gather3A_700 : vector<16xf32>
        %add3A_708 = arith.constant 5 : i32
        %add3A_709 = arith.addi %add3A_73, %add3A_708 : i32
        %swap3A_710 = arith.index_cast %add3A_709 : i32 to index
        %swap3A_711 = arith.constant 0 : index
        %swap3A_712 = tpu.vector_load %arg11[%swap3A_710, %swap3A_711] {strides = array<i32>} : memref<128x128xf32, #tpu.memory_space<vmem>>, vector<1x16xf32>,
        %swap3A_713 = vector.shape_cast %swap3A_712 : vector<1x16xf32> to vector<16xf32>
        %swap3A_714 = vector.shape_cast %mul3A_707 : vector<16xf32> to vector<1x16xf32>
        tpu.vector_store %arg11[%swap3A_710, %swap3A_711], %swap3A_714 {strides = array<i32>} : memref<128x128xf32, #tpu.memory_space<vmem>>, vector<1x16xf32>,
        %add3A_715 = arith.constant 5 : i32
        %add3A_716 = arith.addi %add3A_73, %add3A_715 : i32
        %get3A_717 = arith.index_cast %add3A_716 : i32 to index
        %get3A_718 = arith.constant 16 : index
        %get3A_719 = tpu.vector_load %arg11[%get3A_717, %get3A_718] {strides = array<i32>} : memref<128x128xf32, #tpu.memory_space<vmem>>, vector<1x16xf32>,
        %get3A_720 = vector.shape_cast %get3A_719 : vector<1x16xf32> to vector<16xf32>
        %mul3A_721 = arith.mulf %get3A_720, %gather3A_700 : vector<16xf32>
        %add3A_722 = arith.constant 5 : i32
        %add3A_723 = arith.addi %add3A_73, %add3A_722 : i32
        %swap3A_724 = arith.index_cast %add3A_723 : i32 to index
        %swap3A_725 = arith.constant 16 : index
        %swap3A_726 = tpu.vector_load %arg11[%swap3A_724, %swap3A_725] {strides = array<i32>} : memref<128x128xf32, #tpu.memory_space<vmem>>, vector<1x16xf32>,
        %swap3A_727 = vector.shape_cast %swap3A_726 : vector<1x16xf32> to vector<16xf32>
        %swap3A_728 = vector.shape_cast %mul3A_721 : vector<16xf32> to vector<1x16xf32>
        tpu.vector_store %arg11[%swap3A_724, %swap3A_725], %swap3A_728 {strides = array<i32>} : memref<128x128xf32, #tpu.memory_space<vmem>>, vector<1x16xf32>,
        %add3A_729 = arith.constant 5 : i32
        %add3A_730 = arith.addi %add3A_73, %add3A_729 : i32
        %get3A_731 = arith.index_cast %add3A_730 : i32 to index
        %get3A_732 = arith.constant 32 : index
        %get3A_733 = tpu.vector_load %arg11[%get3A_731, %get3A_732] {strides = array<i32>} : memref<128x128xf32, #tpu.memory_space<vmem>>, vector<1x16xf32>,
        %get3A_734 = vector.shape_cast %get3A_733 : vector<1x16xf32> to vector<16xf32>
        %mul3A_735 = arith.mulf %get3A_734, %gather3A_700 : vector<16xf32>
        %add3A_736 = arith.constant 5 : i32
        %add3A_737 = arith.addi %add3A_73, %add3A_736 : i32
        %swap3A_738 = arith.index_cast %add3A_737 : i32 to index
        %swap3A_739 = arith.constant 32 : index
        %swap3A_740 = tpu.vector_load %arg11[%swap3A_738, %swap3A_739] {strides = array<i32>} : memref<128x128xf32, #tpu.memory_space<vmem>>, vector<1x16xf32>,
        %swap3A_741 = vector.shape_cast %swap3A_740 : vector<1x16xf32> to vector<16xf32>
        %swap3A_742 = vector.shape_cast %mul3A_735 : vector<16xf32> to vector<1x16xf32>
        tpu.vector_store %arg11[%swap3A_738, %swap3A_739], %swap3A_742 {strides = array<i32>} : memref<128x128xf32, #tpu.memory_space<vmem>>, vector<1x16xf32>,
        %add3A_743 = arith.constant 5 : i32
        %add3A_744 = arith.addi %add3A_73, %add3A_743 : i32
        %get3A_745 = arith.index_cast %add3A_744 : i32 to index
        %get3A_746 = arith.constant 48 : index
        %get3A_747 = tpu.vector_load %arg11[%get3A_745, %get3A_746] {strides = array<i32>} : memref<128x128xf32, #tpu.memory_space<vmem>>, vector<1x16xf32>,
        %get3A_748 = vector.shape_cast %get3A_747 : vector<1x16xf32> to vector<16xf32>
        %mul3A_749 = arith.mulf %get3A_748, %gather3A_700 : vector<16xf32>
        %add3A_750 = arith.constant 5 : i32
        %add3A_751 = arith.addi %add3A_73, %add3A_750 : i32
        %swap3A_752 = arith.index_cast %add3A_751 : i32 to index
        %swap3A_753 = arith.constant 48 : index
        %swap3A_754 = tpu.vector_load %arg11[%swap3A_752, %swap3A_753] {strides = array<i32>} : memref<128x128xf32, #tpu.memory_space<vmem>>, vector<1x16xf32>,
        %swap3A_755 = vector.shape_cast %swap3A_754 : vector<1x16xf32> to vector<16xf32>
        %swap3A_756 = vector.shape_cast %mul3A_749 : vector<16xf32> to vector<1x16xf32>
        tpu.vector_store %arg11[%swap3A_752, %swap3A_753], %swap3A_756 {strides = array<i32>} : memref<128x128xf32, #tpu.memory_space<vmem>>, vector<1x16xf32>,
        %add3A_757 = arith.constant 5 : i32
        %add3A_758 = arith.addi %add3A_73, %add3A_757 : i32
        %get3A_759 = arith.index_cast %add3A_758 : i32 to index
        %get3A_760 = arith.constant 64 : index
        %get3A_761 = tpu.vector_load %arg11[%get3A_759, %get3A_760] {strides = array<i32>} : memref<128x128xf32, #tpu.memory_space<vmem>>, vector<1x16xf32>,
        %get3A_762 = vector.shape_cast %get3A_761 : vector<1x16xf32> to vector<16xf32>
        %mul3A_763 = arith.mulf %get3A_762, %gather3A_700 : vector<16xf32>
        %add3A_764 = arith.constant 5 : i32
        %add3A_765 = arith.addi %add3A_73, %add3A_764 : i32
        %swap3A_766 = arith.index_cast %add3A_765 : i32 to index
        %swap3A_767 = arith.constant 64 : index
        %swap3A_768 = tpu.vector_load %arg11[%swap3A_766, %swap3A_767] {strides = array<i32>} : memref<128x128xf32, #tpu.memory_space<vmem>>, vector<1x16xf32>,
        %swap3A_769 = vector.shape_cast %swap3A_768 : vector<1x16xf32> to vector<16xf32>
        %swap3A_770 = vector.shape_cast %mul3A_763 : vector<16xf32> to vector<1x16xf32>
        tpu.vector_store %arg11[%swap3A_766, %swap3A_767], %swap3A_770 {strides = array<i32>} : memref<128x128xf32, #tpu.memory_space<vmem>>, vector<1x16xf32>,
        %add3A_771 = arith.constant 5 : i32
        %add3A_772 = arith.addi %add3A_73, %add3A_771 : i32
        %get3A_773 = arith.index_cast %add3A_772 : i32 to index
        %get3A_774 = arith.constant 80 : index
        %get3A_775 = tpu.vector_load %arg11[%get3A_773, %get3A_774] {strides = array<i32>} : memref<128x128xf32, #tpu.memory_space<vmem>>, vector<1x16xf32>,
        %get3A_776 = vector.shape_cast %get3A_775 : vector<1x16xf32> to vector<16xf32>
        %mul3A_777 = arith.mulf %get3A_776, %gather3A_700 : vector<16xf32>
        %add3A_778 = arith.constant 5 : i32
        %add3A_779 = arith.addi %add3A_73, %add3A_778 : i32
        %swap3A_780 = arith.index_cast %add3A_779 : i32 to index
        %swap3A_781 = arith.constant 80 : index
        %swap3A_782 = tpu.vector_load %arg11[%swap3A_780, %swap3A_781] {strides = array<i32>} : memref<128x128xf32, #tpu.memory_space<vmem>>, vector<1x16xf32>,
        %swap3A_783 = vector.shape_cast %swap3A_782 : vector<1x16xf32> to vector<16xf32>
        %swap3A_784 = vector.shape_cast %mul3A_777 : vector<16xf32> to vector<1x16xf32>
        tpu.vector_store %arg11[%swap3A_780, %swap3A_781], %swap3A_784 {strides = array<i32>} : memref<128x128xf32, #tpu.memory_space<vmem>>, vector<1x16xf32>,
        %add3A_785 = arith.constant 5 : i32
        %add3A_786 = arith.addi %add3A_73, %add3A_785 : i32
        %get3A_787 = arith.index_cast %add3A_786 : i32 to index
        %get3A_788 = arith.constant 96 : index
        %get3A_789 = tpu.vector_load %arg11[%get3A_787, %get3A_788] {strides = array<i32>} : memref<128x128xf32, #tpu.memory_space<vmem>>, vector<1x16xf32>,
        %get3A_790 = vector.shape_cast %get3A_789 : vector<1x16xf32> to vector<16xf32>
        %mul3A_791 = arith.mulf %get3A_790, %gather3A_700 : vector<16xf32>
        %add3A_792 = arith.constant 5 : i32
        %add3A_793 = arith.addi %add3A_73, %add3A_792 : i32
        %swap3A_794 = arith.index_cast %add3A_793 : i32 to index
        %swap3A_795 = arith.constant 96 : index
        %swap3A_796 = tpu.vector_load %arg11[%swap3A_794, %swap3A_795] {strides = array<i32>} : memref<128x128xf32, #tpu.memory_space<vmem>>, vector<1x16xf32>,
        %swap3A_797 = vector.shape_cast %swap3A_796 : vector<1x16xf32> to vector<16xf32>
        %swap3A_798 = vector.shape_cast %mul3A_791 : vector<16xf32> to vector<1x16xf32>
        tpu.vector_store %arg11[%swap3A_794, %swap3A_795], %swap3A_798 {strides = array<i32>} : memref<128x128xf32, #tpu.memory_space<vmem>>, vector<1x16xf32>,
        %add3A_799 = arith.constant 5 : i32
        %add3A_800 = arith.addi %add3A_73, %add3A_799 : i32
        %get3A_801 = arith.index_cast %add3A_800 : i32 to index
        %get3A_802 = arith.constant 112 : index
        %get3A_803 = tpu.vector_load %arg11[%get3A_801, %get3A_802] {strides = array<i32>} : memref<128x128xf32, #tpu.memory_space<vmem>>, vector<1x16xf32>,
        %get3A_804 = vector.shape_cast %get3A_803 : vector<1x16xf32> to vector<16xf32>
        %mul3A_805 = arith.mulf %get3A_804, %gather3A_700 : vector<16xf32>
        %add3A_806 = arith.constant 5 : i32
        %add3A_807 = arith.addi %add3A_73, %add3A_806 : i32
        %swap3A_808 = arith.index_cast %add3A_807 : i32 to index
        %swap3A_809 = arith.constant 112 : index
        %swap3A_810 = tpu.vector_load %arg11[%swap3A_808, %swap3A_809] {strides = array<i32>} : memref<128x128xf32, #tpu.memory_space<vmem>>, vector<1x16xf32>,
        %swap3A_811 = vector.shape_cast %swap3A_810 : vector<1x16xf32> to vector<16xf32>
        %swap3A_812 = vector.shape_cast %mul3A_805 : vector<16xf32> to vector<1x16xf32>
        tpu.vector_store %arg11[%swap3A_808, %swap3A_809], %swap3A_812 {strides = array<i32>} : memref<128x128xf32, #tpu.memory_space<vmem>>, vector<1x16xf32>,
        %broadcast_in_dim3A_813 = arith.constant 6 : i32
        %broadcast_in_dim3A_814 = vector.broadcast %broadcast_in_dim3A_813 : i32 to vector<16xi32>
        %lt3A_815 = arith.constant 0 : i32
        %lt3A_816 = vector.broadcast %lt3A_815 : i32 to vector<16xi32>
        %lt3A_817 = arith.cmpi slt, %broadcast_in_dim3A_814, %lt3A_816 : vector<16xi32>
        %add3A_818 = arith.constant 16 : i32
        %add3A_819 = vector.broadcast %add3A_818 : i32 to vector<16xi32>
        %add3A_820 = arith.addi %broadcast_in_dim3A_814, %add3A_819 : vector<16xi32>
        %select_n3A_821 = arith.select %lt3A_817, %add3A_820, %broadcast_in_dim3A_814 : vector<16xi1>, vector<16xi32>
        %broadcast_in_dim3A_822 = vector.shape_cast %select_n3A_821 : vector<16xi32> to vector<16x1xi32>
        %gather3A_823 = vector.shape_cast %broadcast_in_dim3A_822 : vector<16x1xi32> to vector<16xi32>
        %gather3A_824 = tpu.dynamic_gather %get3A_69[%gather3A_823] in [0] : vector<16xf32>, vector<16xi32> -> vector<16xf32>
        %add3A_825 = arith.constant 6 : i32
        %add3A_826 = arith.addi %add3A_73, %add3A_825 : i32
        %get3A_827 = arith.index_cast %add3A_826 : i32 to index
        %get3A_828 = arith.constant 0 : index
        %get3A_829 = tpu.vector_load %arg11[%get3A_827, %get3A_828] {strides = array<i32>} : memref<128x128xf32, #tpu.memory_space<vmem>>, vector<1x16xf32>,
        %get3A_830 = vector.shape_cast %get3A_829 : vector<1x16xf32> to vector<16xf32>
        %mul3A_831 = arith.mulf %get3A_830, %gather3A_824 : vector<16xf32>
        %add3A_832 = arith.constant 6 : i32
        %add3A_833 = arith.addi %add3A_73, %add3A_832 : i32
        %swap3A_834 = arith.index_cast %add3A_833 : i32 to index
        %swap3A_835 = arith.constant 0 : index
        %swap3A_836 = tpu.vector_load %arg11[%swap3A_834, %swap3A_835] {strides = array<i32>} : memref<128x128xf32, #tpu.memory_space<vmem>>, vector<1x16xf32>,
        %swap3A_837 = vector.shape_cast %swap3A_836 : vector<1x16xf32> to vector<16xf32>
        %swap3A_838 = vector.shape_cast %mul3A_831 : vector<16xf32> to vector<1x16xf32>
        tpu.vector_store %arg11[%swap3A_834, %swap3A_835], %swap3A_838 {strides = array<i32>} : memref<128x128xf32, #tpu.memory_space<vmem>>, vector<1x16xf32>,
        %add3A_839 = arith.constant 6 : i32
        %add3A_840 = arith.addi %add3A_73, %add3A_839 : i32
        %get3A_841 = arith.index_cast %add3A_840 : i32 to index
        %get3A_842 = arith.constant 16 : index
        %get3A_843 = tpu.vector_load %arg11[%get3A_841, %get3A_842] {strides = array<i32>} : memref<128x128xf32, #tpu.memory_space<vmem>>, vector<1x16xf32>,
        %get3A_844 = vector.shape_cast %get3A_843 : vector<1x16xf32> to vector<16xf32>
        %mul3A_845 = arith.mulf %get3A_844, %gather3A_824 : vector<16xf32>
        %add3A_846 = arith.constant 6 : i32
        %add3A_847 = arith.addi %add3A_73, %add3A_846 : i32
        %swap3A_848 = arith.index_cast %add3A_847 : i32 to index
        %swap3A_849 = arith.constant 16 : index
        %swap3A_850 = tpu.vector_load %arg11[%swap3A_848, %swap3A_849] {strides = array<i32>} : memref<128x128xf32, #tpu.memory_space<vmem>>, vector<1x16xf32>,
        %swap3A_851 = vector.shape_cast %swap3A_850 : vector<1x16xf32> to vector<16xf32>
        %swap3A_852 = vector.shape_cast %mul3A_845 : vector<16xf32> to vector<1x16xf32>
        tpu.vector_store %arg11[%swap3A_848, %swap3A_849], %swap3A_852 {strides = array<i32>} : memref<128x128xf32, #tpu.memory_space<vmem>>, vector<1x16xf32>,
        %add3A_853 = arith.constant 6 : i32
        %add3A_854 = arith.addi %add3A_73, %add3A_853 : i32
        %get3A_855 = arith.index_cast %add3A_854 : i32 to index
        %get3A_856 = arith.constant 32 : index
        %get3A_857 = tpu.vector_load %arg11[%get3A_855, %get3A_856] {strides = array<i32>} : memref<128x128xf32, #tpu.memory_space<vmem>>, vector<1x16xf32>,
        %get3A_858 = vector.shape_cast %get3A_857 : vector<1x16xf32> to vector<16xf32>
        %mul3A_859 = arith.mulf %get3A_858, %gather3A_824 : vector<16xf32>
        %add3A_860 = arith.constant 6 : i32
        %add3A_861 = arith.addi %add3A_73, %add3A_860 : i32
        %swap3A_862 = arith.index_cast %add3A_861 : i32 to index
        %swap3A_863 = arith.constant 32 : index
        %swap3A_864 = tpu.vector_load %arg11[%swap3A_862, %swap3A_863] {strides = array<i32>} : memref<128x128xf32, #tpu.memory_space<vmem>>, vector<1x16xf32>,
        %swap3A_865 = vector.shape_cast %swap3A_864 : vector<1x16xf32> to vector<16xf32>
        %swap3A_866 = vector.shape_cast %mul3A_859 : vector<16xf32> to vector<1x16xf32>
        tpu.vector_store %arg11[%swap3A_862, %swap3A_863], %swap3A_866 {strides = array<i32>} : memref<128x128xf32, #tpu.memory_space<vmem>>, vector<1x16xf32>,
        %add3A_867 = arith.constant 6 : i32
        %add3A_868 = arith.addi %add3A_73, %add3A_867 : i32
        %get3A_869 = arith.index_cast %add3A_868 : i32 to index
        %get3A_870 = arith.constant 48 : index
        %get3A_871 = tpu.vector_load %arg11[%get3A_869, %get3A_870] {strides = array<i32>} : memref<128x128xf32, #tpu.memory_space<vmem>>, vector<1x16xf32>,
        %get3A_872 = vector.shape_cast %get3A_871 : vector<1x16xf32> to vector<16xf32>
        %mul3A_873 = arith.mulf %get3A_872, %gather3A_824 : vector<16xf32>
        %add3A_874 = arith.constant 6 : i32
        %add3A_875 = arith.addi %add3A_73, %add3A_874 : i32
        %swap3A_876 = arith.index_cast %add3A_875 : i32 to index
        %swap3A_877 = arith.constant 48 : index
        %swap3A_878 = tpu.vector_load %arg11[%swap3A_876, %swap3A_877] {strides = array<i32>} : memref<128x128xf32, #tpu.memory_space<vmem>>, vector<1x16xf32>,
        %swap3A_879 = vector.shape_cast %swap3A_878 : vector<1x16xf32> to vector<16xf32>
        %swap3A_880 = vector.shape_cast %mul3A_873 : vector<16xf32> to vector<1x16xf32>
        tpu.vector_store %arg11[%swap3A_876, %swap3A_877], %swap3A_880 {strides = array<i32>} : memref<128x128xf32, #tpu.memory_space<vmem>>, vector<1x16xf32>,
        %add3A_881 = arith.constant 6 : i32
        %add3A_882 = arith.addi %add3A_73, %add3A_881 : i32
        %get3A_883 = arith.index_cast %add3A_882 : i32 to index
        %get3A_884 = arith.constant 64 : index
        %get3A_885 = tpu.vector_load %arg11[%get3A_883, %get3A_884] {strides = array<i32>} : memref<128x128xf32, #tpu.memory_space<vmem>>, vector<1x16xf32>,
        %get3A_886 = vector.shape_cast %get3A_885 : vector<1x16xf32> to vector<16xf32>
        %mul3A_887 = arith.mulf %get3A_886, %gather3A_824 : vector<16xf32>
        %add3A_888 = arith.constant 6 : i32
        %add3A_889 = arith.addi %add3A_73, %add3A_888 : i32
        %swap3A_890 = arith.index_cast %add3A_889 : i32 to index
        %swap3A_891 = arith.constant 64 : index
        %swap3A_892 = tpu.vector_load %arg11[%swap3A_890, %swap3A_891] {strides = array<i32>} : memref<128x128xf32, #tpu.memory_space<vmem>>, vector<1x16xf32>,
        %swap3A_893 = vector.shape_cast %swap3A_892 : vector<1x16xf32> to vector<16xf32>
        %swap3A_894 = vector.shape_cast %mul3A_887 : vector<16xf32> to vector<1x16xf32>
        tpu.vector_store %arg11[%swap3A_890, %swap3A_891], %swap3A_894 {strides = array<i32>} : memref<128x128xf32, #tpu.memory_space<vmem>>, vector<1x16xf32>,
        %add3A_895 = arith.constant 6 : i32
        %add3A_896 = arith.addi %add3A_73, %add3A_895 : i32
        %get3A_897 = arith.index_cast %add3A_896 : i32 to index
        %get3A_898 = arith.constant 80 : index
        %get3A_899 = tpu.vector_load %arg11[%get3A_897, %get3A_898] {strides = array<i32>} : memref<128x128xf32, #tpu.memory_space<vmem>>, vector<1x16xf32>,
        %get3A_900 = vector.shape_cast %get3A_899 : vector<1x16xf32> to vector<16xf32>
        %mul3A_901 = arith.mulf %get3A_900, %gather3A_824 : vector<16xf32>
        %add3A_902 = arith.constant 6 : i32
        %add3A_903 = arith.addi %add3A_73, %add3A_902 : i32
        %swap3A_904 = arith.index_cast %add3A_903 : i32 to index
        %swap3A_905 = arith.constant 80 : index
        %swap3A_906 = tpu.vector_load %arg11[%swap3A_904, %swap3A_905] {strides = array<i32>} : memref<128x128xf32, #tpu.memory_space<vmem>>, vector<1x16xf32>,
        %swap3A_907 = vector.shape_cast %swap3A_906 : vector<1x16xf32> to vector<16xf32>
        %swap3A_908 = vector.shape_cast %mul3A_901 : vector<16xf32> to vector<1x16xf32>
        tpu.vector_store %arg11[%swap3A_904, %swap3A_905], %swap3A_908 {strides = array<i32>} : memref<128x128xf32, #tpu.memory_space<vmem>>, vector<1x16xf32>,
        %add3A_909 = arith.constant 6 : i32
        %add3A_910 = arith.addi %add3A_73, %add3A_909 : i32
        %get3A_911 = arith.index_cast %add3A_910 : i32 to index
        %get3A_912 = arith.constant 96 : index
        %get3A_913 = tpu.vector_load %arg11[%get3A_911, %get3A_912] {strides = array<i32>} : memref<128x128xf32, #tpu.memory_space<vmem>>, vector<1x16xf32>,
        %get3A_914 = vector.shape_cast %get3A_913 : vector<1x16xf32> to vector<16xf32>
        %mul3A_915 = arith.mulf %get3A_914, %gather3A_824 : vector<16xf32>
        %add3A_916 = arith.constant 6 : i32
        %add3A_917 = arith.addi %add3A_73, %add3A_916 : i32
        %swap3A_918 = arith.index_cast %add3A_917 : i32 to index
        %swap3A_919 = arith.constant 96 : index
        %swap3A_920 = tpu.vector_load %arg11[%swap3A_918, %swap3A_919] {strides = array<i32>} : memref<128x128xf32, #tpu.memory_space<vmem>>, vector<1x16xf32>,
        %swap3A_921 = vector.shape_cast %swap3A_920 : vector<1x16xf32> to vector<16xf32>
        %swap3A_922 = vector.shape_cast %mul3A_915 : vector<16xf32> to vector<1x16xf32>
        tpu.vector_store %arg11[%swap3A_918, %swap3A_919], %swap3A_922 {strides = array<i32>} : memref<128x128xf32, #tpu.memory_space<vmem>>, vector<1x16xf32>,
        %add3A_923 = arith.constant 6 : i32
        %add3A_924 = arith.addi %add3A_73, %add3A_923 : i32
        %get3A_925 = arith.index_cast %add3A_924 : i32 to index
        %get3A_926 = arith.constant 112 : index
        %get3A_927 = tpu.vector_load %arg11[%get3A_925, %get3A_926] {strides = array<i32>} : memref<128x128xf32, #tpu.memory_space<vmem>>, vector<1x16xf32>,
        %get3A_928 = vector.shape_cast %get3A_927 : vector<1x16xf32> to vector<16xf32>
        %mul3A_929 = arith.mulf %get3A_928, %gather3A_824 : vector<16xf32>
        %add3A_930 = arith.constant 6 : i32
        %add3A_931 = arith.addi %add3A_73, %add3A_930 : i32
        %swap3A_932 = arith.index_cast %add3A_931 : i32 to index
        %swap3A_933 = arith.constant 112 : index
        %swap3A_934 = tpu.vector_load %arg11[%swap3A_932, %swap3A_933] {strides = array<i32>} : memref<128x128xf32, #tpu.memory_space<vmem>>, vector<1x16xf32>,
        %swap3A_935 = vector.shape_cast %swap3A_934 : vector<1x16xf32> to vector<16xf32>
        %swap3A_936 = vector.shape_cast %mul3A_929 : vector<16xf32> to vector<1x16xf32>
        tpu.vector_store %arg11[%swap3A_932, %swap3A_933], %swap3A_936 {strides = array<i32>} : memref<128x128xf32, #tpu.memory_space<vmem>>, vector<1x16xf32>,
        %broadcast_in_dim3A_937 = arith.constant 7 : i32
        %broadcast_in_dim3A_938 = vector.broadcast %broadcast_in_dim3A_937 : i32 to vector<16xi32>
        %lt3A_939 = arith.constant 0 : i32
        %lt3A_940 = vector.broadcast %lt3A_939 : i32 to vector<16xi32>
        %lt3A_941 = arith.cmpi slt, %broadcast_in_dim3A_938, %lt3A_940 : vector<16xi32>
        %add3A_942 = arith.constant 16 : i32
        %add3A_943 = vector.broadcast %add3A_942 : i32 to vector<16xi32>
        %add3A_944 = arith.addi %broadcast_in_dim3A_938, %add3A_943 : vector<16xi32>
        %select_n3A_945 = arith.select %lt3A_941, %add3A_944, %broadcast_in_dim3A_938 : vector<16xi1>, vector<16xi32>
        %broadcast_in_dim3A_946 = vector.shape_cast %select_n3A_945 : vector<16xi32> to vector<16x1xi32>
        %gather3A_947 = vector.shape_cast %broadcast_in_dim3A_946 : vector<16x1xi32> to vector<16xi32>
        %gather3A_948 = tpu.dynamic_gather %get3A_69[%gather3A_947] in [0] : vector<16xf32>, vector<16xi32> -> vector<16xf32>
        %add3A_949 = arith.constant 7 : i32
        %add3A_950 = arith.addi %add3A_73, %add3A_949 : i32
        %get3A_951 = arith.index_cast %add3A_950 : i32 to index
        %get3A_952 = arith.constant 0 : index
        %get3A_953 = tpu.vector_load %arg11[%get3A_951, %get3A_952] {strides = array<i32>} : memref<128x128xf32, #tpu.memory_space<vmem>>, vector<1x16xf32>,
        %get3A_954 = vector.shape_cast %get3A_953 : vector<1x16xf32> to vector<16xf32>
        %mul3A_955 = arith.mulf %get3A_954, %gather3A_948 : vector<16xf32>
        %add3A_956 = arith.constant 7 : i32
        %add3A_957 = arith.addi %add3A_73, %add3A_956 : i32
        %swap3A_958 = arith.index_cast %add3A_957 : i32 to index
        %swap3A_959 = arith.constant 0 : index
        %swap3A_960 = tpu.vector_load %arg11[%swap3A_958, %swap3A_959] {strides = array<i32>} : memref<128x128xf32, #tpu.memory_space<vmem>>, vector<1x16xf32>,
        %swap3A_961 = vector.shape_cast %swap3A_960 : vector<1x16xf32> to vector<16xf32>
        %swap3A_962 = vector.shape_cast %mul3A_955 : vector<16xf32> to vector<1x16xf32>
        tpu.vector_store %arg11[%swap3A_958, %swap3A_959], %swap3A_962 {strides = array<i32>} : memref<128x128xf32, #tpu.memory_space<vmem>>, vector<1x16xf32>,
        %add3A_963 = arith.constant 7 : i32
        %add3A_964 = arith.addi %add3A_73, %add3A_963 : i32
        %get3A_965 = arith.index_cast %add3A_964 : i32 to index
        %get3A_966 = arith.constant 16 : index
        %get3A_967 = tpu.vector_load %arg11[%get3A_965, %get3A_966] {strides = array<i32>} : memref<128x128xf32, #tpu.memory_space<vmem>>, vector<1x16xf32>,
        %get3A_968 = vector.shape_cast %get3A_967 : vector<1x16xf32> to vector<16xf32>
        %mul3A_969 = arith.mulf %get3A_968, %gather3A_948 : vector<16xf32>
        %add3A_970 = arith.constant 7 : i32
        %add3A_971 = arith.addi %add3A_73, %add3A_970 : i32
        %swap3A_972 = arith.index_cast %add3A_971 : i32 to index
        %swap3A_973 = arith.constant 16 : index
        %swap3A_974 = tpu.vector_load %arg11[%swap3A_972, %swap3A_973] {strides = array<i32>} : memref<128x128xf32, #tpu.memory_space<vmem>>, vector<1x16xf32>,
        %swap3A_975 = vector.shape_cast %swap3A_974 : vector<1x16xf32> to vector<16xf32>
        %swap3A_976 = vector.shape_cast %mul3A_969 : vector<16xf32> to vector<1x16xf32>
        tpu.vector_store %arg11[%swap3A_972, %swap3A_973], %swap3A_976 {strides = array<i32>} : memref<128x128xf32, #tpu.memory_space<vmem>>, vector<1x16xf32>,
        %add3A_977 = arith.constant 7 : i32
        %add3A_978 = arith.addi %add3A_73, %add3A_977 : i32
        %get3A_979 = arith.index_cast %add3A_978 : i32 to index
        %get3A_980 = arith.constant 32 : index
        %get3A_981 = tpu.vector_load %arg11[%get3A_979, %get3A_980] {strides = array<i32>} : memref<128x128xf32, #tpu.memory_space<vmem>>, vector<1x16xf32>,
        %get3A_982 = vector.shape_cast %get3A_981 : vector<1x16xf32> to vector<16xf32>
        %mul3A_983 = arith.mulf %get3A_982, %gather3A_948 : vector<16xf32>
        %add3A_984 = arith.constant 7 : i32
        %add3A_985 = arith.addi %add3A_73, %add3A_984 : i32
        %swap3A_986 = arith.index_cast %add3A_985 : i32 to index
        %swap3A_987 = arith.constant 32 : index
        %swap3A_988 = tpu.vector_load %arg11[%swap3A_986, %swap3A_987] {strides = array<i32>} : memref<128x128xf32, #tpu.memory_space<vmem>>, vector<1x16xf32>,
        %swap3A_989 = vector.shape_cast %swap3A_988 : vector<1x16xf32> to vector<16xf32>
        %swap3A_990 = vector.shape_cast %mul3A_983 : vector<16xf32> to vector<1x16xf32>
        tpu.vector_store %arg11[%swap3A_986, %swap3A_987], %swap3A_990 {strides = array<i32>} : memref<128x128xf32, #tpu.memory_space<vmem>>, vector<1x16xf32>,
        %add3A_991 = arith.constant 7 : i32
        %add3A_992 = arith.addi %add3A_73, %add3A_991 : i32
        %get3A_993 = arith.index_cast %add3A_992 : i32 to index
        %get3A_994 = arith.constant 48 : index
        %get3A_995 = tpu.vector_load %arg11[%get3A_993, %get3A_994] {strides = array<i32>} : memref<128x128xf32, #tpu.memory_space<vmem>>, vector<1x16xf32>,
        %get3A_996 = vector.shape_cast %get3A_995 : vector<1x16xf32> to vector<16xf32>
        %mul3A_997 = arith.mulf %get3A_996, %gather3A_948 : vector<16xf32>
        %add3A_998 = arith.constant 7 : i32
        %add3A_999 = arith.addi %add3A_73, %add3A_998 : i32
        %swap3A_1000 = arith.index_cast %add3A_999 : i32 to index
        %swap3A_1001 = arith.constant 48 : index
        %swap3A_1002 = tpu.vector_load %arg11[%swap3A_1000, %swap3A_1001] {strides = array<i32>} : memref<128x128xf32, #tpu.memory_space<vmem>>, vector<1x16xf32>,
        %swap3A_1003 = vector.shape_cast %swap3A_1002 : vector<1x16xf32> to vector<16xf32>
        %swap3A_1004 = vector.shape_cast %mul3A_997 : vector<16xf32> to vector<1x16xf32>
        tpu.vector_store %arg11[%swap3A_1000, %swap3A_1001], %swap3A_1004 {strides = array<i32>} : memref<128x128xf32, #tpu.memory_space<vmem>>, vector<1x16xf32>,
        %add3A_1005 = arith.constant 7 : i32
        %add3A_1006 = arith.addi %add3A_73, %add3A_1005 : i32
        %get3A_1007 = arith.index_cast %add3A_1006 : i32 to index
        %get3A_1008 = arith.constant 64 : index
        %get3A_1009 = tpu.vector_load %arg11[%get3A_1007, %get3A_1008] {strides = array<i32>} : memref<128x128xf32, #tpu.memory_space<vmem>>, vector<1x16xf32>,
        %get3A_1010 = vector.shape_cast %get3A_1009 : vector<1x16xf32> to vector<16xf32>
        %mul3A_1011 = arith.mulf %get3A_1010, %gather3A_948 : vector<16xf32>
        %add3A_1012 = arith.constant 7 : i32
        %add3A_1013 = arith.addi %add3A_73, %add3A_1012 : i32
        %swap3A_1014 = arith.index_cast %add3A_1013 : i32 to index
        %swap3A_1015 = arith.constant 64 : index
        %swap3A_1016 = tpu.vector_load %arg11[%swap3A_1014, %swap3A_1015] {strides = array<i32>} : memref<128x128xf32, #tpu.memory_space<vmem>>, vector<1x16xf32>,
        %swap3A_1017 = vector.shape_cast %swap3A_1016 : vector<1x16xf32> to vector<16xf32>
        %swap3A_1018 = vector.shape_cast %mul3A_1011 : vector<16xf32> to vector<1x16xf32>
        tpu.vector_store %arg11[%swap3A_1014, %swap3A_1015], %swap3A_1018 {strides = array<i32>} : memref<128x128xf32, #tpu.memory_space<vmem>>, vector<1x16xf32>,
        %add3A_1019 = arith.constant 7 : i32
        %add3A_1020 = arith.addi %add3A_73, %add3A_1019 : i32
        %get3A_1021 = arith.index_cast %add3A_1020 : i32 to index
        %get3A_1022 = arith.constant 80 : index
        %get3A_1023 = tpu.vector_load %arg11[%get3A_1021, %get3A_1022] {strides = array<i32>} : memref<128x128xf32, #tpu.memory_space<vmem>>, vector<1x16xf32>,
        %get3A_1024 = vector.shape_cast %get3A_1023 : vector<1x16xf32> to vector<16xf32>
        %mul3A_1025 = arith.mulf %get3A_1024, %gather3A_948 : vector<16xf32>
        %add3A_1026 = arith.constant 7 : i32
        %add3A_1027 = arith.addi %add3A_73, %add3A_1026 : i32
        %swap3A_1028 = arith.index_cast %add3A_1027 : i32 to index
        %swap3A_1029 = arith.constant 80 : index
        %swap3A_1030 = tpu.vector_load %arg11[%swap3A_1028, %swap3A_1029] {strides = array<i32>} : memref<128x128xf32, #tpu.memory_space<vmem>>, vector<1x16xf32>,
        %swap3A_1031 = vector.shape_cast %swap3A_1030 : vector<1x16xf32> to vector<16xf32>
        %swap3A_1032 = vector.shape_cast %mul3A_1025 : vector<16xf32> to vector<1x16xf32>
        tpu.vector_store %arg11[%swap3A_1028, %swap3A_1029], %swap3A_1032 {strides = array<i32>} : memref<128x128xf32, #tpu.memory_space<vmem>>, vector<1x16xf32>,
        %add3A_1033 = arith.constant 7 : i32
        %add3A_1034 = arith.addi %add3A_73, %add3A_1033 : i32
        %get3A_1035 = arith.index_cast %add3A_1034 : i32 to index
        %get3A_1036 = arith.constant 96 : index
        %get3A_1037 = tpu.vector_load %arg11[%get3A_1035, %get3A_1036] {strides = array<i32>} : memref<128x128xf32, #tpu.memory_space<vmem>>, vector<1x16xf32>,
        %get3A_1038 = vector.shape_cast %get3A_1037 : vector<1x16xf32> to vector<16xf32>
        %mul3A_1039 = arith.mulf %get3A_1038, %gather3A_948 : vector<16xf32>
        %add3A_1040 = arith.constant 7 : i32
        %add3A_1041 = arith.addi %add3A_73, %add3A_1040 : i32
        %swap3A_1042 = arith.index_cast %add3A_1041 : i32 to index
        %swap3A_1043 = arith.constant 96 : index
        %swap3A_1044 = tpu.vector_load %arg11[%swap3A_1042, %swap3A_1043] {strides = array<i32>} : memref<128x128xf32, #tpu.memory_space<vmem>>, vector<1x16xf32>,
        %swap3A_1045 = vector.shape_cast %swap3A_1044 : vector<1x16xf32> to vector<16xf32>
        %swap3A_1046 = vector.shape_cast %mul3A_1039 : vector<16xf32> to vector<1x16xf32>
        tpu.vector_store %arg11[%swap3A_1042, %swap3A_1043], %swap3A_1046 {strides = array<i32>} : memref<128x128xf32, #tpu.memory_space<vmem>>, vector<1x16xf32>,
        %add3A_1047 = arith.constant 7 : i32
        %add3A_1048 = arith.addi %add3A_73, %add3A_1047 : i32
        %get3A_1049 = arith.index_cast %add3A_1048 : i32 to index
        %get3A_1050 = arith.constant 112 : index
        %get3A_1051 = tpu.vector_load %arg11[%get3A_1049, %get3A_1050] {strides = array<i32>} : memref<128x128xf32, #tpu.memory_space<vmem>>, vector<1x16xf32>,
        %get3A_1052 = vector.shape_cast %get3A_1051 : vector<1x16xf32> to vector<16xf32>
        %mul3A_1053 = arith.mulf %get3A_1052, %gather3A_948 : vector<16xf32>
        %add3A_1054 = arith.constant 7 : i32
        %add3A_1055 = arith.addi %add3A_73, %add3A_1054 : i32
        %swap3A_1056 = arith.index_cast %add3A_1055 : i32 to index
        %swap3A_1057 = arith.constant 112 : index
        %swap3A_1058 = tpu.vector_load %arg11[%swap3A_1056, %swap3A_1057] {strides = array<i32>} : memref<128x128xf32, #tpu.memory_space<vmem>>, vector<1x16xf32>,
        %swap3A_1059 = vector.shape_cast %swap3A_1058 : vector<1x16xf32> to vector<16xf32>
        %swap3A_1060 = vector.shape_cast %mul3A_1053 : vector<16xf32> to vector<1x16xf32>
        tpu.vector_store %arg11[%swap3A_1056, %swap3A_1057], %swap3A_1060 {strides = array<i32>} : memref<128x128xf32, #tpu.memory_space<vmem>>, vector<1x16xf32>,
        %broadcast_in_dim3A_1061 = arith.constant 8 : i32
        %broadcast_in_dim3A_1062 = vector.broadcast %broadcast_in_dim3A_1061 : i32 to vector<16xi32>
        %lt3A_1063 = arith.constant 0 : i32
        %lt3A_1064 = vector.broadcast %lt3A_1063 : i32 to vector<16xi32>
        %lt3A_1065 = arith.cmpi slt, %broadcast_in_dim3A_1062, %lt3A_1064 : vector<16xi32>
        %add3A_1066 = arith.constant 16 : i32
        %add3A_1067 = vector.broadcast %add3A_1066 : i32 to vector<16xi32>
        %add3A_1068 = arith.addi %broadcast_in_dim3A_1062, %add3A_1067 : vector<16xi32>
        %select_n3A_1069 = arith.select %lt3A_1065, %add3A_1068, %broadcast_in_dim3A_1062 : vector<16xi1>, vector<16xi32>
        %broadcast_in_dim3A_1070 = vector.shape_cast %select_n3A_1069 : vector<16xi32> to vector<16x1xi32>
        %gather3A_1071 = vector.shape_cast %broadcast_in_dim3A_1070 : vector<16x1xi32> to vector<16xi32>
        %gather3A_1072 = tpu.dynamic_gather %get3A_69[%gather3A_1071] in [0] : vector<16xf32>, vector<16xi32> -> vector<16xf32>
        %add3A_1073 = arith.constant 8 : i32
        %add3A_1074 = arith.addi %add3A_73, %add3A_1073 : i32
        %get3A_1075 = arith.index_cast %add3A_1074 : i32 to index
        %get3A_1076 = arith.constant 0 : index
        %get3A_1077 = tpu.vector_load %arg11[%get3A_1075, %get3A_1076] {strides = array<i32>} : memref<128x128xf32, #tpu.memory_space<vmem>>, vector<1x16xf32>,
        %get3A_1078 = vector.shape_cast %get3A_1077 : vector<1x16xf32> to vector<16xf32>
        %mul3A_1079 = arith.mulf %get3A_1078, %gather3A_1072 : vector<16xf32>
        %add3A_1080 = arith.constant 8 : i32
        %add3A_1081 = arith.addi %add3A_73, %add3A_1080 : i32
        %swap3A_1082 = arith.index_cast %add3A_1081 : i32 to index
        %swap3A_1083 = arith.constant 0 : index
        %swap3A_1084 = tpu.vector_load %arg11[%swap3A_1082, %swap3A_1083] {strides = array<i32>} : memref<128x128xf32, #tpu.memory_space<vmem>>, vector<1x16xf32>,
        %swap3A_1085 = vector.shape_cast %swap3A_1084 : vector<1x16xf32> to vector<16xf32>
        %swap3A_1086 = vector.shape_cast %mul3A_1079 : vector<16xf32> to vector<1x16xf32>
        tpu.vector_store %arg11[%swap3A_1082, %swap3A_1083], %swap3A_1086 {strides = array<i32>} : memref<128x128xf32, #tpu.memory_space<vmem>>, vector<1x16xf32>,
        %add3A_1087 = arith.constant 8 : i32
        %add3A_1088 = arith.addi %add3A_73, %add3A_1087 : i32
        %get3A_1089 = arith.index_cast %add3A_1088 : i32 to index
        %get3A_1090 = arith.constant 16 : index
        %get3A_1091 = tpu.vector_load %arg11[%get3A_1089, %get3A_1090] {strides = array<i32>} : memref<128x128xf32, #tpu.memory_space<vmem>>, vector<1x16xf32>,
        %get3A_1092 = vector.shape_cast %get3A_1091 : vector<1x16xf32> to vector<16xf32>
        %mul3A_1093 = arith.mulf %get3A_1092, %gather3A_1072 : vector<16xf32>
        %add3A_1094 = arith.constant 8 : i32
        %add3A_1095 = arith.addi %add3A_73, %add3A_1094 : i32
        %swap3A_1096 = arith.index_cast %add3A_1095 : i32 to index
        %swap3A_1097 = arith.constant 16 : index
        %swap3A_1098 = tpu.vector_load %arg11[%swap3A_1096, %swap3A_1097] {strides = array<i32>} : memref<128x128xf32, #tpu.memory_space<vmem>>, vector<1x16xf32>,
        %swap3A_1099 = vector.shape_cast %swap3A_1098 : vector<1x16xf32> to vector<16xf32>
        %swap3A_1100 = vector.shape_cast %mul3A_1093 : vector<16xf32> to vector<1x16xf32>
        tpu.vector_store %arg11[%swap3A_1096, %swap3A_1097], %swap3A_1100 {strides = array<i32>} : memref<128x128xf32, #tpu.memory_space<vmem>>, vector<1x16xf32>,
        %add3A_1101 = arith.constant 8 : i32
        %add3A_1102 = arith.addi %add3A_73, %add3A_1101 : i32
        %get3A_1103 = arith.index_cast %add3A_1102 : i32 to index
        %get3A_1104 = arith.constant 32 : index
        %get3A_1105 = tpu.vector_load %arg11[%get3A_1103, %get3A_1104] {strides = array<i32>} : memref<128x128xf32, #tpu.memory_space<vmem>>, vector<1x16xf32>,
        %get3A_1106 = vector.shape_cast %get3A_1105 : vector<1x16xf32> to vector<16xf32>
        %mul3A_1107 = arith.mulf %get3A_1106, %gather3A_1072 : vector<16xf32>
        %add3A_1108 = arith.constant 8 : i32
        %add3A_1109 = arith.addi %add3A_73, %add3A_1108 : i32
        %swap3A_1110 = arith.index_cast %add3A_1109 : i32 to index
        %swap3A_1111 = arith.constant 32 : index
        %swap3A_1112 = tpu.vector_load %arg11[%swap3A_1110, %swap3A_1111] {strides = array<i32>} : memref<128x128xf32, #tpu.memory_space<vmem>>, vector<1x16xf32>,
        %swap3A_1113 = vector.shape_cast %swap3A_1112 : vector<1x16xf32> to vector<16xf32>
        %swap3A_1114 = vector.shape_cast %mul3A_1107 : vector<16xf32> to vector<1x16xf32>
        tpu.vector_store %arg11[%swap3A_1110, %swap3A_1111], %swap3A_1114 {strides = array<i32>} : memref<128x128xf32, #tpu.memory_space<vmem>>, vector<1x16xf32>,
        %add3A_1115 = arith.constant 8 : i32
        %add3A_1116 = arith.addi %add3A_73, %add3A_1115 : i32
        %get3A_1117 = arith.index_cast %add3A_1116 : i32 to index
        %get3A_1118 = arith.constant 48 : index
        %get3A_1119 = tpu.vector_load %arg11[%get3A_1117, %get3A_1118] {strides = array<i32>} : memref<128x128xf32, #tpu.memory_space<vmem>>, vector<1x16xf32>,
        %get3A_1120 = vector.shape_cast %get3A_1119 : vector<1x16xf32> to vector<16xf32>
        %mul3A_1121 = arith.mulf %get3A_1120, %gather3A_1072 : vector<16xf32>
        %add3A_1122 = arith.constant 8 : i32
        %add3A_1123 = arith.addi %add3A_73, %add3A_1122 : i32
        %swap3A_1124 = arith.index_cast %add3A_1123 : i32 to index
        %swap3A_1125 = arith.constant 48 : index
        %swap3A_1126 = tpu.vector_load %arg11[%swap3A_1124, %swap3A_1125] {strides = array<i32>} : memref<128x128xf32, #tpu.memory_space<vmem>>, vector<1x16xf32>,
        %swap3A_1127 = vector.shape_cast %swap3A_1126 : vector<1x16xf32> to vector<16xf32>
        %swap3A_1128 = vector.shape_cast %mul3A_1121 : vector<16xf32> to vector<1x16xf32>
        tpu.vector_store %arg11[%swap3A_1124, %swap3A_1125], %swap3A_1128 {strides = array<i32>} : memref<128x128xf32, #tpu.memory_space<vmem>>, vector<1x16xf32>,
        %add3A_1129 = arith.constant 8 : i32
        %add3A_1130 = arith.addi %add3A_73, %add3A_1129 : i32
        %get3A_1131 = arith.index_cast %add3A_1130 : i32 to index
        %get3A_1132 = arith.constant 64 : index
        %get3A_1133 = tpu.vector_load %arg11[%get3A_1131, %get3A_1132] {strides = array<i32>} : memref<128x128xf32, #tpu.memory_space<vmem>>, vector<1x16xf32>,
        %get3A_1134 = vector.shape_cast %get3A_1133 : vector<1x16xf32> to vector<16xf32>
        %mul3A_1135 = arith.mulf %get3A_1134, %gather3A_1072 : vector<16xf32>
        %add3A_1136 = arith.constant 8 : i32
        %add3A_1137 = arith.addi %add3A_73, %add3A_1136 : i32
        %swap3A_1138 = arith.index_cast %add3A_1137 : i32 to index
        %swap3A_1139 = arith.constant 64 : index
        %swap3A_1140 = tpu.vector_load %arg11[%swap3A_1138, %swap3A_1139] {strides = array<i32>} : memref<128x128xf32, #tpu.memory_space<vmem>>, vector<1x16xf32>,
        %swap3A_1141 = vector.shape_cast %swap3A_1140 : vector<1x16xf32> to vector<16xf32>
        %swap3A_1142 = vector.shape_cast %mul3A_1135 : vector<16xf32> to vector<1x16xf32>
        tpu.vector_store %arg11[%swap3A_1138, %swap3A_1139], %swap3A_1142 {strides = array<i32>} : memref<128x128xf32, #tpu.memory_space<vmem>>, vector<1x16xf32>,
        %add3A_1143 = arith.constant 8 : i32
        %add3A_1144 = arith.addi %add3A_73, %add3A_1143 : i32
        %get3A_1145 = arith.index_cast %add3A_1144 : i32 to index
        %get3A_1146 = arith.constant 80 : index
        %get3A_1147 = tpu.vector_load %arg11[%get3A_1145, %get3A_1146] {strides = array<i32>} : memref<128x128xf32, #tpu.memory_space<vmem>>, vector<1x16xf32>,
        %get3A_1148 = vector.shape_cast %get3A_1147 : vector<1x16xf32> to vector<16xf32>
        %mul3A_1149 = arith.mulf %get3A_1148, %gather3A_1072 : vector<16xf32>
        %add3A_1150 = arith.constant 8 : i32
        %add3A_1151 = arith.addi %add3A_73, %add3A_1150 : i32
        %swap3A_1152 = arith.index_cast %add3A_1151 : i32 to index
        %swap3A_1153 = arith.constant 80 : index
        %swap3A_1154 = tpu.vector_load %arg11[%swap3A_1152, %swap3A_1153] {strides = array<i32>} : memref<128x128xf32, #tpu.memory_space<vmem>>, vector<1x16xf32>,
        %swap3A_1155 = vector.shape_cast %swap3A_1154 : vector<1x16xf32> to vector<16xf32>
        %swap3A_1156 = vector.shape_cast %mul3A_1149 : vector<16xf32> to vector<1x16xf32>
        tpu.vector_store %arg11[%swap3A_1152, %swap3A_1153], %swap3A_1156 {strides = array<i32>} : memref<128x128xf32, #tpu.memory_space<vmem>>, vector<1x16xf32>,
        %add3A_1157 = arith.constant 8 : i32
        %add3A_1158 = arith.addi %add3A_73, %add3A_1157 : i32
        %get3A_1159 = arith.index_cast %add3A_1158 : i32 to index
        %get3A_1160 = arith.constant 96 : index
        %get3A_1161 = tpu.vector_load %arg11[%get3A_1159, %get3A_1160] {strides = array<i32>} : memref<128x128xf32, #tpu.memory_space<vmem>>, vector<1x16xf32>,
        %get3A_1162 = vector.shape_cast %get3A_1161 : vector<1x16xf32> to vector<16xf32>
        %mul3A_1163 = arith.mulf %get3A_1162, %gather3A_1072 : vector<16xf32>
        %add3A_1164 = arith.constant 8 : i32
        %add3A_1165 = arith.addi %add3A_73, %add3A_1164 : i32
        %swap3A_1166 = arith.index_cast %add3A_1165 : i32 to index
        %swap3A_1167 = arith.constant 96 : index
        %swap3A_1168 = tpu.vector_load %arg11[%swap3A_1166, %swap3A_1167] {strides = array<i32>} : memref<128x128xf32, #tpu.memory_space<vmem>>, vector<1x16xf32>,
        %swap3A_1169 = vector.shape_cast %swap3A_1168 : vector<1x16xf32> to vector<16xf32>
        %swap3A_1170 = vector.shape_cast %mul3A_1163 : vector<16xf32> to vector<1x16xf32>
        tpu.vector_store %arg11[%swap3A_1166, %swap3A_1167], %swap3A_1170 {strides = array<i32>} : memref<128x128xf32, #tpu.memory_space<vmem>>, vector<1x16xf32>,
        %add3A_1171 = arith.constant 8 : i32
        %add3A_1172 = arith.addi %add3A_73, %add3A_1171 : i32
        %get3A_1173 = arith.index_cast %add3A_1172 : i32 to index
        %get3A_1174 = arith.constant 112 : index
        %get3A_1175 = tpu.vector_load %arg11[%get3A_1173, %get3A_1174] {strides = array<i32>} : memref<128x128xf32, #tpu.memory_space<vmem>>, vector<1x16xf32>,
        %get3A_1176 = vector.shape_cast %get3A_1175 : vector<1x16xf32> to vector<16xf32>
        %mul3A_1177 = arith.mulf %get3A_1176, %gather3A_1072 : vector<16xf32>
        %add3A_1178 = arith.constant 8 : i32
        %add3A_1179 = arith.addi %add3A_73, %add3A_1178 : i32
        %swap3A_1180 = arith.index_cast %add3A_1179 : i32 to index
        %swap3A_1181 = arith.constant 112 : index
        %swap3A_1182 = tpu.vector_load %arg11[%swap3A_1180, %swap3A_1181] {strides = array<i32>} : memref<128x128xf32, #tpu.memory_space<vmem>>, vector<1x16xf32>,
        %swap3A_1183 = vector.shape_cast %swap3A_1182 : vector<1x16xf32> to vector<16xf32>
        %swap3A_1184 = vector.shape_cast %mul3A_1177 : vector<16xf32> to vector<1x16xf32>
        tpu.vector_store %arg11[%swap3A_1180, %swap3A_1181], %swap3A_1184 {strides = array<i32>} : memref<128x128xf32, #tpu.memory_space<vmem>>, vector<1x16xf32>,
        %broadcast_in_dim3A_1185 = arith.constant 9 : i32
        %broadcast_in_dim3A_1186 = vector.broadcast %broadcast_in_dim3A_1185 : i32 to vector<16xi32>
        %lt3A_1187 = arith.constant 0 : i32
        %lt3A_1188 = vector.broadcast %lt3A_1187 : i32 to vector<16xi32>
        %lt3A_1189 = arith.cmpi slt, %broadcast_in_dim3A_1186, %lt3A_1188 : vector<16xi32>
        %add3A_1190 = arith.constant 16 : i32
        %add3A_1191 = vector.broadcast %add3A_1190 : i32 to vector<16xi32>
        %add3A_1192 = arith.addi %broadcast_in_dim3A_1186, %add3A_1191 : vector<16xi32>
        %select_n3A_1193 = arith.select %lt3A_1189, %add3A_1192, %broadcast_in_dim3A_1186 : vector<16xi1>, vector<16xi32>
        %broadcast_in_dim3A_1194 = vector.shape_cast %select_n3A_1193 : vector<16xi32> to vector<16x1xi32>
        %gather3A_1195 = vector.shape_cast %broadcast_in_dim3A_1194 : vector<16x1xi32> to vector<16xi32>
        %gather3A_1196 = tpu.dynamic_gather %get3A_69[%gather3A_1195] in [0] : vector<16xf32>, vector<16xi32> -> vector<16xf32>
        %add3A_1197 = arith.constant 9 : i32
        %add3A_1198 = arith.addi %add3A_73, %add3A_1197 : i32
        %get3A_1199 = arith.index_cast %add3A_1198 : i32 to index
        %get3A_1200 = arith.constant 0 : index
        %get3A_1201 = tpu.vector_load %arg11[%get3A_1199, %get3A_1200] {strides = array<i32>} : memref<128x128xf32, #tpu.memory_space<vmem>>, vector<1x16xf32>,
        %get3A_1202 = vector.shape_cast %get3A_1201 : vector<1x16xf32> to vector<16xf32>
        %mul3A_1203 = arith.mulf %get3A_1202, %gather3A_1196 : vector<16xf32>
        %add3A_1204 = arith.constant 9 : i32
        %add3A_1205 = arith.addi %add3A_73, %add3A_1204 : i32
        %swap3A_1206 = arith.index_cast %add3A_1205 : i32 to index
        %swap3A_1207 = arith.constant 0 : index
        %swap3A_1208 = tpu.vector_load %arg11[%swap3A_1206, %swap3A_1207] {strides = array<i32>} : memref<128x128xf32, #tpu.memory_space<vmem>>, vector<1x16xf32>,
        %swap3A_1209 = vector.shape_cast %swap3A_1208 : vector<1x16xf32> to vector<16xf32>
        %swap3A_1210 = vector.shape_cast %mul3A_1203 : vector<16xf32> to vector<1x16xf32>
        tpu.vector_store %arg11[%swap3A_1206, %swap3A_1207], %swap3A_1210 {strides = array<i32>} : memref<128x128xf32, #tpu.memory_space<vmem>>, vector<1x16xf32>,
        %add3A_1211 = arith.constant 9 : i32
        %add3A_1212 = arith.addi %add3A_73, %add3A_1211 : i32
        %get3A_1213 = arith.index_cast %add3A_1212 : i32 to index
        %get3A_1214 = arith.constant 16 : index
        %get3A_1215 = tpu.vector_load %arg11[%get3A_1213, %get3A_1214] {strides = array<i32>} : memref<128x128xf32, #tpu.memory_space<vmem>>, vector<1x16xf32>,
        %get3A_1216 = vector.shape_cast %get3A_1215 : vector<1x16xf32> to vector<16xf32>
        %mul3A_1217 = arith.mulf %get3A_1216, %gather3A_1196 : vector<16xf32>
        %add3A_1218 = arith.constant 9 : i32
        %add3A_1219 = arith.addi %add3A_73, %add3A_1218 : i32
        %swap3A_1220 = arith.index_cast %add3A_1219 : i32 to index
        %swap3A_1221 = arith.constant 16 : index
        %swap3A_1222 = tpu.vector_load %arg11[%swap3A_1220, %swap3A_1221] {strides = array<i32>} : memref<128x128xf32, #tpu.memory_space<vmem>>, vector<1x16xf32>,
        %swap3A_1223 = vector.shape_cast %swap3A_1222 : vector<1x16xf32> to vector<16xf32>
        %swap3A_1224 = vector.shape_cast %mul3A_1217 : vector<16xf32> to vector<1x16xf32>
        tpu.vector_store %arg11[%swap3A_1220, %swap3A_1221], %swap3A_1224 {strides = array<i32>} : memref<128x128xf32, #tpu.memory_space<vmem>>, vector<1x16xf32>,
        %add3A_1225 = arith.constant 9 : i32
        %add3A_1226 = arith.addi %add3A_73, %add3A_1225 : i32
        %get3A_1227 = arith.index_cast %add3A_1226 : i32 to index
        %get3A_1228 = arith.constant 32 : index
        %get3A_1229 = tpu.vector_load %arg11[%get3A_1227, %get3A_1228] {strides = array<i32>} : memref<128x128xf32, #tpu.memory_space<vmem>>, vector<1x16xf32>,
        %get3A_1230 = vector.shape_cast %get3A_1229 : vector<1x16xf32> to vector<16xf32>
        %mul3A_1231 = arith.mulf %get3A_1230, %gather3A_1196 : vector<16xf32>
        %add3A_1232 = arith.constant 9 : i32
        %add3A_1233 = arith.addi %add3A_73, %add3A_1232 : i32
        %swap3A_1234 = arith.index_cast %add3A_1233 : i32 to index
        %swap3A_1235 = arith.constant 32 : index
        %swap3A_1236 = tpu.vector_load %arg11[%swap3A_1234, %swap3A_1235] {strides = array<i32>} : memref<128x128xf32, #tpu.memory_space<vmem>>, vector<1x16xf32>,
        %swap3A_1237 = vector.shape_cast %swap3A_1236 : vector<1x16xf32> to vector<16xf32>
        %swap3A_1238 = vector.shape_cast %mul3A_1231 : vector<16xf32> to vector<1x16xf32>
        tpu.vector_store %arg11[%swap3A_1234, %swap3A_1235], %swap3A_1238 {strides = array<i32>} : memref<128x128xf32, #tpu.memory_space<vmem>>, vector<1x16xf32>,
        %add3A_1239 = arith.constant 9 : i32
        %add3A_1240 = arith.addi %add3A_73, %add3A_1239 : i32
        %get3A_1241 = arith.index_cast %add3A_1240 : i32 to index
        %get3A_1242 = arith.constant 48 : index
        %get3A_1243 = tpu.vector_load %arg11[%get3A_1241, %get3A_1242] {strides = array<i32>} : memref<128x128xf32, #tpu.memory_space<vmem>>, vector<1x16xf32>,
        %get3A_1244 = vector.shape_cast %get3A_1243 : vector<1x16xf32> to vector<16xf32>
        %mul3A_1245 = arith.mulf %get3A_1244, %gather3A_1196 : vector<16xf32>
        %add3A_1246 = arith.constant 9 : i32
        %add3A_1247 = arith.addi %add3A_73, %add3A_1246 : i32
        %swap3A_1248 = arith.index_cast %add3A_1247 : i32 to index
        %swap3A_1249 = arith.constant 48 : index
        %swap3A_1250 = tpu.vector_load %arg11[%swap3A_1248, %swap3A_1249] {strides = array<i32>} : memref<128x128xf32, #tpu.memory_space<vmem>>, vector<1x16xf32>,
        %swap3A_1251 = vector.shape_cast %swap3A_1250 : vector<1x16xf32> to vector<16xf32>
        %swap3A_1252 = vector.shape_cast %mul3A_1245 : vector<16xf32> to vector<1x16xf32>
        tpu.vector_store %arg11[%swap3A_1248, %swap3A_1249], %swap3A_1252 {strides = array<i32>} : memref<128x128xf32, #tpu.memory_space<vmem>>, vector<1x16xf32>,
        %add3A_1253 = arith.constant 9 : i32
        %add3A_1254 = arith.addi %add3A_73, %add3A_1253 : i32
        %get3A_1255 = arith.index_cast %add3A_1254 : i32 to index
        %get3A_1256 = arith.constant 64 : index
        %get3A_1257 = tpu.vector_load %arg11[%get3A_1255, %get3A_1256] {strides = array<i32>} : memref<128x128xf32, #tpu.memory_space<vmem>>, vector<1x16xf32>,
        %get3A_1258 = vector.shape_cast %get3A_1257 : vector<1x16xf32> to vector<16xf32>
        %mul3A_1259 = arith.mulf %get3A_1258, %gather3A_1196 : vector<16xf32>
        %add3A_1260 = arith.constant 9 : i32
        %add3A_1261 = arith.addi %add3A_73, %add3A_1260 : i32
        %swap3A_1262 = arith.index_cast %add3A_1261 : i32 to index
        %swap3A_1263 = arith.constant 64 : index
        %swap3A_1264 = tpu.vector_load %arg11[%swap3A_1262, %swap3A_1263] {strides = array<i32>} : memref<128x128xf32, #tpu.memory_space<vmem>>, vector<1x16xf32>,
        %swap3A_1265 = vector.shape_cast %swap3A_1264 : vector<1x16xf32> to vector<16xf32>
        %swap3A_1266 = vector.shape_cast %mul3A_1259 : vector<16xf32> to vector<1x16xf32>
        tpu.vector_store %arg11[%swap3A_1262, %swap3A_1263], %swap3A_1266 {strides = array<i32>} : memref<128x128xf32, #tpu.memory_space<vmem>>, vector<1x16xf32>,
        %add3A_1267 = arith.constant 9 : i32
        %add3A_1268 = arith.addi %add3A_73, %add3A_1267 : i32
        %get3A_1269 = arith.index_cast %add3A_1268 : i32 to index
        %get3A_1270 = arith.constant 80 : index
        %get3A_1271 = tpu.vector_load %arg11[%get3A_1269, %get3A_1270] {strides = array<i32>} : memref<128x128xf32, #tpu.memory_space<vmem>>, vector<1x16xf32>,
        %get3A_1272 = vector.shape_cast %get3A_1271 : vector<1x16xf32> to vector<16xf32>
        %mul3A_1273 = arith.mulf %get3A_1272, %gather3A_1196 : vector<16xf32>
        %add3A_1274 = arith.constant 9 : i32
        %add3A_1275 = arith.addi %add3A_73, %add3A_1274 : i32
        %swap3A_1276 = arith.index_cast %add3A_1275 : i32 to index
        %swap3A_1277 = arith.constant 80 : index
        %swap3A_1278 = tpu.vector_load %arg11[%swap3A_1276, %swap3A_1277] {strides = array<i32>} : memref<128x128xf32, #tpu.memory_space<vmem>>, vector<1x16xf32>,
        %swap3A_1279 = vector.shape_cast %swap3A_1278 : vector<1x16xf32> to vector<16xf32>
        %swap3A_1280 = vector.shape_cast %mul3A_1273 : vector<16xf32> to vector<1x16xf32>
        tpu.vector_store %arg11[%swap3A_1276, %swap3A_1277], %swap3A_1280 {strides = array<i32>} : memref<128x128xf32, #tpu.memory_space<vmem>>, vector<1x16xf32>,
        %add3A_1281 = arith.constant 9 : i32
        %add3A_1282 = arith.addi %add3A_73, %add3A_1281 : i32
        %get3A_1283 = arith.index_cast %add3A_1282 : i32 to index
        %get3A_1284 = arith.constant 96 : index
        %get3A_1285 = tpu.vector_load %arg11[%get3A_1283, %get3A_1284] {strides = array<i32>} : memref<128x128xf32, #tpu.memory_space<vmem>>, vector<1x16xf32>,
        %get3A_1286 = vector.shape_cast %get3A_1285 : vector<1x16xf32> to vector<16xf32>
        %mul3A_1287 = arith.mulf %get3A_1286, %gather3A_1196 : vector<16xf32>
        %add3A_1288 = arith.constant 9 : i32
        %add3A_1289 = arith.addi %add3A_73, %add3A_1288 : i32
        %swap3A_1290 = arith.index_cast %add3A_1289 : i32 to index
        %swap3A_1291 = arith.constant 96 : index
        %swap3A_1292 = tpu.vector_load %arg11[%swap3A_1290, %swap3A_1291] {strides = array<i32>} : memref<128x128xf32, #tpu.memory_space<vmem>>, vector<1x16xf32>,
        %swap3A_1293 = vector.shape_cast %swap3A_1292 : vector<1x16xf32> to vector<16xf32>
        %swap3A_1294 = vector.shape_cast %mul3A_1287 : vector<16xf32> to vector<1x16xf32>
        tpu.vector_store %arg11[%swap3A_1290, %swap3A_1291], %swap3A_1294 {strides = array<i32>} : memref<128x128xf32, #tpu.memory_space<vmem>>, vector<1x16xf32>,
        %add3A_1295 = arith.constant 9 : i32
        %add3A_1296 = arith.addi %add3A_73, %add3A_1295 : i32
        %get3A_1297 = arith.index_cast %add3A_1296 : i32 to index
        %get3A_1298 = arith.constant 112 : index
        %get3A_1299 = tpu.vector_load %arg11[%get3A_1297, %get3A_1298] {strides = array<i32>} : memref<128x128xf32, #tpu.memory_space<vmem>>, vector<1x16xf32>,
        %get3A_1300 = vector.shape_cast %get3A_1299 : vector<1x16xf32> to vector<16xf32>
        %mul3A_1301 = arith.mulf %get3A_1300, %gather3A_1196 : vector<16xf32>
        %add3A_1302 = arith.constant 9 : i32
        %add3A_1303 = arith.addi %add3A_73, %add3A_1302 : i32
        %swap3A_1304 = arith.index_cast %add3A_1303 : i32 to index
        %swap3A_1305 = arith.constant 112 : index
        %swap3A_1306 = tpu.vector_load %arg11[%swap3A_1304, %swap3A_1305] {strides = array<i32>} : memref<128x128xf32, #tpu.memory_space<vmem>>, vector<1x16xf32>,
        %swap3A_1307 = vector.shape_cast %swap3A_1306 : vector<1x16xf32> to vector<16xf32>
        %swap3A_1308 = vector.shape_cast %mul3A_1301 : vector<16xf32> to vector<1x16xf32>
        tpu.vector_store %arg11[%swap3A_1304, %swap3A_1305], %swap3A_1308 {strides = array<i32>} : memref<128x128xf32, #tpu.memory_space<vmem>>, vector<1x16xf32>,
        %broadcast_in_dim3A_1309 = arith.constant 10 : i32
        %broadcast_in_dim3A_1310 = vector.broadcast %broadcast_in_dim3A_1309 : i32 to vector<16xi32>
        %lt3A_1311 = arith.constant 0 : i32
        %lt3A_1312 = vector.broadcast %lt3A_1311 : i32 to vector<16xi32>
        %lt3A_1313 = arith.cmpi slt, %broadcast_in_dim3A_1310, %lt3A_1312 : vector<16xi32>
        %add3A_1314 = arith.constant 16 : i32
        %add3A_1315 = vector.broadcast %add3A_1314 : i32 to vector<16xi32>
        %add3A_1316 = arith.addi %broadcast_in_dim3A_1310, %add3A_1315 : vector<16xi32>
        %select_n3A_1317 = arith.select %lt3A_1313, %add3A_1316, %broadcast_in_dim3A_1310 : vector<16xi1>, vector<16xi32>
        %broadcast_in_dim3A_1318 = vector.shape_cast %select_n3A_1317 : vector<16xi32> to vector<16x1xi32>
        %gather3A_1319 = vector.shape_cast %broadcast_in_dim3A_1318 : vector<16x1xi32> to vector<16xi32>
        %gather3A_1320 = tpu.dynamic_gather %get3A_69[%gather3A_1319] in [0] : vector<16xf32>, vector<16xi32> -> vector<16xf32>
        %add3A_1321 = arith.constant 10 : i32
        %add3A_1322 = arith.addi %add3A_73, %add3A_1321 : i32
        %get3A_1323 = arith.index_cast %add3A_1322 : i32 to index
        %get3A_1324 = arith.constant 0 : index
        %get3A_1325 = tpu.vector_load %arg11[%get3A_1323, %get3A_1324] {strides = array<i32>} : memref<128x128xf32, #tpu.memory_space<vmem>>, vector<1x16xf32>,
        %get3A_1326 = vector.shape_cast %get3A_1325 : vector<1x16xf32> to vector<16xf32>
        %mul3A_1327 = arith.mulf %get3A_1326, %gather3A_1320 : vector<16xf32>
        %add3A_1328 = arith.constant 10 : i32
        %add3A_1329 = arith.addi %add3A_73, %add3A_1328 : i32
        %swap3A_1330 = arith.index_cast %add3A_1329 : i32 to index
        %swap3A_1331 = arith.constant 0 : index
        %swap3A_1332 = tpu.vector_load %arg11[%swap3A_1330, %swap3A_1331] {strides = array<i32>} : memref<128x128xf32, #tpu.memory_space<vmem>>, vector<1x16xf32>,
        %swap3A_1333 = vector.shape_cast %swap3A_1332 : vector<1x16xf32> to vector<16xf32>
        %swap3A_1334 = vector.shape_cast %mul3A_1327 : vector<16xf32> to vector<1x16xf32>
        tpu.vector_store %arg11[%swap3A_1330, %swap3A_1331], %swap3A_1334 {strides = array<i32>} : memref<128x128xf32, #tpu.memory_space<vmem>>, vector<1x16xf32>,
        %add3A_1335 = arith.constant 10 : i32
        %add3A_1336 = arith.addi %add3A_73, %add3A_1335 : i32
        %get3A_1337 = arith.index_cast %add3A_1336 : i32 to index
        %get3A_1338 = arith.constant 16 : index
        %get3A_1339 = tpu.vector_load %arg11[%get3A_1337, %get3A_1338] {strides = array<i32>} : memref<128x128xf32, #tpu.memory_space<vmem>>, vector<1x16xf32>,
        %get3A_1340 = vector.shape_cast %get3A_1339 : vector<1x16xf32> to vector<16xf32>
        %mul3A_1341 = arith.mulf %get3A_1340, %gather3A_1320 : vector<16xf32>
        %add3A_1342 = arith.constant 10 : i32
        %add3A_1343 = arith.addi %add3A_73, %add3A_1342 : i32
        %swap3A_1344 = arith.index_cast %add3A_1343 : i32 to index
        %swap3A_1345 = arith.constant 16 : index
        %swap3A_1346 = tpu.vector_load %arg11[%swap3A_1344, %swap3A_1345] {strides = array<i32>} : memref<128x128xf32, #tpu.memory_space<vmem>>, vector<1x16xf32>,
        %swap3A_1347 = vector.shape_cast %swap3A_1346 : vector<1x16xf32> to vector<16xf32>
        %swap3A_1348 = vector.shape_cast %mul3A_1341 : vector<16xf32> to vector<1x16xf32>
        tpu.vector_store %arg11[%swap3A_1344, %swap3A_1345], %swap3A_1348 {strides = array<i32>} : memref<128x128xf32, #tpu.memory_space<vmem>>, vector<1x16xf32>,
        %add3A_1349 = arith.constant 10 : i32
        %add3A_1350 = arith.addi %add3A_73, %add3A_1349 : i32
        %get3A_1351 = arith.index_cast %add3A_1350 : i32 to index
        %get3A_1352 = arith.constant 32 : index
        %get3A_1353 = tpu.vector_load %arg11[%get3A_1351, %get3A_1352] {strides = array<i32>} : memref<128x128xf32, #tpu.memory_space<vmem>>, vector<1x16xf32>,
        %get3A_1354 = vector.shape_cast %get3A_1353 : vector<1x16xf32> to vector<16xf32>
        %mul3A_1355 = arith.mulf %get3A_1354, %gather3A_1320 : vector<16xf32>
        %add3A_1356 = arith.constant 10 : i32
        %add3A_1357 = arith.addi %add3A_73, %add3A_1356 : i32
        %swap3A_1358 = arith.index_cast %add3A_1357 : i32 to index
        %swap3A_1359 = arith.constant 32 : index
        %swap3A_1360 = tpu.vector_load %arg11[%swap3A_1358, %swap3A_1359] {strides = array<i32>} : memref<128x128xf32, #tpu.memory_space<vmem>>, vector<1x16xf32>,
        %swap3A_1361 = vector.shape_cast %swap3A_1360 : vector<1x16xf32> to vector<16xf32>
        %swap3A_1362 = vector.shape_cast %mul3A_1355 : vector<16xf32> to vector<1x16xf32>
        tpu.vector_store %arg11[%swap3A_1358, %swap3A_1359], %swap3A_1362 {strides = array<i32>} : memref<128x128xf32, #tpu.memory_space<vmem>>, vector<1x16xf32>,
        %add3A_1363 = arith.constant 10 : i32
        %add3A_1364 = arith.addi %add3A_73, %add3A_1363 : i32
        %get3A_1365 = arith.index_cast %add3A_1364 : i32 to index
        %get3A_1366 = arith.constant 48 : index
        %get3A_1367 = tpu.vector_load %arg11[%get3A_1365, %get3A_1366] {strides = array<i32>} : memref<128x128xf32, #tpu.memory_space<vmem>>, vector<1x16xf32>,
        %get3A_1368 = vector.shape_cast %get3A_1367 : vector<1x16xf32> to vector<16xf32>
        %mul3A_1369 = arith.mulf %get3A_1368, %gather3A_1320 : vector<16xf32>
        %add3A_1370 = arith.constant 10 : i32
        %add3A_1371 = arith.addi %add3A_73, %add3A_1370 : i32
        %swap3A_1372 = arith.index_cast %add3A_1371 : i32 to index
        %swap3A_1373 = arith.constant 48 : index
        %swap3A_1374 = tpu.vector_load %arg11[%swap3A_1372, %swap3A_1373] {strides = array<i32>} : memref<128x128xf32, #tpu.memory_space<vmem>>, vector<1x16xf32>,
        %swap3A_1375 = vector.shape_cast %swap3A_1374 : vector<1x16xf32> to vector<16xf32>
        %swap3A_1376 = vector.shape_cast %mul3A_1369 : vector<16xf32> to vector<1x16xf32>
        tpu.vector_store %arg11[%swap3A_1372, %swap3A_1373], %swap3A_1376 {strides = array<i32>} : memref<128x128xf32, #tpu.memory_space<vmem>>, vector<1x16xf32>,
        %add3A_1377 = arith.constant 10 : i32
        %add3A_1378 = arith.addi %add3A_73, %add3A_1377 : i32
        %get3A_1379 = arith.index_cast %add3A_1378 : i32 to index
        %get3A_1380 = arith.constant 64 : index
        %get3A_1381 = tpu.vector_load %arg11[%get3A_1379, %get3A_1380] {strides = array<i32>} : memref<128x128xf32, #tpu.memory_space<vmem>>, vector<1x16xf32>,
        %get3A_1382 = vector.shape_cast %get3A_1381 : vector<1x16xf32> to vector<16xf32>
        %mul3A_1383 = arith.mulf %get3A_1382, %gather3A_1320 : vector<16xf32>
        %add3A_1384 = arith.constant 10 : i32
        %add3A_1385 = arith.addi %add3A_73, %add3A_1384 : i32
        %swap3A_1386 = arith.index_cast %add3A_1385 : i32 to index
        %swap3A_1387 = arith.constant 64 : index
        %swap3A_1388 = tpu.vector_load %arg11[%swap3A_1386, %swap3A_1387] {strides = array<i32>} : memref<128x128xf32, #tpu.memory_space<vmem>>, vector<1x16xf32>,
        %swap3A_1389 = vector.shape_cast %swap3A_1388 : vector<1x16xf32> to vector<16xf32>
        %swap3A_1390 = vector.shape_cast %mul3A_1383 : vector<16xf32> to vector<1x16xf32>
        tpu.vector_store %arg11[%swap3A_1386, %swap3A_1387], %swap3A_1390 {strides = array<i32>} : memref<128x128xf32, #tpu.memory_space<vmem>>, vector<1x16xf32>,
        %add3A_1391 = arith.constant 10 : i32
        %add3A_1392 = arith.addi %add3A_73, %add3A_1391 : i32
        %get3A_1393 = arith.index_cast %add3A_1392 : i32 to index
        %get3A_1394 = arith.constant 80 : index
        %get3A_1395 = tpu.vector_load %arg11[%get3A_1393, %get3A_1394] {strides = array<i32>} : memref<128x128xf32, #tpu.memory_space<vmem>>, vector<1x16xf32>,
        %get3A_1396 = vector.shape_cast %get3A_1395 : vector<1x16xf32> to vector<16xf32>
        %mul3A_1397 = arith.mulf %get3A_1396, %gather3A_1320 : vector<16xf32>
        %add3A_1398 = arith.constant 10 : i32
        %add3A_1399 = arith.addi %add3A_73, %add3A_1398 : i32
        %swap3A_1400 = arith.index_cast %add3A_1399 : i32 to index
        %swap3A_1401 = arith.constant 80 : index
        %swap3A_1402 = tpu.vector_load %arg11[%swap3A_1400, %swap3A_1401] {strides = array<i32>} : memref<128x128xf32, #tpu.memory_space<vmem>>, vector<1x16xf32>,
        %swap3A_1403 = vector.shape_cast %swap3A_1402 : vector<1x16xf32> to vector<16xf32>
        %swap3A_1404 = vector.shape_cast %mul3A_1397 : vector<16xf32> to vector<1x16xf32>
        tpu.vector_store %arg11[%swap3A_1400, %swap3A_1401], %swap3A_1404 {strides = array<i32>} : memref<128x128xf32, #tpu.memory_space<vmem>>, vector<1x16xf32>,
        %add3A_1405 = arith.constant 10 : i32
        %add3A_1406 = arith.addi %add3A_73, %add3A_1405 : i32
        %get3A_1407 = arith.index_cast %add3A_1406 : i32 to index
        %get3A_1408 = arith.constant 96 : index
        %get3A_1409 = tpu.vector_load %arg11[%get3A_1407, %get3A_1408] {strides = array<i32>} : memref<128x128xf32, #tpu.memory_space<vmem>>, vector<1x16xf32>,
        %get3A_1410 = vector.shape_cast %get3A_1409 : vector<1x16xf32> to vector<16xf32>
        %mul3A_1411 = arith.mulf %get3A_1410, %gather3A_1320 : vector<16xf32>
        %add3A_1412 = arith.constant 10 : i32
        %add3A_1413 = arith.addi %add3A_73, %add3A_1412 : i32
        %swap3A_1414 = arith.index_cast %add3A_1413 : i32 to index
        %swap3A_1415 = arith.constant 96 : index
        %swap3A_1416 = tpu.vector_load %arg11[%swap3A_1414, %swap3A_1415] {strides = array<i32>} : memref<128x128xf32, #tpu.memory_space<vmem>>, vector<1x16xf32>,
        %swap3A_1417 = vector.shape_cast %swap3A_1416 : vector<1x16xf32> to vector<16xf32>
        %swap3A_1418 = vector.shape_cast %mul3A_1411 : vector<16xf32> to vector<1x16xf32>
        tpu.vector_store %arg11[%swap3A_1414, %swap3A_1415], %swap3A_1418 {strides = array<i32>} : memref<128x128xf32, #tpu.memory_space<vmem>>, vector<1x16xf32>,
        %add3A_1419 = arith.constant 10 : i32
        %add3A_1420 = arith.addi %add3A_73, %add3A_1419 : i32
        %get3A_1421 = arith.index_cast %add3A_1420 : i32 to index
        %get3A_1422 = arith.constant 112 : index
        %get3A_1423 = tpu.vector_load %arg11[%get3A_1421, %get3A_1422] {strides = array<i32>} : memref<128x128xf32, #tpu.memory_space<vmem>>, vector<1x16xf32>,
        %get3A_1424 = vector.shape_cast %get3A_1423 : vector<1x16xf32> to vector<16xf32>
        %mul3A_1425 = arith.mulf %get3A_1424, %gather3A_1320 : vector<16xf32>
        %add3A_1426 = arith.constant 10 : i32
        %add3A_1427 = arith.addi %add3A_73, %add3A_1426 : i32
        %swap3A_1428 = arith.index_cast %add3A_1427 : i32 to index
        %swap3A_1429 = arith.constant 112 : index
        %swap3A_1430 = tpu.vector_load %arg11[%swap3A_1428, %swap3A_1429] {strides = array<i32>} : memref<128x128xf32, #tpu.memory_space<vmem>>, vector<1x16xf32>,
        %swap3A_1431 = vector.shape_cast %swap3A_1430 : vector<1x16xf32> to vector<16xf32>
        %swap3A_1432 = vector.shape_cast %mul3A_1425 : vector<16xf32> to vector<1x16xf32>
        tpu.vector_store %arg11[%swap3A_1428, %swap3A_1429], %swap3A_1432 {strides = array<i32>} : memref<128x128xf32, #tpu.memory_space<vmem>>, vector<1x16xf32>,
        %broadcast_in_dim3A_1433 = arith.constant 11 : i32
        %broadcast_in_dim3A_1434 = vector.broadcast %broadcast_in_dim3A_1433 : i32 to vector<16xi32>
        %lt3A_1435 = arith.constant 0 : i32
        %lt3A_1436 = vector.broadcast %lt3A_1435 : i32 to vector<16xi32>
        %lt3A_1437 = arith.cmpi slt, %broadcast_in_dim3A_1434, %lt3A_1436 : vector<16xi32>
        %add3A_1438 = arith.constant 16 : i32
        %add3A_1439 = vector.broadcast %add3A_1438 : i32 to vector<16xi32>
        %add3A_1440 = arith.addi %broadcast_in_dim3A_1434, %add3A_1439 : vector<16xi32>
        %select_n3A_1441 = arith.select %lt3A_1437, %add3A_1440, %broadcast_in_dim3A_1434 : vector<16xi1>, vector<16xi32>
        %broadcast_in_dim3A_1442 = vector.shape_cast %select_n3A_1441 : vector<16xi32> to vector<16x1xi32>
        %gather3A_1443 = vector.shape_cast %broadcast_in_dim3A_1442 : vector<16x1xi32> to vector<16xi32>
        %gather3A_1444 = tpu.dynamic_gather %get3A_69[%gather3A_1443] in [0] : vector<16xf32>, vector<16xi32> -> vector<16xf32>
        %add3A_1445 = arith.constant 11 : i32
        %add3A_1446 = arith.addi %add3A_73, %add3A_1445 : i32
        %get3A_1447 = arith.index_cast %add3A_1446 : i32 to index
        %get3A_1448 = arith.constant 0 : index
        %get3A_1449 = tpu.vector_load %arg11[%get3A_1447, %get3A_1448] {strides = array<i32>} : memref<128x128xf32, #tpu.memory_space<vmem>>, vector<1x16xf32>,
        %get3A_1450 = vector.shape_cast %get3A_1449 : vector<1x16xf32> to vector<16xf32>
        %mul3A_1451 = arith.mulf %get3A_1450, %gather3A_1444 : vector<16xf32>
        %add3A_1452 = arith.constant 11 : i32
        %add3A_1453 = arith.addi %add3A_73, %add3A_1452 : i32
        %swap3A_1454 = arith.index_cast %add3A_1453 : i32 to index
        %swap3A_1455 = arith.constant 0 : index
        %swap3A_1456 = tpu.vector_load %arg11[%swap3A_1454, %swap3A_1455] {strides = array<i32>} : memref<128x128xf32, #tpu.memory_space<vmem>>, vector<1x16xf32>,
        %swap3A_1457 = vector.shape_cast %swap3A_1456 : vector<1x16xf32> to vector<16xf32>
        %swap3A_1458 = vector.shape_cast %mul3A_1451 : vector<16xf32> to vector<1x16xf32>
        tpu.vector_store %arg11[%swap3A_1454, %swap3A_1455], %swap3A_1458 {strides = array<i32>} : memref<128x128xf32, #tpu.memory_space<vmem>>, vector<1x16xf32>,
        %add3A_1459 = arith.constant 11 : i32
        %add3A_1460 = arith.addi %add3A_73, %add3A_1459 : i32
        %get3A_1461 = arith.index_cast %add3A_1460 : i32 to index
        %get3A_1462 = arith.constant 16 : index
        %get3A_1463 = tpu.vector_load %arg11[%get3A_1461, %get3A_1462] {strides = array<i32>} : memref<128x128xf32, #tpu.memory_space<vmem>>, vector<1x16xf32>,
        %get3A_1464 = vector.shape_cast %get3A_1463 : vector<1x16xf32> to vector<16xf32>
        %mul3A_1465 = arith.mulf %get3A_1464, %gather3A_1444 : vector<16xf32>
        %add3A_1466 = arith.constant 11 : i32
        %add3A_1467 = arith.addi %add3A_73, %add3A_1466 : i32
        %swap3A_1468 = arith.index_cast %add3A_1467 : i32 to index
        %swap3A_1469 = arith.constant 16 : index
        %swap3A_1470 = tpu.vector_load %arg11[%swap3A_1468, %swap3A_1469] {strides = array<i32>} : memref<128x128xf32, #tpu.memory_space<vmem>>, vector<1x16xf32>,
        %swap3A_1471 = vector.shape_cast %swap3A_1470 : vector<1x16xf32> to vector<16xf32>
        %swap3A_1472 = vector.shape_cast %mul3A_1465 : vector<16xf32> to vector<1x16xf32>
        tpu.vector_store %arg11[%swap3A_1468, %swap3A_1469], %swap3A_1472 {strides = array<i32>} : memref<128x128xf32, #tpu.memory_space<vmem>>, vector<1x16xf32>,
        %add3A_1473 = arith.constant 11 : i32
        %add3A_1474 = arith.addi %add3A_73, %add3A_1473 : i32
        %get3A_1475 = arith.index_cast %add3A_1474 : i32 to index
        %get3A_1476 = arith.constant 32 : index
        %get3A_1477 = tpu.vector_load %arg11[%get3A_1475, %get3A_1476] {strides = array<i32>} : memref<128x128xf32, #tpu.memory_space<vmem>>, vector<1x16xf32>,
        %get3A_1478 = vector.shape_cast %get3A_1477 : vector<1x16xf32> to vector<16xf32>
        %mul3A_1479 = arith.mulf %get3A_1478, %gather3A_1444 : vector<16xf32>
        %add3A_1480 = arith.constant 11 : i32
        %add3A_1481 = arith.addi %add3A_73, %add3A_1480 : i32
        %swap3A_1482 = arith.index_cast %add3A_1481 : i32 to index
        %swap3A_1483 = arith.constant 32 : index
        %swap3A_1484 = tpu.vector_load %arg11[%swap3A_1482, %swap3A_1483] {strides = array<i32>} : memref<128x128xf32, #tpu.memory_space<vmem>>, vector<1x16xf32>,
        %swap3A_1485 = vector.shape_cast %swap3A_1484 : vector<1x16xf32> to vector<16xf32>
        %swap3A_1486 = vector.shape_cast %mul3A_1479 : vector<16xf32> to vector<1x16xf32>
        tpu.vector_store %arg11[%swap3A_1482, %swap3A_1483], %swap3A_1486 {strides = array<i32>} : memref<128x128xf32, #tpu.memory_space<vmem>>, vector<1x16xf32>,
        %add3A_1487 = arith.constant 11 : i32
        %add3A_1488 = arith.addi %add3A_73, %add3A_1487 : i32
        %get3A_1489 = arith.index_cast %add3A_1488 : i32 to index
        %get3A_1490 = arith.constant 48 : index
        %get3A_1491 = tpu.vector_load %arg11[%get3A_1489, %get3A_1490] {strides = array<i32>} : memref<128x128xf32, #tpu.memory_space<vmem>>, vector<1x16xf32>,
        %get3A_1492 = vector.shape_cast %get3A_1491 : vector<1x16xf32> to vector<16xf32>
        %mul3A_1493 = arith.mulf %get3A_1492, %gather3A_1444 : vector<16xf32>
        %add3A_1494 = arith.constant 11 : i32
        %add3A_1495 = arith.addi %add3A_73, %add3A_1494 : i32
        %swap3A_1496 = arith.index_cast %add3A_1495 : i32 to index
        %swap3A_1497 = arith.constant 48 : index
        %swap3A_1498 = tpu.vector_load %arg11[%swap3A_1496, %swap3A_1497] {strides = array<i32>} : memref<128x128xf32, #tpu.memory_space<vmem>>, vector<1x16xf32>,
        %swap3A_1499 = vector.shape_cast %swap3A_1498 : vector<1x16xf32> to vector<16xf32>
        %swap3A_1500 = vector.shape_cast %mul3A_1493 : vector<16xf32> to vector<1x16xf32>
        tpu.vector_store %arg11[%swap3A_1496, %swap3A_1497], %swap3A_1500 {strides = array<i32>} : memref<128x128xf32, #tpu.memory_space<vmem>>, vector<1x16xf32>,
        %add3A_1501 = arith.constant 11 : i32
        %add3A_1502 = arith.addi %add3A_73, %add3A_1501 : i32
        %get3A_1503 = arith.index_cast %add3A_1502 : i32 to index
        %get3A_1504 = arith.constant 64 : index
        %get3A_1505 = tpu.vector_load %arg11[%get3A_1503, %get3A_1504] {strides = array<i32>} : memref<128x128xf32, #tpu.memory_space<vmem>>, vector<1x16xf32>,
        %get3A_1506 = vector.shape_cast %get3A_1505 : vector<1x16xf32> to vector<16xf32>
        %mul3A_1507 = arith.mulf %get3A_1506, %gather3A_1444 : vector<16xf32>
        %add3A_1508 = arith.constant 11 : i32
        %add3A_1509 = arith.addi %add3A_73, %add3A_1508 : i32
        %swap3A_1510 = arith.index_cast %add3A_1509 : i32 to index
        %swap3A_1511 = arith.constant 64 : index
        %swap3A_1512 = tpu.vector_load %arg11[%swap3A_1510, %swap3A_1511] {strides = array<i32>} : memref<128x128xf32, #tpu.memory_space<vmem>>, vector<1x16xf32>,
        %swap3A_1513 = vector.shape_cast %swap3A_1512 : vector<1x16xf32> to vector<16xf32>
        %swap3A_1514 = vector.shape_cast %mul3A_1507 : vector<16xf32> to vector<1x16xf32>
        tpu.vector_store %arg11[%swap3A_1510, %swap3A_1511], %swap3A_1514 {strides = array<i32>} : memref<128x128xf32, #tpu.memory_space<vmem>>, vector<1x16xf32>,
        %add3A_1515 = arith.constant 11 : i32
        %add3A_1516 = arith.addi %add3A_73, %add3A_1515 : i32
        %get3A_1517 = arith.index_cast %add3A_1516 : i32 to index
        %get3A_1518 = arith.constant 80 : index
        %get3A_1519 = tpu.vector_load %arg11[%get3A_1517, %get3A_1518] {strides = array<i32>} : memref<128x128xf32, #tpu.memory_space<vmem>>, vector<1x16xf32>,
        %get3A_1520 = vector.shape_cast %get3A_1519 : vector<1x16xf32> to vector<16xf32>
        %mul3A_1521 = arith.mulf %get3A_1520, %gather3A_1444 : vector<16xf32>
        %add3A_1522 = arith.constant 11 : i32
        %add3A_1523 = arith.addi %add3A_73, %add3A_1522 : i32
        %swap3A_1524 = arith.index_cast %add3A_1523 : i32 to index
        %swap3A_1525 = arith.constant 80 : index
        %swap3A_1526 = tpu.vector_load %arg11[%swap3A_1524, %swap3A_1525] {strides = array<i32>} : memref<128x128xf32, #tpu.memory_space<vmem>>, vector<1x16xf32>,
        %swap3A_1527 = vector.shape_cast %swap3A_1526 : vector<1x16xf32> to vector<16xf32>
        %swap3A_1528 = vector.shape_cast %mul3A_1521 : vector<16xf32> to vector<1x16xf32>
        tpu.vector_store %arg11[%swap3A_1524, %swap3A_1525], %swap3A_1528 {strides = array<i32>} : memref<128x128xf32, #tpu.memory_space<vmem>>, vector<1x16xf32>,
        %add3A_1529 = arith.constant 11 : i32
        %add3A_1530 = arith.addi %add3A_73, %add3A_1529 : i32
        %get3A_1531 = arith.index_cast %add3A_1530 : i32 to index
        %get3A_1532 = arith.constant 96 : index
        %get3A_1533 = tpu.vector_load %arg11[%get3A_1531, %get3A_1532] {strides = array<i32>} : memref<128x128xf32, #tpu.memory_space<vmem>>, vector<1x16xf32>,
        %get3A_1534 = vector.shape_cast %get3A_1533 : vector<1x16xf32> to vector<16xf32>
        %mul3A_1535 = arith.mulf %get3A_1534, %gather3A_1444 : vector<16xf32>
        %add3A_1536 = arith.constant 11 : i32
        %add3A_1537 = arith.addi %add3A_73, %add3A_1536 : i32
        %swap3A_1538 = arith.index_cast %add3A_1537 : i32 to index
        %swap3A_1539 = arith.constant 96 : index
        %swap3A_1540 = tpu.vector_load %arg11[%swap3A_1538, %swap3A_1539] {strides = array<i32>} : memref<128x128xf32, #tpu.memory_space<vmem>>, vector<1x16xf32>,
        %swap3A_1541 = vector.shape_cast %swap3A_1540 : vector<1x16xf32> to vector<16xf32>
        %swap3A_1542 = vector.shape_cast %mul3A_1535 : vector<16xf32> to vector<1x16xf32>
        tpu.vector_store %arg11[%swap3A_1538, %swap3A_1539], %swap3A_1542 {strides = array<i32>} : memref<128x128xf32, #tpu.memory_space<vmem>>, vector<1x16xf32>,
        %add3A_1543 = arith.constant 11 : i32
        %add3A_1544 = arith.addi %add3A_73, %add3A_1543 : i32
        %get3A_1545 = arith.index_cast %add3A_1544 : i32 to index
        %get3A_1546 = arith.constant 112 : index
        %get3A_1547 = tpu.vector_load %arg11[%get3A_1545, %get3A_1546] {strides = array<i32>} : memref<128x128xf32, #tpu.memory_space<vmem>>, vector<1x16xf32>,
        %get3A_1548 = vector.shape_cast %get3A_1547 : vector<1x16xf32> to vector<16xf32>
        %mul3A_1549 = arith.mulf %get3A_1548, %gather3A_1444 : vector<16xf32>
        %add3A_1550 = arith.constant 11 : i32
        %add3A_1551 = arith.addi %add3A_73, %add3A_1550 : i32
        %swap3A_1552 = arith.index_cast %add3A_1551 : i32 to index
        %swap3A_1553 = arith.constant 112 : index
        %swap3A_1554 = tpu.vector_load %arg11[%swap3A_1552, %swap3A_1553] {strides = array<i32>} : memref<128x128xf32, #tpu.memory_space<vmem>>, vector<1x16xf32>,
        %swap3A_1555 = vector.shape_cast %swap3A_1554 : vector<1x16xf32> to vector<16xf32>
        %swap3A_1556 = vector.shape_cast %mul3A_1549 : vector<16xf32> to vector<1x16xf32>
        tpu.vector_store %arg11[%swap3A_1552, %swap3A_1553], %swap3A_1556 {strides = array<i32>} : memref<128x128xf32, #tpu.memory_space<vmem>>, vector<1x16xf32>,
        %broadcast_in_dim3A_1557 = arith.constant 12 : i32
        %broadcast_in_dim3A_1558 = vector.broadcast %broadcast_in_dim3A_1557 : i32 to vector<16xi32>
        %lt3A_1559 = arith.constant 0 : i32
        %lt3A_1560 = vector.broadcast %lt3A_1559 : i32 to vector<16xi32>
        %lt3A_1561 = arith.cmpi slt, %broadcast_in_dim3A_1558, %lt3A_1560 : vector<16xi32>
        %add3A_1562 = arith.constant 16 : i32
        %add3A_1563 = vector.broadcast %add3A_1562 : i32 to vector<16xi32>
        %add3A_1564 = arith.addi %broadcast_in_dim3A_1558, %add3A_1563 : vector<16xi32>
        %select_n3A_1565 = arith.select %lt3A_1561, %add3A_1564, %broadcast_in_dim3A_1558 : vector<16xi1>, vector<16xi32>
        %broadcast_in_dim3A_1566 = vector.shape_cast %select_n3A_1565 : vector<16xi32> to vector<16x1xi32>
        %gather3A_1567 = vector.shape_cast %broadcast_in_dim3A_1566 : vector<16x1xi32> to vector<16xi32>
        %gather3A_1568 = tpu.dynamic_gather %get3A_69[%gather3A_1567] in [0] : vector<16xf32>, vector<16xi32> -> vector<16xf32>
        %add3A_1569 = arith.constant 12 : i32
        %add3A_1570 = arith.addi %add3A_73, %add3A_1569 : i32
        %get3A_1571 = arith.index_cast %add3A_1570 : i32 to index
        %get3A_1572 = arith.constant 0 : index
        %get3A_1573 = tpu.vector_load %arg11[%get3A_1571, %get3A_1572] {strides = array<i32>} : memref<128x128xf32, #tpu.memory_space<vmem>>, vector<1x16xf32>,
        %get3A_1574 = vector.shape_cast %get3A_1573 : vector<1x16xf32> to vector<16xf32>
        %mul3A_1575 = arith.mulf %get3A_1574, %gather3A_1568 : vector<16xf32>
        %add3A_1576 = arith.constant 12 : i32
        %add3A_1577 = arith.addi %add3A_73, %add3A_1576 : i32
        %swap3A_1578 = arith.index_cast %add3A_1577 : i32 to index
        %swap3A_1579 = arith.constant 0 : index
        %swap3A_1580 = tpu.vector_load %arg11[%swap3A_1578, %swap3A_1579] {strides = array<i32>} : memref<128x128xf32, #tpu.memory_space<vmem>>, vector<1x16xf32>,
        %swap3A_1581 = vector.shape_cast %swap3A_1580 : vector<1x16xf32> to vector<16xf32>
        %swap3A_1582 = vector.shape_cast %mul3A_1575 : vector<16xf32> to vector<1x16xf32>
        tpu.vector_store %arg11[%swap3A_1578, %swap3A_1579], %swap3A_1582 {strides = array<i32>} : memref<128x128xf32, #tpu.memory_space<vmem>>, vector<1x16xf32>,
        %add3A_1583 = arith.constant 12 : i32
        %add3A_1584 = arith.addi %add3A_73, %add3A_1583 : i32
        %get3A_1585 = arith.index_cast %add3A_1584 : i32 to index
        %get3A_1586 = arith.constant 16 : index
        %get3A_1587 = tpu.vector_load %arg11[%get3A_1585, %get3A_1586] {strides = array<i32>} : memref<128x128xf32, #tpu.memory_space<vmem>>, vector<1x16xf32>,
        %get3A_1588 = vector.shape_cast %get3A_1587 : vector<1x16xf32> to vector<16xf32>
        %mul3A_1589 = arith.mulf %get3A_1588, %gather3A_1568 : vector<16xf32>
        %add3A_1590 = arith.constant 12 : i32
        %add3A_1591 = arith.addi %add3A_73, %add3A_1590 : i32
        %swap3A_1592 = arith.index_cast %add3A_1591 : i32 to index
        %swap3A_1593 = arith.constant 16 : index
        %swap3A_1594 = tpu.vector_load %arg11[%swap3A_1592, %swap3A_1593] {strides = array<i32>} : memref<128x128xf32, #tpu.memory_space<vmem>>, vector<1x16xf32>,
        %swap3A_1595 = vector.shape_cast %swap3A_1594 : vector<1x16xf32> to vector<16xf32>
        %swap3A_1596 = vector.shape_cast %mul3A_1589 : vector<16xf32> to vector<1x16xf32>
        tpu.vector_store %arg11[%swap3A_1592, %swap3A_1593], %swap3A_1596 {strides = array<i32>} : memref<128x128xf32, #tpu.memory_space<vmem>>, vector<1x16xf32>,
        %add3A_1597 = arith.constant 12 : i32
        %add3A_1598 = arith.addi %add3A_73, %add3A_1597 : i32
        %get3A_1599 = arith.index_cast %add3A_1598 : i32 to index
        %get3A_1600 = arith.constant 32 : index
        %get3A_1601 = tpu.vector_load %arg11[%get3A_1599, %get3A_1600] {strides = array<i32>} : memref<128x128xf32, #tpu.memory_space<vmem>>, vector<1x16xf32>,
        %get3A_1602 = vector.shape_cast %get3A_1601 : vector<1x16xf32> to vector<16xf32>
        %mul3A_1603 = arith.mulf %get3A_1602, %gather3A_1568 : vector<16xf32>
        %add3A_1604 = arith.constant 12 : i32
        %add3A_1605 = arith.addi %add3A_73, %add3A_1604 : i32
        %swap3A_1606 = arith.index_cast %add3A_1605 : i32 to index
        %swap3A_1607 = arith.constant 32 : index
        %swap3A_1608 = tpu.vector_load %arg11[%swap3A_1606, %swap3A_1607] {strides = array<i32>} : memref<128x128xf32, #tpu.memory_space<vmem>>, vector<1x16xf32>,
        %swap3A_1609 = vector.shape_cast %swap3A_1608 : vector<1x16xf32> to vector<16xf32>
        %swap3A_1610 = vector.shape_cast %mul3A_1603 : vector<16xf32> to vector<1x16xf32>
        tpu.vector_store %arg11[%swap3A_1606, %swap3A_1607], %swap3A_1610 {strides = array<i32>} : memref<128x128xf32, #tpu.memory_space<vmem>>, vector<1x16xf32>,
        %add3A_1611 = arith.constant 12 : i32
        %add3A_1612 = arith.addi %add3A_73, %add3A_1611 : i32
        %get3A_1613 = arith.index_cast %add3A_1612 : i32 to index
        %get3A_1614 = arith.constant 48 : index
        %get3A_1615 = tpu.vector_load %arg11[%get3A_1613, %get3A_1614] {strides = array<i32>} : memref<128x128xf32, #tpu.memory_space<vmem>>, vector<1x16xf32>,
        %get3A_1616 = vector.shape_cast %get3A_1615 : vector<1x16xf32> to vector<16xf32>
        %mul3A_1617 = arith.mulf %get3A_1616, %gather3A_1568 : vector<16xf32>
        %add3A_1618 = arith.constant 12 : i32
        %add3A_1619 = arith.addi %add3A_73, %add3A_1618 : i32
        %swap3A_1620 = arith.index_cast %add3A_1619 : i32 to index
        %swap3A_1621 = arith.constant 48 : index
        %swap3A_1622 = tpu.vector_load %arg11[%swap3A_1620, %swap3A_1621] {strides = array<i32>} : memref<128x128xf32, #tpu.memory_space<vmem>>, vector<1x16xf32>,
        %swap3A_1623 = vector.shape_cast %swap3A_1622 : vector<1x16xf32> to vector<16xf32>
        %swap3A_1624 = vector.shape_cast %mul3A_1617 : vector<16xf32> to vector<1x16xf32>
        tpu.vector_store %arg11[%swap3A_1620, %swap3A_1621], %swap3A_1624 {strides = array<i32>} : memref<128x128xf32, #tpu.memory_space<vmem>>, vector<1x16xf32>,
        %add3A_1625 = arith.constant 12 : i32
        %add3A_1626 = arith.addi %add3A_73, %add3A_1625 : i32
        %get3A_1627 = arith.index_cast %add3A_1626 : i32 to index
        %get3A_1628 = arith.constant 64 : index
        %get3A_1629 = tpu.vector_load %arg11[%get3A_1627, %get3A_1628] {strides = array<i32>} : memref<128x128xf32, #tpu.memory_space<vmem>>, vector<1x16xf32>,
        %get3A_1630 = vector.shape_cast %get3A_1629 : vector<1x16xf32> to vector<16xf32>
        %mul3A_1631 = arith.mulf %get3A_1630, %gather3A_1568 : vector<16xf32>
        %add3A_1632 = arith.constant 12 : i32
        %add3A_1633 = arith.addi %add3A_73, %add3A_1632 : i32
        %swap3A_1634 = arith.index_cast %add3A_1633 : i32 to index
        %swap3A_1635 = arith.constant 64 : index
        %swap3A_1636 = tpu.vector_load %arg11[%swap3A_1634, %swap3A_1635] {strides = array<i32>} : memref<128x128xf32, #tpu.memory_space<vmem>>, vector<1x16xf32>,
        %swap3A_1637 = vector.shape_cast %swap3A_1636 : vector<1x16xf32> to vector<16xf32>
        %swap3A_1638 = vector.shape_cast %mul3A_1631 : vector<16xf32> to vector<1x16xf32>
        tpu.vector_store %arg11[%swap3A_1634, %swap3A_1635], %swap3A_1638 {strides = array<i32>} : memref<128x128xf32, #tpu.memory_space<vmem>>, vector<1x16xf32>,
        %add3A_1639 = arith.constant 12 : i32
        %add3A_1640 = arith.addi %add3A_73, %add3A_1639 : i32
        %get3A_1641 = arith.index_cast %add3A_1640 : i32 to index
        %get3A_1642 = arith.constant 80 : index
        %get3A_1643 = tpu.vector_load %arg11[%get3A_1641, %get3A_1642] {strides = array<i32>} : memref<128x128xf32, #tpu.memory_space<vmem>>, vector<1x16xf32>,
        %get3A_1644 = vector.shape_cast %get3A_1643 : vector<1x16xf32> to vector<16xf32>
        %mul3A_1645 = arith.mulf %get3A_1644, %gather3A_1568 : vector<16xf32>
        %add3A_1646 = arith.constant 12 : i32
        %add3A_1647 = arith.addi %add3A_73, %add3A_1646 : i32
        %swap3A_1648 = arith.index_cast %add3A_1647 : i32 to index
        %swap3A_1649 = arith.constant 80 : index
        %swap3A_1650 = tpu.vector_load %arg11[%swap3A_1648, %swap3A_1649] {strides = array<i32>} : memref<128x128xf32, #tpu.memory_space<vmem>>, vector<1x16xf32>,
        %swap3A_1651 = vector.shape_cast %swap3A_1650 : vector<1x16xf32> to vector<16xf32>
        %swap3A_1652 = vector.shape_cast %mul3A_1645 : vector<16xf32> to vector<1x16xf32>
        tpu.vector_store %arg11[%swap3A_1648, %swap3A_1649], %swap3A_1652 {strides = array<i32>} : memref<128x128xf32, #tpu.memory_space<vmem>>, vector<1x16xf32>,
        %add3A_1653 = arith.constant 12 : i32
        %add3A_1654 = arith.addi %add3A_73, %add3A_1653 : i32
        %get3A_1655 = arith.index_cast %add3A_1654 : i32 to index
        %get3A_1656 = arith.constant 96 : index
        %get3A_1657 = tpu.vector_load %arg11[%get3A_1655, %get3A_1656] {strides = array<i32>} : memref<128x128xf32, #tpu.memory_space<vmem>>, vector<1x16xf32>,
        %get3A_1658 = vector.shape_cast %get3A_1657 : vector<1x16xf32> to vector<16xf32>
        %mul3A_1659 = arith.mulf %get3A_1658, %gather3A_1568 : vector<16xf32>
        %add3A_1660 = arith.constant 12 : i32
        %add3A_1661 = arith.addi %add3A_73, %add3A_1660 : i32
        %swap3A_1662 = arith.index_cast %add3A_1661 : i32 to index
        %swap3A_1663 = arith.constant 96 : index
        %swap3A_1664 = tpu.vector_load %arg11[%swap3A_1662, %swap3A_1663] {strides = array<i32>} : memref<128x128xf32, #tpu.memory_space<vmem>>, vector<1x16xf32>,
        %swap3A_1665 = vector.shape_cast %swap3A_1664 : vector<1x16xf32> to vector<16xf32>
        %swap3A_1666 = vector.shape_cast %mul3A_1659 : vector<16xf32> to vector<1x16xf32>
        tpu.vector_store %arg11[%swap3A_1662, %swap3A_1663], %swap3A_1666 {strides = array<i32>} : memref<128x128xf32, #tpu.memory_space<vmem>>, vector<1x16xf32>,
        %add3A_1667 = arith.constant 12 : i32
        %add3A_1668 = arith.addi %add3A_73, %add3A_1667 : i32
        %get3A_1669 = arith.index_cast %add3A_1668 : i32 to index
        %get3A_1670 = arith.constant 112 : index
        %get3A_1671 = tpu.vector_load %arg11[%get3A_1669, %get3A_1670] {strides = array<i32>} : memref<128x128xf32, #tpu.memory_space<vmem>>, vector<1x16xf32>,
        %get3A_1672 = vector.shape_cast %get3A_1671 : vector<1x16xf32> to vector<16xf32>
        %mul3A_1673 = arith.mulf %get3A_1672, %gather3A_1568 : vector<16xf32>
        %add3A_1674 = arith.constant 12 : i32
        %add3A_1675 = arith.addi %add3A_73, %add3A_1674 : i32
        %swap3A_1676 = arith.index_cast %add3A_1675 : i32 to index
        %swap3A_1677 = arith.constant 112 : index
        %swap3A_1678 = tpu.vector_load %arg11[%swap3A_1676, %swap3A_1677] {strides = array<i32>} : memref<128x128xf32, #tpu.memory_space<vmem>>, vector<1x16xf32>,
        %swap3A_1679 = vector.shape_cast %swap3A_1678 : vector<1x16xf32> to vector<16xf32>
        %swap3A_1680 = vector.shape_cast %mul3A_1673 : vector<16xf32> to vector<1x16xf32>
        tpu.vector_store %arg11[%swap3A_1676, %swap3A_1677], %swap3A_1680 {strides = array<i32>} : memref<128x128xf32, #tpu.memory_space<vmem>>, vector<1x16xf32>,
        %broadcast_in_dim3A_1681 = arith.constant 13 : i32
        %broadcast_in_dim3A_1682 = vector.broadcast %broadcast_in_dim3A_1681 : i32 to vector<16xi32>
        %lt3A_1683 = arith.constant 0 : i32
        %lt3A_1684 = vector.broadcast %lt3A_1683 : i32 to vector<16xi32>
        %lt3A_1685 = arith.cmpi slt, %broadcast_in_dim3A_1682, %lt3A_1684 : vector<16xi32>
        %add3A_1686 = arith.constant 16 : i32
        %add3A_1687 = vector.broadcast %add3A_1686 : i32 to vector<16xi32>
        %add3A_1688 = arith.addi %broadcast_in_dim3A_1682, %add3A_1687 : vector<16xi32>
        %select_n3A_1689 = arith.select %lt3A_1685, %add3A_1688, %broadcast_in_dim3A_1682 : vector<16xi1>, vector<16xi32>
        %broadcast_in_dim3A_1690 = vector.shape_cast %select_n3A_1689 : vector<16xi32> to vector<16x1xi32>
        %gather3A_1691 = vector.shape_cast %broadcast_in_dim3A_1690 : vector<16x1xi32> to vector<16xi32>
        %gather3A_1692 = tpu.dynamic_gather %get3A_69[%gather3A_1691] in [0] : vector<16xf32>, vector<16xi32> -> vector<16xf32>
        %add3A_1693 = arith.constant 13 : i32
        %add3A_1694 = arith.addi %add3A_73, %add3A_1693 : i32
        %get3A_1695 = arith.index_cast %add3A_1694 : i32 to index
        %get3A_1696 = arith.constant 0 : index
        %get3A_1697 = tpu.vector_load %arg11[%get3A_1695, %get3A_1696] {strides = array<i32>} : memref<128x128xf32, #tpu.memory_space<vmem>>, vector<1x16xf32>,
        %get3A_1698 = vector.shape_cast %get3A_1697 : vector<1x16xf32> to vector<16xf32>
        %mul3A_1699 = arith.mulf %get3A_1698, %gather3A_1692 : vector<16xf32>
        %add3A_1700 = arith.constant 13 : i32
        %add3A_1701 = arith.addi %add3A_73, %add3A_1700 : i32
        %swap3A_1702 = arith.index_cast %add3A_1701 : i32 to index
        %swap3A_1703 = arith.constant 0 : index
        %swap3A_1704 = tpu.vector_load %arg11[%swap3A_1702, %swap3A_1703] {strides = array<i32>} : memref<128x128xf32, #tpu.memory_space<vmem>>, vector<1x16xf32>,
        %swap3A_1705 = vector.shape_cast %swap3A_1704 : vector<1x16xf32> to vector<16xf32>
        %swap3A_1706 = vector.shape_cast %mul3A_1699 : vector<16xf32> to vector<1x16xf32>
        tpu.vector_store %arg11[%swap3A_1702, %swap3A_1703], %swap3A_1706 {strides = array<i32>} : memref<128x128xf32, #tpu.memory_space<vmem>>, vector<1x16xf32>,
        %add3A_1707 = arith.constant 13 : i32
        %add3A_1708 = arith.addi %add3A_73, %add3A_1707 : i32
        %get3A_1709 = arith.index_cast %add3A_1708 : i32 to index
        %get3A_1710 = arith.constant 16 : index
        %get3A_1711 = tpu.vector_load %arg11[%get3A_1709, %get3A_1710] {strides = array<i32>} : memref<128x128xf32, #tpu.memory_space<vmem>>, vector<1x16xf32>,
        %get3A_1712 = vector.shape_cast %get3A_1711 : vector<1x16xf32> to vector<16xf32>
        %mul3A_1713 = arith.mulf %get3A_1712, %gather3A_1692 : vector<16xf32>
        %add3A_1714 = arith.constant 13 : i32
        %add3A_1715 = arith.addi %add3A_73, %add3A_1714 : i32
        %swap3A_1716 = arith.index_cast %add3A_1715 : i32 to index
        %swap3A_1717 = arith.constant 16 : index
        %swap3A_1718 = tpu.vector_load %arg11[%swap3A_1716, %swap3A_1717] {strides = array<i32>} : memref<128x128xf32, #tpu.memory_space<vmem>>, vector<1x16xf32>,
        %swap3A_1719 = vector.shape_cast %swap3A_1718 : vector<1x16xf32> to vector<16xf32>
        %swap3A_1720 = vector.shape_cast %mul3A_1713 : vector<16xf32> to vector<1x16xf32>
        tpu.vector_store %arg11[%swap3A_1716, %swap3A_1717], %swap3A_1720 {strides = array<i32>} : memref<128x128xf32, #tpu.memory_space<vmem>>, vector<1x16xf32>,
        %add3A_1721 = arith.constant 13 : i32
        %add3A_1722 = arith.addi %add3A_73, %add3A_1721 : i32
        %get3A_1723 = arith.index_cast %add3A_1722 : i32 to index
        %get3A_1724 = arith.constant 32 : index
        %get3A_1725 = tpu.vector_load %arg11[%get3A_1723, %get3A_1724] {strides = array<i32>} : memref<128x128xf32, #tpu.memory_space<vmem>>, vector<1x16xf32>,
        %get3A_1726 = vector.shape_cast %get3A_1725 : vector<1x16xf32> to vector<16xf32>
        %mul3A_1727 = arith.mulf %get3A_1726, %gather3A_1692 : vector<16xf32>
        %add3A_1728 = arith.constant 13 : i32
        %add3A_1729 = arith.addi %add3A_73, %add3A_1728 : i32
        %swap3A_1730 = arith.index_cast %add3A_1729 : i32 to index
        %swap3A_1731 = arith.constant 32 : index
        %swap3A_1732 = tpu.vector_load %arg11[%swap3A_1730, %swap3A_1731] {strides = array<i32>} : memref<128x128xf32, #tpu.memory_space<vmem>>, vector<1x16xf32>,
        %swap3A_1733 = vector.shape_cast %swap3A_1732 : vector<1x16xf32> to vector<16xf32>
        %swap3A_1734 = vector.shape_cast %mul3A_1727 : vector<16xf32> to vector<1x16xf32>
        tpu.vector_store %arg11[%swap3A_1730, %swap3A_1731], %swap3A_1734 {strides = array<i32>} : memref<128x128xf32, #tpu.memory_space<vmem>>, vector<1x16xf32>,
        %add3A_1735 = arith.constant 13 : i32
        %add3A_1736 = arith.addi %add3A_73, %add3A_1735 : i32
        %get3A_1737 = arith.index_cast %add3A_1736 : i32 to index
        %get3A_1738 = arith.constant 48 : index
        %get3A_1739 = tpu.vector_load %arg11[%get3A_1737, %get3A_1738] {strides = array<i32>} : memref<128x128xf32, #tpu.memory_space<vmem>>, vector<1x16xf32>,
        %get3A_1740 = vector.shape_cast %get3A_1739 : vector<1x16xf32> to vector<16xf32>
        %mul3A_1741 = arith.mulf %get3A_1740, %gather3A_1692 : vector<16xf32>
        %add3A_1742 = arith.constant 13 : i32
        %add3A_1743 = arith.addi %add3A_73, %add3A_1742 : i32
        %swap3A_1744 = arith.index_cast %add3A_1743 : i32 to index
        %swap3A_1745 = arith.constant 48 : index
        %swap3A_1746 = tpu.vector_load %arg11[%swap3A_1744, %swap3A_1745] {strides = array<i32>} : memref<128x128xf32, #tpu.memory_space<vmem>>, vector<1x16xf32>,
        %swap3A_1747 = vector.shape_cast %swap3A_1746 : vector<1x16xf32> to vector<16xf32>
        %swap3A_1748 = vector.shape_cast %mul3A_1741 : vector<16xf32> to vector<1x16xf32>
        tpu.vector_store %arg11[%swap3A_1744, %swap3A_1745], %swap3A_1748 {strides = array<i32>} : memref<128x128xf32, #tpu.memory_space<vmem>>, vector<1x16xf32>,
        %add3A_1749 = arith.constant 13 : i32
        %add3A_1750 = arith.addi %add3A_73, %add3A_1749 : i32
        %get3A_1751 = arith.index_cast %add3A_1750 : i32 to index
        %get3A_1752 = arith.constant 64 : index
        %get3A_1753 = tpu.vector_load %arg11[%get3A_1751, %get3A_1752] {strides = array<i32>} : memref<128x128xf32, #tpu.memory_space<vmem>>, vector<1x16xf32>,
        %get3A_1754 = vector.shape_cast %get3A_1753 : vector<1x16xf32> to vector<16xf32>
        %mul3A_1755 = arith.mulf %get3A_1754, %gather3A_1692 : vector<16xf32>
        %add3A_1756 = arith.constant 13 : i32
        %add3A_1757 = arith.addi %add3A_73, %add3A_1756 : i32
        %swap3A_1758 = arith.index_cast %add3A_1757 : i32 to index
        %swap3A_1759 = arith.constant 64 : index
        %swap3A_1760 = tpu.vector_load %arg11[%swap3A_1758, %swap3A_1759] {strides = array<i32>} : memref<128x128xf32, #tpu.memory_space<vmem>>, vector<1x16xf32>,
        %swap3A_1761 = vector.shape_cast %swap3A_1760 : vector<1x16xf32> to vector<16xf32>
        %swap3A_1762 = vector.shape_cast %mul3A_1755 : vector<16xf32> to vector<1x16xf32>
        tpu.vector_store %arg11[%swap3A_1758, %swap3A_1759], %swap3A_1762 {strides = array<i32>} : memref<128x128xf32, #tpu.memory_space<vmem>>, vector<1x16xf32>,
        %add3A_1763 = arith.constant 13 : i32
        %add3A_1764 = arith.addi %add3A_73, %add3A_1763 : i32
        %get3A_1765 = arith.index_cast %add3A_1764 : i32 to index
        %get3A_1766 = arith.constant 80 : index
        %get3A_1767 = tpu.vector_load %arg11[%get3A_1765, %get3A_1766] {strides = array<i32>} : memref<128x128xf32, #tpu.memory_space<vmem>>, vector<1x16xf32>,
        %get3A_1768 = vector.shape_cast %get3A_1767 : vector<1x16xf32> to vector<16xf32>
        %mul3A_1769 = arith.mulf %get3A_1768, %gather3A_1692 : vector<16xf32>
        %add3A_1770 = arith.constant 13 : i32
        %add3A_1771 = arith.addi %add3A_73, %add3A_1770 : i32
        %swap3A_1772 = arith.index_cast %add3A_1771 : i32 to index
        %swap3A_1773 = arith.constant 80 : index
        %swap3A_1774 = tpu.vector_load %arg11[%swap3A_1772, %swap3A_1773] {strides = array<i32>} : memref<128x128xf32, #tpu.memory_space<vmem>>, vector<1x16xf32>,
        %swap3A_1775 = vector.shape_cast %swap3A_1774 : vector<1x16xf32> to vector<16xf32>
        %swap3A_1776 = vector.shape_cast %mul3A_1769 : vector<16xf32> to vector<1x16xf32>
        tpu.vector_store %arg11[%swap3A_1772, %swap3A_1773], %swap3A_1776 {strides = array<i32>} : memref<128x128xf32, #tpu.memory_space<vmem>>, vector<1x16xf32>,
        %add3A_1777 = arith.constant 13 : i32
        %add3A_1778 = arith.addi %add3A_73, %add3A_1777 : i32
        %get3A_1779 = arith.index_cast %add3A_1778 : i32 to index
        %get3A_1780 = arith.constant 96 : index
        %get3A_1781 = tpu.vector_load %arg11[%get3A_1779, %get3A_1780] {strides = array<i32>} : memref<128x128xf32, #tpu.memory_space<vmem>>, vector<1x16xf32>,
        %get3A_1782 = vector.shape_cast %get3A_1781 : vector<1x16xf32> to vector<16xf32>
        %mul3A_1783 = arith.mulf %get3A_1782, %gather3A_1692 : vector<16xf32>
        %add3A_1784 = arith.constant 13 : i32
        %add3A_1785 = arith.addi %add3A_73, %add3A_1784 : i32
        %swap3A_1786 = arith.index_cast %add3A_1785 : i32 to index
        %swap3A_1787 = arith.constant 96 : index
        %swap3A_1788 = tpu.vector_load %arg11[%swap3A_1786, %swap3A_1787] {strides = array<i32>} : memref<128x128xf32, #tpu.memory_space<vmem>>, vector<1x16xf32>,
        %swap3A_1789 = vector.shape_cast %swap3A_1788 : vector<1x16xf32> to vector<16xf32>
        %swap3A_1790 = vector.shape_cast %mul3A_1783 : vector<16xf32> to vector<1x16xf32>
        tpu.vector_store %arg11[%swap3A_1786, %swap3A_1787], %swap3A_1790 {strides = array<i32>} : memref<128x128xf32, #tpu.memory_space<vmem>>, vector<1x16xf32>,
        %add3A_1791 = arith.constant 13 : i32
        %add3A_1792 = arith.addi %add3A_73, %add3A_1791 : i32
        %get3A_1793 = arith.index_cast %add3A_1792 : i32 to index
        %get3A_1794 = arith.constant 112 : index
        %get3A_1795 = tpu.vector_load %arg11[%get3A_1793, %get3A_1794] {strides = array<i32>} : memref<128x128xf32, #tpu.memory_space<vmem>>, vector<1x16xf32>,
        %get3A_1796 = vector.shape_cast %get3A_1795 : vector<1x16xf32> to vector<16xf32>
        %mul3A_1797 = arith.mulf %get3A_1796, %gather3A_1692 : vector<16xf32>
        %add3A_1798 = arith.constant 13 : i32
        %add3A_1799 = arith.addi %add3A_73, %add3A_1798 : i32
        %swap3A_1800 = arith.index_cast %add3A_1799 : i32 to index
        %swap3A_1801 = arith.constant 112 : index
        %swap3A_1802 = tpu.vector_load %arg11[%swap3A_1800, %swap3A_1801] {strides = array<i32>} : memref<128x128xf32, #tpu.memory_space<vmem>>, vector<1x16xf32>,
        %swap3A_1803 = vector.shape_cast %swap3A_1802 : vector<1x16xf32> to vector<16xf32>
        %swap3A_1804 = vector.shape_cast %mul3A_1797 : vector<16xf32> to vector<1x16xf32>
        tpu.vector_store %arg11[%swap3A_1800, %swap3A_1801], %swap3A_1804 {strides = array<i32>} : memref<128x128xf32, #tpu.memory_space<vmem>>, vector<1x16xf32>,
        %broadcast_in_dim3A_1805 = arith.constant 14 : i32
        %broadcast_in_dim3A_1806 = vector.broadcast %broadcast_in_dim3A_1805 : i32 to vector<16xi32>
        %lt3A_1807 = arith.constant 0 : i32
        %lt3A_1808 = vector.broadcast %lt3A_1807 : i32 to vector<16xi32>
        %lt3A_1809 = arith.cmpi slt, %broadcast_in_dim3A_1806, %lt3A_1808 : vector<16xi32>
        %add3A_1810 = arith.constant 16 : i32
        %add3A_1811 = vector.broadcast %add3A_1810 : i32 to vector<16xi32>
        %add3A_1812 = arith.addi %broadcast_in_dim3A_1806, %add3A_1811 : vector<16xi32>
        %select_n3A_1813 = arith.select %lt3A_1809, %add3A_1812, %broadcast_in_dim3A_1806 : vector<16xi1>, vector<16xi32>
        %broadcast_in_dim3A_1814 = vector.shape_cast %select_n3A_1813 : vector<16xi32> to vector<16x1xi32>
        %gather3A_1815 = vector.shape_cast %broadcast_in_dim3A_1814 : vector<16x1xi32> to vector<16xi32>
        %gather3A_1816 = tpu.dynamic_gather %get3A_69[%gather3A_1815] in [0] : vector<16xf32>, vector<16xi32> -> vector<16xf32>
        %add3A_1817 = arith.constant 14 : i32
        %add3A_1818 = arith.addi %add3A_73, %add3A_1817 : i32
        %get3A_1819 = arith.index_cast %add3A_1818 : i32 to index
        %get3A_1820 = arith.constant 0 : index
        %get3A_1821 = tpu.vector_load %arg11[%get3A_1819, %get3A_1820] {strides = array<i32>} : memref<128x128xf32, #tpu.memory_space<vmem>>, vector<1x16xf32>,
        %get3A_1822 = vector.shape_cast %get3A_1821 : vector<1x16xf32> to vector<16xf32>
        %mul3A_1823 = arith.mulf %get3A_1822, %gather3A_1816 : vector<16xf32>
        %add3A_1824 = arith.constant 14 : i32
        %add3A_1825 = arith.addi %add3A_73, %add3A_1824 : i32
        %swap3A_1826 = arith.index_cast %add3A_1825 : i32 to index
        %swap3A_1827 = arith.constant 0 : index
        %swap3A_1828 = tpu.vector_load %arg11[%swap3A_1826, %swap3A_1827] {strides = array<i32>} : memref<128x128xf32, #tpu.memory_space<vmem>>, vector<1x16xf32>,
        %swap3A_1829 = vector.shape_cast %swap3A_1828 : vector<1x16xf32> to vector<16xf32>
        %swap3A_1830 = vector.shape_cast %mul3A_1823 : vector<16xf32> to vector<1x16xf32>
        tpu.vector_store %arg11[%swap3A_1826, %swap3A_1827], %swap3A_1830 {strides = array<i32>} : memref<128x128xf32, #tpu.memory_space<vmem>>, vector<1x16xf32>,
        %add3A_1831 = arith.constant 14 : i32
        %add3A_1832 = arith.addi %add3A_73, %add3A_1831 : i32
        %get3A_1833 = arith.index_cast %add3A_1832 : i32 to index
        %get3A_1834 = arith.constant 16 : index
        %get3A_1835 = tpu.vector_load %arg11[%get3A_1833, %get3A_1834] {strides = array<i32>} : memref<128x128xf32, #tpu.memory_space<vmem>>, vector<1x16xf32>,
        %get3A_1836 = vector.shape_cast %get3A_1835 : vector<1x16xf32> to vector<16xf32>
        %mul3A_1837 = arith.mulf %get3A_1836, %gather3A_1816 : vector<16xf32>
        %add3A_1838 = arith.constant 14 : i32
        %add3A_1839 = arith.addi %add3A_73, %add3A_1838 : i32
        %swap3A_1840 = arith.index_cast %add3A_1839 : i32 to index
        %swap3A_1841 = arith.constant 16 : index
        %swap3A_1842 = tpu.vector_load %arg11[%swap3A_1840, %swap3A_1841] {strides = array<i32>} : memref<128x128xf32, #tpu.memory_space<vmem>>, vector<1x16xf32>,
        %swap3A_1843 = vector.shape_cast %swap3A_1842 : vector<1x16xf32> to vector<16xf32>
        %swap3A_1844 = vector.shape_cast %mul3A_1837 : vector<16xf32> to vector<1x16xf32>
        tpu.vector_store %arg11[%swap3A_1840, %swap3A_1841], %swap3A_1844 {strides = array<i32>} : memref<128x128xf32, #tpu.memory_space<vmem>>, vector<1x16xf32>,
        %add3A_1845 = arith.constant 14 : i32
        %add3A_1846 = arith.addi %add3A_73, %add3A_1845 : i32
        %get3A_1847 = arith.index_cast %add3A_1846 : i32 to index
        %get3A_1848 = arith.constant 32 : index
        %get3A_1849 = tpu.vector_load %arg11[%get3A_1847, %get3A_1848] {strides = array<i32>} : memref<128x128xf32, #tpu.memory_space<vmem>>, vector<1x16xf32>,
        %get3A_1850 = vector.shape_cast %get3A_1849 : vector<1x16xf32> to vector<16xf32>
        %mul3A_1851 = arith.mulf %get3A_1850, %gather3A_1816 : vector<16xf32>
        %add3A_1852 = arith.constant 14 : i32
        %add3A_1853 = arith.addi %add3A_73, %add3A_1852 : i32
        %swap3A_1854 = arith.index_cast %add3A_1853 : i32 to index
        %swap3A_1855 = arith.constant 32 : index
        %swap3A_1856 = tpu.vector_load %arg11[%swap3A_1854, %swap3A_1855] {strides = array<i32>} : memref<128x128xf32, #tpu.memory_space<vmem>>, vector<1x16xf32>,
        %swap3A_1857 = vector.shape_cast %swap3A_1856 : vector<1x16xf32> to vector<16xf32>
        %swap3A_1858 = vector.shape_cast %mul3A_1851 : vector<16xf32> to vector<1x16xf32>
        tpu.vector_store %arg11[%swap3A_1854, %swap3A_1855], %swap3A_1858 {strides = array<i32>} : memref<128x128xf32, #tpu.memory_space<vmem>>, vector<1x16xf32>,
        %add3A_1859 = arith.constant 14 : i32
        %add3A_1860 = arith.addi %add3A_73, %add3A_1859 : i32
        %get3A_1861 = arith.index_cast %add3A_1860 : i32 to index
        %get3A_1862 = arith.constant 48 : index
        %get3A_1863 = tpu.vector_load %arg11[%get3A_1861, %get3A_1862] {strides = array<i32>} : memref<128x128xf32, #tpu.memory_space<vmem>>, vector<1x16xf32>,
        %get3A_1864 = vector.shape_cast %get3A_1863 : vector<1x16xf32> to vector<16xf32>
        %mul3A_1865 = arith.mulf %get3A_1864, %gather3A_1816 : vector<16xf32>
        %add3A_1866 = arith.constant 14 : i32
        %add3A_1867 = arith.addi %add3A_73, %add3A_1866 : i32
        %swap3A_1868 = arith.index_cast %add3A_1867 : i32 to index
        %swap3A_1869 = arith.constant 48 : index
        %swap3A_1870 = tpu.vector_load %arg11[%swap3A_1868, %swap3A_1869] {strides = array<i32>} : memref<128x128xf32, #tpu.memory_space<vmem>>, vector<1x16xf32>,
        %swap3A_1871 = vector.shape_cast %swap3A_1870 : vector<1x16xf32> to vector<16xf32>
        %swap3A_1872 = vector.shape_cast %mul3A_1865 : vector<16xf32> to vector<1x16xf32>
        tpu.vector_store %arg11[%swap3A_1868, %swap3A_1869], %swap3A_1872 {strides = array<i32>} : memref<128x128xf32, #tpu.memory_space<vmem>>, vector<1x16xf32>,
        %add3A_1873 = arith.constant 14 : i32
        %add3A_1874 = arith.addi %add3A_73, %add3A_1873 : i32
        %get3A_1875 = arith.index_cast %add3A_1874 : i32 to index
        %get3A_1876 = arith.constant 64 : index
        %get3A_1877 = tpu.vector_load %arg11[%get3A_1875, %get3A_1876] {strides = array<i32>} : memref<128x128xf32, #tpu.memory_space<vmem>>, vector<1x16xf32>,
        %get3A_1878 = vector.shape_cast %get3A_1877 : vector<1x16xf32> to vector<16xf32>
        %mul3A_1879 = arith.mulf %get3A_1878, %gather3A_1816 : vector<16xf32>
        %add3A_1880 = arith.constant 14 : i32
        %add3A_1881 = arith.addi %add3A_73, %add3A_1880 : i32
        %swap3A_1882 = arith.index_cast %add3A_1881 : i32 to index
        %swap3A_1883 = arith.constant 64 : index
        %swap3A_1884 = tpu.vector_load %arg11[%swap3A_1882, %swap3A_1883] {strides = array<i32>} : memref<128x128xf32, #tpu.memory_space<vmem>>, vector<1x16xf32>,
        %swap3A_1885 = vector.shape_cast %swap3A_1884 : vector<1x16xf32> to vector<16xf32>
        %swap3A_1886 = vector.shape_cast %mul3A_1879 : vector<16xf32> to vector<1x16xf32>
        tpu.vector_store %arg11[%swap3A_1882, %swap3A_1883], %swap3A_1886 {strides = array<i32>} : memref<128x128xf32, #tpu.memory_space<vmem>>, vector<1x16xf32>,
        %add3A_1887 = arith.constant 14 : i32
        %add3A_1888 = arith.addi %add3A_73, %add3A_1887 : i32
        %get3A_1889 = arith.index_cast %add3A_1888 : i32 to index
        %get3A_1890 = arith.constant 80 : index
        %get3A_1891 = tpu.vector_load %arg11[%get3A_1889, %get3A_1890] {strides = array<i32>} : memref<128x128xf32, #tpu.memory_space<vmem>>, vector<1x16xf32>,
        %get3A_1892 = vector.shape_cast %get3A_1891 : vector<1x16xf32> to vector<16xf32>
        %mul3A_1893 = arith.mulf %get3A_1892, %gather3A_1816 : vector<16xf32>
        %add3A_1894 = arith.constant 14 : i32
        %add3A_1895 = arith.addi %add3A_73, %add3A_1894 : i32
        %swap3A_1896 = arith.index_cast %add3A_1895 : i32 to index
        %swap3A_1897 = arith.constant 80 : index
        %swap3A_1898 = tpu.vector_load %arg11[%swap3A_1896, %swap3A_1897] {strides = array<i32>} : memref<128x128xf32, #tpu.memory_space<vmem>>, vector<1x16xf32>,
        %swap3A_1899 = vector.shape_cast %swap3A_1898 : vector<1x16xf32> to vector<16xf32>
        %swap3A_1900 = vector.shape_cast %mul3A_1893 : vector<16xf32> to vector<1x16xf32>
        tpu.vector_store %arg11[%swap3A_1896, %swap3A_1897], %swap3A_1900 {strides = array<i32>} : memref<128x128xf32, #tpu.memory_space<vmem>>, vector<1x16xf32>,
        %add3A_1901 = arith.constant 14 : i32
        %add3A_1902 = arith.addi %add3A_73, %add3A_1901 : i32
        %get3A_1903 = arith.index_cast %add3A_1902 : i32 to index
        %get3A_1904 = arith.constant 96 : index
        %get3A_1905 = tpu.vector_load %arg11[%get3A_1903, %get3A_1904] {strides = array<i32>} : memref<128x128xf32, #tpu.memory_space<vmem>>, vector<1x16xf32>,
        %get3A_1906 = vector.shape_cast %get3A_1905 : vector<1x16xf32> to vector<16xf32>
        %mul3A_1907 = arith.mulf %get3A_1906, %gather3A_1816 : vector<16xf32>
        %add3A_1908 = arith.constant 14 : i32
        %add3A_1909 = arith.addi %add3A_73, %add3A_1908 : i32
        %swap3A_1910 = arith.index_cast %add3A_1909 : i32 to index
        %swap3A_1911 = arith.constant 96 : index
        %swap3A_1912 = tpu.vector_load %arg11[%swap3A_1910, %swap3A_1911] {strides = array<i32>} : memref<128x128xf32, #tpu.memory_space<vmem>>, vector<1x16xf32>,
        %swap3A_1913 = vector.shape_cast %swap3A_1912 : vector<1x16xf32> to vector<16xf32>
        %swap3A_1914 = vector.shape_cast %mul3A_1907 : vector<16xf32> to vector<1x16xf32>
        tpu.vector_store %arg11[%swap3A_1910, %swap3A_1911], %swap3A_1914 {strides = array<i32>} : memref<128x128xf32, #tpu.memory_space<vmem>>, vector<1x16xf32>,
        %add3A_1915 = arith.constant 14 : i32
        %add3A_1916 = arith.addi %add3A_73, %add3A_1915 : i32
        %get3A_1917 = arith.index_cast %add3A_1916 : i32 to index
        %get3A_1918 = arith.constant 112 : index
        %get3A_1919 = tpu.vector_load %arg11[%get3A_1917, %get3A_1918] {strides = array<i32>} : memref<128x128xf32, #tpu.memory_space<vmem>>, vector<1x16xf32>,
        %get3A_1920 = vector.shape_cast %get3A_1919 : vector<1x16xf32> to vector<16xf32>
        %mul3A_1921 = arith.mulf %get3A_1920, %gather3A_1816 : vector<16xf32>
        %add3A_1922 = arith.constant 14 : i32
        %add3A_1923 = arith.addi %add3A_73, %add3A_1922 : i32
        %swap3A_1924 = arith.index_cast %add3A_1923 : i32 to index
        %swap3A_1925 = arith.constant 112 : index
        %swap3A_1926 = tpu.vector_load %arg11[%swap3A_1924, %swap3A_1925] {strides = array<i32>} : memref<128x128xf32, #tpu.memory_space<vmem>>, vector<1x16xf32>,
        %swap3A_1927 = vector.shape_cast %swap3A_1926 : vector<1x16xf32> to vector<16xf32>
        %swap3A_1928 = vector.shape_cast %mul3A_1921 : vector<16xf32> to vector<1x16xf32>
        tpu.vector_store %arg11[%swap3A_1924, %swap3A_1925], %swap3A_1928 {strides = array<i32>} : memref<128x128xf32, #tpu.memory_space<vmem>>, vector<1x16xf32>,
        %broadcast_in_dim3A_1929 = arith.constant 15 : i32
        %broadcast_in_dim3A_1930 = vector.broadcast %broadcast_in_dim3A_1929 : i32 to vector<16xi32>
        %lt3A_1931 = arith.constant 0 : i32
        %lt3A_1932 = vector.broadcast %lt3A_1931 : i32 to vector<16xi32>
        %lt3A_1933 = arith.cmpi slt, %broadcast_in_dim3A_1930, %lt3A_1932 : vector<16xi32>
        %add3A_1934 = arith.constant 16 : i32
        %add3A_1935 = vector.broadcast %add3A_1934 : i32 to vector<16xi32>
        %add3A_1936 = arith.addi %broadcast_in_dim3A_1930, %add3A_1935 : vector<16xi32>
        %select_n3A_1937 = arith.select %lt3A_1933, %add3A_1936, %broadcast_in_dim3A_1930 : vector<16xi1>, vector<16xi32>
        %broadcast_in_dim3A_1938 = vector.shape_cast %select_n3A_1937 : vector<16xi32> to vector<16x1xi32>
        %gather3A_1939 = vector.shape_cast %broadcast_in_dim3A_1938 : vector<16x1xi32> to vector<16xi32>
        %gather3A_1940 = tpu.dynamic_gather %get3A_69[%gather3A_1939] in [0] : vector<16xf32>, vector<16xi32> -> vector<16xf32>
        %add3A_1941 = arith.constant 15 : i32
        %add3A_1942 = arith.addi %add3A_73, %add3A_1941 : i32
        %get3A_1943 = arith.index_cast %add3A_1942 : i32 to index
        %get3A_1944 = arith.constant 0 : index
        %get3A_1945 = tpu.vector_load %arg11[%get3A_1943, %get3A_1944] {strides = array<i32>} : memref<128x128xf32, #tpu.memory_space<vmem>>, vector<1x16xf32>,
        %get3A_1946 = vector.shape_cast %get3A_1945 : vector<1x16xf32> to vector<16xf32>
        %mul3A_1947 = arith.mulf %get3A_1946, %gather3A_1940 : vector<16xf32>
        %add3A_1948 = arith.constant 15 : i32
        %add3A_1949 = arith.addi %add3A_73, %add3A_1948 : i32
        %swap3A_1950 = arith.index_cast %add3A_1949 : i32 to index
        %swap3A_1951 = arith.constant 0 : index
        %swap3A_1952 = tpu.vector_load %arg11[%swap3A_1950, %swap3A_1951] {strides = array<i32>} : memref<128x128xf32, #tpu.memory_space<vmem>>, vector<1x16xf32>,
        %swap3A_1953 = vector.shape_cast %swap3A_1952 : vector<1x16xf32> to vector<16xf32>
        %swap3A_1954 = vector.shape_cast %mul3A_1947 : vector<16xf32> to vector<1x16xf32>
        tpu.vector_store %arg11[%swap3A_1950, %swap3A_1951], %swap3A_1954 {strides = array<i32>} : memref<128x128xf32, #tpu.memory_space<vmem>>, vector<1x16xf32>,
        %add3A_1955 = arith.constant 15 : i32
        %add3A_1956 = arith.addi %add3A_73, %add3A_1955 : i32
        %get3A_1957 = arith.index_cast %add3A_1956 : i32 to index
        %get3A_1958 = arith.constant 16 : index
        %get3A_1959 = tpu.vector_load %arg11[%get3A_1957, %get3A_1958] {strides = array<i32>} : memref<128x128xf32, #tpu.memory_space<vmem>>, vector<1x16xf32>,
        %get3A_1960 = vector.shape_cast %get3A_1959 : vector<1x16xf32> to vector<16xf32>
        %mul3A_1961 = arith.mulf %get3A_1960, %gather3A_1940 : vector<16xf32>
        %add3A_1962 = arith.constant 15 : i32
        %add3A_1963 = arith.addi %add3A_73, %add3A_1962 : i32
        %swap3A_1964 = arith.index_cast %add3A_1963 : i32 to index
        %swap3A_1965 = arith.constant 16 : index
        %swap3A_1966 = tpu.vector_load %arg11[%swap3A_1964, %swap3A_1965] {strides = array<i32>} : memref<128x128xf32, #tpu.memory_space<vmem>>, vector<1x16xf32>,
        %swap3A_1967 = vector.shape_cast %swap3A_1966 : vector<1x16xf32> to vector<16xf32>
        %swap3A_1968 = vector.shape_cast %mul3A_1961 : vector<16xf32> to vector<1x16xf32>
        tpu.vector_store %arg11[%swap3A_1964, %swap3A_1965], %swap3A_1968 {strides = array<i32>} : memref<128x128xf32, #tpu.memory_space<vmem>>, vector<1x16xf32>,
        %add3A_1969 = arith.constant 15 : i32
        %add3A_1970 = arith.addi %add3A_73, %add3A_1969 : i32
        %get3A_1971 = arith.index_cast %add3A_1970 : i32 to index
        %get3A_1972 = arith.constant 32 : index
        %get3A_1973 = tpu.vector_load %arg11[%get3A_1971, %get3A_1972] {strides = array<i32>} : memref<128x128xf32, #tpu.memory_space<vmem>>, vector<1x16xf32>,
        %get3A_1974 = vector.shape_cast %get3A_1973 : vector<1x16xf32> to vector<16xf32>
        %mul3A_1975 = arith.mulf %get3A_1974, %gather3A_1940 : vector<16xf32>
        %add3A_1976 = arith.constant 15 : i32
        %add3A_1977 = arith.addi %add3A_73, %add3A_1976 : i32
        %swap3A_1978 = arith.index_cast %add3A_1977 : i32 to index
        %swap3A_1979 = arith.constant 32 : index
        %swap3A_1980 = tpu.vector_load %arg11[%swap3A_1978, %swap3A_1979] {strides = array<i32>} : memref<128x128xf32, #tpu.memory_space<vmem>>, vector<1x16xf32>,
        %swap3A_1981 = vector.shape_cast %swap3A_1980 : vector<1x16xf32> to vector<16xf32>
        %swap3A_1982 = vector.shape_cast %mul3A_1975 : vector<16xf32> to vector<1x16xf32>
        tpu.vector_store %arg11[%swap3A_1978, %swap3A_1979], %swap3A_1982 {strides = array<i32>} : memref<128x128xf32, #tpu.memory_space<vmem>>, vector<1x16xf32>,
        %add3A_1983 = arith.constant 15 : i32
        %add3A_1984 = arith.addi %add3A_73, %add3A_1983 : i32
        %get3A_1985 = arith.index_cast %add3A_1984 : i32 to index
        %get3A_1986 = arith.constant 48 : index
        %get3A_1987 = tpu.vector_load %arg11[%get3A_1985, %get3A_1986] {strides = array<i32>} : memref<128x128xf32, #tpu.memory_space<vmem>>, vector<1x16xf32>,
        %get3A_1988 = vector.shape_cast %get3A_1987 : vector<1x16xf32> to vector<16xf32>
        %mul3A_1989 = arith.mulf %get3A_1988, %gather3A_1940 : vector<16xf32>
        %add3A_1990 = arith.constant 15 : i32
        %add3A_1991 = arith.addi %add3A_73, %add3A_1990 : i32
        %swap3A_1992 = arith.index_cast %add3A_1991 : i32 to index
        %swap3A_1993 = arith.constant 48 : index
        %swap3A_1994 = tpu.vector_load %arg11[%swap3A_1992, %swap3A_1993] {strides = array<i32>} : memref<128x128xf32, #tpu.memory_space<vmem>>, vector<1x16xf32>,
        %swap3A_1995 = vector.shape_cast %swap3A_1994 : vector<1x16xf32> to vector<16xf32>
        %swap3A_1996 = vector.shape_cast %mul3A_1989 : vector<16xf32> to vector<1x16xf32>
        tpu.vector_store %arg11[%swap3A_1992, %swap3A_1993], %swap3A_1996 {strides = array<i32>} : memref<128x128xf32, #tpu.memory_space<vmem>>, vector<1x16xf32>,
        %add3A_1997 = arith.constant 15 : i32
        %add3A_1998 = arith.addi %add3A_73, %add3A_1997 : i32
        %get3A_1999 = arith.index_cast %add3A_1998 : i32 to index
        %get3A_2000 = arith.constant 64 : index
        %get3A_2001 = tpu.vector_load %arg11[%get3A_1999, %get3A_2000] {strides = array<i32>} : memref<128x128xf32, #tpu.memory_space<vmem>>, vector<1x16xf32>,
        %get3A_2002 = vector.shape_cast %get3A_2001 : vector<1x16xf32> to vector<16xf32>
        %mul3A_2003 = arith.mulf %get3A_2002, %gather3A_1940 : vector<16xf32>
        %add3A_2004 = arith.constant 15 : i32
        %add3A_2005 = arith.addi %add3A_73, %add3A_2004 : i32
        %swap3A_2006 = arith.index_cast %add3A_2005 : i32 to index
        %swap3A_2007 = arith.constant 64 : index
        %swap3A_2008 = tpu.vector_load %arg11[%swap3A_2006, %swap3A_2007] {strides = array<i32>} : memref<128x128xf32, #tpu.memory_space<vmem>>, vector<1x16xf32>,
        %swap3A_2009 = vector.shape_cast %swap3A_2008 : vector<1x16xf32> to vector<16xf32>
        %swap3A_2010 = vector.shape_cast %mul3A_2003 : vector<16xf32> to vector<1x16xf32>
        tpu.vector_store %arg11[%swap3A_2006, %swap3A_2007], %swap3A_2010 {strides = array<i32>} : memref<128x128xf32, #tpu.memory_space<vmem>>, vector<1x16xf32>,
        %add3A_2011 = arith.constant 15 : i32
        %add3A_2012 = arith.addi %add3A_73, %add3A_2011 : i32
        %get3A_2013 = arith.index_cast %add3A_2012 : i32 to index
        %get3A_2014 = arith.constant 80 : index
        %get3A_2015 = tpu.vector_load %arg11[%get3A_2013, %get3A_2014] {strides = array<i32>} : memref<128x128xf32, #tpu.memory_space<vmem>>, vector<1x16xf32>,
        %get3A_2016 = vector.shape_cast %get3A_2015 : vector<1x16xf32> to vector<16xf32>
        %mul3A_2017 = arith.mulf %get3A_2016, %gather3A_1940 : vector<16xf32>
        %add3A_2018 = arith.constant 15 : i32
        %add3A_2019 = arith.addi %add3A_73, %add3A_2018 : i32
        %swap3A_2020 = arith.index_cast %add3A_2019 : i32 to index
        %swap3A_2021 = arith.constant 80 : index
        %swap3A_2022 = tpu.vector_load %arg11[%swap3A_2020, %swap3A_2021] {strides = array<i32>} : memref<128x128xf32, #tpu.memory_space<vmem>>, vector<1x16xf32>,
        %swap3A_2023 = vector.shape_cast %swap3A_2022 : vector<1x16xf32> to vector<16xf32>
        %swap3A_2024 = vector.shape_cast %mul3A_2017 : vector<16xf32> to vector<1x16xf32>
        tpu.vector_store %arg11[%swap3A_2020, %swap3A_2021], %swap3A_2024 {strides = array<i32>} : memref<128x128xf32, #tpu.memory_space<vmem>>, vector<1x16xf32>,
        %add3A_2025 = arith.constant 15 : i32
        %add3A_2026 = arith.addi %add3A_73, %add3A_2025 : i32
        %get3A_2027 = arith.index_cast %add3A_2026 : i32 to index
        %get3A_2028 = arith.constant 96 : index
        %get3A_2029 = tpu.vector_load %arg11[%get3A_2027, %get3A_2028] {strides = array<i32>} : memref<128x128xf32, #tpu.memory_space<vmem>>, vector<1x16xf32>,
        %get3A_2030 = vector.shape_cast %get3A_2029 : vector<1x16xf32> to vector<16xf32>
        %mul3A_2031 = arith.mulf %get3A_2030, %gather3A_1940 : vector<16xf32>
        %add3A_2032 = arith.constant 15 : i32
        %add3A_2033 = arith.addi %add3A_73, %add3A_2032 : i32
        %swap3A_2034 = arith.index_cast %add3A_2033 : i32 to index
        %swap3A_2035 = arith.constant 96 : index
        %swap3A_2036 = tpu.vector_load %arg11[%swap3A_2034, %swap3A_2035] {strides = array<i32>} : memref<128x128xf32, #tpu.memory_space<vmem>>, vector<1x16xf32>,
        %swap3A_2037 = vector.shape_cast %swap3A_2036 : vector<1x16xf32> to vector<16xf32>
        %swap3A_2038 = vector.shape_cast %mul3A_2031 : vector<16xf32> to vector<1x16xf32>
        tpu.vector_store %arg11[%swap3A_2034, %swap3A_2035], %swap3A_2038 {strides = array<i32>} : memref<128x128xf32, #tpu.memory_space<vmem>>, vector<1x16xf32>,
        %add3A_2039 = arith.constant 15 : i32
        %add3A_2040 = arith.addi %add3A_73, %add3A_2039 : i32
        %get3A_2041 = arith.index_cast %add3A_2040 : i32 to index
        %get3A_2042 = arith.constant 112 : index
        %get3A_2043 = tpu.vector_load %arg11[%get3A_2041, %get3A_2042] {strides = array<i32>} : memref<128x128xf32, #tpu.memory_space<vmem>>, vector<1x16xf32>,
        %get3A_2044 = vector.shape_cast %get3A_2043 : vector<1x16xf32> to vector<16xf32>
        %mul3A_2045 = arith.mulf %get3A_2044, %gather3A_1940 : vector<16xf32>
        %add3A_2046 = arith.constant 15 : i32
        %add3A_2047 = arith.addi %add3A_73, %add3A_2046 : i32
        %swap3A_2048 = arith.index_cast %add3A_2047 : i32 to index
        %swap3A_2049 = arith.constant 112 : index
        %swap3A_2050 = tpu.vector_load %arg11[%swap3A_2048, %swap3A_2049] {strides = array<i32>} : memref<128x128xf32, #tpu.memory_space<vmem>>, vector<1x16xf32>,
        %swap3A_2051 = vector.shape_cast %swap3A_2050 : vector<1x16xf32> to vector<16xf32>
        %swap3A_2052 = vector.shape_cast %mul3A_2045 : vector<16xf32> to vector<1x16xf32>
        tpu.vector_store %arg11[%swap3A_2048, %swap3A_2049], %swap3A_2052 {strides = array<i32>} : memref<128x128xf32, #tpu.memory_space<vmem>>, vector<1x16xf32>,
        %scan3A_2053 = arith.constant 0 : i32
        scf.yield %scan3A_2053 : i32
      }
      %scan3A_59 = arith.constant 4 : i32
      "tpu.region"() ({
        %run_scoped3A = tpu.sem_alloc : memref<!tpu.dma_semaphore, #tpu.memory_space<semaphore_mem>>
        %dma_start3A_61 = arith.constant 0 : i32
        %dma_start3A_62 = tpu.memref_slice %arg9[%scan3A_10, %dma_start3A_61] : memref<80x128xi32, #tpu.memory_space<vmem>> -> memref<1x128xi32, #tpu.memory_space<vmem>>
        %dma_start3A_63 = tpu.memref_squeeze %dma_start3A_62 : memref<1x128xi32, #tpu.memory_space<vmem>> -> memref<128xi32, #tpu.memory_space<vmem>>
        %dma_start3A_64 = arith.constant 0 : i32
        %dma_start3A_65 = arith.constant 0 : i32
        %dma_start3A_66 = tpu.memref_slice %arg12[%dma_start3A_64, %dma_start3A_65] : memref<10112x128xf32, #tpu.memory_space<vmem_shared>> -> memref<10112x128xf32, #tpu.memory_space<vmem_shared>>
        tpu.enqueue_indirect_dma source(%arg11 : memref<128x128xf32, #tpu.memory_space<vmem>>) target(%dma_start3A_66 : memref<10112x128xf32, #tpu.memory_space<vmem_shared>>) offsets(%dma_start3A_63 : memref<128xi32, #tpu.memory_space<vmem>>) semaphore(%run_scoped3A : memref<!tpu.dma_semaphore, #tpu.memory_space<semaphore_mem>>) {add = true}
        %dma_wait3A_67 = arith.constant 0 : i32
        %dma_wait3A_68 = tpu.memref_slice %arg9[%scan3A_10, %dma_wait3A_67] : memref<80x128xi32, #tpu.memory_space<vmem>> -> memref<1x128xi32, #tpu.memory_space<vmem>>
        %dma_wait3A_69 = tpu.memref_squeeze %dma_wait3A_68 : memref<1x128xi32, #tpu.memory_space<vmem>> -> memref<128xi32, #tpu.memory_space<vmem>>
        %dma_wait3A_70 = arith.constant 0 : i32
        %dma_wait3A_71 = arith.constant 0 : i32
        %dma_wait3A_72 = tpu.memref_slice %arg12[%dma_wait3A_70, %dma_wait3A_71] : memref<10112x128xf32, #tpu.memory_space<vmem_shared>> -> memref<10112x128xf32, #tpu.memory_space<vmem_shared>>
        tpu.wait_indirect_dma semaphore(%run_scoped3A : memref<!tpu.dma_semaphore, #tpu.memory_space<semaphore_mem>>) src(%arg11 : memref<128x128xf32, #tpu.memory_space<vmem>>) dst(%dma_wait3A_72 : memref<10112x128xf32, #tpu.memory_space<vmem_shared>>)
        tpu.yield
      }) : () -> ()
      %scan3A_60 = arith.constant 0 : i32
      scf.yield %scan3A_60 : i32
    }
    %scan3A_8 = arith.constant 80 : i32
    %barrier3A_9 = arith.constant 0 : index
    tpu.barrier barrier_id(%barrier3A_9)
    "tpu.region"() ({
      %run_scoped3A = tpu.sem_alloc : memref<!tpu.dma_semaphore, #tpu.memory_space<semaphore_mem>>
      %dma_start3A = arith.constant 0 : i32
      %dma_start3A_10 = tpu.memref_slice %arg7[%arg0, %mul3A_2, %dma_start3A] : memref<2x10112x128xf32, #tpu.memory_space<hbm>> -> memref<1x632x128xf32, #tpu.memory_space<hbm>>
      %dma_start3A_11 = tpu.memref_squeeze %dma_start3A_10 : memref<1x632x128xf32, #tpu.memory_space<hbm>> -> memref<632x128xf32, #tpu.memory_space<hbm>>
      %dma_start3A_12 = arith.constant 0 : i32
      %dma_start3A_13 = tpu.memref_slice %arg12[%mul3A_2, %dma_start3A_12] : memref<10112x128xf32, #tpu.memory_space<vmem_shared>> -> memref<632x128xf32, #tpu.memory_space<vmem_shared>>
      tpu.enqueue_dma source(%dma_start3A_13 : memref<632x128xf32, #tpu.memory_space<vmem_shared>>) target(%dma_start3A_11 : memref<632x128xf32, #tpu.memory_space<hbm>>) target_semaphore(%run_scoped3A : memref<!tpu.dma_semaphore, #tpu.memory_space<semaphore_mem>>)
      %dma_wait3A = arith.constant 0 : i32
      %dma_wait3A_14 = tpu.memref_slice %arg7[%arg0, %mul3A_2, %dma_wait3A] : memref<2x10112x128xf32, #tpu.memory_space<hbm>> -> memref<1x632x128xf32, #tpu.memory_space<hbm>>
      %dma_wait3A_15 = tpu.memref_squeeze %dma_wait3A_14 : memref<1x632x128xf32, #tpu.memory_space<hbm>> -> memref<632x128xf32, #tpu.memory_space<hbm>>
      %dma_wait3A_16 = arith.constant 0 : i32
      %dma_wait3A_17 = tpu.memref_slice %arg12[%mul3A_2, %dma_wait3A_16] : memref<10112x128xf32, #tpu.memory_space<vmem_shared>> -> memref<632x128xf32, #tpu.memory_space<vmem_shared>>
      tpu.wait_dma2 semaphore(%run_scoped3A : memref<!tpu.dma_semaphore, #tpu.memory_space<semaphore_mem>>) src(%dma_wait3A_17 : memref<632x128xf32, #tpu.memory_space<vmem_shared>>) dst(%dma_wait3A_15 : memref<632x128xf32, #tpu.memory_space<hbm>>)
      tpu.yield
    }) : () -> ()
    return
  }
}

module attributes {stable_mosaic.version = 14 : i64} {
  func.func @_wfull_body(%arg0: memref<50x30xf32, #tpu.memory_space<vmem>>, %arg1: memref<30x16384xf32, #tpu.memory_space<vmem>>, %arg2: memref<50x16384xf32, #tpu.memory_space<vmem>>) attributes {dimension_semantics = [], scalar_prefetch = 0 : i64, scratch_operands = 0 : i64, tpu.core_type = #tpu.core_type<tc>} {
    %get3A = arith.constant 0 : index
    %get3A_0 = arith.constant 0 : index
    %get3A_1 = vector.load %arg0[%get3A, %get3A_0] : memref<50x30xf32, #tpu.memory_space<vmem>>, vector<50x30xf32>
    %get3A_2 = arith.constant 0 : index
    %get3A_3 = arith.constant 0 : index
    %get3A_4 = vector.load %arg1[%get3A_2, %get3A_3] : memref<30x16384xf32, #tpu.memory_space<vmem>>, vector<30x16384xf32>
    %dot_general3A = arith.constant dense<0.000000e+00> : vector<50x16384xf32>
    %dot_general3A_5 = tpu.matmul %get3A_1, %get3A_4, %dot_general3A {dimension_numbers = #tpu.dot_dimension_numbers<[1], [0], [0], [1], [0, 0, 1, 1], [], []>, transpose_lhs_hint = false} : vector<50x30xf32>, vector<30x16384xf32>, vector<50x16384xf32> -> vector<50x16384xf32>
    %swap3A = arith.constant 0 : index
    %swap3A_6 = arith.constant 0 : index
    %swap3A_7 = vector.load %arg2[%swap3A, %swap3A_6] : memref<50x16384xf32, #tpu.memory_space<vmem>>, vector<50x16384xf32>
    tpu.vector_store %arg2[%swap3A, %swap3A_6], %dot_general3A_5 {strides = array<i32>} : memref<50x16384xf32, #tpu.memory_space<vmem>>, vector<50x16384xf32>,
    return
  }
}

module attributes {stable_mosaic.version = 14 : i64} {
  func.func @_idx_body(%arg0: i32, %arg1: memref<256x128xi32, #tpu.memory_space<vmem>>, %arg2: memref<256x128xi32, #tpu.memory_space<vmem>>, %arg3: memref<256x128xi32, #tpu.memory_space<vmem>>) attributes {dimension_semantics = [#tpu.dimension_semantics<arbitrary>], iteration_bounds = array<i64: 10>, scalar_prefetch = 0 : i64, scratch_operands = 0 : i64, tpu.core_type = #tpu.core_type<tc>, window_params = [{transform_indices = @transform_0, window_bounds = array<i64: 256, 128>}, {transform_indices = @transform_1, window_bounds = array<i64: 256, 128>}, {transform_indices = @transform_2, window_bounds = array<i64: 256, 128>}]} {
    %get3A = arith.constant 0 : index
    %get3A_0 = arith.constant 0 : index
    %get3A_1 = vector.load %arg2[%get3A, %get3A_0] : memref<256x128xi32, #tpu.memory_space<vmem>>, vector<256x128xi32>
    %mul3A = arith.constant 10000 : i32
    %mul3A_2 = vector.broadcast %mul3A : i32 to vector<256x128xi32>
    %mul3A_3 = arith.muli %get3A_1, %mul3A_2 : vector<256x128xi32>
    %get3A_4 = arith.constant 0 : index
    %get3A_5 = arith.constant 0 : index
    %get3A_6 = vector.load %arg1[%get3A_4, %get3A_5] : memref<256x128xi32, #tpu.memory_space<vmem>>, vector<256x128xi32>
    %add3A = arith.addi %mul3A_3, %get3A_6 : vector<256x128xi32>
    %swap3A = arith.constant 0 : index
    %swap3A_7 = arith.constant 0 : index
    %swap3A_8 = vector.load %arg3[%swap3A, %swap3A_7] : memref<256x128xi32, #tpu.memory_space<vmem>>, vector<256x128xi32>
    tpu.vector_store %arg3[%swap3A, %swap3A_7], %add3A {strides = array<i32>} : memref<256x128xi32, #tpu.memory_space<vmem>>, vector<256x128xi32>,
    return
  }
  func.func @transform_0(%arg0: i32) -> (i32, i32) {
    %c0_i32 = arith.constant 0 : i32
    %c0_i32_0 = arith.constant 0 : i32
    return %arg0, %c0_i32 : i32, i32
  }
  func.func @transform_1(%arg0: i32) -> (i32, i32) {
    %c0_i32 = arith.constant 0 : i32
    %c0_i32_0 = arith.constant 0 : i32
    return %arg0, %c0_i32 : i32, i32
  }
  func.func @transform_2(%arg0: i32) -> (i32, i32) {
    %c0_i32 = arith.constant 0 : i32
    %c0_i32_0 = arith.constant 0 : i32
    return %arg0, %c0_i32 : i32, i32
  }
}

module attributes {stable_mosaic.version = 14 : i64} {
  func.func @_trans_body(%arg0: i32, %arg1: i32, %arg2: memref<10000x128xf32, #tpu.memory_space<vmem>>, %arg3: memref<1x128x128xf32, #tpu.memory_space<vmem>>, %arg4: memref<1x10000x128xf32, #tpu.memory_space<vmem>>) attributes {dimension_semantics = [#tpu.dimension_semantics<arbitrary>, #tpu.dimension_semantics<arbitrary>], iteration_bounds = array<i64: 1, 50>, scalar_prefetch = 0 : i64, scratch_operands = 0 : i64, tpu.core_type = #tpu.core_type<tc>, window_params = [{transform_indices = @transform_0, window_bounds = array<i64: 10000, 128>}, {transform_indices = @transform_1, window_bounds = array<i64: 1, 128, 128>}, {transform_indices = @transform_2, window_bounds = array<i64: 1, 10000, 128>}]} {
    %get3A = arith.constant 0 : index
    %get3A_0 = arith.constant 0 : index
    %get3A_1 = vector.load %arg2[%get3A, %get3A_0] : memref<10000x128xf32, #tpu.memory_space<vmem>>, vector<10000x128xf32>
    %get3A_2 = arith.constant 0 : index
    %get3A_3 = arith.constant 0 : index
    %get3A_4 = arith.constant 0 : index
    %get3A_5 = vector.load %arg3[%get3A_2, %get3A_3, %get3A_4] : memref<1x128x128xf32, #tpu.memory_space<vmem>>, vector<1x128x128xf32>
    %get3A_6 = vector.shape_cast %get3A_5 : vector<1x128x128xf32> to vector<128x128xf32>
    %dot_general3A = arith.constant dense<0.000000e+00> : vector<10000x128xf32>
    %dot_general3A_7 = tpu.matmul %get3A_1, %get3A_6, %dot_general3A {dimension_numbers = #tpu.dot_dimension_numbers<[1], [0], [0], [1], [0, 0, 1, 1], [], []>, transpose_lhs_hint = false} : vector<10000x128xf32>, vector<128x128xf32>, vector<10000x128xf32> -> vector<10000x128xf32>
    %swap3A = arith.constant 0 : index
    %swap3A_8 = arith.constant 0 : index
    %swap3A_9 = arith.constant 0 : index
    %swap3A_10 = vector.load %arg4[%swap3A, %swap3A_8, %swap3A_9] : memref<1x10000x128xf32, #tpu.memory_space<vmem>>, vector<1x10000x128xf32>
    %swap3A_11 = vector.shape_cast %swap3A_10 : vector<1x10000x128xf32> to vector<10000x128xf32>
    %swap3A_12 = vector.shape_cast %dot_general3A_7 : vector<10000x128xf32> to vector<1x10000x128xf32>
    tpu.vector_store %arg4[%swap3A, %swap3A_8, %swap3A_9], %swap3A_12 {strides = array<i32>} : memref<1x10000x128xf32, #tpu.memory_space<vmem>>, vector<1x10000x128xf32>,
    return
  }
  func.func @transform_0(%arg0: i32, %arg1: i32) -> (i32, i32) {
    %c0_i32 = arith.constant 0 : i32
    %c0_i32_0 = arith.constant 0 : i32
    return %arg0, %c0_i32 : i32, i32
  }
  func.func @transform_1(%arg0: i32, %arg1: i32) -> (i32, i32, i32) {
    %c0_i32 = arith.constant 0 : i32
    %c0_i32_0 = arith.constant 0 : i32
    %c0_i32_1 = arith.constant 0 : i32
    return %arg1, %c0_i32, %c0_i32_0 : i32, i32, i32
  }
  func.func @transform_2(%arg0: i32, %arg1: i32) -> (i32, i32, i32) {
    %c0_i32 = arith.constant 0 : i32
    %c0_i32_0 = arith.constant 0 : i32
    return %arg1, %arg0, %c0_i32 : i32, i32, i32
  }
}

module attributes {stable_mosaic.version = 14 : i64} {
  func.func @_final_body(%arg0: i32, %arg1: memref<2x10000x128xf32, #tpu.memory_space<vmem>>, %arg2: memref<10000x128xf32, #tpu.memory_space<vmem>>, %arg3: memref<128x128xf32, #tpu.memory_space<vmem>>, %arg4: memref<10000x128xf32, #tpu.memory_space<vmem>>) attributes {dimension_semantics = [#tpu.dimension_semantics<arbitrary>], iteration_bounds = array<i64: 1>, scalar_prefetch = 0 : i64, scratch_operands = 0 : i64, tpu.core_type = #tpu.core_type<tc>, window_params = [{transform_indices = @transform_0, window_bounds = array<i64: 2, 10000, 128>}, {transform_indices = @transform_1, window_bounds = array<i64: 10000, 128>}, {pipeline_mode = #tpu.pipeline_mode<synchronous>, transform_indices = @transform_2, window_bounds = array<i64: 128, 128>}, {transform_indices = @transform_3, window_bounds = array<i64: 10000, 128>}]} {
    %get3A = arith.constant 0 : index
    %get3A_0 = arith.constant 0 : index
    %get3A_1 = arith.constant 0 : index
    %get3A_2 = vector.load %arg1[%get3A, %get3A_0, %get3A_1] : memref<2x10000x128xf32, #tpu.memory_space<vmem>>, vector<1x10000x128xf32>
    %get3A_3 = vector.shape_cast %get3A_2 : vector<1x10000x128xf32> to vector<10000x128xf32>
    %get3A_4 = arith.constant 1 : index
    %get3A_5 = arith.constant 0 : index
    %get3A_6 = arith.constant 0 : index
    %get3A_7 = vector.load %arg1[%get3A_4, %get3A_5, %get3A_6] : memref<2x10000x128xf32, #tpu.memory_space<vmem>>, vector<1x10000x128xf32>
    %get3A_8 = vector.shape_cast %get3A_7 : vector<1x10000x128xf32> to vector<10000x128xf32>
    %add3A = arith.addf %get3A_3, %get3A_8 : vector<10000x128xf32>
    %get3A_9 = arith.constant 0 : index
    %get3A_10 = arith.constant 0 : index
    %get3A_11 = vector.load %arg2[%get3A_9, %get3A_10] : memref<10000x128xf32, #tpu.memory_space<vmem>>, vector<10000x128xf32>
    %get3A_12 = arith.constant 0 : index
    %get3A_13 = arith.constant 0 : index
    %get3A_14 = vector.load %arg3[%get3A_12, %get3A_13] : memref<128x128xf32, #tpu.memory_space<vmem>>, vector<128x128xf32>
    %dot_general3A = arith.constant dense<0.000000e+00> : vector<10000x128xf32>
    %dot_general3A_15 = tpu.matmul %get3A_11, %get3A_14, %dot_general3A {dimension_numbers = #tpu.dot_dimension_numbers<[1], [0], [0], [1], [0, 0, 1, 1], [], []>, transpose_lhs_hint = false} : vector<10000x128xf32>, vector<128x128xf32>, vector<10000x128xf32> -> vector<10000x128xf32>
    %add3A_16 = arith.addf %add3A, %dot_general3A_15 : vector<10000x128xf32>
    %swap3A = arith.constant 0 : index
    %swap3A_17 = arith.constant 0 : index
    %swap3A_18 = vector.load %arg4[%swap3A, %swap3A_17] : memref<10000x128xf32, #tpu.memory_space<vmem>>, vector<10000x128xf32>
    tpu.vector_store %arg4[%swap3A, %swap3A_17], %add3A_16 {strides = array<i32>} : memref<10000x128xf32, #tpu.memory_space<vmem>>, vector<10000x128xf32>,
    return
  }
  func.func @transform_0(%arg0: i32) -> (i32, i32, i32) {
    %c0_i32 = arith.constant 0 : i32
    %c0_i32_0 = arith.constant 0 : i32
    %c0_i32_1 = arith.constant 0 : i32
    return %c0_i32, %arg0, %c0_i32_0 : i32, i32, i32
  }
  func.func @transform_1(%arg0: i32) -> (i32, i32) {
    %c0_i32 = arith.constant 0 : i32
    %c0_i32_0 = arith.constant 0 : i32
    return %arg0, %c0_i32 : i32, i32
  }
  func.func @transform_2(%arg0: i32) -> (i32, i32) {
    %c0_i32 = arith.constant 0 : i32
    %c0_i32_0 = arith.constant 0 : i32
    %c0_i32_1 = arith.constant 0 : i32
    return %c0_i32, %c0_i32_0 : i32, i32
  }
  func.func @transform_3(%arg0: i32) -> (i32, i32) {
    %c0_i32 = arith.constant 0 : i32
    %c0_i32_0 = arith.constant 0 : i32
    return %arg0, %c0_i32 : i32, i32
  }
}

</mosaic_0001>

<sc_bundles>
// kernel: kernel.7.cloned.1.call-start
scs
__scs_entry_jumppad:
0x0: {  	(pc) =	sbr.rel $0x88, $3  }
0x1: {  	(tag) =	ssettag $0x0;
	lr =	simm.s32 $0x1  }
0x2: {  	[smem:$0x3F9A] =	sst lr;
	_ =	strace $0xD0000000  }
0x3: {  	_ = 	snop  }
0x4: {  	_ = 	snop  }
0x5: {  	_ = 	snop  }
0x6: {  	_ = 	snop  }
0x7: {  	_ = 	snop  }
__scs_overlays_trampoline_lowered:
0x8: {  	[smem:$0x3FA9] =	sst s0  }
0x9: {  	[smem:$0x3FAA] =	sst s1  }
0xa: {  	[smem:$0x3FAB] =	sst s2  }
0xb: {  	[smem:$0x3FAC] =	sst s3  }
0xc: {  	[smem:$0x3FAD] =	sst s4  }
0xd: {  	[smem:$0x3FAE] =	sst s5  }
0xe: {  	[smem:$0x3FAF] =	sst s6  }
0xf: {  	[smem:$0x3FB0] =	sst s7  }
0x10: {  	[smem:$0x3FB1] =	sst s8  }
0x11: {  	[smem:$0x3FB2] =	sst s9;
	s0 =	simm.s32 @!p0 $0x0  }
0x12: {  	s1 =	sld [smem:$0x3F98];
	s0 =	simm.s32 @p0 $0x1  }
0x13: {  	[smem:$0x3FB3] =	sst s0;
	s0 =	simm.s32 @!p1 $0x0  }
0x14: {  	s2 =	sld [smem:$0x3F97];
	s0 =	simm.s32 @p1 $0x1  }
0x15: {  	[smem:$0x3FB4] =	sst s0;
	s0 =	simm.s32 @!p2 $0x0  }
0x16: {  	s3 =	sld [smem:$0x3FDB];
	s0 =	simm.s32 @p2 $0x1  }
0x17: {  	s4 =	simm.s32 $0x1BF5;
	[smem:$0x3FB6] =	sst s0  }
0x18: {  	s0 =	sld [smem:$0x3F99];
	_ =	swait.ge [sflag:s4], $0x0  }
0x19: {  	s7 =	sld [smem:$0x3F9A]  }
0x1a: {  	s8 =	sadd.s32 $0xFFFFE003, lr  }
0x1b: {  	s9 =	sadd.s32 $0xFFFFFEF7, lr;
	s5 =	simm.s32 $0xFFFFFFFF;
	p2 =	slt.u32 s8, $0xFFFFF086  }
0x1c: {  	p1 =	slt.u32 s9, $0xF7A;
	s5 =	simm.s32 @!p2 $0x0  }
0x1d: {  	s5 =	simm.s32 @p1 $0x1;
	p0 =	seq.s32 s7, s2  }
0x1e: {  	s7 =	smul.u32 @!p0 $0xF7A, s2;
	p2 =	seq.s32 @!p0 s5, $0x0  }
0x1f: {  	s9 =	smul.u32 $0xF7A, s1;
	s8 =	simm.s32 @!p0 $0x1BF5;
	p2 =	por !p2, p0  }
0x20: {  	[sflag:s8] =	ssyncset.s32 @!p0 $0xFFFFF086;
	s6 =	sadd.s32 @!p0 s3, s7;
	s7 =	simm.s32 @!p0 $0x108  }
0x21: {  	s3 =	sadd.s32 s3, s9;
	s6 =	sadd.s32 @!p0 $0x88, s6;
	s7 =	simm.s32 @p2 $0x1082  }
0x22: {  	[simem:s7], [sflag:s8] =	dma.local @!p0 [hbm:s6], $0xF7A  }
0x23: {  	s9 =	sor.u32 $0xD0000000, s2;
	s6 =	simm.s32 $0x108;
	_ =	swait.ge @!p0 [sflag:s8], $0x0  }
0x24: {  	s3 =	sadd.s32 $0x88, s3;
	s6 =	simm.s32 @!p1 $0x1082;
	[sflag:s4] =	ssyncset.s32 $0xFFFFF086  }
0x25: {  	[simem:s6], [sflag:s4] =	dma.local [hbm:s3], $0xF7A  }
0x26: {  	[smem:$0x3F9A] =	sst s1;
	(tag) =	ssettag s2;
	_ =	strace s9  }
0x27: {  	s1 =	sld [smem:$0x3FAA]  }
0x28: {  	s2 =	sld [smem:$0x3FAB]  }
0x29: {  	s4 =	sld [smem:$0x3FAD]  }
0x2a: {  	p0 =	seq.s32 s5, $0x0;
	s5 =	sld [smem:$0x3FAE]  }
0x2b: {  	s6 =	sld [smem:$0x3FAF]  }
0x2c: {  	s7 =	sld [smem:$0x3FB0]  }
0x2d: {  	s3 =	simm.s32 $0x108;
	s8 =	sld [smem:$0x3FB1]  }
0x2e: {  	s3 =	simm.s32 @!p0 $0x1082;
	s9 =	sld [smem:$0x3FB2]  }
0x2f: {  	lr =	sadd.s32 s0, s3;
	s0 =	sld [smem:$0x3FA9]  }
0x30: {  	s3 =	sld [smem:$0x3FAC]  }
0x31: {  	[smem:$0x3FB5] =	sst s10  }
0x32: {  	s10 =	sld [smem:$0x3FB3];
	_ =	sdelay $0x3  }
0x33: {  	p0 =	seq.s32 s10, $0x1;
	s10 =	sld [smem:$0x3FB5];
	_ =	sdelay $0x3  }
0x34: {  	[smem:$0x3FB5] =	sst s10  }
0x35: {  	s10 =	sld [smem:$0x3FB4];
	_ =	sdelay $0x3  }
0x36: {  	p1 =	seq.s32 s10, $0x1;
	s10 =	sld [smem:$0x3FB5];
	_ =	sdelay $0x3  }
0x37: {  	[smem:$0x3FB5] =	sst s10  }
0x38: {  	s10 =	sld [smem:$0x3FB6]  }
0x39: {  	_ = 	snop;
	(pc) =	sbr.ind lr, $3  }
0x3a: {  	_ = 	snop  }
0x3b: {  	_ = 	snop  }
0x3c: {  	p2 =	seq.s32 s10, $0x1;
	s10 =	sld [smem:$0x3FB5]  }
0x3d: {  	_ =	shalt  }
0x3e: {  	_ =	shalt  }
0x3f: {  	_ =	shalt  }
0x40: {  	_ =	shalt  }
0x41: {  	_ =	shalt  }
0x42: {  	_ =	shalt  }
0x43: {  	_ =	shalt  }
0x44: {  	_ =	shalt  }
0x45: {  	_ =	shalt  }
0x46: {  	_ =	shalt  }
0x47: {  	_ =	shalt  }
0x48: {  	_ =	shalt  }
0x49: {  	_ =	shalt  }
0x4a: {  	_ =	shalt  }
0x4b: {  	_ =	shalt  }
0x4c: {  	_ =	shalt  }
0x4d: {  	_ =	shalt  }
0x4e: {  	_ =	shalt  }
0x4f: {  	_ =	shalt  }
0x50: {  	_ =	shalt  }
0x51: {  	_ =	shalt  }
0x52: {  	_ =	shalt  }
0x53: {  	_ =	shalt  }
0x54: {  	_ =	shalt  }
0x55: {  	_ =	shalt  }
0x56: {  	_ =	shalt  }
0x57: {  	_ =	shalt  }
0x58: {  	_ =	shalt  }
0x59: {  	_ =	shalt  }
0x5a: {  	_ =	shalt  }
0x5b: {  	_ =	shalt  }
0x5c: {  	_ =	shalt  }
0x5d: {  	_ =	shalt  }
0x5e: {  	_ =	shalt  }
0x5f: {  	_ =	shalt  }
0x60: {  	_ =	shalt  }
0x61: {  	_ =	shalt  }
0x62: {  	_ =	shalt  }
0x63: {  	_ =	shalt  }
0x64: {  	_ =	shalt  }
0x65: {  	_ =	shalt  }
0x66: {  	_ =	shalt  }
0x67: {  	_ =	shalt  }
0x68: {  	_ =	shalt  }
0x69: {  	_ =	shalt  }
0x6a: {  	_ =	shalt  }
0x6b: {  	_ =	shalt  }
0x6c: {  	_ =	shalt  }
0x6d: {  	_ =	shalt  }
0x6e: {  	_ =	shalt  }
0x6f: {  	_ =	shalt  }
0x70: {  	_ =	shalt  }
0x71: {  	_ =	shalt  }
0x72: {  	_ =	shalt  }
0x73: {  	_ =	shalt  }
0x74: {  	_ =	shalt  }
0x75: {  	_ =	shalt  }
0x76: {  	_ =	shalt  }
0x77: {  	_ =	shalt  }
0x78: {  	_ =	shalt  }
0x79: {  	_ =	shalt  }
0x7a: {  	_ =	shalt  }
0x7b: {  	_ =	shalt  }
0x7c: {  	_ =	shalt  }
0x7d: {  	_ =	shalt  }
0x7e: {  	_ =	shalt  }
0x7f: {  	_ =	shalt  }
0x80: {  	_ =	shalt  }
0x81: {  	_ =	shalt  }
0x82: {  	_ =	shalt  }
0x83: {  	_ =	shalt  }
0x84: {  	_ =	shalt  }
0x85: {  	_ =	shalt  }
0x86: {  	_ =	shalt  }
0x87: {  	_ =	shalt  }
.Lfunc_end0:
.L_simem_size_0:
called_computation_lowered:
.L_overlay_start_0:
0x88: {  	s2 =	sld [smem:$0x3FD9]  }
0x89: {  	s3 =	sld [smem:$0x3FFE];
	_ =	sdelay $0x1  }
0x8a: {  	s1 =	srdreg.scid  }
0x8b: {  	s0 =	sand.u32 $0x1, s1  }
0x8c: {  	s17 =	sshll.u32 s0, $0xA;
	s2 =	sadd.s32 s3, s2  }
0x8d: {  	s2 =	sadd.s32 s2, s17  }
0x8e: {  	[smem:$0x3FC1] =	sst s2  }
0x8f: {  	_ = 	snop  }
0x90: {  	s2 =	sld [smem:$0x3FD0];
	(tm) =	ssettm $0x1  }
0x91: {  	s18 =	sld [smem:$0x3FFB];
	_ =	sdelay $0x3  }
0x92: {  	_ =	strace s18  }
0x93: {  	s3 =	sld [smem:$0x3FFC];
	_ =	sdelay $0x3  }
0x94: {  	_ =	strace s3  }
0x95: {  	s3 =	sld [smem:$0x3FFD];
	_ =	sdelay $0x3  }
0x96: {  	_ =	strace s3  }
0x97: {  	_ =	strace $0x8FFFFFFF  }
0x98: {  	s19 =	sld [smem:$0x3FDB];
	_ =	sdelay $0x1  }
0x99: {  	s4 =	simm.s32 $_scs_section_size  }
0x9a: {  	s5 =	simm.s32 $_size__tile_overlayer_lowered;
	s6 =	simm.s32 $_tile_overlayer_lowered  }
0x9b: {  	s22 =	simm.s32 $0x1BFF;
	s21 =	sshll.u32 s6, $0x1;
	s3 =	sadd.s32 s4, s19  }
0x9c: {  	s7 =	simm.s32 $0x0;
	s20 =	sshll.u32 s5, $0x1;
	s5 =	sadd.s32 s21, s3  }
0x9d: {  	[timem:s7], [sflag:s22] =	dma.local [hbm:s5], s20  }
0x9e: {  	_ =	swait.ge [sflag:s22], s20  }
0x9f: {  	s4 =	ssub.s32 $0x0, s20;
	[sflag:s22] =	ssyncset.done $0x0  }
0xa0: {  	[sflag:s22] =	ssyncadd.s32 s4;
	_ =	sdelay $0x1  }
0xa1: {  	s23 =	simm.s32 $0x1B8B  }
0xa2: {  	_ =	swait.ge [sflag:s23], $0x1  }
0xa3: {  	[sflag:s23] =	ssyncset.done $0x0  }
0xa4: {  	s25 =	simm.s32 $0x1B8E;
	s24 =	sld [smem:$0x3FFE];
	[sflag:s23] =	ssyncadd.s32 $0xFFFFFFFF  }
0xa5: {  	s26 =	simm.s32 $execute0_lowered;
	[smem:$0x3FD2] =	sst s25  }
0xa6: {  	s5 =	sshll.u32 s26, $0x1;
	_ =	strace $0x80000046;
	[dreg:$0x1] =	wrdreg $0xFFFFFFFF  }
0xa7: {  	s28 =	simm.s32 $_size_execute0_lowered;
	s3 =	sadd.s32 s3, s5;
	[dreg:$0x0] =	wrdreg $0x0  }
0xa8: {  	s5 =	sshll.u32 s28, $0x1;
	[dreg:$0x2] =	wrdreg s3  }
0xa9: {  	[dreg:$0x3] =	wrdreg s5  }
0xaa: {  	[dreg:$0x4] =	wrdreg $0xC0  }
0xab: {  	_ =	task [dreg:s7], $0x5FFFF  }
0xac: {  	[dreg:$0x1] =	wrdreg $0xFFFFFFFF  }
0xad: {  	[dreg:$0x0] =	wrdreg $0x60  }
0xae: {  	[dreg:$0x2] =	wrdreg s24  }
0xaf: {  	[dreg:$0x3] =	wrdreg s2  }
0xb0: {  	[dreg:$0x4] =	wrdreg $0xB8000  }
0xb1: {  	[dreg:$0x5] =	wrdreg $0x9  }
0xb2: {  	_ =	task.clear_ibuf [dreg:s7], $0x6FFFF;
	_ =	strace $0x90000046  }
0xb3: {  	s29 =	simm.s32 $0x9;
	_ =	strace $0x80000048  }
0xb4: {  	_ =	swait.ge [sflag:s29], $0x1  }
0xb5: {  	[sflag:s29] =	ssyncadd.s32 $0xFFFFFFFF  }
0xb6: {  	_ =	strace $0x90000048  }
0xb7: {  	_ =	sfence  }
0xb8: {  	s30 =	sld [smem:$0x0];
	_ =	sdelay $0x2  }
0xb9: {  	s31 =	sshll.u32 s1, $0xD;
	s1 =	sshrl.u32 s1, $0x2  }
0xba: {  	s3 =	sand.u32 $0x4000, s31;
	s1 =	sadd.s32 s1, s30  }
0xbb: {  	s0 =	sor.u32 s3, s0;
	s1 =	sshll.u32 s1, $0x11  }
0xbc: {  	s0 =	sor.u32 s1, s0  }
0xbd: {  	s0 =	sadd.s32 $0x8F2B, s0  }
0xbe: {  	[sflag:s0] =	ssyncadd.remote.s32 $0x1  }
0xbf: {  	_ =	sfence.sel $0xFFFF  }
0xc0: {  	[dreg:$0x0] =	wrdreg $0xFFFFFFFF;
	(pc) =	sbr.abs _section_cstart, $3  }
0xc1: {  	[dreg:$0x1] =	wrdreg $0xFFFFFFFF  }
0xc2: {  	_ =	task.clear_ibuf [dreg:s7], $0x2FFFF;
	_ =	strace $0x9FFFFFFF  }
0xc3: {  	(tm) =	ssettm $0x7FFFFFFF  }
tec
execute0_lowered:
.L_overlay_start_1:
0x0: {  	(tag) =	ssettag $0x1  }
0x1: {  	s6 =	rddreg [dreg:$0x0]  }
0x2: {  	s7 =	rddreg [dreg:$0x1]  }
0x3: {  	s0 =	srdreg.scid;
	s2 =	rddreg [dreg:$0x2];
	s3 =	simm.s32 $0x0  }
0x4: {  	s16 =	simm.s32 $0x40;
	s17 =	simm.s32 $0x7800;
	s18 =	simm.s32 $0x9800  }
0x5: {  	s19 =	simm.s32 $0x1;
	s5 =	sand.u32 $0x1, s0;
	s0 =	stileid.u32  }
0x6: {  	s20 =	simm.s32 $0x2;
	s21 =	simm.s32 $0x80;
	s9 =	smul.u32 $0x13C00, s0  }
0x7: {  	s22 =	simm.s32 $0x0;
	[smem:$0x7FF] =	sst s3;
	s10 =	smul.u32 $0x13C000, s5  }
0x8: {  	s4 =	sadd.s32 $0x14C00, s6;
	s1 =	sshll.u32 s5, $0x4;
	s28 =	smul.u32 $0x4F000, s0  }
0x9: {  	s5 =	ssub.s32 $0x2, s5;
	s31 =	sshll.u32 s0, $0x6;
	s1 =	sor.u32 s0, s1  }
0xa: {  	s29 =	sshrl.u32 s5, $0x1;
	s8 =	smul.u32 $0x500, s1;
	s1 =	rddreg [dreg:$0x3]  }
0xb: {  	_ =	strace $0x80000047;
	s12 =	sshrl.u32 s9, $0x3;
	s9 =	sadd.s32 s9, s10  }
0xc: {  	v0 =	vimm.s32 $0x0;
	s30 =	sshrl.u32 s28, $0x2;
	s14 =	ssub.s32 s5, s29;
	s12 =	sadd.s32 s12, s6  }
0xd: {  	v1 =	vimm.s32 $0x1;
	v2 =	vimm.s32 $0x2;
	v3 =	vimm.s32 $0x3;
	s9 =	sshrl.u32 s9, $0x3;
	s15 =	sadd.s32 s30, s2;
	s11 =	sadd.s32 s8, s6  }
0xe: {  	v4 =	vimm.s32 $0x4;
	v5 =	vimm.s32 $0x5;
	v6 =	vimm.s32 $0x6;
	s13 =	sadd.s32 s9, s6;
	s5 =	sadd.s32 $0x7B5E00, s12;
	s6 =	sor.u32 $0x1C03, s31  }
0xf: {  	v7 =	vimm.s32 $0x7;
	v9 =	vimm.s32 $0x9;
	v10 =	vimm.s32 $0xA;
	s7 =	sadd.s32 s7, s8;
	s12 =	sshrl.u32 s15, $0x3;
	s15 =	simm.s32 $0x5000  }
0x10: {  	v8 =	vimm.s32 $0x8;
	v11 =	vimm.s32 $0xB;
	v12 =	vimm.s32 $0xC;
	s8 =	sadd.s32 $0xAC00, s11;
	s9 =	sadd.s32 $0xC00, s11;
	s10 =	sadd.s32 $0x7DD600, s13  }
0x11: {  	v13 =	vimm.s32 $0xD;
	v14 =	vimm.s32 $0xE;
	v15 =	vimm.s32 $0xF;
	s11 =	smax.u32 s14, $0x1;
	s13 =	simm.s32 $0x3;
	s14 =	simm.s32 $0x2800  }
.LBB2_1:
0x12: {  	[spmem:s12], [sflag:s6] =	dma.local [hbm:s5], $0x2780  }
0x13: {  	_ =	swait.ge [sflag:s13], $0x2780  }
0x14: {  	[sflag:s13] =	ssyncset.done $0x0  }
0x15: {  	[sflag:s13] =	ssyncadd.s32 $0xFFFFD880  }
0x16: {  	[tilespmem:s3], [sflag:$0x3] =	stream.linear.gather [hbm4b:s7+s3], $0x2800, $0x38;
	[tilespmem:$0x1F400] =	vst v63  }
0x17: {  	_ =	swait.ge [sflag:s13], $0x2800  }
0x18: {  	[sflag:s13] =	ssyncset.done $0x0  }
0x19: {  	[sflag:s13] =	ssyncadd.s32 $0xFFFFD800  }
0x1a: {  	[tilespmem:s14], [sflag:$0x3] =	stream.linear.gather [hbm4b:s8+s3], $0x2800, $0x38;
	[tilespmem:$0x1F400] =	vst v63  }
0x1b: {  	_ =	swait.ge [sflag:s13], $0x2800  }
0x1c: {  	[sflag:s13] =	ssyncset.done $0x0  }
0x1d: {  	[sflag:s13] =	ssyncadd.s32 $0xFFFFD800  }
0x1e: {  	[tilespmem:s15], [sflag:$0x3] =	stream.linear.gather [hbm4b:s9+s3], $0x2800, $0x38;
	[tilespmem:$0x1F400] =	vst v63  }
0x1f: {  	_ =	swait.ge [sflag:s13], $0x2800  }
0x20: {  	[sflag:s13] =	ssyncset.done $0x0  }
0x21: {  	[sflag:s13] =	ssyncadd.s32 $0xFFFFD800  }
0x22: {  	s23 =	simm.s32 $0x0;
	[bflag:$0x0] =	sbarrier.arrive $0xFFFF  }
.LBB2_2:
0x23: {  	s24 =	sshll.u32 s23, $0x7  }
0x24: {  	[tilespmem:s17], [sflag:$0x1] =	stream.indirect.gather [hbm4b:s4+s16], $0x80, s24, s16, $0xb8;
	[tilespmem:$0x1F400] =	vst v63  }
0x25: {  	s25 =	sor.u32 $0x40, s24;
	s26 =	sadd.s32 $0x5000, s24  }
0x26: {  	[tilespmem:s18], [sflag:$0x2] =	stream.indirect.gather [hbm4b:s4+s16], $0x80, s25, s16, $0xb8;
	[tilespmem:$0x1F400] =	vst v63  }
0x27: {  	v16 =	vmov s26;
	_ =	swait.ge [sflag:s19], $0x2000  }
0x28: {  	[sflag:s19] =	ssyncset.done $0x0  }
0x29: {  	s25 =	simm.s32 $0x0;
	[sflag:s19] =	ssyncadd.s32 $0xFFFFE000  }
.LBB2_3:
0x2a: {  	s26 =	sshll.u32 s25, $0x4  }
0x2b: {  	s26 =	sand.u32 $0x3FFFFFF0, s26  }
0x2c: {  	s31 =	sshll.u32 s25, $0xB;
	v17 =	vld.idx.msk [tilespmem:v16+s26+$0x0 ss:$0x1], $0xffff  }
0x2d: {  	s26 =	sand.u32 $0x3FFFF800, s31  }
0x2e: {  	v18 =	vld [tilespmem:s26+$0x7800]  }
0x2f: {  	v19 =	vld [tilespmem:s26+$0x7810]  }
0x30: {  	v20 =	vld [tilespmem:s26+$0x7820]  }
0x31: {  	v22 =	vld [tilespmem:s26+$0x7830];
	v21 =	vperm.xlane v17, v0  }
0x32: {  	v23 =	vld [tilespmem:s26+$0x7840]  }
0x33: {  	v24 =	vld [tilespmem:s26+$0x7850];
	v18 =	vmul.f32 v18, v21  }
0x34: {  	v25 =	vld [tilespmem:s26+$0x7860];
	v19 =	vmul.f32 v19, v21  }
0x35: {  	v38 =	vld [tilespmem:s26+$0x7870];
	[tilespmem:s26+$0x7800] =	vst v18;
	v18 =	vmul.f32 v20, v21  }
0x36: {  	v39 =	vld [tilespmem:s26+$0x7880];
	[tilespmem:s26+$0x7810] =	vst v19;
	v19 =	vmul.f32 v22, v21  }
0x37: {  	v40 =	vld [tilespmem:s26+$0x7890];
	[tilespmem:s26+$0x7820] =	vst v18;
	v18 =	vmul.f32 v23, v21  }
0x38: {  	v41 =	vld [tilespmem:s26+$0x78A0];
	[tilespmem:s26+$0x7830] =	vst v19;
	v19 =	vmul.f32 v24, v21  }
0x39: {  	v26 =	vld [tilespmem:s26+$0x78B0];
	v42 =	vperm.xlane v17, v1;
	[tilespmem:s26+$0x7840] =	vst v18;
	v18 =	vmul.f32 v25, v21  }
0x3a: {  	v43 =	vld [tilespmem:s26+$0x78C0];
	[tilespmem:s26+$0x7850] =	vst v19;
	v19 =	vmul.f32 v38, v21  }
0x3b: {  	v44 =	vld [tilespmem:s26+$0x78D0];
	[tilespmem:s26+$0x7860] =	vst v18;
	v18 =	vmul.f32 v39, v42  }
0x3c: {  	v45 =	vld [tilespmem:s26+$0x78E0];
	[tilespmem:s26+$0x7870] =	vst v19;
	v19 =	vmul.f32 v40, v42  }
0x3d: {  	v46 =	vld [tilespmem:s26+$0x78F0];
	[tilespmem:s26+$0x7880] =	vst v18;
	v18 =	vmul.f32 v41, v42  }
0x3e: {  	v47 =	vld [tilespmem:s26+$0x7900];
	[tilespmem:s26+$0x7890] =	vst v19;
	v19 =	vmul.f32 v26, v42  }
0x3f: {  	v48 =	vld [tilespmem:s26+$0x7910];
	[tilespmem:s26+$0x78A0] =	vst v18;
	v18 =	vmul.f32 v43, v42  }
0x40: {  	v49 =	vld [tilespmem:s26+$0x7920];
	[tilespmem:s26+$0x78B0] =	vst v19;
	v19 =	vmul.f32 v44, v42  }
0x41: {  	v51 =	vld [tilespmem:s26+$0x7930];
	v50 =	vperm.xlane v17, v2;
	[tilespmem:s26+$0x78C0] =	vst v18;
	v18 =	vmul.f32 v45, v42  }
0x42: {  	v52 =	vld [tilespmem:s26+$0x7940];
	[tilespmem:s26+$0x78D0] =	vst v19;
	v19 =	vmul.f32 v46, v42  }
0x43: {  	v53 =	vld [tilespmem:s26+$0x7950];
	[tilespmem:s26+$0x78E0] =	vst v18;
	v18 =	vmul.f32 v47, v50  }
0x44: {  	v54 =	vld [tilespmem:s26+$0x7960];
	[tilespmem:s26+$0x78F0] =	vst v19;
	v19 =	vmul.f32 v48, v50  }
0x45: {  	v55 =	vld [tilespmem:s26+$0x7970];
	[tilespmem:s26+$0x7900] =	vst v18;
	v18 =	vmul.f32 v49, v50  }
0x46: {  	v56 =	vld [tilespmem:s26+$0x7980];
	[tilespmem:s26+$0x7910] =	vst v19;
	v19 =	vmul.f32 v51, v50  }
0x47: {  	v57 =	vld [tilespmem:s26+$0x7990];
	[tilespmem:s26+$0x7920] =	vst v18;
	v18 =	vmul.f32 v52, v50  }
0x48: {  	v58 =	vld [tilespmem:s26+$0x79A0];
	[tilespmem:s26+$0x7930] =	vst v19;
	v19 =	vmul.f32 v53, v50  }
0x49: {  	v60 =	vld [tilespmem:s26+$0x79B0];
	v59 =	vperm.xlane v17, v3;
	[tilespmem:s26+$0x7940] =	vst v18;
	v18 =	vmul.f32 v54, v50  }
0x4a: {  	v61 =	vld [tilespmem:s26+$0x79C0];
	[tilespmem:s26+$0x7950] =	vst v19;
	v19 =	vmul.f32 v55, v50  }
0x4b: {  	v62 =	vld [tilespmem:s26+$0x79D0];
	[tilespmem:s26+$0x7960] =	vst v18;
	v18 =	vmul.f32 v56, v59  }
0x4c: {  	v63 =	vld [tilespmem:s26+$0x79E0];
	[tilespmem:s26+$0x7970] =	vst v19;
	v19 =	vmul.f32 v57, v59  }
0x4d: {  	v28 =	vld [tilespmem:s26+$0x79F0];
	[tilespmem:s26+$0x7980] =	vst v18;
	v18 =	vmul.f32 v58, v59  }
0x4e: {  	v29 =	vld [tilespmem:s26+$0x7A00];
	[tilespmem:s26+$0x7990] =	vst v19;
	v19 =	vmul.f32 v60, v59  }
0x4f: {  	v30 =	vld [tilespmem:s26+$0x7A10];
	[tilespmem:s26+$0x79A0] =	vst v18;
	v18 =	vmul.f32 v61, v59  }
0x50: {  	v31 =	vld [tilespmem:s26+$0x7A20];
	[tilespmem:s26+$0x79B0] =	vst v19;
	v19 =	vmul.f32 v62, v59  }
0x51: {  	v33 =	vld [tilespmem:s26+$0x7A30];
	v32 =	vperm.xlane v17, v4;
	[tilespmem:s26+$0x79C0] =	vst v18;
	v18 =	vmul.f32 v63, v59  }
0x52: {  	v34 =	vld [tilespmem:s26+$0x7A40];
	[tilespmem:s26+$0x79D0] =	vst v19;
	v19 =	vmul.f32 v28, v59  }
0x53: {  	v35 =	vld [tilespmem:s26+$0x7A50];
	[tilespmem:s26+$0x79E0] =	vst v18;
	v18 =	vmul.f32 v29, v32  }
0x54: {  	v36 =	vld [tilespmem:s26+$0x7A60];
	[tilespmem:s26+$0x79F0] =	vst v19;
	v19 =	vmul.f32 v30, v32  }
0x55: {  	v37 =	vld [tilespmem:s26+$0x7A70];
	[tilespmem:s26+$0x7A00] =	vst v18;
	v18 =	vmul.f32 v31, v32  }
0x56: {  	v38 =	vld [tilespmem:s26+$0x7A80];
	[tilespmem:s26+$0x7A10] =	vst v19;
	v19 =	vmul.f32 v33, v32  }
0x57: {  	v39 =	vld [tilespmem:s26+$0x7A90];
	[tilespmem:s26+$0x7A20] =	vst v18;
	v18 =	vmul.f32 v34, v32  }
0x58: {  	v40 =	vld [tilespmem:s26+$0x7AA0];
	[tilespmem:s26+$0x7A30] =	vst v19;
	v19 =	vmul.f32 v35, v32  }
0x59: {  	v41 =	vperm.xlane v17, v5;
	v42 =	vld [tilespmem:s26+$0x7AB0];
	[tilespmem:s26+$0x7A40] =	vst v18;
	v18 =	vmul.f32 v36, v32  }
0x5a: {  	v43 =	vld [tilespmem:s26+$0x7AC0];
	[tilespmem:s26+$0x7A50] =	vst v19;
	v19 =	vmul.f32 v37, v32  }
0x5b: {  	v44 =	vld [tilespmem:s26+$0x7AD0];
	[tilespmem:s26+$0x7A60] =	vst v18;
	v18 =	vmul.f32 v38, v41  }
0x5c: {  	v45 =	vld [tilespmem:s26+$0x7AE0];
	[tilespmem:s26+$0x7A70] =	vst v19;
	v19 =	vmul.f32 v39, v41  }
0x5d: {  	v46 =	vld [tilespmem:s26+$0x7AF0];
	[tilespmem:s26+$0x7A80] =	vst v18;
	v18 =	vmul.f32 v40, v41  }
0x5e: {  	v47 =	vld [tilespmem:s26+$0x7B00];
	[tilespmem:s26+$0x7A90] =	vst v19;
	v19 =	vmul.f32 v42, v41  }
0x5f: {  	v48 =	vld [tilespmem:s26+$0x7B10];
	[tilespmem:s26+$0x7AA0] =	vst v18;
	v18 =	vmul.f32 v43, v41  }
0x60: {  	v49 =	vld [tilespmem:s26+$0x7B20];
	[tilespmem:s26+$0x7AB0] =	vst v19;
	v19 =	vmul.f32 v44, v41  }
0x61: {  	v51 =	vld [tilespmem:s26+$0x7B30];
	v50 =	vperm.xlane v17, v6;
	[tilespmem:s26+$0x7AC0] =	vst v18;
	v18 =	vmul.f32 v45, v41  }
0x62: {  	v52 =	vld [tilespmem:s26+$0x7B40];
	[tilespmem:s26+$0x7AD0] =	vst v19;
	v19 =	vmul.f32 v46, v41  }
0x63: {  	v53 =	vld [tilespmem:s26+$0x7B50];
	[tilespmem:s26+$0x7AE0] =	vst v18;
	v18 =	vmul.f32 v47, v50  }
0x64: {  	v54 =	vld [tilespmem:s26+$0x7B60];
	[tilespmem:s26+$0x7AF0] =	vst v19;
	v19 =	vmul.f32 v48, v50  }
0x65: {  	v55 =	vld [tilespmem:s26+$0x7B70];
	[tilespmem:s26+$0x7B00] =	vst v18;
	v18 =	vmul.f32 v49, v50  }
0x66: {  	v56 =	vld [tilespmem:s26+$0x7B80];
	[tilespmem:s26+$0x7B10] =	vst v19;
	v19 =	vmul.f32 v51, v50  }
0x67: {  	v57 =	vld [tilespmem:s26+$0x7B90];
	[tilespmem:s26+$0x7B20] =	vst v18;
	v18 =	vmul.f32 v52, v50  }
0x68: {  	v58 =	vld [tilespmem:s26+$0x7BA0];
	[tilespmem:s26+$0x7B30] =	vst v19;
	v19 =	vmul.f32 v53, v50  }
0x69: {  	v60 =	vld [tilespmem:s26+$0x7BB0];
	v59 =	vperm.xlane v17, v7;
	[tilespmem:s26+$0x7B40] =	vst v18;
	v18 =	vmul.f32 v54, v50  }
0x6a: {  	v61 =	vld [tilespmem:s26+$0x7BC0];
	[tilespmem:s26+$0x7B50] =	vst v19;
	v19 =	vmul.f32 v55, v50  }
0x6b: {  	v62 =	vld [tilespmem:s26+$0x7BD0];
	[tilespmem:s26+$0x7B60] =	vst v18;
	v18 =	vmul.f32 v56, v59  }
0x6c: {  	v63 =	vld [tilespmem:s26+$0x7BE0];
	[tilespmem:s26+$0x7B70] =	vst v19;
	v19 =	vmul.f32 v57, v59  }
0x6d: {  	v28 =	vld [tilespmem:s26+$0x7BF0];
	[tilespmem:s26+$0x7B80] =	vst v18;
	v18 =	vmul.f32 v58, v59  }
0x6e: {  	v29 =	vld [tilespmem:s26+$0x7C00];
	[tilespmem:s26+$0x7B90] =	vst v19;
	v19 =	vmul.f32 v60, v59  }
0x6f: {  	v30 =	vld [tilespmem:s26+$0x7C10];
	[tilespmem:s26+$0x7BA0] =	vst v18;
	v18 =	vmul.f32 v61, v59  }
0x70: {  	v31 =	vld [tilespmem:s26+$0x7C20];
	[tilespmem:s26+$0x7BB0] =	vst v19;
	v19 =	vmul.f32 v62, v59  }
0x71: {  	v33 =	vld [tilespmem:s26+$0x7C30];
	v32 =	vperm.xlane v17, v8;
	[tilespmem:s26+$0x7BC0] =	vst v18;
	v18 =	vmul.f32 v63, v59  }
0x72: {  	v34 =	vld [tilespmem:s26+$0x7C40];
	[tilespmem:s26+$0x7BD0] =	vst v19;
	v19 =	vmul.f32 v28, v59  }
0x73: {  	v35 =	vld [tilespmem:s26+$0x7C50];
	[tilespmem:s26+$0x7BE0] =	vst v18;
	v18 =	vmul.f32 v29, v32  }
0x74: {  	v36 =	vld [tilespmem:s26+$0x7C60];
	[tilespmem:s26+$0x7BF0] =	vst v19;
	v19 =	vmul.f32 v30, v32  }
0x75: {  	v37 =	vld [tilespmem:s26+$0x7C70];
	[tilespmem:s26+$0x7C00] =	vst v18;
	v18 =	vmul.f32 v31, v32  }
0x76: {  	v38 =	vld [tilespmem:s26+$0x7C80];
	[tilespmem:s26+$0x7C10] =	vst v19;
	v19 =	vmul.f32 v33, v32  }
0x77: {  	v39 =	vld [tilespmem:s26+$0x7C90];
	[tilespmem:s26+$0x7C20] =	vst v18;
	v18 =	vmul.f32 v34, v32  }
0x78: {  	v40 =	vld [tilespmem:s26+$0x7CA0];
	[tilespmem:s26+$0x7C30] =	vst v19;
	v19 =	vmul.f32 v35, v32  }
0x79: {  	v42 =	vld [tilespmem:s26+$0x7CB0];
	v41 =	vperm.xlane v17, v9;
	[tilespmem:s26+$0x7C40] =	vst v18;
	v18 =	vmul.f32 v36, v32  }
0x7a: {  	v43 =	vld [tilespmem:s26+$0x7CC0];
	[tilespmem:s26+$0x7C50] =	vst v19;
	v19 =	vmul.f32 v37, v32  }
0x7b: {  	v44 =	vld [tilespmem:s26+$0x7CD0];
	[tilespmem:s26+$0x7C60] =	vst v18;
	v18 =	vmul.f32 v38, v41  }
0x7c: {  	v45 =	vld [tilespmem:s26+$0x7CE0];
	[tilespmem:s26+$0x7C70] =	vst v19;
	v19 =	vmul.f32 v39, v41  }
0x7d: {  	v46 =	vld [tilespmem:s26+$0x7CF0];
	[tilespmem:s26+$0x7C80] =	vst v18;
	v18 =	vmul.f32 v40, v41  }
0x7e: {  	v47 =	vld [tilespmem:s26+$0x7D00];
	[tilespmem:s26+$0x7C90] =	vst v19;
	v19 =	vmul.f32 v42, v41  }
0x7f: {  	v48 =	vld [tilespmem:s26+$0x7D10];
	[tilespmem:s26+$0x7CA0] =	vst v18;
	v18 =	vmul.f32 v43, v41  }
0x80: {  	v49 =	vld [tilespmem:s26+$0x7D20];
	[tilespmem:s26+$0x7CB0] =	vst v19;
	v19 =	vmul.f32 v44, v41  }
0x81: {  	v51 =	vld [tilespmem:s26+$0x7D30];
	v50 =	vperm.xlane v17, v10;
	[tilespmem:s26+$0x7CC0] =	vst v18;
	v18 =	vmul.f32 v45, v41  }
0x82: {  	v52 =	vld [tilespmem:s26+$0x7D40];
	[tilespmem:s26+$0x7CD0] =	vst v19;
	v19 =	vmul.f32 v46, v41  }
0x83: {  	v53 =	vld [tilespmem:s26+$0x7D50];
	[tilespmem:s26+$0x7CE0] =	vst v18;
	v18 =	vmul.f32 v47, v50  }
0x84: {  	v54 =	vld [tilespmem:s26+$0x7D60];
	[tilespmem:s26+$0x7CF0] =	vst v19;
	v19 =	vmul.f32 v48, v50  }
0x85: {  	v55 =	vld [tilespmem:s26+$0x7D70];
	[tilespmem:s26+$0x7D00] =	vst v18;
	v18 =	vmul.f32 v49, v50  }
0x86: {  	v56 =	vld [tilespmem:s26+$0x7D80];
	[tilespmem:s26+$0x7D10] =	vst v19;
	v19 =	vmul.f32 v51, v50  }
0x87: {  	v57 =	vld [tilespmem:s26+$0x7D90];
	[tilespmem:s26+$0x7D20] =	vst v18;
	v18 =	vmul.f32 v52, v50  }
0x88: {  	v58 =	vld [tilespmem:s26+$0x7DA0];
	[tilespmem:s26+$0x7D30] =	vst v19;
	v19 =	vmul.f32 v53, v50  }
0x89: {  	v60 =	vld [tilespmem:s26+$0x7DB0];
	v59 =	vperm.xlane v17, v11;
	[tilespmem:s26+$0x7D40] =	vst v18;
	v18 =	vmul.f32 v54, v50  }
0x8a: {  	v61 =	vld [tilespmem:s26+$0x7DC0];
	[tilespmem:s26+$0x7D50] =	vst v19;
	v19 =	vmul.f32 v55, v50  }
0x8b: {  	v62 =	vld [tilespmem:s26+$0x7DD0];
	[tilespmem:s26+$0x7D60] =	vst v18;
	v18 =	vmul.f32 v56, v59  }
0x8c: {  	v63 =	vld [tilespmem:s26+$0x7DE0];
	[tilespmem:s26+$0x7D70] =	vst v19;
	v19 =	vmul.f32 v57, v59  }
0x8d: {  	v28 =	vld [tilespmem:s26+$0x7DF0];
	[tilespmem:s26+$0x7D80] =	vst v18;
	v18 =	vmul.f32 v58, v59  }
0x8e: {  	v29 =	vld [tilespmem:s26+$0x7E00];
	[tilespmem:s26+$0x7D90] =	vst v19;
	v19 =	vmul.f32 v60, v59  }
0x8f: {  	v30 =	vld [tilespmem:s26+$0x7E10];
	[tilespmem:s26+$0x7DA0] =	vst v18;
	v18 =	vmul.f32 v61, v59  }
0x90: {  	v31 =	vld [tilespmem:s26+$0x7E20];
	[tilespmem:s26+$0x7DB0] =	vst v19;
	v19 =	vmul.f32 v62, v59  }
0x91: {  	v33 =	vld [tilespmem:s26+$0x7E30];
	v32 =	vperm.xlane v17, v12;
	[tilespmem:s26+$0x7DC0] =	vst v18;
	v18 =	vmul.f32 v63, v59  }
0x92: {  	v34 =	vld [tilespmem:s26+$0x7E40];
	[tilespmem:s26+$0x7DD0] =	vst v19;
	v19 =	vmul.f32 v28, v59  }
0x93: {  	v35 =	vld [tilespmem:s26+$0x7E50];
	[tilespmem:s26+$0x7DE0] =	vst v18;
	v18 =	vmul.f32 v29, v32  }
0x94: {  	v36 =	vld [tilespmem:s26+$0x7E60];
	[tilespmem:s26+$0x7DF0] =	vst v19;
	v19 =	vmul.f32 v30, v32  }
0x95: {  	v37 =	vld [tilespmem:s26+$0x7E70];
	[tilespmem:s26+$0x7E00] =	vst v18;
	v18 =	vmul.f32 v31, v32  }
0x96: {  	v38 =	vld [tilespmem:s26+$0x7E80];
	[tilespmem:s26+$0x7E10] =	vst v19;
	v19 =	vmul.f32 v33, v32  }
0x97: {  	v39 =	vld [tilespmem:s26+$0x7E90];
	[tilespmem:s26+$0x7E20] =	vst v18;
	v18 =	vmul.f32 v34, v32  }
0x98: {  	v40 =	vld [tilespmem:s26+$0x7EA0];
	[tilespmem:s26+$0x7E30] =	vst v19;
	v19 =	vmul.f32 v35, v32  }
0x99: {  	v42 =	vld [tilespmem:s26+$0x7EB0];
	v41 =	vperm.xlane v17, v13;
	[tilespmem:s26+$0x7E40] =	vst v18;
	v18 =	vmul.f32 v36, v32  }
0x9a: {  	v43 =	vld [tilespmem:s26+$0x7EC0];
	[tilespmem:s26+$0x7E50] =	vst v19;
	v19 =	vmul.f32 v37, v32  }
0x9b: {  	v44 =	vld [tilespmem:s26+$0x7ED0];
	[tilespmem:s26+$0x7E60] =	vst v18;
	v18 =	vmul.f32 v38, v41  }
0x9c: {  	v45 =	vld [tilespmem:s26+$0x7EE0];
	[tilespmem:s26+$0x7E70] =	vst v19;
	v19 =	vmul.f32 v39, v41  }
0x9d: {  	v46 =	vld [tilespmem:s26+$0x7EF0];
	[tilespmem:s26+$0x7E80] =	vst v18;
	v18 =	vmul.f32 v40, v41  }
0x9e: {  	v47 =	vld [tilespmem:s26+$0x7F00];
	[tilespmem:s26+$0x7E90] =	vst v19;
	v19 =	vmul.f32 v42, v41  }
0x9f: {  	v48 =	vld [tilespmem:s26+$0x7F10];
	[tilespmem:s26+$0x7EA0] =	vst v18;
	v18 =	vmul.f32 v43, v41  }
0xa0: {  	v49 =	vld [tilespmem:s26+$0x7F20];
	[tilespmem:s26+$0x7EB0] =	vst v19;
	v19 =	vmul.f32 v44, v41  }
0xa1: {  	v51 =	vld [tilespmem:s26+$0x7F30];
	v50 =	vperm.xlane v17, v14;
	[tilespmem:s26+$0x7EC0] =	vst v18;
	v18 =	vmul.f32 v45, v41  }
0xa2: {  	v52 =	vld [tilespmem:s26+$0x7F40];
	[tilespmem:s26+$0x7ED0] =	vst v19;
	v19 =	vmul.f32 v46, v41  }
0xa3: {  	v53 =	vld [tilespmem:s26+$0x7F50];
	[tilespmem:s26+$0x7EE0] =	vst v18;
	v18 =	vmul.f32 v47, v50  }
0xa4: {  	v54 =	vld [tilespmem:s26+$0x7F60];
	[tilespmem:s26+$0x7EF0] =	vst v19;
	v19 =	vmul.f32 v48, v50  }
0xa5: {  	v55 =	vld [tilespmem:s26+$0x7F70];
	[tilespmem:s26+$0x7F00] =	vst v18;
	v18 =	vmul.f32 v49, v50  }
0xa6: {  	v56 =	vld [tilespmem:s26+$0x7F80];
	[tilespmem:s26+$0x7F10] =	vst v19;
	v19 =	vmul.f32 v51, v50  }
0xa7: {  	v57 =	vld [tilespmem:s26+$0x7F90];
	[tilespmem:s26+$0x7F20] =	vst v18;
	v18 =	vmul.f32 v52, v50  }
0xa8: {  	v58 =	vld [tilespmem:s26+$0x7FA0];
	[tilespmem:s26+$0x7F30] =	vst v19;
	v19 =	vmul.f32 v53, v50  }
0xa9: {  	v17 =	vperm.xlane v17, v15;
	v59 =	vld [tilespmem:s26+$0x7FB0];
	[tilespmem:s26+$0x7F40] =	vst v18;
	v18 =	vmul.f32 v54, v50  }
0xaa: {  	v60 =	vld [tilespmem:s26+$0x7FC0];
	[tilespmem:s26+$0x7F50] =	vst v19;
	v19 =	vmul.f32 v55, v50  }
0xab: {  	v61 =	vld [tilespmem:s26+$0x7FD0];
	[tilespmem:s26+$0x7F60] =	vst v18;
	v18 =	vmul.f32 v56, v17  }
0xac: {  	v62 =	vld [tilespmem:s26+$0x7FE0];
	[tilespmem:s26+$0x7F70] =	vst v19;
	v19 =	vmul.f32 v57, v17  }
0xad: {  	v63 =	vld [tilespmem:s26+$0x7FF0];
	[tilespmem:s26+$0x7F80] =	vst v18;
	v18 =	vmul.f32 v58, v17  }
0xae: {  	[tilespmem:s26+$0x7F90] =	vst v19;
	v19 =	vmul.f32 v59, v17  }
0xaf: {  	p0 =	sne.s32 s25, $0x3;
	[tilespmem:s26+$0x7FA0] =	vst v18;
	v18 =	vmul.f32 v60, v17  }
.Ltmp0:
0xb0: {  	[tilespmem:s26+$0x7FB0] =	vst v19;
	v19 =	vmul.f32 v61, v17;
	(pc) =	sbr.rel @p0 .LBB2_3-.Ltmp0, $4  }
0xb1: {  	[tilespmem:s26+$0x7FC0] =	vst v18;
	v18 =	vmul.f32 v62, v17  }
0xb2: {  	[tilespmem:s26+$0x7FD0] =	vst v19;
	v17 =	vmul.f32 v63, v17  }
0xb3: {  	[tilespmem:s26+$0x7FE0] =	vst v18  }
0xb4: {  	s25 =	sadd.s32 $0x1, s25;
	[tilespmem:s26+$0x7FF0] =	vst v17  }
0xb5: {  	_ =	swait.ge [sflag:s20], $0x2000  }
0xb6: {  	[sflag:s20] =	ssyncset.done $0x0  }
0xb7: {  	s25 =	simm.s32 $0x0;
	[sflag:s20] =	ssyncadd.s32 $0xFFFFE000  }
.LBB2_5:
0xb8: {  	s26 =	sshll.u32 s25, $0x4  }
0xb9: {  	s26 =	sadd.s32 $0x40, s26  }
0xba: {  	v17 =	vld.idx.msk [tilespmem:v16+s26+$0x0 ss:$0x1], $0xffff;
	s26 =	sshll.u32 s26, $0x7  }
0xbb: {  	s26 =	sand.u32 $0x3FFFF800, s26  }
0xbc: {  	v18 =	vld [tilespmem:s26+$0x7800]  }
0xbd: {  	v19 =	vld [tilespmem:s26+$0x7810]  }
0xbe: {  	v20 =	vld [tilespmem:s26+$0x7820]  }
0xbf: {  	v22 =	vld [tilespmem:s26+$0x7830];
	v21 =	vperm.xlane v17, v0  }
0xc0: {  	v23 =	vld [tilespmem:s26+$0x7840]  }
0xc1: {  	v24 =	vld [tilespmem:s26+$0x7850];
	v18 =	vmul.f32 v18, v21  }
0xc2: {  	v25 =	vld [tilespmem:s26+$0x7860];
	v19 =	vmul.f32 v19, v21  }
0xc3: {  	v40 =	vld [tilespmem:s26+$0x7870];
	[tilespmem:s26+$0x7800] =	vst v18;
	v18 =	vmul.f32 v20, v21  }
0xc4: {  	[tilespmem:s26+$0x7810] =	vst v19;
	v19 =	vmul.f32 v22, v21  }
0xc5: {  	[tilespmem:s26+$0x7820] =	vst v18;
	v18 =	vmul.f32 v23, v21  }
0xc6: {  	[tilespmem:s26+$0x7830] =	vst v19;
	v19 =	vmul.f32 v24, v21  }
0xc7: {  	[tilespmem:s26+$0x7840] =	vst v18;
	v18 =	vmul.f32 v25, v21  }
0xc8: {  	[tilespmem:s26+$0x7850] =	vst v19;
	v19 =	vmul.f32 v40, v21  }
0xc9: {  	s28 =	sshll.u32 s25, $0xB;
	[tilespmem:s26+$0x7860] =	vst v18  }
0xca: {  	s31 =	sand.u32 $0x3FFFF800, s28;
	[tilespmem:s26+$0x7870] =	vst v19  }
0xcb: {  	v18 =	vld [tilespmem:s31+$0x9880]  }
0xcc: {  	v19 =	vld [tilespmem:s31+$0x9890]  }
0xcd: {  	v41 =	vld [tilespmem:s31+$0x98A0]  }
0xce: {  	v42 =	vperm.xlane v17, v1;
	v43 =	vld [tilespmem:s31+$0x98B0]  }
0xcf: {  	v44 =	vld [tilespmem:s31+$0x98C0]  }
0xd0: {  	v45 =	vld [tilespmem:s31+$0x98D0];
	v18 =	vmul.f32 v18, v42  }
0xd1: {  	v46 =	vld [tilespmem:s31+$0x98E0];
	v19 =	vmul.f32 v19, v42  }
0xd2: {  	v47 =	vld [tilespmem:s31+$0x98F0];
	[tilespmem:s31+$0x9880] =	vst v18;
	v18 =	vmul.f32 v41, v42  }
0xd3: {  	v48 =	vld [tilespmem:s31+$0x9900];
	[tilespmem:s31+$0x9890] =	vst v19;
	v19 =	vmul.f32 v43, v42  }
0xd4: {  	v49 =	vld [tilespmem:s31+$0x9910];
	[tilespmem:s31+$0x98A0] =	vst v18;
	v18 =	vmul.f32 v44, v42  }
0xd5: {  	v50 =	vld [tilespmem:s31+$0x9920];
	[tilespmem:s31+$0x98B0] =	vst v19;
	v19 =	vmul.f32 v45, v42  }
0xd6: {  	v51 =	vperm.xlane v17, v2;
	v26 =	vld [tilespmem:s31+$0x9930];
	[tilespmem:s31+$0x98C0] =	vst v18;
	v18 =	vmul.f32 v46, v42  }
0xd7: {  	v52 =	vld [tilespmem:s31+$0x9940];
	[tilespmem:s31+$0x98D0] =	vst v19;
	v19 =	vmul.f32 v47, v42  }
0xd8: {  	v53 =	vld [tilespmem:s31+$0x9950];
	[tilespmem:s31+$0x98E0] =	vst v18;
	v18 =	vmul.f32 v48, v51  }
0xd9: {  	v54 =	vld [tilespmem:s31+$0x9960];
	[tilespmem:s31+$0x98F0] =	vst v19;
	v19 =	vmul.f32 v49, v51  }
0xda: {  	v55 =	vld [tilespmem:s31+$0x9970];
	[tilespmem:s31+$0x9900] =	vst v18;
	v18 =	vmul.f32 v50, v51  }
0xdb: {  	v56 =	vld [tilespmem:s31+$0x9980];
	[tilespmem:s31+$0x9910] =	vst v19;
	v19 =	vmul.f32 v26, v51  }
0xdc: {  	v57 =	vld [tilespmem:s31+$0x9990];
	[tilespmem:s31+$0x9920] =	vst v18;
	v18 =	vmul.f32 v52, v51  }
0xdd: {  	v58 =	vld [tilespmem:s31+$0x99A0];
	[tilespmem:s31+$0x9930] =	vst v19;
	v19 =	vmul.f32 v53, v51  }
0xde: {  	v59 =	vperm.xlane v17, v3;
	v60 =	vld [tilespmem:s31+$0x99B0];
	[tilespmem:s31+$0x9940] =	vst v18;
	v18 =	vmul.f32 v54, v51  }
0xdf: {  	v61 =	vld [tilespmem:s31+$0x99C0];
	[tilespmem:s31+$0x9950] =	vst v19;
	v19 =	vmul.f32 v55, v51  }
0xe0: {  	v62 =	vld [tilespmem:s31+$0x99D0];
	[tilespmem:s31+$0x9960] =	vst v18;
	v18 =	vmul.f32 v56, v59  }
0xe1: {  	v63 =	vld [tilespmem:s31+$0x99E0];
	[tilespmem:s31+$0x9970] =	vst v19;
	v19 =	vmul.f32 v57, v59  }
0xe2: {  	v28 =	vld [tilespmem:s31+$0x99F0];
	[tilespmem:s31+$0x9980] =	vst v18;
	v18 =	vmul.f32 v58, v59  }
0xe3: {  	v29 =	vld [tilespmem:s31+$0x9A00];
	[tilespmem:s31+$0x9990] =	vst v19;
	v19 =	vmul.f32 v60, v59  }
0xe4: {  	v30 =	vld [tilespmem:s31+$0x9A10];
	[tilespmem:s31+$0x99A0] =	vst v18;
	v18 =	vmul.f32 v61, v59  }
0xe5: {  	v31 =	vld [tilespmem:s31+$0x9A20];
	[tilespmem:s31+$0x99B0] =	vst v19;
	v19 =	vmul.f32 v62, v59  }
0xe6: {  	v32 =	vperm.xlane v17, v4;
	v33 =	vld [tilespmem:s31+$0x9A30];
	[tilespmem:s31+$0x99C0] =	vst v18;
	v18 =	vmul.f32 v63, v59  }
0xe7: {  	v34 =	vld [tilespmem:s31+$0x9A40];
	[tilespmem:s31+$0x99D0] =	vst v19;
	v19 =	vmul.f32 v28, v59  }
0xe8: {  	v35 =	vld [tilespmem:s31+$0x9A50];
	[tilespmem:s31+$0x99E0] =	vst v18;
	v18 =	vmul.f32 v29, v32  }
0xe9: {  	v36 =	vld [tilespmem:s31+$0x9A60];
	[tilespmem:s31+$0x99F0] =	vst v19;
	v19 =	vmul.f32 v30, v32  }
0xea: {  	v37 =	vld [tilespmem:s31+$0x9A70];
	[tilespmem:s31+$0x9A00] =	vst v18;
	v18 =	vmul.f32 v31, v32  }
0xeb: {  	v38 =	vld [tilespmem:s31+$0x9A80];
	[tilespmem:s31+$0x9A10] =	vst v19;
	v19 =	vmul.f32 v33, v32  }
0xec: {  	v39 =	vld [tilespmem:s31+$0x9A90];
	[tilespmem:s31+$0x9A20] =	vst v18;
	v18 =	vmul.f32 v34, v32  }
0xed: {  	v40 =	vld [tilespmem:s31+$0x9AA0];
	[tilespmem:s31+$0x9A30] =	vst v19;
	v19 =	vmul.f32 v35, v32  }
0xee: {  	v41 =	vperm.xlane v17, v5;
	v42 =	vld [tilespmem:s31+$0x9AB0];
	[tilespmem:s31+$0x9A40] =	vst v18;
	v18 =	vmul.f32 v36, v32  }
0xef: {  	v43 =	vld [tilespmem:s31+$0x9AC0];
	[tilespmem:s31+$0x9A50] =	vst v19;
	v19 =	vmul.f32 v37, v32  }
0xf0: {  	v44 =	vld [tilespmem:s31+$0x9AD0];
	[tilespmem:s31+$0x9A60] =	vst v18;
	v18 =	vmul.f32 v38, v41  }
0xf1: {  	v45 =	vld [tilespmem:s31+$0x9AE0];
	[tilespmem:s31+$0x9A70] =	vst v19;
	v19 =	vmul.f32 v39, v41  }
0xf2: {  	v46 =	vld [tilespmem:s31+$0x9AF0];
	[tilespmem:s31+$0x9A80] =	vst v18;
	v18 =	vmul.f32 v40, v41  }
0xf3: {  	v47 =	vld [tilespmem:s31+$0x9B00];
	[tilespmem:s31+$0x9A90] =	vst v19;
	v19 =	vmul.f32 v42, v41  }
0xf4: {  	v48 =	vld [tilespmem:s31+$0x9B10];
	[tilespmem:s31+$0x9AA0] =	vst v18;
	v18 =	vmul.f32 v43, v41  }
0xf5: {  	v49 =	vld [tilespmem:s31+$0x9B20];
	[tilespmem:s31+$0x9AB0] =	vst v19;
	v19 =	vmul.f32 v44, v41  }
0xf6: {  	v50 =	vperm.xlane v17, v6;
	v51 =	vld [tilespmem:s31+$0x9B30];
	[tilespmem:s31+$0x9AC0] =	vst v18;
	v18 =	vmul.f32 v45, v41  }
0xf7: {  	v52 =	vld [tilespmem:s31+$0x9B40];
	[tilespmem:s31+$0x9AD0] =	vst v19;
	v19 =	vmul.f32 v46, v41  }
0xf8: {  	v53 =	vld [tilespmem:s31+$0x9B50];
	[tilespmem:s31+$0x9AE0] =	vst v18;
	v18 =	vmul.f32 v47, v50  }
0xf9: {  	v54 =	vld [tilespmem:s31+$0x9B60];
	[tilespmem:s31+$0x9AF0] =	vst v19;
	v19 =	vmul.f32 v48, v50  }
0xfa: {  	v55 =	vld [tilespmem:s31+$0x9B70];
	[tilespmem:s31+$0x9B00] =	vst v18;
	v18 =	vmul.f32 v49, v50  }
0xfb: {  	v56 =	vld [tilespmem:s31+$0x9B80];
	[tilespmem:s31+$0x9B10] =	vst v19;
	v19 =	vmul.f32 v51, v50  }
0xfc: {  	v57 =	vld [tilespmem:s31+$0x9B90];
	[tilespmem:s31+$0x9B20] =	vst v18;
	v18 =	vmul.f32 v52, v50  }
0xfd: {  	v58 =	vld [tilespmem:s31+$0x9BA0];
	[tilespmem:s31+$0x9B30] =	vst v19;
	v19 =	vmul.f32 v53, v50  }
0xfe: {  	v60 =	vld [tilespmem:s31+$0x9BB0];
	v59 =	vperm.xlane v17, v7;
	[tilespmem:s31+$0x9B40] =	vst v18;
	v18 =	vmul.f32 v54, v50  }
0xff: {  	v61 =	vld [tilespmem:s31+$0x9BC0];
	[tilespmem:s31+$0x9B50] =	vst v19;
	v19 =	vmul.f32 v55, v50  }
0x100: {  	v62 =	vld [tilespmem:s31+$0x9BD0];
	[tilespmem:s31+$0x9B60] =	vst v18;
	v18 =	vmul.f32 v56, v59  }
0x101: {  	v63 =	vld [tilespmem:s31+$0x9BE0];
	[tilespmem:s31+$0x9B70] =	vst v19;
	v19 =	vmul.f32 v57, v59  }
0x102: {  	v28 =	vld [tilespmem:s31+$0x9BF0];
	[tilespmem:s31+$0x9B80] =	vst v18;
	v18 =	vmul.f32 v58, v59  }
0x103: {  	v29 =	vld [tilespmem:s31+$0x9C00];
	[tilespmem:s31+$0x9B90] =	vst v19;
	v19 =	vmul.f32 v60, v59  }
0x104: {  	v30 =	vld [tilespmem:s31+$0x9C10];
	[tilespmem:s31+$0x9BA0] =	vst v18;
	v18 =	vmul.f32 v61, v59  }
0x105: {  	v31 =	vld [tilespmem:s31+$0x9C20];
	[tilespmem:s31+$0x9BB0] =	vst v19;
	v19 =	vmul.f32 v62, v59  }
0x106: {  	v33 =	vld [tilespmem:s31+$0x9C30];
	v32 =	vperm.xlane v17, v8;
	[tilespmem:s31+$0x9BC0] =	vst v18;
	v18 =	vmul.f32 v63, v59  }
0x107: {  	v34 =	vld [tilespmem:s31+$0x9C40];
	[tilespmem:s31+$0x9BD0] =	vst v19;
	v19 =	vmul.f32 v28, v59  }
0x108: {  	v35 =	vld [tilespmem:s31+$0x9C50];
	[tilespmem:s31+$0x9BE0] =	vst v18;
	v18 =	vmul.f32 v29, v32  }
0x109: {  	v36 =	vld [tilespmem:s31+$0x9C60];
	[tilespmem:s31+$0x9BF0] =	vst v19;
	v19 =	vmul.f32 v30, v32  }
0x10a: {  	v37 =	vld [tilespmem:s31+$0x9C70];
	[tilespmem:s31+$0x9C00] =	vst v18;
	v18 =	vmul.f32 v31, v32  }
0x10b: {  	v38 =	vld [tilespmem:s31+$0x9C80];
	[tilespmem:s31+$0x9C10] =	vst v19;
	v19 =	vmul.f32 v33, v32  }
0x10c: {  	v39 =	vld [tilespmem:s31+$0x9C90];
	[tilespmem:s31+$0x9C20] =	vst v18;
	v18 =	vmul.f32 v34, v32  }
0x10d: {  	v40 =	vld [tilespmem:s31+$0x9CA0];
	[tilespmem:s31+$0x9C30] =	vst v19;
	v19 =	vmul.f32 v35, v32  }
0x10e: {  	v42 =	vld [tilespmem:s31+$0x9CB0];
	v41 =	vperm.xlane v17, v9;
	[tilespmem:s31+$0x9C40] =	vst v18;
	v18 =	vmul.f32 v36, v32  }
0x10f: {  	v43 =	vld [tilespmem:s31+$0x9CC0];
	[tilespmem:s31+$0x9C50] =	vst v19;
	v19 =	vmul.f32 v37, v32  }
0x110: {  	v44 =	vld [tilespmem:s31+$0x9CD0];
	[tilespmem:s31+$0x9C60] =	vst v18;
	v18 =	vmul.f32 v38, v41  }
0x111: {  	v45 =	vld [tilespmem:s31+$0x9CE0];
	[tilespmem:s31+$0x9C70] =	vst v19;
	v19 =	vmul.f32 v39, v41  }
0x112: {  	v46 =	vld [tilespmem:s31+$0x9CF0];
	[tilespmem:s31+$0x9C80] =	vst v18;
	v18 =	vmul.f32 v40, v41  }
0x113: {  	v47 =	vld [tilespmem:s31+$0x9D00];
	[tilespmem:s31+$0x9C90] =	vst v19;
	v19 =	vmul.f32 v42, v41  }
0x114: {  	v48 =	vld [tilespmem:s31+$0x9D10];
	[tilespmem:s31+$0x9CA0] =	vst v18;
	v18 =	vmul.f32 v43, v41  }
0x115: {  	v49 =	vld [tilespmem:s31+$0x9D20];
	[tilespmem:s31+$0x9CB0] =	vst v19;
	v19 =	vmul.f32 v44, v41  }
0x116: {  	v51 =	vld [tilespmem:s31+$0x9D30];
	v50 =	vperm.xlane v17, v10;
	[tilespmem:s31+$0x9CC0] =	vst v18;
	v18 =	vmul.f32 v45, v41  }
0x117: {  	v52 =	vld [tilespmem:s31+$0x9D40];
	[tilespmem:s31+$0x9CD0] =	vst v19;
	v19 =	vmul.f32 v46, v41  }
0x118: {  	v53 =	vld [tilespmem:s31+$0x9D50];
	[tilespmem:s31+$0x9CE0] =	vst v18;
	v18 =	vmul.f32 v47, v50  }
0x119: {  	v54 =	vld [tilespmem:s31+$0x9D60];
	[tilespmem:s31+$0x9CF0] =	vst v19;
	v19 =	vmul.f32 v48, v50  }
0x11a: {  	v55 =	vld [tilespmem:s31+$0x9D70];
	[tilespmem:s31+$0x9D00] =	vst v18;
	v18 =	vmul.f32 v49, v50  }
0x11b: {  	v56 =	vld [tilespmem:s31+$0x9D80];
	[tilespmem:s31+$0x9D10] =	vst v19;
	v19 =	vmul.f32 v51, v50  }
0x11c: {  	v57 =	vld [tilespmem:s31+$0x9D90];
	[tilespmem:s31+$0x9D20] =	vst v18;
	v18 =	vmul.f32 v52, v50  }
0x11d: {  	v58 =	vld [tilespmem:s31+$0x9DA0];
	[tilespmem:s31+$0x9D30] =	vst v19;
	v19 =	vmul.f32 v53, v50  }
0x11e: {  	v60 =	vld [tilespmem:s31+$0x9DB0];
	v59 =	vperm.xlane v17, v11;
	[tilespmem:s31+$0x9D40] =	vst v18;
	v18 =	vmul.f32 v54, v50  }
0x11f: {  	v61 =	vld [tilespmem:s31+$0x9DC0];
	[tilespmem:s31+$0x9D50] =	vst v19;
	v19 =	vmul.f32 v55, v50  }
0x120: {  	v62 =	vld [tilespmem:s31+$0x9DD0];
	[tilespmem:s31+$0x9D60] =	vst v18;
	v18 =	vmul.f32 v56, v59  }
0x121: {  	v63 =	vld [tilespmem:s31+$0x9DE0];
	[tilespmem:s31+$0x9D70] =	vst v19;
	v19 =	vmul.f32 v57, v59  }
0x122: {  	v28 =	vld [tilespmem:s31+$0x9DF0];
	[tilespmem:s31+$0x9D80] =	vst v18;
	v18 =	vmul.f32 v58, v59  }
0x123: {  	v29 =	vld [tilespmem:s31+$0x9E00];
	[tilespmem:s31+$0x9D90] =	vst v19;
	v19 =	vmul.f32 v60, v59  }
0x124: {  	v30 =	vld [tilespmem:s31+$0x9E10];
	[tilespmem:s31+$0x9DA0] =	vst v18;
	v18 =	vmul.f32 v61, v59  }
0x125: {  	v31 =	vld [tilespmem:s31+$0x9E20];
	[tilespmem:s31+$0x9DB0] =	vst v19;
	v19 =	vmul.f32 v62, v59  }
0x126: {  	v33 =	vld [tilespmem:s31+$0x9E30];
	v32 =	vperm.xlane v17, v12;
	[tilespmem:s31+$0x9DC0] =	vst v18;
	v18 =	vmul.f32 v63, v59  }
0x127: {  	v34 =	vld [tilespmem:s31+$0x9E40];
	[tilespmem:s31+$0x9DD0] =	vst v19;
	v19 =	vmul.f32 v28, v59  }
0x128: {  	v35 =	vld [tilespmem:s31+$0x9E50];
	[tilespmem:s31+$0x9DE0] =	vst v18;
	v18 =	vmul.f32 v29, v32  }
0x129: {  	v36 =	vld [tilespmem:s31+$0x9E60];
	[tilespmem:s31+$0x9DF0] =	vst v19;
	v19 =	vmul.f32 v30, v32  }
0x12a: {  	v37 =	vld [tilespmem:s31+$0x9E70];
	[tilespmem:s31+$0x9E00] =	vst v18;
	v18 =	vmul.f32 v31, v32  }
0x12b: {  	v38 =	vld [tilespmem:s31+$0x9E80];
	[tilespmem:s31+$0x9E10] =	vst v19;
	v19 =	vmul.f32 v33, v32  }
0x12c: {  	v39 =	vld [tilespmem:s31+$0x9E90];
	[tilespmem:s31+$0x9E20] =	vst v18;
	v18 =	vmul.f32 v34, v32  }
0x12d: {  	v40 =	vld [tilespmem:s31+$0x9EA0];
	[tilespmem:s31+$0x9E30] =	vst v19;
	v19 =	vmul.f32 v35, v32  }
0x12e: {  	v42 =	vld [tilespmem:s31+$0x9EB0];
	v41 =	vperm.xlane v17, v13;
	[tilespmem:s31+$0x9E40] =	vst v18;
	v18 =	vmul.f32 v36, v32  }
0x12f: {  	v43 =	vld [tilespmem:s31+$0x9EC0];
	[tilespmem:s31+$0x9E50] =	vst v19;
	v19 =	vmul.f32 v37, v32  }
0x130: {  	v44 =	vld [tilespmem:s31+$0x9ED0];
	[tilespmem:s31+$0x9E60] =	vst v18;
	v18 =	vmul.f32 v38, v41  }
0x131: {  	v45 =	vld [tilespmem:s31+$0x9EE0];
	[tilespmem:s31+$0x9E70] =	vst v19;
	v19 =	vmul.f32 v39, v41  }
0x132: {  	v46 =	vld [tilespmem:s31+$0x9EF0];
	[tilespmem:s31+$0x9E80] =	vst v18;
	v18 =	vmul.f32 v40, v41  }
0x133: {  	v47 =	vld [tilespmem:s31+$0x9F00];
	[tilespmem:s31+$0x9E90] =	vst v19;
	v19 =	vmul.f32 v42, v41  }
0x134: {  	v48 =	vld [tilespmem:s31+$0x9F10];
	[tilespmem:s31+$0x9EA0] =	vst v18;
	v18 =	vmul.f32 v43, v41  }
0x135: {  	v49 =	vld [tilespmem:s31+$0x9F20];
	[tilespmem:s31+$0x9EB0] =	vst v19;
	v19 =	vmul.f32 v44, v41  }
0x136: {  	v51 =	vld [tilespmem:s31+$0x9F30];
	v50 =	vperm.xlane v17, v14;
	[tilespmem:s31+$0x9EC0] =	vst v18;
	v18 =	vmul.f32 v45, v41  }
0x137: {  	v52 =	vld [tilespmem:s31+$0x9F40];
	[tilespmem:s31+$0x9ED0] =	vst v19;
	v19 =	vmul.f32 v46, v41  }
0x138: {  	v53 =	vld [tilespmem:s31+$0x9F50];
	[tilespmem:s31+$0x9EE0] =	vst v18;
	v18 =	vmul.f32 v47, v50  }
0x139: {  	v54 =	vld [tilespmem:s31+$0x9F60];
	[tilespmem:s31+$0x9EF0] =	vst v19;
	v19 =	vmul.f32 v48, v50  }
0x13a: {  	v55 =	vld [tilespmem:s31+$0x9F70];
	[tilespmem:s31+$0x9F00] =	vst v18;
	v18 =	vmul.f32 v49, v50  }
0x13b: {  	v56 =	vld [tilespmem:s31+$0x9F80];
	[tilespmem:s31+$0x9F10] =	vst v19;
	v19 =	vmul.f32 v51, v50  }
0x13c: {  	v57 =	vld [tilespmem:s31+$0x9F90];
	[tilespmem:s31+$0x9F20] =	vst v18;
	v18 =	vmul.f32 v52, v50  }
0x13d: {  	v58 =	vld [tilespmem:s31+$0x9FA0];
	[tilespmem:s31+$0x9F30] =	vst v19;
	v19 =	vmul.f32 v53, v50  }
0x13e: {  	v17 =	vperm.xlane v17, v15;
	v59 =	vld [tilespmem:s31+$0x9FB0];
	[tilespmem:s31+$0x9F40] =	vst v18;
	v18 =	vmul.f32 v54, v50  }
0x13f: {  	v60 =	vld [tilespmem:s31+$0x9FC0];
	[tilespmem:s31+$0x9F50] =	vst v19;
	v19 =	vmul.f32 v55, v50  }
0x140: {  	v61 =	vld [tilespmem:s31+$0x9FD0];
	[tilespmem:s31+$0x9F60] =	vst v18;
	v18 =	vmul.f32 v56, v17  }
0x141: {  	v62 =	vld [tilespmem:s31+$0x9FE0];
	[tilespmem:s31+$0x9F70] =	vst v19;
	v19 =	vmul.f32 v57, v17  }
0x142: {  	v63 =	vld [tilespmem:s31+$0x9FF0];
	[tilespmem:s31+$0x9F80] =	vst v18;
	v18 =	vmul.f32 v58, v17  }
0x143: {  	[tilespmem:s31+$0x9F90] =	vst v19;
	v19 =	vmul.f32 v59, v17  }
0x144: {  	p0 =	sne.s32 s25, $0x3;
	[tilespmem:s31+$0x9FA0] =	vst v18;
	v18 =	vmul.f32 v60, v17  }
.Ltmp1:
0x145: {  	[tilespmem:s31+$0x9FB0] =	vst v19;
	v19 =	vmul.f32 v61, v17;
	(pc) =	sbr.rel @p0 .LBB2_5-.Ltmp1, $4  }
0x146: {  	[tilespmem:s31+$0x9FC0] =	vst v18;
	v18 =	vmul.f32 v62, v17  }
0x147: {  	[tilespmem:s31+$0x9FD0] =	vst v19;
	v17 =	vmul.f32 v63, v17  }
0x148: {  	[tilespmem:s31+$0x9FE0] =	vst v18  }
0x149: {  	s25 =	sadd.s32 $0x1, s25;
	[tilespmem:s31+$0x9FF0] =	vst v17  }
0x14a: {  	s23 =	sadd.s32 $0x1, s23  }
0x14b: {  	p0 =	sne.s32 s23, $0x50  }
.Ltmp2:
0x14c: {  	s24 =	sadd.s32 $0x2800, s24;
	(pc) =	sbr.rel @p0 .LBB2_2-.Ltmp2, $4  }
0x14d: {  	[spmem:s2] =	stream.indirect.scatter.add.f32 [tilespmem:s17], [sflag:$0x3], $0x80, s24, s21, $0xb8;
	[tilespmem:$0x1F400] =	vst v63  }
0x14e: {  	_ =	swait.ge [sflag:s13], $0x4000  }
0x14f: {  	[sflag:s13] =	ssyncset.done $0x0  }
0x150: {  	[sflag:s13] =	ssyncadd.s32 $0xFFFFC000  }
0x151: {  	s22 =	sadd.s32 $0x1, s22  }
0x152: {  	p0 =	sne.s32 s22, s11  }
.Ltmp3:
0x153: {  	[bflag:$0x0] =	sbarrier.arrive $0xFFFF;
	(pc) =	sbr.rel @p0 .LBB2_1-.Ltmp3, $4  }
0x154: {  	[hbm:s10], [sflag:s6] =	dma.local [spmem:s12], $0x2780  }
0x155: {  	_ =	swait.ge [sflag:s13], $0x2780  }
0x156: {  	[sflag:s13] =	ssyncset.done $0x0  }
0x157: {  	[sflag:s13] =	ssyncadd.s32 $0xFFFFD880  }
0x158: {  	_ =	sfence.sel $0x180000  }
0x159: {  	[bflag:$0x0] =	sbarrier.arrive $0xFFFF  }
0x15a: {  	p0 =	sne.s32 s0, $0x0;
	_ =	strace $0x90000047  }
0x15b: {  	s0 =	sadd.s32 @!p0 $0x100000, s1;
	[bflag:$0x2] =	sbarrier.arrive $0xFFFF  }
0x15c: {  	[sflag:s0] =	ssyncadd.tile.s32 @!p0 $0x1;
	_ =	shalt  }
.Lfunc_end2:
_tile_overlayer_lowered:
.L_overlay_start_2:
0x15d: {  	(tag) =	ssettag $0x2  }
0x15e: {  	s0 =	rddreg [dreg:$0x0];
	s2 =	stileid.u32  }
0x15f: {  	s1 =	rddreg [dreg:$0x1];
	p0 =	sne.s32 s2, $0x0  }
0x160: {  	s3 =	rddreg [dreg:$0x2];
	[bflag:$0x3] =	sbarrier.arrive $0xFFFF;
	s2 =	simm.s32 @!p0 $0x1C03  }
0x161: {  	[timem:s3], [sflag:s2] =	dma.local @!p0 [hbm:s0], s1  }
0x162: {  	s0 =	simm.s32 @!p0 $0x3  }
0x163: {  	_ =	swait.ge @!p0 [sflag:s0], s1  }
0x164: {  	s1 =	ssub.s32 @!p0 $0x0, s1;
	[sflag:s0] =	ssyncset.done @!p0 $0x0  }
0x165: {  	[sflag:s0] =	ssyncadd.s32 @!p0 s1  }
0x166: {  	[bflag:$0x3] =	sbarrier.arrive $0xFFFF  }
0x167: {  	_ =	shalt  }

</sc_bundles>
